<compile_context>
chip_gen: v7x
topology: tpu7x:2x2x1
jax: 0.10.2.dev20260603
libtpu: 0.0.44.dev20260713+nightly
codegen_flags: <defaults>
</compile_context>

<pallas_src>
import functools

import jax
import jax.numpy as jnp
from jax import lax
from jax.experimental import pallas as pl
from jax.experimental.pallas import tpu as pltpu
from jax.experimental.pallas import tpu_sc as plsc

_NC = 2
_NS = 16
_NW = _NC * _NS
_GC = 80
_NBUF = 4
_LOOK = 2
_NCH = 4


def _sc_gather(table, idx3):
    nw, steps, gc = idx3.shape
    d = table.shape[1]
    per_w = steps * gc
    n = nw * per_w
    supersteps = steps // _NBUF
    assert nw == _NW and gc == _GC and supersteps * _NBUF == steps

    mesh = plsc.VectorSubcoreMesh(
        core_axis_name="c", subcore_axis_name="s", num_cores=_NC, num_subcores=_NS
    )

    @functools.partial(
        pl.kernel,
        out_type=jax.ShapeDtypeStruct((n, d), jnp.float32),
        mesh=mesh,
        scratch_types=[
            pltpu.VMEM((steps, _GC), jnp.int32),
            pltpu.VMEM((_NBUF, _GC, d), jnp.float32),
            pltpu.SemaphoreType.DMA((_NBUF,)),
            pltpu.SemaphoreType.DMA((_NBUF,)),
        ],
    )
    def k(table_hbm, idx_hbm, out_hbm, idx_v, rows_v, gsem, ssem):
        wid = lax.axis_index("s") * _NC + lax.axis_index("c")
        base = wid * per_w
        pltpu.sync_copy(idx_hbm.at[wid], idx_v)
        for b in range(_LOOK):
            pltpu.async_copy(table_hbm.at[idx_v.at[b]], rows_v.at[b], gsem.at[b])

        def body(s, carry):
            for b in range(_NBUF):
                g = s * _NBUF + b
                pltpu.make_async_copy(
                    table_hbm.at[idx_v.at[g]], rows_v.at[b], gsem.at[b]
                ).wait()
                pltpu.async_copy(
                    rows_v.at[b], out_hbm.at[pl.ds(base + g * _GC, _GC)], ssem.at[b]
                )
                gn = g + _LOOK
                bn = (b + _LOOK) % _NBUF

                @pl.when(jnp.logical_and(gn < steps, g >= _NBUF - _LOOK))
                def _():
                    pltpu.make_async_copy(
                        rows_v.at[bn],
                        out_hbm.at[pl.ds(base + (gn - _NBUF) * _GC, _GC)],
                        ssem.at[bn],
                    ).wait()

                @pl.when(gn < steps)
                def _():
                    pltpu.async_copy(
                        table_hbm.at[idx_v.at[gn]], rows_v.at[bn], gsem.at[bn]
                    )

            return carry

        lax.fori_loop(0, supersteps, body, 0)
        for b in range(_NBUF):
            pltpu.make_async_copy(
                rows_v.at[b], out_hbm.at[pl.ds(base, _GC)], ssem.at[b]
            ).wait()

    return k(table, idx3)


def _ln_body(prev_ref, x_ref, tt_ref, pc_ref, dty_ref, w_ref, b_ref, o_ref):
    bb, l, h = x_ref.shape
    x = x_ref[...]
    t = tt_ref[...][..., None]
    e = (x + pc_ref[...][None] + t * dty_ref[...]).reshape(bb * l, h)
    oh = jnp.full((h, h), 1.0 / h, jnp.float32)
    u = jnp.dot(e, oh, preferred_element_type=jnp.float32)
    m2 = jnp.dot(e * e, oh, preferred_element_type=jnp.float32)
    r = lax.rsqrt(m2 - u * u + 1e-12)
    out = (e - u) * (r * w_ref[...]) + b_ref[...]
    o_ref[...] = out.reshape(bb, l, h)


def _tc_ln(prev, c, bsz, x, tt, pc, dty, w, b):
    bc, l, h = x.shape
    bb = 64
    nblk = bc // bb
    specs = [
        pl.BlockSpec((bb, l, h), lambda i: (i, 0, 0)),
        pl.BlockSpec((bb, l), lambda i: (i, 0)),
        pl.BlockSpec((l, h), lambda i: (0, 0)),
        pl.BlockSpec((1, h), lambda i: (0, 0)),
        pl.BlockSpec((1, h), lambda i: (0, 0)),
        pl.BlockSpec((1, h), lambda i: (0, 0)),
    ]
    args = (x, tt, pc, dty, w, b)
    if prev is None:
        body = functools.partial(_ln_body, None)
        in_specs = specs
        aliases = {}
    else:
        body = _ln_body
        in_specs = [pl.BlockSpec(memory_space=pl.ANY)] + specs
        args = (prev,) + args
        aliases = {0: 0}
    return pl.pallas_call(
        body,
        grid=(nblk,),
        in_specs=in_specs,
        out_specs=pl.BlockSpec((bb, l, h), lambda i, _c=c, _n=nblk: (_c * _n + i, 0, 0)),
        out_shape=jax.ShapeDtypeStruct((bsz, l, h), jnp.float32),
        input_output_aliases=aliases,
    )(*args)


def kernel(input_ids, token_type_ids, word_emb, pos_emb, type_emb, ln_w, ln_b):
    bsz, l = input_ids.shape
    h = word_emb.shape[1]
    bc = bsz // _NCH
    ids = input_ids.reshape(_NCH, _NW, -1, _GC).astype(jnp.int32)
    tt = token_type_ids.reshape(_NCH, bc, l).astype(jnp.float32)
    pc = pos_emb[:l] + type_emb[0]
    dty = (type_emb[1] - type_emb[0]).reshape(1, h)
    w = ln_w.reshape(1, h)
    b = ln_b.reshape(1, h)
    out = None
    for c in range(_NCH):
        words = _sc_gather(word_emb, ids[c])
        out = _tc_ln(out, c, bsz, words.reshape(bc, l, h), tt[c], pc, dty, w, b)
    return out

# --- scband reference (transcript-rebuilt; emitter-appended) ---
"""Pipeline reference for scband-rna-bert-embeddings-25074019074621 (READ-ONLY COPY).

The authoritative reference and input builder live on the scoring server;
editing this copy changes nothing except your own understanding.
"""

import jax, jax.numpy as jnp
import numpy as np

VOCAB = 100000
HIDDEN = 128
MAX_POS = 512
TYPE_VOCAB = 2
B = 1024
L = 200
EPS = 1e-12

def setup_inputs(seed: int = 0) -> dict:
    key = jax.random.key(seed)
    k1, k2, k3, k4, k5 = jax.random.split(key, 5)
    word_emb = jax.random.normal(k1, (VOCAB, HIDDEN), dtype=jnp.float32) * 0.02
    word_emb = word_emb.at[0].set(0.0)  # padding_idx=0
    pos_emb = jax.random.normal(k2, (MAX_POS, HIDDEN), dtype=jnp.float32) * 0.02
    type_emb = jax.random.normal(k3, (TYPE_VOCAB, HIDDEN), dtype=jnp.float32) * 0.02
    ln_w = jnp.ones((HIDDEN,), dtype=jnp.float32)
    ln_b = jnp.zeros((HIDDEN,), dtype=jnp.float32)
    input_ids = jax.random.randint(k4, (B, L), 0, VOCAB, dtype=jnp.int64 if jax.config.jax_enable_x64 else jnp.int32)
    token_type_ids = jax.random.randint(k5, (B, L), 0, TYPE_VOCAB, dtype=jnp.int64 if jax.config.jax_enable_x64 else jnp.int32)
    return {"input_ids": input_ids, "token_type_ids": token_type_ids, "word_emb": word_emb, "pos_emb": pos_emb, "type_emb": type_emb, "ln_w": ln_w, "ln_b": ln_b}

def _layernorm(x, w, b):
    u = jnp.mean(x, axis=-1, keepdims=True)
    s = jnp.mean((x - u) ** 2, axis=-1, keepdims=True)
    xn = (x - u) / jnp.sqrt(s + EPS)
    return w * xn + b

def reference(input_ids, token_type_ids, word_emb, pos_emb, type_emb, ln_w, ln_b):
    words = jnp.take(word_emb, input_ids, axis=0)
    type_e = jnp.take(type_emb, token_type_ids, axis=0)
    seq_len = input_ids.shape[1]
    position_ids = jnp.arange(seq_len)
    pos_e = jnp.take(pos_emb, position_ids, axis=0)[None, :, :]
    embeddings = words + pos_e + type_e
    embeddings = _layernorm(embeddings, ln_w, ln_b)
    # dropout p=0.0 -> identity
    return embeddings

if __name__ == "__main__":
    import jax
    _d = setup_inputs()
    print(jax.jit(kernel)(*tuple(_d.values())))

</pallas_src>

<mosaic_0001>
#map = affine_map<(d0, d1) -> (0, 0)>
#map1 = affine_map<(d0, d1) -> (0, 0, 0)>
module attributes {stable_mosaic.version = 14 : i64} {
  func.func @k(%arg0: i32, %arg1: i32, %arg2: memref<100000x128xf32, #tpu.memory_space<hbm>>, %arg3: memref<32x20x80xi32, #tpu.memory_space<hbm>>, %arg4: memref<51200x128xf32, #tpu.memory_space<hbm>>, %arg5: memref<20x80xi32, #tpu.memory_space<vmem>>, %arg6: memref<4x80x128xf32, #tpu.memory_space<vmem>>, %arg7: memref<4x!tpu.dma_semaphore, #tpu.memory_space<semaphore_mem>>, %arg8: memref<4x!tpu.dma_semaphore, #tpu.memory_space<semaphore_mem>>) attributes {dimension_semantics = [#tpu.dimension_semantics<core_parallel>, #tpu.dimension_semantics<subcore_parallel>], iteration_bounds = array<i64: 2, 16>, scalar_prefetch = 0 : i64, scratch_operands = 4 : i64, tpu.core_type = #tpu.core_type<sc_vector_subcore>, window_params = [{transform_indices = #map}, {transform_indices = #map1}, {transform_indices = #map}]} {
    %mul3A = arith.constant 2 : i32
    %mul3A_0 = arith.muli %arg1, %mul3A : i32
    %add3A = arith.addi %mul3A_0, %arg0 : i32
    %mul3A_1 = arith.constant 1600 : i32
    %mul3A_2 = arith.muli %add3A, %mul3A_1 : i32
    "tpu.region"() ({
      %run_scoped3A = tpu.sem_alloc : memref<!tpu.dma_semaphore, #tpu.memory_space<semaphore_mem>>
      %dma_start3A_100 = arith.constant 0 : i32
      %dma_start3A_101 = arith.constant 0 : i32
      %dma_start3A_102 = tpu.memref_slice %arg3[%add3A, %dma_start3A_100, %dma_start3A_101] : memref<32x20x80xi32, #tpu.memory_space<hbm>> -> memref<1x20x80xi32, #tpu.memory_space<hbm>>
      %dma_start3A_103 = tpu.memref_squeeze %dma_start3A_102 : memref<1x20x80xi32, #tpu.memory_space<hbm>> -> memref<20x80xi32, #tpu.memory_space<hbm>>
      %dma_start3A_104 = arith.constant 0 : i32
      %dma_start3A_105 = arith.constant 0 : i32
      %dma_start3A_106 = tpu.memref_slice %arg3[%add3A, %dma_start3A_104, %dma_start3A_105] : memref<32x20x80xi32, #tpu.memory_space<hbm>> -> memref<1x20x80xi32, #tpu.memory_space<hbm>>
      %dma_start3A_107 = tpu.memref_squeeze %dma_start3A_106 : memref<1x20x80xi32, #tpu.memory_space<hbm>> -> memref<20x80xi32, #tpu.memory_space<hbm>>
      tpu.enqueue_dma source(%dma_start3A_107 : memref<20x80xi32, #tpu.memory_space<hbm>>) target(%arg5 : memref<20x80xi32, #tpu.memory_space<vmem>>) target_semaphore(%run_scoped3A : memref<!tpu.dma_semaphore, #tpu.memory_space<semaphore_mem>>)
      %dma_wait3A_108 = arith.constant 0 : i32
      %dma_wait3A_109 = arith.constant 0 : i32
      %dma_wait3A_110 = tpu.memref_slice %arg3[%add3A, %dma_wait3A_108, %dma_wait3A_109] : memref<32x20x80xi32, #tpu.memory_space<hbm>> -> memref<1x20x80xi32, #tpu.memory_space<hbm>>
      %dma_wait3A_111 = tpu.memref_squeeze %dma_wait3A_110 : memref<1x20x80xi32, #tpu.memory_space<hbm>> -> memref<20x80xi32, #tpu.memory_space<hbm>>
      %dma_wait3A_112 = arith.constant 0 : i32
      %dma_wait3A_113 = arith.constant 0 : i32
      %dma_wait3A_114 = tpu.memref_slice %arg3[%add3A, %dma_wait3A_112, %dma_wait3A_113] : memref<32x20x80xi32, #tpu.memory_space<hbm>> -> memref<1x20x80xi32, #tpu.memory_space<hbm>>
      %dma_wait3A_115 = tpu.memref_squeeze %dma_wait3A_114 : memref<1x20x80xi32, #tpu.memory_space<hbm>> -> memref<20x80xi32, #tpu.memory_space<hbm>>
      tpu.wait_dma2 semaphore(%run_scoped3A : memref<!tpu.dma_semaphore, #tpu.memory_space<semaphore_mem>>) src(%dma_wait3A_115 : memref<20x80xi32, #tpu.memory_space<hbm>>) dst(%arg5 : memref<20x80xi32, #tpu.memory_space<vmem>>)
      tpu.yield
    }) : () -> ()
    %dma_start3A = arith.constant 0 : i32
    %dma_start3A_3 = arith.constant 0 : i32
    %dma_start3A_4 = arith.constant 0 : i32
    %dma_start3A_5 = arith.constant 0 : i32
    %dma_start3A_6 = arith.constant 0 : i32
    %dma_start3A_7 = tpu.memref_slice %arg6[%dma_start3A_3, %dma_start3A_5, %dma_start3A_6] : memref<4x80x128xf32, #tpu.memory_space<vmem>> -> memref<1x80x128xf32, #tpu.memory_space<vmem>>
    %dma_start3A_8 = tpu.memref_squeeze %dma_start3A_7 : memref<1x80x128xf32, #tpu.memory_space<vmem>> -> memref<80x128xf32, #tpu.memory_space<vmem>>
    %dma_start3A_9 = arith.constant 0 : i32
    %dma_start3A_10 = tpu.memref_slice %arg5[%dma_start3A, %dma_start3A_9] : memref<20x80xi32, #tpu.memory_space<vmem>> -> memref<1x80xi32, #tpu.memory_space<vmem>>
    %dma_start3A_11 = tpu.memref_squeeze %dma_start3A_10 : memref<1x80xi32, #tpu.memory_space<vmem>> -> memref<80xi32, #tpu.memory_space<vmem>>
    %dma_start3A_12 = arith.constant 0 : i32
    %dma_start3A_13 = arith.constant 0 : i32
    %dma_start3A_14 = tpu.memref_slice %arg2[%dma_start3A_12, %dma_start3A_13] : memref<100000x128xf32, #tpu.memory_space<hbm>> -> memref<100000x128xf32, #tpu.memory_space<hbm>>
    %dma_start3A_15 = tpu.memref_slice %arg7[%dma_start3A_4] : memref<4x!tpu.dma_semaphore, #tpu.memory_space<semaphore_mem>> -> memref<1x!tpu.dma_semaphore, #tpu.memory_space<semaphore_mem>>
    %dma_start3A_16 = tpu.memref_squeeze %dma_start3A_15 : memref<1x!tpu.dma_semaphore, #tpu.memory_space<semaphore_mem>> -> memref<!tpu.dma_semaphore, #tpu.memory_space<semaphore_mem>>
    tpu.enqueue_indirect_dma source(%dma_start3A_14 : memref<100000x128xf32, #tpu.memory_space<hbm>>) target(%dma_start3A_8 : memref<80x128xf32, #tpu.memory_space<vmem>>) offsets(%dma_start3A_11 : memref<80xi32, #tpu.memory_space<vmem>>) semaphore(%dma_start3A_16 : memref<!tpu.dma_semaphore, #tpu.memory_space<semaphore_mem>>)
    %dma_start3A_17 = arith.constant 1 : i32
    %dma_start3A_18 = arith.constant 1 : i32
    %dma_start3A_19 = arith.constant 1 : i32
    %dma_start3A_20 = arith.constant 0 : i32
    %dma_start3A_21 = arith.constant 0 : i32
    %dma_start3A_22 = tpu.memref_slice %arg6[%dma_start3A_18, %dma_start3A_20, %dma_start3A_21] : memref<4x80x128xf32, #tpu.memory_space<vmem>> -> memref<1x80x128xf32, #tpu.memory_space<vmem>>
    %dma_start3A_23 = tpu.memref_squeeze %dma_start3A_22 : memref<1x80x128xf32, #tpu.memory_space<vmem>> -> memref<80x128xf32, #tpu.memory_space<vmem>>
    %dma_start3A_24 = arith.constant 0 : i32
    %dma_start3A_25 = tpu.memref_slice %arg5[%dma_start3A_17, %dma_start3A_24] : memref<20x80xi32, #tpu.memory_space<vmem>> -> memref<1x80xi32, #tpu.memory_space<vmem>>
    %dma_start3A_26 = tpu.memref_squeeze %dma_start3A_25 : memref<1x80xi32, #tpu.memory_space<vmem>> -> memref<80xi32, #tpu.memory_space<vmem>>
    %dma_start3A_27 = arith.constant 0 : i32
    %dma_start3A_28 = arith.constant 0 : i32
    %dma_start3A_29 = tpu.memref_slice %arg2[%dma_start3A_27, %dma_start3A_28] : memref<100000x128xf32, #tpu.memory_space<hbm>> -> memref<100000x128xf32, #tpu.memory_space<hbm>>
    %dma_start3A_30 = tpu.memref_slice %arg7[%dma_start3A_19] : memref<4x!tpu.dma_semaphore, #tpu.memory_space<semaphore_mem>> -> memref<1x!tpu.dma_semaphore, #tpu.memory_space<semaphore_mem>>
    %dma_start3A_31 = tpu.memref_squeeze %dma_start3A_30 : memref<1x!tpu.dma_semaphore, #tpu.memory_space<semaphore_mem>> -> memref<!tpu.dma_semaphore, #tpu.memory_space<semaphore_mem>>
    tpu.enqueue_indirect_dma source(%dma_start3A_29 : memref<100000x128xf32, #tpu.memory_space<hbm>>) target(%dma_start3A_23 : memref<80x128xf32, #tpu.memory_space<vmem>>) offsets(%dma_start3A_26 : memref<80xi32, #tpu.memory_space<vmem>>) semaphore(%dma_start3A_31 : memref<!tpu.dma_semaphore, #tpu.memory_space<semaphore_mem>>)
    %scan3A = arith.constant 0 : i32
    %scan3A_32 = arith.constant 0 : i32
    %scan3A_33 = arith.constant 5 : i32
    %scan3A_34 = arith.addi %scan3A_32, %scan3A_33 : i32
    %scan3A_35 = arith.constant 1 : i32
    scf.for %scan3A_100 = %scan3A_32 to %scan3A_34 step %scan3A_35  : i32 {
      %mul3A_101 = arith.constant 4 : i32
      %mul3A_102 = arith.muli %scan3A_100, %mul3A_101 : i32
      %add3A_103 = arith.constant 0 : i32
      %add3A_104 = arith.addi %mul3A_102, %add3A_103 : i32
      %dma_wait3A_105 = arith.constant 0 : i32
      %dma_wait3A_106 = arith.constant 0 : i32
      %dma_wait3A_107 = arith.constant 0 : i32
      %dma_wait3A_108 = arith.constant 0 : i32
      %dma_wait3A_109 = tpu.memref_slice %arg6[%dma_wait3A_105, %dma_wait3A_107, %dma_wait3A_108] : memref<4x80x128xf32, #tpu.memory_space<vmem>> -> memref<1x80x128xf32, #tpu.memory_space<vmem>>
      %dma_wait3A_110 = tpu.memref_squeeze %dma_wait3A_109 : memref<1x80x128xf32, #tpu.memory_space<vmem>> -> memref<80x128xf32, #tpu.memory_space<vmem>>
      %dma_wait3A_111 = arith.constant 0 : i32
      %dma_wait3A_112 = tpu.memref_slice %arg5[%add3A_104, %dma_wait3A_111] : memref<20x80xi32, #tpu.memory_space<vmem>> -> memref<1x80xi32, #tpu.memory_space<vmem>>
      %dma_wait3A_113 = tpu.memref_squeeze %dma_wait3A_112 : memref<1x80xi32, #tpu.memory_space<vmem>> -> memref<80xi32, #tpu.memory_space<vmem>>
      %dma_wait3A_114 = arith.constant 0 : i32
      %dma_wait3A_115 = arith.constant 0 : i32
      %dma_wait3A_116 = tpu.memref_slice %arg2[%dma_wait3A_114, %dma_wait3A_115] : memref<100000x128xf32, #tpu.memory_space<hbm>> -> memref<100000x128xf32, #tpu.memory_space<hbm>>
      %dma_wait3A_117 = tpu.memref_slice %arg7[%dma_wait3A_106] : memref<4x!tpu.dma_semaphore, #tpu.memory_space<semaphore_mem>> -> memref<1x!tpu.dma_semaphore, #tpu.memory_space<semaphore_mem>>
      %dma_wait3A_118 = tpu.memref_squeeze %dma_wait3A_117 : memref<1x!tpu.dma_semaphore, #tpu.memory_space<semaphore_mem>> -> memref<!tpu.dma_semaphore, #tpu.memory_space<semaphore_mem>>
      tpu.wait_indirect_dma semaphore(%dma_wait3A_118 : memref<!tpu.dma_semaphore, #tpu.memory_space<semaphore_mem>>) src(%dma_wait3A_116 : memref<100000x128xf32, #tpu.memory_space<hbm>>) dst(%dma_wait3A_110 : memref<80x128xf32, #tpu.memory_space<vmem>>)
      %mul3A_119 = arith.constant 80 : i32
      %mul3A_120 = arith.muli %add3A_104, %mul3A_119 : i32
      %add3A_121 = arith.addi %mul3A_2, %mul3A_120 : i32
      %dma_start3A_122 = arith.constant 0 : i32
      %dma_start3A_123 = arith.constant 0 : i32
      %dma_start3A_124 = arith.constant 0 : i32
      %dma_start3A_125 = arith.constant 0 : i32
      %dma_start3A_126 = tpu.memref_slice %arg6[%dma_start3A_122, %dma_start3A_124, %dma_start3A_125] : memref<4x80x128xf32, #tpu.memory_space<vmem>> -> memref<1x80x128xf32, #tpu.memory_space<vmem>>
      %dma_start3A_127 = tpu.memref_squeeze %dma_start3A_126 : memref<1x80x128xf32, #tpu.memory_space<vmem>> -> memref<80x128xf32, #tpu.memory_space<vmem>>
      %dma_start3A_128 = arith.constant 0 : i32
      %dma_start3A_129 = tpu.memref_slice %arg4[%add3A_121, %dma_start3A_128] : memref<51200x128xf32, #tpu.memory_space<hbm>> -> memref<80x128xf32, #tpu.memory_space<hbm>>
      %dma_start3A_130 = tpu.memref_slice %arg8[%dma_start3A_123] : memref<4x!tpu.dma_semaphore, #tpu.memory_space<semaphore_mem>> -> memref<1x!tpu.dma_semaphore, #tpu.memory_space<semaphore_mem>>
      %dma_start3A_131 = tpu.memref_squeeze %dma_start3A_130 : memref<1x!tpu.dma_semaphore, #tpu.memory_space<semaphore_mem>> -> memref<!tpu.dma_semaphore, #tpu.memory_space<semaphore_mem>>
      %dma_start3A_132 = arith.constant 0 : i32
      %dma_start3A_133 = tpu.memref_slice %arg4[%add3A_121, %dma_start3A_132] : memref<51200x128xf32, #tpu.memory_space<hbm>> -> memref<80x128xf32, #tpu.memory_space<hbm>>
      %dma_start3A_134 = arith.constant 0 : i32
      %dma_start3A_135 = arith.constant 0 : i32
      %dma_start3A_136 = tpu.memref_slice %arg6[%dma_start3A_122, %dma_start3A_134, %dma_start3A_135] : memref<4x80x128xf32, #tpu.memory_space<vmem>> -> memref<1x80x128xf32, #tpu.memory_space<vmem>>
      %dma_start3A_137 = tpu.memref_squeeze %dma_start3A_136 : memref<1x80x128xf32, #tpu.memory_space<vmem>> -> memref<80x128xf32, #tpu.memory_space<vmem>>
      tpu.enqueue_dma source(%dma_start3A_137 : memref<80x128xf32, #tpu.memory_space<vmem>>) target(%dma_start3A_133 : memref<80x128xf32, #tpu.memory_space<hbm>>) target_semaphore(%dma_start3A_131 : memref<!tpu.dma_semaphore, #tpu.memory_space<semaphore_mem>>)
      %add3A_138 = arith.constant 2 : i32
      %add3A_139 = arith.addi %add3A_104, %add3A_138 : i32
      %lt3A = arith.constant 20 : i32
      %lt3A_140 = arith.cmpi slt, %add3A_139, %lt3A : i32
      %ge3A = arith.constant 2 : i32
      %ge3A_141 = arith.cmpi sge, %add3A_104, %ge3A : i32
      %and3A = arith.andi %lt3A_140, %ge3A_141 : i1
      %convert_element_type3A = arith.extui %and3A : i1 to i32
      %cond3A = arith.constant 0 : i32
      %cond3A_142 = arith.cmpi ne, %convert_element_type3A, %cond3A : i32
      scf.if %cond3A_142 {
        %sub3A = arith.constant 4 : i32
        %sub3A_304 = arith.subi %add3A_139, %sub3A : i32
        %mul3A_305 = arith.constant 80 : i32
        %mul3A_306 = arith.muli %sub3A_304, %mul3A_305 : i32
        %add3A_307 = arith.addi %mul3A_2, %mul3A_306 : i32
        %dma_wait3A_308 = arith.constant 2 : i32
        %dma_wait3A_309 = arith.constant 2 : i32
        %dma_wait3A_310 = arith.constant 0 : i32
        %dma_wait3A_311 = arith.constant 0 : i32
        %dma_wait3A_312 = tpu.memref_slice %arg6[%dma_wait3A_308, %dma_wait3A_310, %dma_wait3A_311] : memref<4x80x128xf32, #tpu.memory_space<vmem>> -> memref<1x80x128xf32, #tpu.memory_space<vmem>>
        %dma_wait3A_313 = tpu.memref_squeeze %dma_wait3A_312 : memref<1x80x128xf32, #tpu.memory_space<vmem>> -> memref<80x128xf32, #tpu.memory_space<vmem>>
        %dma_wait3A_314 = arith.constant 0 : i32
        %dma_wait3A_315 = tpu.memref_slice %arg4[%add3A_307, %dma_wait3A_314] : memref<51200x128xf32, #tpu.memory_space<hbm>> -> memref<80x128xf32, #tpu.memory_space<hbm>>
        %dma_wait3A_316 = tpu.memref_slice %arg8[%dma_wait3A_309] : memref<4x!tpu.dma_semaphore, #tpu.memory_space<semaphore_mem>> -> memref<1x!tpu.dma_semaphore, #tpu.memory_space<semaphore_mem>>
        %dma_wait3A_317 = tpu.memref_squeeze %dma_wait3A_316 : memref<1x!tpu.dma_semaphore, #tpu.memory_space<semaphore_mem>> -> memref<!tpu.dma_semaphore, #tpu.memory_space<semaphore_mem>>
        %dma_wait3A_318 = arith.constant 0 : i32
        %dma_wait3A_319 = tpu.memref_slice %arg4[%add3A_307, %dma_wait3A_318] : memref<51200x128xf32, #tpu.memory_space<hbm>> -> memref<80x128xf32, #tpu.memory_space<hbm>>
        %dma_wait3A_320 = arith.constant 0 : i32
        %dma_wait3A_321 = arith.constant 0 : i32
        %dma_wait3A_322 = tpu.memref_slice %arg6[%dma_wait3A_308, %dma_wait3A_320, %dma_wait3A_321] : memref<4x80x128xf32, #tpu.memory_space<vmem>> -> memref<1x80x128xf32, #tpu.memory_space<vmem>>
        %dma_wait3A_323 = tpu.memref_squeeze %dma_wait3A_322 : memref<1x80x128xf32, #tpu.memory_space<vmem>> -> memref<80x128xf32, #tpu.memory_space<vmem>>
        tpu.wait_dma2 semaphore(%dma_wait3A_317 : memref<!tpu.dma_semaphore, #tpu.memory_space<semaphore_mem>>) src(%dma_wait3A_323 : memref<80x128xf32, #tpu.memory_space<vmem>>) dst(%dma_wait3A_319 : memref<80x128xf32, #tpu.memory_space<hbm>>)
      } else {
      }
      %lt3A_143 = arith.constant 20 : i32
      %lt3A_144 = arith.cmpi slt, %add3A_139, %lt3A_143 : i32
      %convert_element_type3A_145 = arith.extui %lt3A_144 : i1 to i32
      %cond3A_146 = arith.constant 0 : i32
      %cond3A_147 = arith.cmpi ne, %convert_element_type3A_145, %cond3A_146 : i32
      scf.if %cond3A_147 {
        %dma_start3A_304 = arith.constant 2 : i32
        %dma_start3A_305 = arith.constant 2 : i32
        %dma_start3A_306 = arith.constant 0 : i32
        %dma_start3A_307 = arith.constant 0 : i32
        %dma_start3A_308 = tpu.memref_slice %arg6[%dma_start3A_304, %dma_start3A_306, %dma_start3A_307] : memref<4x80x128xf32, #tpu.memory_space<vmem>> -> memref<1x80x128xf32, #tpu.memory_space<vmem>>
        %dma_start3A_309 = tpu.memref_squeeze %dma_start3A_308 : memref<1x80x128xf32, #tpu.memory_space<vmem>> -> memref<80x128xf32, #tpu.memory_space<vmem>>
        %dma_start3A_310 = arith.constant 0 : i32
        %dma_start3A_311 = tpu.memref_slice %arg5[%add3A_139, %dma_start3A_310] : memref<20x80xi32, #tpu.memory_space<vmem>> -> memref<1x80xi32, #tpu.memory_space<vmem>>
        %dma_start3A_312 = tpu.memref_squeeze %dma_start3A_311 : memref<1x80xi32, #tpu.memory_space<vmem>> -> memref<80xi32, #tpu.memory_space<vmem>>
        %dma_start3A_313 = arith.constant 0 : i32
        %dma_start3A_314 = arith.constant 0 : i32
        %dma_start3A_315 = tpu.memref_slice %arg2[%dma_start3A_313, %dma_start3A_314] : memref<100000x128xf32, #tpu.memory_space<hbm>> -> memref<100000x128xf32, #tpu.memory_space<hbm>>
        %dma_start3A_316 = tpu.memref_slice %arg7[%dma_start3A_305] : memref<4x!tpu.dma_semaphore, #tpu.memory_space<semaphore_mem>> -> memref<1x!tpu.dma_semaphore, #tpu.memory_space<semaphore_mem>>
        %dma_start3A_317 = tpu.memref_squeeze %dma_start3A_316 : memref<1x!tpu.dma_semaphore, #tpu.memory_space<semaphore_mem>> -> memref<!tpu.dma_semaphore, #tpu.memory_space<semaphore_mem>>
        tpu.enqueue_indirect_dma source(%dma_start3A_315 : memref<100000x128xf32, #tpu.memory_space<hbm>>) target(%dma_start3A_309 : memref<80x128xf32, #tpu.memory_space<vmem>>) offsets(%dma_start3A_312 : memref<80xi32, #tpu.memory_space<vmem>>) semaphore(%dma_start3A_317 : memref<!tpu.dma_semaphore, #tpu.memory_space<semaphore_mem>>)
      } else {
      }
      %mul3A_148 = arith.constant 4 : i32
      %mul3A_149 = arith.muli %scan3A_100, %mul3A_148 : i32
      %add3A_150 = arith.constant 1 : i32
      %add3A_151 = arith.addi %mul3A_149, %add3A_150 : i32
      %dma_wait3A_152 = arith.constant 1 : i32
      %dma_wait3A_153 = arith.constant 1 : i32
      %dma_wait3A_154 = arith.constant 0 : i32
      %dma_wait3A_155 = arith.constant 0 : i32
      %dma_wait3A_156 = tpu.memref_slice %arg6[%dma_wait3A_152, %dma_wait3A_154, %dma_wait3A_155] : memref<4x80x128xf32, #tpu.memory_space<vmem>> -> memref<1x80x128xf32, #tpu.memory_space<vmem>>
      %dma_wait3A_157 = tpu.memref_squeeze %dma_wait3A_156 : memref<1x80x128xf32, #tpu.memory_space<vmem>> -> memref<80x128xf32, #tpu.memory_space<vmem>>
      %dma_wait3A_158 = arith.constant 0 : i32
      %dma_wait3A_159 = tpu.memref_slice %arg5[%add3A_151, %dma_wait3A_158] : memref<20x80xi32, #tpu.memory_space<vmem>> -> memref<1x80xi32, #tpu.memory_space<vmem>>
      %dma_wait3A_160 = tpu.memref_squeeze %dma_wait3A_159 : memref<1x80xi32, #tpu.memory_space<vmem>> -> memref<80xi32, #tpu.memory_space<vmem>>
      %dma_wait3A_161 = arith.constant 0 : i32
      %dma_wait3A_162 = arith.constant 0 : i32
      %dma_wait3A_163 = tpu.memref_slice %arg2[%dma_wait3A_161, %dma_wait3A_162] : memref<100000x128xf32, #tpu.memory_space<hbm>> -> memref<100000x128xf32, #tpu.memory_space<hbm>>
      %dma_wait3A_164 = tpu.memref_slice %arg7[%dma_wait3A_153] : memref<4x!tpu.dma_semaphore, #tpu.memory_space<semaphore_mem>> -> memref<1x!tpu.dma_semaphore, #tpu.memory_space<semaphore_mem>>
      %dma_wait3A_165 = tpu.memref_squeeze %dma_wait3A_164 : memref<1x!tpu.dma_semaphore, #tpu.memory_space<semaphore_mem>> -> memref<!tpu.dma_semaphore, #tpu.memory_space<semaphore_mem>>
      tpu.wait_indirect_dma semaphore(%dma_wait3A_165 : memref<!tpu.dma_semaphore, #tpu.memory_space<semaphore_mem>>) src(%dma_wait3A_163 : memref<100000x128xf32, #tpu.memory_space<hbm>>) dst(%dma_wait3A_157 : memref<80x128xf32, #tpu.memory_space<vmem>>)
      %mul3A_166 = arith.constant 80 : i32
      %mul3A_167 = arith.muli %add3A_151, %mul3A_166 : i32
      %add3A_168 = arith.addi %mul3A_2, %mul3A_167 : i32
      %dma_start3A_169 = arith.constant 1 : i32
      %dma_start3A_170 = arith.constant 1 : i32
      %dma_start3A_171 = arith.constant 0 : i32
      %dma_start3A_172 = arith.constant 0 : i32
      %dma_start3A_173 = tpu.memref_slice %arg6[%dma_start3A_169, %dma_start3A_171, %dma_start3A_172] : memref<4x80x128xf32, #tpu.memory_space<vmem>> -> memref<1x80x128xf32, #tpu.memory_space<vmem>>
      %dma_start3A_174 = tpu.memref_squeeze %dma_start3A_173 : memref<1x80x128xf32, #tpu.memory_space<vmem>> -> memref<80x128xf32, #tpu.memory_space<vmem>>
      %dma_start3A_175 = arith.constant 0 : i32
      %dma_start3A_176 = tpu.memref_slice %arg4[%add3A_168, %dma_start3A_175] : memref<51200x128xf32, #tpu.memory_space<hbm>> -> memref<80x128xf32, #tpu.memory_space<hbm>>
      %dma_start3A_177 = tpu.memref_slice %arg8[%dma_start3A_170] : memref<4x!tpu.dma_semaphore, #tpu.memory_space<semaphore_mem>> -> memref<1x!tpu.dma_semaphore, #tpu.memory_space<semaphore_mem>>
      %dma_start3A_178 = tpu.memref_squeeze %dma_start3A_177 : memref<1x!tpu.dma_semaphore, #tpu.memory_space<semaphore_mem>> -> memref<!tpu.dma_semaphore, #tpu.memory_space<semaphore_mem>>
      %dma_start3A_179 = arith.constant 0 : i32
      %dma_start3A_180 = tpu.memref_slice %arg4[%add3A_168, %dma_start3A_179] : memref<51200x128xf32, #tpu.memory_space<hbm>> -> memref<80x128xf32, #tpu.memory_space<hbm>>
      %dma_start3A_181 = arith.constant 0 : i32
      %dma_start3A_182 = arith.constant 0 : i32
      %dma_start3A_183 = tpu.memref_slice %arg6[%dma_start3A_169, %dma_start3A_181, %dma_start3A_182] : memref<4x80x128xf32, #tpu.memory_space<vmem>> -> memref<1x80x128xf32, #tpu.memory_space<vmem>>
      %dma_start3A_184 = tpu.memref_squeeze %dma_start3A_183 : memref<1x80x128xf32, #tpu.memory_space<vmem>> -> memref<80x128xf32, #tpu.memory_space<vmem>>
      tpu.enqueue_dma source(%dma_start3A_184 : memref<80x128xf32, #tpu.memory_space<vmem>>) target(%dma_start3A_180 : memref<80x128xf32, #tpu.memory_space<hbm>>) target_semaphore(%dma_start3A_178 : memref<!tpu.dma_semaphore, #tpu.memory_space<semaphore_mem>>)
      %add3A_185 = arith.constant 2 : i32
      %add3A_186 = arith.addi %add3A_151, %add3A_185 : i32
      %lt3A_187 = arith.constant 20 : i32
      %lt3A_188 = arith.cmpi slt, %add3A_186, %lt3A_187 : i32
      %ge3A_189 = arith.constant 2 : i32
      %ge3A_190 = arith.cmpi sge, %add3A_151, %ge3A_189 : i32
      %and3A_191 = arith.andi %lt3A_188, %ge3A_190 : i1
      %convert_element_type3A_192 = arith.extui %and3A_191 : i1 to i32
      %cond3A_193 = arith.constant 0 : i32
      %cond3A_194 = arith.cmpi ne, %convert_element_type3A_192, %cond3A_193 : i32
      scf.if %cond3A_194 {
        %sub3A = arith.constant 4 : i32
        %sub3A_304 = arith.subi %add3A_186, %sub3A : i32
        %mul3A_305 = arith.constant 80 : i32
        %mul3A_306 = arith.muli %sub3A_304, %mul3A_305 : i32
        %add3A_307 = arith.addi %mul3A_2, %mul3A_306 : i32
        %dma_wait3A_308 = arith.constant 3 : i32
        %dma_wait3A_309 = arith.constant 3 : i32
        %dma_wait3A_310 = arith.constant 0 : i32
        %dma_wait3A_311 = arith.constant 0 : i32
        %dma_wait3A_312 = tpu.memref_slice %arg6[%dma_wait3A_308, %dma_wait3A_310, %dma_wait3A_311] : memref<4x80x128xf32, #tpu.memory_space<vmem>> -> memref<1x80x128xf32, #tpu.memory_space<vmem>>
        %dma_wait3A_313 = tpu.memref_squeeze %dma_wait3A_312 : memref<1x80x128xf32, #tpu.memory_space<vmem>> -> memref<80x128xf32, #tpu.memory_space<vmem>>
        %dma_wait3A_314 = arith.constant 0 : i32
        %dma_wait3A_315 = tpu.memref_slice %arg4[%add3A_307, %dma_wait3A_314] : memref<51200x128xf32, #tpu.memory_space<hbm>> -> memref<80x128xf32, #tpu.memory_space<hbm>>
        %dma_wait3A_316 = tpu.memref_slice %arg8[%dma_wait3A_309] : memref<4x!tpu.dma_semaphore, #tpu.memory_space<semaphore_mem>> -> memref<1x!tpu.dma_semaphore, #tpu.memory_space<semaphore_mem>>
        %dma_wait3A_317 = tpu.memref_squeeze %dma_wait3A_316 : memref<1x!tpu.dma_semaphore, #tpu.memory_space<semaphore_mem>> -> memref<!tpu.dma_semaphore, #tpu.memory_space<semaphore_mem>>
        %dma_wait3A_318 = arith.constant 0 : i32
        %dma_wait3A_319 = tpu.memref_slice %arg4[%add3A_307, %dma_wait3A_318] : memref<51200x128xf32, #tpu.memory_space<hbm>> -> memref<80x128xf32, #tpu.memory_space<hbm>>
        %dma_wait3A_320 = arith.constant 0 : i32
        %dma_wait3A_321 = arith.constant 0 : i32
        %dma_wait3A_322 = tpu.memref_slice %arg6[%dma_wait3A_308, %dma_wait3A_320, %dma_wait3A_321] : memref<4x80x128xf32, #tpu.memory_space<vmem>> -> memref<1x80x128xf32, #tpu.memory_space<vmem>>
        %dma_wait3A_323 = tpu.memref_squeeze %dma_wait3A_322 : memref<1x80x128xf32, #tpu.memory_space<vmem>> -> memref<80x128xf32, #tpu.memory_space<vmem>>
        tpu.wait_dma2 semaphore(%dma_wait3A_317 : memref<!tpu.dma_semaphore, #tpu.memory_space<semaphore_mem>>) src(%dma_wait3A_323 : memref<80x128xf32, #tpu.memory_space<vmem>>) dst(%dma_wait3A_319 : memref<80x128xf32, #tpu.memory_space<hbm>>)
      } else {
      }
      %lt3A_195 = arith.constant 20 : i32
      %lt3A_196 = arith.cmpi slt, %add3A_186, %lt3A_195 : i32
      %convert_element_type3A_197 = arith.extui %lt3A_196 : i1 to i32
      %cond3A_198 = arith.constant 0 : i32
      %cond3A_199 = arith.cmpi ne, %convert_element_type3A_197, %cond3A_198 : i32
      scf.if %cond3A_199 {
        %dma_start3A_304 = arith.constant 3 : i32
        %dma_start3A_305 = arith.constant 3 : i32
        %dma_start3A_306 = arith.constant 0 : i32
        %dma_start3A_307 = arith.constant 0 : i32
        %dma_start3A_308 = tpu.memref_slice %arg6[%dma_start3A_304, %dma_start3A_306, %dma_start3A_307] : memref<4x80x128xf32, #tpu.memory_space<vmem>> -> memref<1x80x128xf32, #tpu.memory_space<vmem>>
        %dma_start3A_309 = tpu.memref_squeeze %dma_start3A_308 : memref<1x80x128xf32, #tpu.memory_space<vmem>> -> memref<80x128xf32, #tpu.memory_space<vmem>>
        %dma_start3A_310 = arith.constant 0 : i32
        %dma_start3A_311 = tpu.memref_slice %arg5[%add3A_186, %dma_start3A_310] : memref<20x80xi32, #tpu.memory_space<vmem>> -> memref<1x80xi32, #tpu.memory_space<vmem>>
        %dma_start3A_312 = tpu.memref_squeeze %dma_start3A_311 : memref<1x80xi32, #tpu.memory_space<vmem>> -> memref<80xi32, #tpu.memory_space<vmem>>
        %dma_start3A_313 = arith.constant 0 : i32
        %dma_start3A_314 = arith.constant 0 : i32
        %dma_start3A_315 = tpu.memref_slice %arg2[%dma_start3A_313, %dma_start3A_314] : memref<100000x128xf32, #tpu.memory_space<hbm>> -> memref<100000x128xf32, #tpu.memory_space<hbm>>
        %dma_start3A_316 = tpu.memref_slice %arg7[%dma_start3A_305] : memref<4x!tpu.dma_semaphore, #tpu.memory_space<semaphore_mem>> -> memref<1x!tpu.dma_semaphore, #tpu.memory_space<semaphore_mem>>
        %dma_start3A_317 = tpu.memref_squeeze %dma_start3A_316 : memref<1x!tpu.dma_semaphore, #tpu.memory_space<semaphore_mem>> -> memref<!tpu.dma_semaphore, #tpu.memory_space<semaphore_mem>>
        tpu.enqueue_indirect_dma source(%dma_start3A_315 : memref<100000x128xf32, #tpu.memory_space<hbm>>) target(%dma_start3A_309 : memref<80x128xf32, #tpu.memory_space<vmem>>) offsets(%dma_start3A_312 : memref<80xi32, #tpu.memory_space<vmem>>) semaphore(%dma_start3A_317 : memref<!tpu.dma_semaphore, #tpu.memory_space<semaphore_mem>>)
      } else {
      }
      %mul3A_200 = arith.constant 4 : i32
      %mul3A_201 = arith.muli %scan3A_100, %mul3A_200 : i32
      %add3A_202 = arith.constant 2 : i32
      %add3A_203 = arith.addi %mul3A_201, %add3A_202 : i32
      %dma_wait3A_204 = arith.constant 2 : i32
      %dma_wait3A_205 = arith.constant 2 : i32
      %dma_wait3A_206 = arith.constant 0 : i32
      %dma_wait3A_207 = arith.constant 0 : i32
      %dma_wait3A_208 = tpu.memref_slice %arg6[%dma_wait3A_204, %dma_wait3A_206, %dma_wait3A_207] : memref<4x80x128xf32, #tpu.memory_space<vmem>> -> memref<1x80x128xf32, #tpu.memory_space<vmem>>
      %dma_wait3A_209 = tpu.memref_squeeze %dma_wait3A_208 : memref<1x80x128xf32, #tpu.memory_space<vmem>> -> memref<80x128xf32, #tpu.memory_space<vmem>>
      %dma_wait3A_210 = arith.constant 0 : i32
      %dma_wait3A_211 = tpu.memref_slice %arg5[%add3A_203, %dma_wait3A_210] : memref<20x80xi32, #tpu.memory_space<vmem>> -> memref<1x80xi32, #tpu.memory_space<vmem>>
      %dma_wait3A_212 = tpu.memref_squeeze %dma_wait3A_211 : memref<1x80xi32, #tpu.memory_space<vmem>> -> memref<80xi32, #tpu.memory_space<vmem>>
      %dma_wait3A_213 = arith.constant 0 : i32
      %dma_wait3A_214 = arith.constant 0 : i32
      %dma_wait3A_215 = tpu.memref_slice %arg2[%dma_wait3A_213, %dma_wait3A_214] : memref<100000x128xf32, #tpu.memory_space<hbm>> -> memref<100000x128xf32, #tpu.memory_space<hbm>>
      %dma_wait3A_216 = tpu.memref_slice %arg7[%dma_wait3A_205] : memref<4x!tpu.dma_semaphore, #tpu.memory_space<semaphore_mem>> -> memref<1x!tpu.dma_semaphore, #tpu.memory_space<semaphore_mem>>
      %dma_wait3A_217 = tpu.memref_squeeze %dma_wait3A_216 : memref<1x!tpu.dma_semaphore, #tpu.memory_space<semaphore_mem>> -> memref<!tpu.dma_semaphore, #tpu.memory_space<semaphore_mem>>
      tpu.wait_indirect_dma semaphore(%dma_wait3A_217 : memref<!tpu.dma_semaphore, #tpu.memory_space<semaphore_mem>>) src(%dma_wait3A_215 : memref<100000x128xf32, #tpu.memory_space<hbm>>) dst(%dma_wait3A_209 : memref<80x128xf32, #tpu.memory_space<vmem>>)
      %mul3A_218 = arith.constant 80 : i32
      %mul3A_219 = arith.muli %add3A_203, %mul3A_218 : i32
      %add3A_220 = arith.addi %mul3A_2, %mul3A_219 : i32
      %dma_start3A_221 = arith.constant 2 : i32
      %dma_start3A_222 = arith.constant 2 : i32
      %dma_start3A_223 = arith.constant 0 : i32
      %dma_start3A_224 = arith.constant 0 : i32
      %dma_start3A_225 = tpu.memref_slice %arg6[%dma_start3A_221, %dma_start3A_223, %dma_start3A_224] : memref<4x80x128xf32, #tpu.memory_space<vmem>> -> memref<1x80x128xf32, #tpu.memory_space<vmem>>
      %dma_start3A_226 = tpu.memref_squeeze %dma_start3A_225 : memref<1x80x128xf32, #tpu.memory_space<vmem>> -> memref<80x128xf32, #tpu.memory_space<vmem>>
      %dma_start3A_227 = arith.constant 0 : i32
      %dma_start3A_228 = tpu.memref_slice %arg4[%add3A_220, %dma_start3A_227] : memref<51200x128xf32, #tpu.memory_space<hbm>> -> memref<80x128xf32, #tpu.memory_space<hbm>>
      %dma_start3A_229 = tpu.memref_slice %arg8[%dma_start3A_222] : memref<4x!tpu.dma_semaphore, #tpu.memory_space<semaphore_mem>> -> memref<1x!tpu.dma_semaphore, #tpu.memory_space<semaphore_mem>>
      %dma_start3A_230 = tpu.memref_squeeze %dma_start3A_229 : memref<1x!tpu.dma_semaphore, #tpu.memory_space<semaphore_mem>> -> memref<!tpu.dma_semaphore, #tpu.memory_space<semaphore_mem>>
      %dma_start3A_231 = arith.constant 0 : i32
      %dma_start3A_232 = tpu.memref_slice %arg4[%add3A_220, %dma_start3A_231] : memref<51200x128xf32, #tpu.memory_space<hbm>> -> memref<80x128xf32, #tpu.memory_space<hbm>>
      %dma_start3A_233 = arith.constant 0 : i32
      %dma_start3A_234 = arith.constant 0 : i32
      %dma_start3A_235 = tpu.memref_slice %arg6[%dma_start3A_221, %dma_start3A_233, %dma_start3A_234] : memref<4x80x128xf32, #tpu.memory_space<vmem>> -> memref<1x80x128xf32, #tpu.memory_space<vmem>>
      %dma_start3A_236 = tpu.memref_squeeze %dma_start3A_235 : memref<1x80x128xf32, #tpu.memory_space<vmem>> -> memref<80x128xf32, #tpu.memory_space<vmem>>
      tpu.enqueue_dma source(%dma_start3A_236 : memref<80x128xf32, #tpu.memory_space<vmem>>) target(%dma_start3A_232 : memref<80x128xf32, #tpu.memory_space<hbm>>) target_semaphore(%dma_start3A_230 : memref<!tpu.dma_semaphore, #tpu.memory_space<semaphore_mem>>)
      %add3A_237 = arith.constant 2 : i32
      %add3A_238 = arith.addi %add3A_203, %add3A_237 : i32
      %lt3A_239 = arith.constant 20 : i32
      %lt3A_240 = arith.cmpi slt, %add3A_238, %lt3A_239 : i32
      %ge3A_241 = arith.constant 2 : i32
      %ge3A_242 = arith.cmpi sge, %add3A_203, %ge3A_241 : i32
      %and3A_243 = arith.andi %lt3A_240, %ge3A_242 : i1
      %convert_element_type3A_244 = arith.extui %and3A_243 : i1 to i32
      %cond3A_245 = arith.constant 0 : i32
      %cond3A_246 = arith.cmpi ne, %convert_element_type3A_244, %cond3A_245 : i32
      scf.if %cond3A_246 {
        %sub3A = arith.constant 4 : i32
        %sub3A_304 = arith.subi %add3A_238, %sub3A : i32
        %mul3A_305 = arith.constant 80 : i32
        %mul3A_306 = arith.muli %sub3A_304, %mul3A_305 : i32
        %add3A_307 = arith.addi %mul3A_2, %mul3A_306 : i32
        %dma_wait3A_308 = arith.constant 0 : i32
        %dma_wait3A_309 = arith.constant 0 : i32
        %dma_wait3A_310 = arith.constant 0 : i32
        %dma_wait3A_311 = arith.constant 0 : i32
        %dma_wait3A_312 = tpu.memref_slice %arg6[%dma_wait3A_308, %dma_wait3A_310, %dma_wait3A_311] : memref<4x80x128xf32, #tpu.memory_space<vmem>> -> memref<1x80x128xf32, #tpu.memory_space<vmem>>
        %dma_wait3A_313 = tpu.memref_squeeze %dma_wait3A_312 : memref<1x80x128xf32, #tpu.memory_space<vmem>> -> memref<80x128xf32, #tpu.memory_space<vmem>>
        %dma_wait3A_314 = arith.constant 0 : i32
        %dma_wait3A_315 = tpu.memref_slice %arg4[%add3A_307, %dma_wait3A_314] : memref<51200x128xf32, #tpu.memory_space<hbm>> -> memref<80x128xf32, #tpu.memory_space<hbm>>
        %dma_wait3A_316 = tpu.memref_slice %arg8[%dma_wait3A_309] : memref<4x!tpu.dma_semaphore, #tpu.memory_space<semaphore_mem>> -> memref<1x!tpu.dma_semaphore, #tpu.memory_space<semaphore_mem>>
        %dma_wait3A_317 = tpu.memref_squeeze %dma_wait3A_316 : memref<1x!tpu.dma_semaphore, #tpu.memory_space<semaphore_mem>> -> memref<!tpu.dma_semaphore, #tpu.memory_space<semaphore_mem>>
        %dma_wait3A_318 = arith.constant 0 : i32
        %dma_wait3A_319 = tpu.memref_slice %arg4[%add3A_307, %dma_wait3A_318] : memref<51200x128xf32, #tpu.memory_space<hbm>> -> memref<80x128xf32, #tpu.memory_space<hbm>>
        %dma_wait3A_320 = arith.constant 0 : i32
        %dma_wait3A_321 = arith.constant 0 : i32
        %dma_wait3A_322 = tpu.memref_slice %arg6[%dma_wait3A_308, %dma_wait3A_320, %dma_wait3A_321] : memref<4x80x128xf32, #tpu.memory_space<vmem>> -> memref<1x80x128xf32, #tpu.memory_space<vmem>>
        %dma_wait3A_323 = tpu.memref_squeeze %dma_wait3A_322 : memref<1x80x128xf32, #tpu.memory_space<vmem>> -> memref<80x128xf32, #tpu.memory_space<vmem>>
        tpu.wait_dma2 semaphore(%dma_wait3A_317 : memref<!tpu.dma_semaphore, #tpu.memory_space<semaphore_mem>>) src(%dma_wait3A_323 : memref<80x128xf32, #tpu.memory_space<vmem>>) dst(%dma_wait3A_319 : memref<80x128xf32, #tpu.memory_space<hbm>>)
      } else {
      }
      %lt3A_247 = arith.constant 20 : i32
      %lt3A_248 = arith.cmpi slt, %add3A_238, %lt3A_247 : i32
      %convert_element_type3A_249 = arith.extui %lt3A_248 : i1 to i32
      %cond3A_250 = arith.constant 0 : i32
      %cond3A_251 = arith.cmpi ne, %convert_element_type3A_249, %cond3A_250 : i32
      scf.if %cond3A_251 {
        %dma_start3A_304 = arith.constant 0 : i32
        %dma_start3A_305 = arith.constant 0 : i32
        %dma_start3A_306 = arith.constant 0 : i32
        %dma_start3A_307 = arith.constant 0 : i32
        %dma_start3A_308 = tpu.memref_slice %arg6[%dma_start3A_304, %dma_start3A_306, %dma_start3A_307] : memref<4x80x128xf32, #tpu.memory_space<vmem>> -> memref<1x80x128xf32, #tpu.memory_space<vmem>>
        %dma_start3A_309 = tpu.memref_squeeze %dma_start3A_308 : memref<1x80x128xf32, #tpu.memory_space<vmem>> -> memref<80x128xf32, #tpu.memory_space<vmem>>
        %dma_start3A_310 = arith.constant 0 : i32
        %dma_start3A_311 = tpu.memref_slice %arg5[%add3A_238, %dma_start3A_310] : memref<20x80xi32, #tpu.memory_space<vmem>> -> memref<1x80xi32, #tpu.memory_space<vmem>>
        %dma_start3A_312 = tpu.memref_squeeze %dma_start3A_311 : memref<1x80xi32, #tpu.memory_space<vmem>> -> memref<80xi32, #tpu.memory_space<vmem>>
        %dma_start3A_313 = arith.constant 0 : i32
        %dma_start3A_314 = arith.constant 0 : i32
        %dma_start3A_315 = tpu.memref_slice %arg2[%dma_start3A_313, %dma_start3A_314] : memref<100000x128xf32, #tpu.memory_space<hbm>> -> memref<100000x128xf32, #tpu.memory_space<hbm>>
        %dma_start3A_316 = tpu.memref_slice %arg7[%dma_start3A_305] : memref<4x!tpu.dma_semaphore, #tpu.memory_space<semaphore_mem>> -> memref<1x!tpu.dma_semaphore, #tpu.memory_space<semaphore_mem>>
        %dma_start3A_317 = tpu.memref_squeeze %dma_start3A_316 : memref<1x!tpu.dma_semaphore, #tpu.memory_space<semaphore_mem>> -> memref<!tpu.dma_semaphore, #tpu.memory_space<semaphore_mem>>
        tpu.enqueue_indirect_dma source(%dma_start3A_315 : memref<100000x128xf32, #tpu.memory_space<hbm>>) target(%dma_start3A_309 : memref<80x128xf32, #tpu.memory_space<vmem>>) offsets(%dma_start3A_312 : memref<80xi32, #tpu.memory_space<vmem>>) semaphore(%dma_start3A_317 : memref<!tpu.dma_semaphore, #tpu.memory_space<semaphore_mem>>)
      } else {
      }
      %mul3A_252 = arith.constant 4 : i32
      %mul3A_253 = arith.muli %scan3A_100, %mul3A_252 : i32
      %add3A_254 = arith.constant 3 : i32
      %add3A_255 = arith.addi %mul3A_253, %add3A_254 : i32
      %dma_wait3A_256 = arith.constant 3 : i32
      %dma_wait3A_257 = arith.constant 3 : i32
      %dma_wait3A_258 = arith.constant 0 : i32
      %dma_wait3A_259 = arith.constant 0 : i32
      %dma_wait3A_260 = tpu.memref_slice %arg6[%dma_wait3A_256, %dma_wait3A_258, %dma_wait3A_259] : memref<4x80x128xf32, #tpu.memory_space<vmem>> -> memref<1x80x128xf32, #tpu.memory_space<vmem>>
      %dma_wait3A_261 = tpu.memref_squeeze %dma_wait3A_260 : memref<1x80x128xf32, #tpu.memory_space<vmem>> -> memref<80x128xf32, #tpu.memory_space<vmem>>
      %dma_wait3A_262 = arith.constant 0 : i32
      %dma_wait3A_263 = tpu.memref_slice %arg5[%add3A_255, %dma_wait3A_262] : memref<20x80xi32, #tpu.memory_space<vmem>> -> memref<1x80xi32, #tpu.memory_space<vmem>>
      %dma_wait3A_264 = tpu.memref_squeeze %dma_wait3A_263 : memref<1x80xi32, #tpu.memory_space<vmem>> -> memref<80xi32, #tpu.memory_space<vmem>>
      %dma_wait3A_265 = arith.constant 0 : i32
      %dma_wait3A_266 = arith.constant 0 : i32
      %dma_wait3A_267 = tpu.memref_slice %arg2[%dma_wait3A_265, %dma_wait3A_266] : memref<100000x128xf32, #tpu.memory_space<hbm>> -> memref<100000x128xf32, #tpu.memory_space<hbm>>
      %dma_wait3A_268 = tpu.memref_slice %arg7[%dma_wait3A_257] : memref<4x!tpu.dma_semaphore, #tpu.memory_space<semaphore_mem>> -> memref<1x!tpu.dma_semaphore, #tpu.memory_space<semaphore_mem>>
      %dma_wait3A_269 = tpu.memref_squeeze %dma_wait3A_268 : memref<1x!tpu.dma_semaphore, #tpu.memory_space<semaphore_mem>> -> memref<!tpu.dma_semaphore, #tpu.memory_space<semaphore_mem>>
      tpu.wait_indirect_dma semaphore(%dma_wait3A_269 : memref<!tpu.dma_semaphore, #tpu.memory_space<semaphore_mem>>) src(%dma_wait3A_267 : memref<100000x128xf32, #tpu.memory_space<hbm>>) dst(%dma_wait3A_261 : memref<80x128xf32, #tpu.memory_space<vmem>>)
      %mul3A_270 = arith.constant 80 : i32
      %mul3A_271 = arith.muli %add3A_255, %mul3A_270 : i32
      %add3A_272 = arith.addi %mul3A_2, %mul3A_271 : i32
      %dma_start3A_273 = arith.constant 3 : i32
      %dma_start3A_274 = arith.constant 3 : i32
      %dma_start3A_275 = arith.constant 0 : i32
      %dma_start3A_276 = arith.constant 0 : i32
      %dma_start3A_277 = tpu.memref_slice %arg6[%dma_start3A_273, %dma_start3A_275, %dma_start3A_276] : memref<4x80x128xf32, #tpu.memory_space<vmem>> -> memref<1x80x128xf32, #tpu.memory_space<vmem>>
      %dma_start3A_278 = tpu.memref_squeeze %dma_start3A_277 : memref<1x80x128xf32, #tpu.memory_space<vmem>> -> memref<80x128xf32, #tpu.memory_space<vmem>>
      %dma_start3A_279 = arith.constant 0 : i32
      %dma_start3A_280 = tpu.memref_slice %arg4[%add3A_272, %dma_start3A_279] : memref<51200x128xf32, #tpu.memory_space<hbm>> -> memref<80x128xf32, #tpu.memory_space<hbm>>
      %dma_start3A_281 = tpu.memref_slice %arg8[%dma_start3A_274] : memref<4x!tpu.dma_semaphore, #tpu.memory_space<semaphore_mem>> -> memref<1x!tpu.dma_semaphore, #tpu.memory_space<semaphore_mem>>
      %dma_start3A_282 = tpu.memref_squeeze %dma_start3A_281 : memref<1x!tpu.dma_semaphore, #tpu.memory_space<semaphore_mem>> -> memref<!tpu.dma_semaphore, #tpu.memory_space<semaphore_mem>>
      %dma_start3A_283 = arith.constant 0 : i32
      %dma_start3A_284 = tpu.memref_slice %arg4[%add3A_272, %dma_start3A_283] : memref<51200x128xf32, #tpu.memory_space<hbm>> -> memref<80x128xf32, #tpu.memory_space<hbm>>
      %dma_start3A_285 = arith.constant 0 : i32
      %dma_start3A_286 = arith.constant 0 : i32
      %dma_start3A_287 = tpu.memref_slice %arg6[%dma_start3A_273, %dma_start3A_285, %dma_start3A_286] : memref<4x80x128xf32, #tpu.memory_space<vmem>> -> memref<1x80x128xf32, #tpu.memory_space<vmem>>
      %dma_start3A_288 = tpu.memref_squeeze %dma_start3A_287 : memref<1x80x128xf32, #tpu.memory_space<vmem>> -> memref<80x128xf32, #tpu.memory_space<vmem>>
      tpu.enqueue_dma source(%dma_start3A_288 : memref<80x128xf32, #tpu.memory_space<vmem>>) target(%dma_start3A_284 : memref<80x128xf32, #tpu.memory_space<hbm>>) target_semaphore(%dma_start3A_282 : memref<!tpu.dma_semaphore, #tpu.memory_space<semaphore_mem>>)
      %add3A_289 = arith.constant 2 : i32
      %add3A_290 = arith.addi %add3A_255, %add3A_289 : i32
      %lt3A_291 = arith.constant 20 : i32
      %lt3A_292 = arith.cmpi slt, %add3A_290, %lt3A_291 : i32
      %ge3A_293 = arith.constant 2 : i32
      %ge3A_294 = arith.cmpi sge, %add3A_255, %ge3A_293 : i32
      %and3A_295 = arith.andi %lt3A_292, %ge3A_294 : i1
      %convert_element_type3A_296 = arith.extui %and3A_295 : i1 to i32
      %cond3A_297 = arith.constant 0 : i32
      %cond3A_298 = arith.cmpi ne, %convert_element_type3A_296, %cond3A_297 : i32
      scf.if %cond3A_298 {
        %sub3A = arith.constant 4 : i32
        %sub3A_304 = arith.subi %add3A_290, %sub3A : i32
        %mul3A_305 = arith.constant 80 : i32
        %mul3A_306 = arith.muli %sub3A_304, %mul3A_305 : i32
        %add3A_307 = arith.addi %mul3A_2, %mul3A_306 : i32
        %dma_wait3A_308 = arith.constant 1 : i32
        %dma_wait3A_309 = arith.constant 1 : i32
        %dma_wait3A_310 = arith.constant 0 : i32
        %dma_wait3A_311 = arith.constant 0 : i32
        %dma_wait3A_312 = tpu.memref_slice %arg6[%dma_wait3A_308, %dma_wait3A_310, %dma_wait3A_311] : memref<4x80x128xf32, #tpu.memory_space<vmem>> -> memref<1x80x128xf32, #tpu.memory_space<vmem>>
        %dma_wait3A_313 = tpu.memref_squeeze %dma_wait3A_312 : memref<1x80x128xf32, #tpu.memory_space<vmem>> -> memref<80x128xf32, #tpu.memory_space<vmem>>
        %dma_wait3A_314 = arith.constant 0 : i32
        %dma_wait3A_315 = tpu.memref_slice %arg4[%add3A_307, %dma_wait3A_314] : memref<51200x128xf32, #tpu.memory_space<hbm>> -> memref<80x128xf32, #tpu.memory_space<hbm>>
        %dma_wait3A_316 = tpu.memref_slice %arg8[%dma_wait3A_309] : memref<4x!tpu.dma_semaphore, #tpu.memory_space<semaphore_mem>> -> memref<1x!tpu.dma_semaphore, #tpu.memory_space<semaphore_mem>>
        %dma_wait3A_317 = tpu.memref_squeeze %dma_wait3A_316 : memref<1x!tpu.dma_semaphore, #tpu.memory_space<semaphore_mem>> -> memref<!tpu.dma_semaphore, #tpu.memory_space<semaphore_mem>>
        %dma_wait3A_318 = arith.constant 0 : i32
        %dma_wait3A_319 = tpu.memref_slice %arg4[%add3A_307, %dma_wait3A_318] : memref<51200x128xf32, #tpu.memory_space<hbm>> -> memref<80x128xf32, #tpu.memory_space<hbm>>
        %dma_wait3A_320 = arith.constant 0 : i32
        %dma_wait3A_321 = arith.constant 0 : i32
        %dma_wait3A_322 = tpu.memref_slice %arg6[%dma_wait3A_308, %dma_wait3A_320, %dma_wait3A_321] : memref<4x80x128xf32, #tpu.memory_space<vmem>> -> memref<1x80x128xf32, #tpu.memory_space<vmem>>
        %dma_wait3A_323 = tpu.memref_squeeze %dma_wait3A_322 : memref<1x80x128xf32, #tpu.memory_space<vmem>> -> memref<80x128xf32, #tpu.memory_space<vmem>>
        tpu.wait_dma2 semaphore(%dma_wait3A_317 : memref<!tpu.dma_semaphore, #tpu.memory_space<semaphore_mem>>) src(%dma_wait3A_323 : memref<80x128xf32, #tpu.memory_space<vmem>>) dst(%dma_wait3A_319 : memref<80x128xf32, #tpu.memory_space<hbm>>)
      } else {
      }
      %lt3A_299 = arith.constant 20 : i32
      %lt3A_300 = arith.cmpi slt, %add3A_290, %lt3A_299 : i32
      %convert_element_type3A_301 = arith.extui %lt3A_300 : i1 to i32
      %cond3A_302 = arith.constant 0 : i32
      %cond3A_303 = arith.cmpi ne, %convert_element_type3A_301, %cond3A_302 : i32
      scf.if %cond3A_303 {
        %dma_start3A_304 = arith.constant 1 : i32
        %dma_start3A_305 = arith.constant 1 : i32
        %dma_start3A_306 = arith.constant 0 : i32
        %dma_start3A_307 = arith.constant 0 : i32
        %dma_start3A_308 = tpu.memref_slice %arg6[%dma_start3A_304, %dma_start3A_306, %dma_start3A_307] : memref<4x80x128xf32, #tpu.memory_space<vmem>> -> memref<1x80x128xf32, #tpu.memory_space<vmem>>
        %dma_start3A_309 = tpu.memref_squeeze %dma_start3A_308 : memref<1x80x128xf32, #tpu.memory_space<vmem>> -> memref<80x128xf32, #tpu.memory_space<vmem>>
        %dma_start3A_310 = arith.constant 0 : i32
        %dma_start3A_311 = tpu.memref_slice %arg5[%add3A_290, %dma_start3A_310] : memref<20x80xi32, #tpu.memory_space<vmem>> -> memref<1x80xi32, #tpu.memory_space<vmem>>
        %dma_start3A_312 = tpu.memref_squeeze %dma_start3A_311 : memref<1x80xi32, #tpu.memory_space<vmem>> -> memref<80xi32, #tpu.memory_space<vmem>>
        %dma_start3A_313 = arith.constant 0 : i32
        %dma_start3A_314 = arith.constant 0 : i32
        %dma_start3A_315 = tpu.memref_slice %arg2[%dma_start3A_313, %dma_start3A_314] : memref<100000x128xf32, #tpu.memory_space<hbm>> -> memref<100000x128xf32, #tpu.memory_space<hbm>>
        %dma_start3A_316 = tpu.memref_slice %arg7[%dma_start3A_305] : memref<4x!tpu.dma_semaphore, #tpu.memory_space<semaphore_mem>> -> memref<1x!tpu.dma_semaphore, #tpu.memory_space<semaphore_mem>>
        %dma_start3A_317 = tpu.memref_squeeze %dma_start3A_316 : memref<1x!tpu.dma_semaphore, #tpu.memory_space<semaphore_mem>> -> memref<!tpu.dma_semaphore, #tpu.memory_space<semaphore_mem>>
        tpu.enqueue_indirect_dma source(%dma_start3A_315 : memref<100000x128xf32, #tpu.memory_space<hbm>>) target(%dma_start3A_309 : memref<80x128xf32, #tpu.memory_space<vmem>>) offsets(%dma_start3A_312 : memref<80xi32, #tpu.memory_space<vmem>>) semaphore(%dma_start3A_317 : memref<!tpu.dma_semaphore, #tpu.memory_space<semaphore_mem>>)
      } else {
      }
    }
    %scan3A_36 = arith.constant 5 : i32
    %dma_wait3A = arith.constant 0 : i32
    %dma_wait3A_37 = arith.constant 0 : i32
    %dma_wait3A_38 = arith.constant 0 : i32
    %dma_wait3A_39 = arith.constant 0 : i32
    %dma_wait3A_40 = tpu.memref_slice %arg6[%dma_wait3A, %dma_wait3A_38, %dma_wait3A_39] : memref<4x80x128xf32, #tpu.memory_space<vmem>> -> memref<1x80x128xf32, #tpu.memory_space<vmem>>
    %dma_wait3A_41 = tpu.memref_squeeze %dma_wait3A_40 : memref<1x80x128xf32, #tpu.memory_space<vmem>> -> memref<80x128xf32, #tpu.memory_space<vmem>>
    %dma_wait3A_42 = arith.constant 0 : i32
    %dma_wait3A_43 = tpu.memref_slice %arg4[%mul3A_2, %dma_wait3A_42] : memref<51200x128xf32, #tpu.memory_space<hbm>> -> memref<80x128xf32, #tpu.memory_space<hbm>>
    %dma_wait3A_44 = tpu.memref_slice %arg8[%dma_wait3A_37] : memref<4x!tpu.dma_semaphore, #tpu.memory_space<semaphore_mem>> -> memref<1x!tpu.dma_semaphore, #tpu.memory_space<semaphore_mem>>
    %dma_wait3A_45 = tpu.memref_squeeze %dma_wait3A_44 : memref<1x!tpu.dma_semaphore, #tpu.memory_space<semaphore_mem>> -> memref<!tpu.dma_semaphore, #tpu.memory_space<semaphore_mem>>
    %dma_wait3A_46 = arith.constant 0 : i32
    %dma_wait3A_47 = tpu.memref_slice %arg4[%mul3A_2, %dma_wait3A_46] : memref<51200x128xf32, #tpu.memory_space<hbm>> -> memref<80x128xf32, #tpu.memory_space<hbm>>
    %dma_wait3A_48 = arith.constant 0 : i32
    %dma_wait3A_49 = arith.constant 0 : i32
    %dma_wait3A_50 = tpu.memref_slice %arg6[%dma_wait3A, %dma_wait3A_48, %dma_wait3A_49] : memref<4x80x128xf32, #tpu.memory_space<vmem>> -> memref<1x80x128xf32, #tpu.memory_space<vmem>>
    %dma_wait3A_51 = tpu.memref_squeeze %dma_wait3A_50 : memref<1x80x128xf32, #tpu.memory_space<vmem>> -> memref<80x128xf32, #tpu.memory_space<vmem>>
    tpu.wait_dma2 semaphore(%dma_wait3A_45 : memref<!tpu.dma_semaphore, #tpu.memory_space<semaphore_mem>>) src(%dma_wait3A_51 : memref<80x128xf32, #tpu.memory_space<vmem>>) dst(%dma_wait3A_47 : memref<80x128xf32, #tpu.memory_space<hbm>>)
    %dma_wait3A_52 = arith.constant 1 : i32
    %dma_wait3A_53 = arith.constant 1 : i32
    %dma_wait3A_54 = arith.constant 0 : i32
    %dma_wait3A_55 = arith.constant 0 : i32
    %dma_wait3A_56 = tpu.memref_slice %arg6[%dma_wait3A_52, %dma_wait3A_54, %dma_wait3A_55] : memref<4x80x128xf32, #tpu.memory_space<vmem>> -> memref<1x80x128xf32, #tpu.memory_space<vmem>>
    %dma_wait3A_57 = tpu.memref_squeeze %dma_wait3A_56 : memref<1x80x128xf32, #tpu.memory_space<vmem>> -> memref<80x128xf32, #tpu.memory_space<vmem>>
    %dma_wait3A_58 = arith.constant 0 : i32
    %dma_wait3A_59 = tpu.memref_slice %arg4[%mul3A_2, %dma_wait3A_58] : memref<51200x128xf32, #tpu.memory_space<hbm>> -> memref<80x128xf32, #tpu.memory_space<hbm>>
    %dma_wait3A_60 = tpu.memref_slice %arg8[%dma_wait3A_53] : memref<4x!tpu.dma_semaphore, #tpu.memory_space<semaphore_mem>> -> memref<1x!tpu.dma_semaphore, #tpu.memory_space<semaphore_mem>>
    %dma_wait3A_61 = tpu.memref_squeeze %dma_wait3A_60 : memref<1x!tpu.dma_semaphore, #tpu.memory_space<semaphore_mem>> -> memref<!tpu.dma_semaphore, #tpu.memory_space<semaphore_mem>>
    %dma_wait3A_62 = arith.constant 0 : i32
    %dma_wait3A_63 = tpu.memref_slice %arg4[%mul3A_2, %dma_wait3A_62] : memref<51200x128xf32, #tpu.memory_space<hbm>> -> memref<80x128xf32, #tpu.memory_space<hbm>>
    %dma_wait3A_64 = arith.constant 0 : i32
    %dma_wait3A_65 = arith.constant 0 : i32
    %dma_wait3A_66 = tpu.memref_slice %arg6[%dma_wait3A_52, %dma_wait3A_64, %dma_wait3A_65] : memref<4x80x128xf32, #tpu.memory_space<vmem>> -> memref<1x80x128xf32, #tpu.memory_space<vmem>>
    %dma_wait3A_67 = tpu.memref_squeeze %dma_wait3A_66 : memref<1x80x128xf32, #tpu.memory_space<vmem>> -> memref<80x128xf32, #tpu.memory_space<vmem>>
    tpu.wait_dma2 semaphore(%dma_wait3A_61 : memref<!tpu.dma_semaphore, #tpu.memory_space<semaphore_mem>>) src(%dma_wait3A_67 : memref<80x128xf32, #tpu.memory_space<vmem>>) dst(%dma_wait3A_63 : memref<80x128xf32, #tpu.memory_space<hbm>>)
    %dma_wait3A_68 = arith.constant 2 : i32
    %dma_wait3A_69 = arith.constant 2 : i32
    %dma_wait3A_70 = arith.constant 0 : i32
    %dma_wait3A_71 = arith.constant 0 : i32
    %dma_wait3A_72 = tpu.memref_slice %arg6[%dma_wait3A_68, %dma_wait3A_70, %dma_wait3A_71] : memref<4x80x128xf32, #tpu.memory_space<vmem>> -> memref<1x80x128xf32, #tpu.memory_space<vmem>>
    %dma_wait3A_73 = tpu.memref_squeeze %dma_wait3A_72 : memref<1x80x128xf32, #tpu.memory_space<vmem>> -> memref<80x128xf32, #tpu.memory_space<vmem>>
    %dma_wait3A_74 = arith.constant 0 : i32
    %dma_wait3A_75 = tpu.memref_slice %arg4[%mul3A_2, %dma_wait3A_74] : memref<51200x128xf32, #tpu.memory_space<hbm>> -> memref<80x128xf32, #tpu.memory_space<hbm>>
    %dma_wait3A_76 = tpu.memref_slice %arg8[%dma_wait3A_69] : memref<4x!tpu.dma_semaphore, #tpu.memory_space<semaphore_mem>> -> memref<1x!tpu.dma_semaphore, #tpu.memory_space<semaphore_mem>>
    %dma_wait3A_77 = tpu.memref_squeeze %dma_wait3A_76 : memref<1x!tpu.dma_semaphore, #tpu.memory_space<semaphore_mem>> -> memref<!tpu.dma_semaphore, #tpu.memory_space<semaphore_mem>>
    %dma_wait3A_78 = arith.constant 0 : i32
    %dma_wait3A_79 = tpu.memref_slice %arg4[%mul3A_2, %dma_wait3A_78] : memref<51200x128xf32, #tpu.memory_space<hbm>> -> memref<80x128xf32, #tpu.memory_space<hbm>>
    %dma_wait3A_80 = arith.constant 0 : i32
    %dma_wait3A_81 = arith.constant 0 : i32
    %dma_wait3A_82 = tpu.memref_slice %arg6[%dma_wait3A_68, %dma_wait3A_80, %dma_wait3A_81] : memref<4x80x128xf32, #tpu.memory_space<vmem>> -> memref<1x80x128xf32, #tpu.memory_space<vmem>>
    %dma_wait3A_83 = tpu.memref_squeeze %dma_wait3A_82 : memref<1x80x128xf32, #tpu.memory_space<vmem>> -> memref<80x128xf32, #tpu.memory_space<vmem>>
    tpu.wait_dma2 semaphore(%dma_wait3A_77 : memref<!tpu.dma_semaphore, #tpu.memory_space<semaphore_mem>>) src(%dma_wait3A_83 : memref<80x128xf32, #tpu.memory_space<vmem>>) dst(%dma_wait3A_79 : memref<80x128xf32, #tpu.memory_space<hbm>>)
    %dma_wait3A_84 = arith.constant 3 : i32
    %dma_wait3A_85 = arith.constant 3 : i32
    %dma_wait3A_86 = arith.constant 0 : i32
    %dma_wait3A_87 = arith.constant 0 : i32
    %dma_wait3A_88 = tpu.memref_slice %arg6[%dma_wait3A_84, %dma_wait3A_86, %dma_wait3A_87] : memref<4x80x128xf32, #tpu.memory_space<vmem>> -> memref<1x80x128xf32, #tpu.memory_space<vmem>>
    %dma_wait3A_89 = tpu.memref_squeeze %dma_wait3A_88 : memref<1x80x128xf32, #tpu.memory_space<vmem>> -> memref<80x128xf32, #tpu.memory_space<vmem>>
    %dma_wait3A_90 = arith.constant 0 : i32
    %dma_wait3A_91 = tpu.memref_slice %arg4[%mul3A_2, %dma_wait3A_90] : memref<51200x128xf32, #tpu.memory_space<hbm>> -> memref<80x128xf32, #tpu.memory_space<hbm>>
    %dma_wait3A_92 = tpu.memref_slice %arg8[%dma_wait3A_85] : memref<4x!tpu.dma_semaphore, #tpu.memory_space<semaphore_mem>> -> memref<1x!tpu.dma_semaphore, #tpu.memory_space<semaphore_mem>>
    %dma_wait3A_93 = tpu.memref_squeeze %dma_wait3A_92 : memref<1x!tpu.dma_semaphore, #tpu.memory_space<semaphore_mem>> -> memref<!tpu.dma_semaphore, #tpu.memory_space<semaphore_mem>>
    %dma_wait3A_94 = arith.constant 0 : i32
    %dma_wait3A_95 = tpu.memref_slice %arg4[%mul3A_2, %dma_wait3A_94] : memref<51200x128xf32, #tpu.memory_space<hbm>> -> memref<80x128xf32, #tpu.memory_space<hbm>>
    %dma_wait3A_96 = arith.constant 0 : i32
    %dma_wait3A_97 = arith.constant 0 : i32
    %dma_wait3A_98 = tpu.memref_slice %arg6[%dma_wait3A_84, %dma_wait3A_96, %dma_wait3A_97] : memref<4x80x128xf32, #tpu.memory_space<vmem>> -> memref<1x80x128xf32, #tpu.memory_space<vmem>>
    %dma_wait3A_99 = tpu.memref_squeeze %dma_wait3A_98 : memref<1x80x128xf32, #tpu.memory_space<vmem>> -> memref<80x128xf32, #tpu.memory_space<vmem>>
    tpu.wait_dma2 semaphore(%dma_wait3A_93 : memref<!tpu.dma_semaphore, #tpu.memory_space<semaphore_mem>>) src(%dma_wait3A_99 : memref<80x128xf32, #tpu.memory_space<vmem>>) dst(%dma_wait3A_95 : memref<80x128xf32, #tpu.memory_space<hbm>>)
    return
  }
}

#map = affine_map<(d0, d1) -> (0, 0)>
#map1 = affine_map<(d0, d1) -> (0, 0, 0)>
module attributes {stable_mosaic.version = 14 : i64} {
  func.func @k(%arg0: i32, %arg1: i32, %arg2: memref<100000x128xf32, #tpu.memory_space<hbm>>, %arg3: memref<32x20x80xi32, #tpu.memory_space<hbm>>, %arg4: memref<51200x128xf32, #tpu.memory_space<hbm>>, %arg5: memref<20x80xi32, #tpu.memory_space<vmem>>, %arg6: memref<4x80x128xf32, #tpu.memory_space<vmem>>, %arg7: memref<4x!tpu.dma_semaphore, #tpu.memory_space<semaphore_mem>>, %arg8: memref<4x!tpu.dma_semaphore, #tpu.memory_space<semaphore_mem>>) attributes {dimension_semantics = [#tpu.dimension_semantics<core_parallel>, #tpu.dimension_semantics<subcore_parallel>], iteration_bounds = array<i64: 2, 16>, scalar_prefetch = 0 : i64, scratch_operands = 4 : i64, tpu.core_type = #tpu.core_type<sc_vector_subcore>, window_params = [{transform_indices = #map}, {transform_indices = #map1}, {transform_indices = #map}]} {
    %mul3A = arith.constant 2 : i32
    %mul3A_0 = arith.muli %arg1, %mul3A : i32
    %add3A = arith.addi %mul3A_0, %arg0 : i32
    %mul3A_1 = arith.constant 1600 : i32
    %mul3A_2 = arith.muli %add3A, %mul3A_1 : i32
    "tpu.region"() ({
      %run_scoped3A = tpu.sem_alloc : memref<!tpu.dma_semaphore, #tpu.memory_space<semaphore_mem>>
      %dma_start3A_100 = arith.constant 0 : i32
      %dma_start3A_101 = arith.constant 0 : i32
      %dma_start3A_102 = tpu.memref_slice %arg3[%add3A, %dma_start3A_100, %dma_start3A_101] : memref<32x20x80xi32, #tpu.memory_space<hbm>> -> memref<1x20x80xi32, #tpu.memory_space<hbm>>
      %dma_start3A_103 = tpu.memref_squeeze %dma_start3A_102 : memref<1x20x80xi32, #tpu.memory_space<hbm>> -> memref<20x80xi32, #tpu.memory_space<hbm>>
      %dma_start3A_104 = arith.constant 0 : i32
      %dma_start3A_105 = arith.constant 0 : i32
      %dma_start3A_106 = tpu.memref_slice %arg3[%add3A, %dma_start3A_104, %dma_start3A_105] : memref<32x20x80xi32, #tpu.memory_space<hbm>> -> memref<1x20x80xi32, #tpu.memory_space<hbm>>
      %dma_start3A_107 = tpu.memref_squeeze %dma_start3A_106 : memref<1x20x80xi32, #tpu.memory_space<hbm>> -> memref<20x80xi32, #tpu.memory_space<hbm>>
      tpu.enqueue_dma source(%dma_start3A_107 : memref<20x80xi32, #tpu.memory_space<hbm>>) target(%arg5 : memref<20x80xi32, #tpu.memory_space<vmem>>) target_semaphore(%run_scoped3A : memref<!tpu.dma_semaphore, #tpu.memory_space<semaphore_mem>>)
      %dma_wait3A_108 = arith.constant 0 : i32
      %dma_wait3A_109 = arith.constant 0 : i32
      %dma_wait3A_110 = tpu.memref_slice %arg3[%add3A, %dma_wait3A_108, %dma_wait3A_109] : memref<32x20x80xi32, #tpu.memory_space<hbm>> -> memref<1x20x80xi32, #tpu.memory_space<hbm>>
      %dma_wait3A_111 = tpu.memref_squeeze %dma_wait3A_110 : memref<1x20x80xi32, #tpu.memory_space<hbm>> -> memref<20x80xi32, #tpu.memory_space<hbm>>
      %dma_wait3A_112 = arith.constant 0 : i32
      %dma_wait3A_113 = arith.constant 0 : i32
      %dma_wait3A_114 = tpu.memref_slice %arg3[%add3A, %dma_wait3A_112, %dma_wait3A_113] : memref<32x20x80xi32, #tpu.memory_space<hbm>> -> memref<1x20x80xi32, #tpu.memory_space<hbm>>
      %dma_wait3A_115 = tpu.memref_squeeze %dma_wait3A_114 : memref<1x20x80xi32, #tpu.memory_space<hbm>> -> memref<20x80xi32, #tpu.memory_space<hbm>>
      tpu.wait_dma2 semaphore(%run_scoped3A : memref<!tpu.dma_semaphore, #tpu.memory_space<semaphore_mem>>) src(%dma_wait3A_115 : memref<20x80xi32, #tpu.memory_space<hbm>>) dst(%arg5 : memref<20x80xi32, #tpu.memory_space<vmem>>)
      tpu.yield
    }) : () -> ()
    %dma_start3A = arith.constant 0 : i32
    %dma_start3A_3 = arith.constant 0 : i32
    %dma_start3A_4 = arith.constant 0 : i32
    %dma_start3A_5 = arith.constant 0 : i32
    %dma_start3A_6 = arith.constant 0 : i32
    %dma_start3A_7 = tpu.memref_slice %arg6[%dma_start3A_3, %dma_start3A_5, %dma_start3A_6] : memref<4x80x128xf32, #tpu.memory_space<vmem>> -> memref<1x80x128xf32, #tpu.memory_space<vmem>>
    %dma_start3A_8 = tpu.memref_squeeze %dma_start3A_7 : memref<1x80x128xf32, #tpu.memory_space<vmem>> -> memref<80x128xf32, #tpu.memory_space<vmem>>
    %dma_start3A_9 = arith.constant 0 : i32
    %dma_start3A_10 = tpu.memref_slice %arg5[%dma_start3A, %dma_start3A_9] : memref<20x80xi32, #tpu.memory_space<vmem>> -> memref<1x80xi32, #tpu.memory_space<vmem>>
    %dma_start3A_11 = tpu.memref_squeeze %dma_start3A_10 : memref<1x80xi32, #tpu.memory_space<vmem>> -> memref<80xi32, #tpu.memory_space<vmem>>
    %dma_start3A_12 = arith.constant 0 : i32
    %dma_start3A_13 = arith.constant 0 : i32
    %dma_start3A_14 = tpu.memref_slice %arg2[%dma_start3A_12, %dma_start3A_13] : memref<100000x128xf32, #tpu.memory_space<hbm>> -> memref<100000x128xf32, #tpu.memory_space<hbm>>
    %dma_start3A_15 = tpu.memref_slice %arg7[%dma_start3A_4] : memref<4x!tpu.dma_semaphore, #tpu.memory_space<semaphore_mem>> -> memref<1x!tpu.dma_semaphore, #tpu.memory_space<semaphore_mem>>
    %dma_start3A_16 = tpu.memref_squeeze %dma_start3A_15 : memref<1x!tpu.dma_semaphore, #tpu.memory_space<semaphore_mem>> -> memref<!tpu.dma_semaphore, #tpu.memory_space<semaphore_mem>>
    tpu.enqueue_indirect_dma source(%dma_start3A_14 : memref<100000x128xf32, #tpu.memory_space<hbm>>) target(%dma_start3A_8 : memref<80x128xf32, #tpu.memory_space<vmem>>) offsets(%dma_start3A_11 : memref<80xi32, #tpu.memory_space<vmem>>) semaphore(%dma_start3A_16 : memref<!tpu.dma_semaphore, #tpu.memory_space<semaphore_mem>>)
    %dma_start3A_17 = arith.constant 1 : i32
    %dma_start3A_18 = arith.constant 1 : i32
    %dma_start3A_19 = arith.constant 1 : i32
    %dma_start3A_20 = arith.constant 0 : i32
    %dma_start3A_21 = arith.constant 0 : i32
    %dma_start3A_22 = tpu.memref_slice %arg6[%dma_start3A_18, %dma_start3A_20, %dma_start3A_21] : memref<4x80x128xf32, #tpu.memory_space<vmem>> -> memref<1x80x128xf32, #tpu.memory_space<vmem>>
    %dma_start3A_23 = tpu.memref_squeeze %dma_start3A_22 : memref<1x80x128xf32, #tpu.memory_space<vmem>> -> memref<80x128xf32, #tpu.memory_space<vmem>>
    %dma_start3A_24 = arith.constant 0 : i32
    %dma_start3A_25 = tpu.memref_slice %arg5[%dma_start3A_17, %dma_start3A_24] : memref<20x80xi32, #tpu.memory_space<vmem>> -> memref<1x80xi32, #tpu.memory_space<vmem>>
    %dma_start3A_26 = tpu.memref_squeeze %dma_start3A_25 : memref<1x80xi32, #tpu.memory_space<vmem>> -> memref<80xi32, #tpu.memory_space<vmem>>
    %dma_start3A_27 = arith.constant 0 : i32
    %dma_start3A_28 = arith.constant 0 : i32
    %dma_start3A_29 = tpu.memref_slice %arg2[%dma_start3A_27, %dma_start3A_28] : memref<100000x128xf32, #tpu.memory_space<hbm>> -> memref<100000x128xf32, #tpu.memory_space<hbm>>
    %dma_start3A_30 = tpu.memref_slice %arg7[%dma_start3A_19] : memref<4x!tpu.dma_semaphore, #tpu.memory_space<semaphore_mem>> -> memref<1x!tpu.dma_semaphore, #tpu.memory_space<semaphore_mem>>
    %dma_start3A_31 = tpu.memref_squeeze %dma_start3A_30 : memref<1x!tpu.dma_semaphore, #tpu.memory_space<semaphore_mem>> -> memref<!tpu.dma_semaphore, #tpu.memory_space<semaphore_mem>>
    tpu.enqueue_indirect_dma source(%dma_start3A_29 : memref<100000x128xf32, #tpu.memory_space<hbm>>) target(%dma_start3A_23 : memref<80x128xf32, #tpu.memory_space<vmem>>) offsets(%dma_start3A_26 : memref<80xi32, #tpu.memory_space<vmem>>) semaphore(%dma_start3A_31 : memref<!tpu.dma_semaphore, #tpu.memory_space<semaphore_mem>>)
    %scan3A = arith.constant 0 : i32
    %scan3A_32 = arith.constant 0 : i32
    %scan3A_33 = arith.constant 5 : i32
    %scan3A_34 = arith.addi %scan3A_32, %scan3A_33 : i32
    %scan3A_35 = arith.constant 1 : i32
    scf.for %scan3A_100 = %scan3A_32 to %scan3A_34 step %scan3A_35  : i32 {
      %mul3A_101 = arith.constant 4 : i32
      %mul3A_102 = arith.muli %scan3A_100, %mul3A_101 : i32
      %add3A_103 = arith.constant 0 : i32
      %add3A_104 = arith.addi %mul3A_102, %add3A_103 : i32
      %dma_wait3A_105 = arith.constant 0 : i32
      %dma_wait3A_106 = arith.constant 0 : i32
      %dma_wait3A_107 = arith.constant 0 : i32
      %dma_wait3A_108 = arith.constant 0 : i32
      %dma_wait3A_109 = tpu.memref_slice %arg6[%dma_wait3A_105, %dma_wait3A_107, %dma_wait3A_108] : memref<4x80x128xf32, #tpu.memory_space<vmem>> -> memref<1x80x128xf32, #tpu.memory_space<vmem>>
      %dma_wait3A_110 = tpu.memref_squeeze %dma_wait3A_109 : memref<1x80x128xf32, #tpu.memory_space<vmem>> -> memref<80x128xf32, #tpu.memory_space<vmem>>
      %dma_wait3A_111 = arith.constant 0 : i32
      %dma_wait3A_112 = tpu.memref_slice %arg5[%add3A_104, %dma_wait3A_111] : memref<20x80xi32, #tpu.memory_space<vmem>> -> memref<1x80xi32, #tpu.memory_space<vmem>>
      %dma_wait3A_113 = tpu.memref_squeeze %dma_wait3A_112 : memref<1x80xi32, #tpu.memory_space<vmem>> -> memref<80xi32, #tpu.memory_space<vmem>>
      %dma_wait3A_114 = arith.constant 0 : i32
      %dma_wait3A_115 = arith.constant 0 : i32
      %dma_wait3A_116 = tpu.memref_slice %arg2[%dma_wait3A_114, %dma_wait3A_115] : memref<100000x128xf32, #tpu.memory_space<hbm>> -> memref<100000x128xf32, #tpu.memory_space<hbm>>
      %dma_wait3A_117 = tpu.memref_slice %arg7[%dma_wait3A_106] : memref<4x!tpu.dma_semaphore, #tpu.memory_space<semaphore_mem>> -> memref<1x!tpu.dma_semaphore, #tpu.memory_space<semaphore_mem>>
      %dma_wait3A_118 = tpu.memref_squeeze %dma_wait3A_117 : memref<1x!tpu.dma_semaphore, #tpu.memory_space<semaphore_mem>> -> memref<!tpu.dma_semaphore, #tpu.memory_space<semaphore_mem>>
      tpu.wait_indirect_dma semaphore(%dma_wait3A_118 : memref<!tpu.dma_semaphore, #tpu.memory_space<semaphore_mem>>) src(%dma_wait3A_116 : memref<100000x128xf32, #tpu.memory_space<hbm>>) dst(%dma_wait3A_110 : memref<80x128xf32, #tpu.memory_space<vmem>>)
      %mul3A_119 = arith.constant 80 : i32
      %mul3A_120 = arith.muli %add3A_104, %mul3A_119 : i32
      %add3A_121 = arith.addi %mul3A_2, %mul3A_120 : i32
      %dma_start3A_122 = arith.constant 0 : i32
      %dma_start3A_123 = arith.constant 0 : i32
      %dma_start3A_124 = arith.constant 0 : i32
      %dma_start3A_125 = arith.constant 0 : i32
      %dma_start3A_126 = tpu.memref_slice %arg6[%dma_start3A_122, %dma_start3A_124, %dma_start3A_125] : memref<4x80x128xf32, #tpu.memory_space<vmem>> -> memref<1x80x128xf32, #tpu.memory_space<vmem>>
      %dma_start3A_127 = tpu.memref_squeeze %dma_start3A_126 : memref<1x80x128xf32, #tpu.memory_space<vmem>> -> memref<80x128xf32, #tpu.memory_space<vmem>>
      %dma_start3A_128 = arith.constant 0 : i32
      %dma_start3A_129 = tpu.memref_slice %arg4[%add3A_121, %dma_start3A_128] : memref<51200x128xf32, #tpu.memory_space<hbm>> -> memref<80x128xf32, #tpu.memory_space<hbm>>
      %dma_start3A_130 = tpu.memref_slice %arg8[%dma_start3A_123] : memref<4x!tpu.dma_semaphore, #tpu.memory_space<semaphore_mem>> -> memref<1x!tpu.dma_semaphore, #tpu.memory_space<semaphore_mem>>
      %dma_start3A_131 = tpu.memref_squeeze %dma_start3A_130 : memref<1x!tpu.dma_semaphore, #tpu.memory_space<semaphore_mem>> -> memref<!tpu.dma_semaphore, #tpu.memory_space<semaphore_mem>>
      %dma_start3A_132 = arith.constant 0 : i32
      %dma_start3A_133 = tpu.memref_slice %arg4[%add3A_121, %dma_start3A_132] : memref<51200x128xf32, #tpu.memory_space<hbm>> -> memref<80x128xf32, #tpu.memory_space<hbm>>
      %dma_start3A_134 = arith.constant 0 : i32
      %dma_start3A_135 = arith.constant 0 : i32
      %dma_start3A_136 = tpu.memref_slice %arg6[%dma_start3A_122, %dma_start3A_134, %dma_start3A_135] : memref<4x80x128xf32, #tpu.memory_space<vmem>> -> memref<1x80x128xf32, #tpu.memory_space<vmem>>
      %dma_start3A_137 = tpu.memref_squeeze %dma_start3A_136 : memref<1x80x128xf32, #tpu.memory_space<vmem>> -> memref<80x128xf32, #tpu.memory_space<vmem>>
      tpu.enqueue_dma source(%dma_start3A_137 : memref<80x128xf32, #tpu.memory_space<vmem>>) target(%dma_start3A_133 : memref<80x128xf32, #tpu.memory_space<hbm>>) target_semaphore(%dma_start3A_131 : memref<!tpu.dma_semaphore, #tpu.memory_space<semaphore_mem>>)
      %add3A_138 = arith.constant 2 : i32
      %add3A_139 = arith.addi %add3A_104, %add3A_138 : i32
      %lt3A = arith.constant 20 : i32
      %lt3A_140 = arith.cmpi slt, %add3A_139, %lt3A : i32
      %ge3A = arith.constant 2 : i32
      %ge3A_141 = arith.cmpi sge, %add3A_104, %ge3A : i32
      %and3A = arith.andi %lt3A_140, %ge3A_141 : i1
      %convert_element_type3A = arith.extui %and3A : i1 to i32
      %cond3A = arith.constant 0 : i32
      %cond3A_142 = arith.cmpi ne, %convert_element_type3A, %cond3A : i32
      scf.if %cond3A_142 {
        %sub3A = arith.constant 4 : i32
        %sub3A_304 = arith.subi %add3A_139, %sub3A : i32
        %mul3A_305 = arith.constant 80 : i32
        %mul3A_306 = arith.muli %sub3A_304, %mul3A_305 : i32
        %add3A_307 = arith.addi %mul3A_2, %mul3A_306 : i32
        %dma_wait3A_308 = arith.constant 2 : i32
        %dma_wait3A_309 = arith.constant 2 : i32
        %dma_wait3A_310 = arith.constant 0 : i32
        %dma_wait3A_311 = arith.constant 0 : i32
        %dma_wait3A_312 = tpu.memref_slice %arg6[%dma_wait3A_308, %dma_wait3A_310, %dma_wait3A_311] : memref<4x80x128xf32, #tpu.memory_space<vmem>> -> memref<1x80x128xf32, #tpu.memory_space<vmem>>
        %dma_wait3A_313 = tpu.memref_squeeze %dma_wait3A_312 : memref<1x80x128xf32, #tpu.memory_space<vmem>> -> memref<80x128xf32, #tpu.memory_space<vmem>>
        %dma_wait3A_314 = arith.constant 0 : i32
        %dma_wait3A_315 = tpu.memref_slice %arg4[%add3A_307, %dma_wait3A_314] : memref<51200x128xf32, #tpu.memory_space<hbm>> -> memref<80x128xf32, #tpu.memory_space<hbm>>
        %dma_wait3A_316 = tpu.memref_slice %arg8[%dma_wait3A_309] : memref<4x!tpu.dma_semaphore, #tpu.memory_space<semaphore_mem>> -> memref<1x!tpu.dma_semaphore, #tpu.memory_space<semaphore_mem>>
        %dma_wait3A_317 = tpu.memref_squeeze %dma_wait3A_316 : memref<1x!tpu.dma_semaphore, #tpu.memory_space<semaphore_mem>> -> memref<!tpu.dma_semaphore, #tpu.memory_space<semaphore_mem>>
        %dma_wait3A_318 = arith.constant 0 : i32
        %dma_wait3A_319 = tpu.memref_slice %arg4[%add3A_307, %dma_wait3A_318] : memref<51200x128xf32, #tpu.memory_space<hbm>> -> memref<80x128xf32, #tpu.memory_space<hbm>>
        %dma_wait3A_320 = arith.constant 0 : i32
        %dma_wait3A_321 = arith.constant 0 : i32
        %dma_wait3A_322 = tpu.memref_slice %arg6[%dma_wait3A_308, %dma_wait3A_320, %dma_wait3A_321] : memref<4x80x128xf32, #tpu.memory_space<vmem>> -> memref<1x80x128xf32, #tpu.memory_space<vmem>>
        %dma_wait3A_323 = tpu.memref_squeeze %dma_wait3A_322 : memref<1x80x128xf32, #tpu.memory_space<vmem>> -> memref<80x128xf32, #tpu.memory_space<vmem>>
        tpu.wait_dma2 semaphore(%dma_wait3A_317 : memref<!tpu.dma_semaphore, #tpu.memory_space<semaphore_mem>>) src(%dma_wait3A_323 : memref<80x128xf32, #tpu.memory_space<vmem>>) dst(%dma_wait3A_319 : memref<80x128xf32, #tpu.memory_space<hbm>>)
      } else {
      }
      %lt3A_143 = arith.constant 20 : i32
      %lt3A_144 = arith.cmpi slt, %add3A_139, %lt3A_143 : i32
      %convert_element_type3A_145 = arith.extui %lt3A_144 : i1 to i32
      %cond3A_146 = arith.constant 0 : i32
      %cond3A_147 = arith.cmpi ne, %convert_element_type3A_145, %cond3A_146 : i32
      scf.if %cond3A_147 {
        %dma_start3A_304 = arith.constant 2 : i32
        %dma_start3A_305 = arith.constant 2 : i32
        %dma_start3A_306 = arith.constant 0 : i32
        %dma_start3A_307 = arith.constant 0 : i32
        %dma_start3A_308 = tpu.memref_slice %arg6[%dma_start3A_304, %dma_start3A_306, %dma_start3A_307] : memref<4x80x128xf32, #tpu.memory_space<vmem>> -> memref<1x80x128xf32, #tpu.memory_space<vmem>>
        %dma_start3A_309 = tpu.memref_squeeze %dma_start3A_308 : memref<1x80x128xf32, #tpu.memory_space<vmem>> -> memref<80x128xf32, #tpu.memory_space<vmem>>
        %dma_start3A_310 = arith.constant 0 : i32
        %dma_start3A_311 = tpu.memref_slice %arg5[%add3A_139, %dma_start3A_310] : memref<20x80xi32, #tpu.memory_space<vmem>> -> memref<1x80xi32, #tpu.memory_space<vmem>>
        %dma_start3A_312 = tpu.memref_squeeze %dma_start3A_311 : memref<1x80xi32, #tpu.memory_space<vmem>> -> memref<80xi32, #tpu.memory_space<vmem>>
        %dma_start3A_313 = arith.constant 0 : i32
        %dma_start3A_314 = arith.constant 0 : i32
        %dma_start3A_315 = tpu.memref_slice %arg2[%dma_start3A_313, %dma_start3A_314] : memref<100000x128xf32, #tpu.memory_space<hbm>> -> memref<100000x128xf32, #tpu.memory_space<hbm>>
        %dma_start3A_316 = tpu.memref_slice %arg7[%dma_start3A_305] : memref<4x!tpu.dma_semaphore, #tpu.memory_space<semaphore_mem>> -> memref<1x!tpu.dma_semaphore, #tpu.memory_space<semaphore_mem>>
        %dma_start3A_317 = tpu.memref_squeeze %dma_start3A_316 : memref<1x!tpu.dma_semaphore, #tpu.memory_space<semaphore_mem>> -> memref<!tpu.dma_semaphore, #tpu.memory_space<semaphore_mem>>
        tpu.enqueue_indirect_dma source(%dma_start3A_315 : memref<100000x128xf32, #tpu.memory_space<hbm>>) target(%dma_start3A_309 : memref<80x128xf32, #tpu.memory_space<vmem>>) offsets(%dma_start3A_312 : memref<80xi32, #tpu.memory_space<vmem>>) semaphore(%dma_start3A_317 : memref<!tpu.dma_semaphore, #tpu.memory_space<semaphore_mem>>)
      } else {
      }
      %mul3A_148 = arith.constant 4 : i32
      %mul3A_149 = arith.muli %scan3A_100, %mul3A_148 : i32
      %add3A_150 = arith.constant 1 : i32
      %add3A_151 = arith.addi %mul3A_149, %add3A_150 : i32
      %dma_wait3A_152 = arith.constant 1 : i32
      %dma_wait3A_153 = arith.constant 1 : i32
      %dma_wait3A_154 = arith.constant 0 : i32
      %dma_wait3A_155 = arith.constant 0 : i32
      %dma_wait3A_156 = tpu.memref_slice %arg6[%dma_wait3A_152, %dma_wait3A_154, %dma_wait3A_155] : memref<4x80x128xf32, #tpu.memory_space<vmem>> -> memref<1x80x128xf32, #tpu.memory_space<vmem>>
      %dma_wait3A_157 = tpu.memref_squeeze %dma_wait3A_156 : memref<1x80x128xf32, #tpu.memory_space<vmem>> -> memref<80x128xf32, #tpu.memory_space<vmem>>
      %dma_wait3A_158 = arith.constant 0 : i32
      %dma_wait3A_159 = tpu.memref_slice %arg5[%add3A_151, %dma_wait3A_158] : memref<20x80xi32, #tpu.memory_space<vmem>> -> memref<1x80xi32, #tpu.memory_space<vmem>>
      %dma_wait3A_160 = tpu.memref_squeeze %dma_wait3A_159 : memref<1x80xi32, #tpu.memory_space<vmem>> -> memref<80xi32, #tpu.memory_space<vmem>>
      %dma_wait3A_161 = arith.constant 0 : i32
      %dma_wait3A_162 = arith.constant 0 : i32
      %dma_wait3A_163 = tpu.memref_slice %arg2[%dma_wait3A_161, %dma_wait3A_162] : memref<100000x128xf32, #tpu.memory_space<hbm>> -> memref<100000x128xf32, #tpu.memory_space<hbm>>
      %dma_wait3A_164 = tpu.memref_slice %arg7[%dma_wait3A_153] : memref<4x!tpu.dma_semaphore, #tpu.memory_space<semaphore_mem>> -> memref<1x!tpu.dma_semaphore, #tpu.memory_space<semaphore_mem>>
      %dma_wait3A_165 = tpu.memref_squeeze %dma_wait3A_164 : memref<1x!tpu.dma_semaphore, #tpu.memory_space<semaphore_mem>> -> memref<!tpu.dma_semaphore, #tpu.memory_space<semaphore_mem>>
      tpu.wait_indirect_dma semaphore(%dma_wait3A_165 : memref<!tpu.dma_semaphore, #tpu.memory_space<semaphore_mem>>) src(%dma_wait3A_163 : memref<100000x128xf32, #tpu.memory_space<hbm>>) dst(%dma_wait3A_157 : memref<80x128xf32, #tpu.memory_space<vmem>>)
      %mul3A_166 = arith.constant 80 : i32
      %mul3A_167 = arith.muli %add3A_151, %mul3A_166 : i32
      %add3A_168 = arith.addi %mul3A_2, %mul3A_167 : i32
      %dma_start3A_169 = arith.constant 1 : i32
      %dma_start3A_170 = arith.constant 1 : i32
      %dma_start3A_171 = arith.constant 0 : i32
      %dma_start3A_172 = arith.constant 0 : i32
      %dma_start3A_173 = tpu.memref_slice %arg6[%dma_start3A_169, %dma_start3A_171, %dma_start3A_172] : memref<4x80x128xf32, #tpu.memory_space<vmem>> -> memref<1x80x128xf32, #tpu.memory_space<vmem>>
      %dma_start3A_174 = tpu.memref_squeeze %dma_start3A_173 : memref<1x80x128xf32, #tpu.memory_space<vmem>> -> memref<80x128xf32, #tpu.memory_space<vmem>>
      %dma_start3A_175 = arith.constant 0 : i32
      %dma_start3A_176 = tpu.memref_slice %arg4[%add3A_168, %dma_start3A_175] : memref<51200x128xf32, #tpu.memory_space<hbm>> -> memref<80x128xf32, #tpu.memory_space<hbm>>
      %dma_start3A_177 = tpu.memref_slice %arg8[%dma_start3A_170] : memref<4x!tpu.dma_semaphore, #tpu.memory_space<semaphore_mem>> -> memref<1x!tpu.dma_semaphore, #tpu.memory_space<semaphore_mem>>
      %dma_start3A_178 = tpu.memref_squeeze %dma_start3A_177 : memref<1x!tpu.dma_semaphore, #tpu.memory_space<semaphore_mem>> -> memref<!tpu.dma_semaphore, #tpu.memory_space<semaphore_mem>>
      %dma_start3A_179 = arith.constant 0 : i32
      %dma_start3A_180 = tpu.memref_slice %arg4[%add3A_168, %dma_start3A_179] : memref<51200x128xf32, #tpu.memory_space<hbm>> -> memref<80x128xf32, #tpu.memory_space<hbm>>
      %dma_start3A_181 = arith.constant 0 : i32
      %dma_start3A_182 = arith.constant 0 : i32
      %dma_start3A_183 = tpu.memref_slice %arg6[%dma_start3A_169, %dma_start3A_181, %dma_start3A_182] : memref<4x80x128xf32, #tpu.memory_space<vmem>> -> memref<1x80x128xf32, #tpu.memory_space<vmem>>
      %dma_start3A_184 = tpu.memref_squeeze %dma_start3A_183 : memref<1x80x128xf32, #tpu.memory_space<vmem>> -> memref<80x128xf32, #tpu.memory_space<vmem>>
      tpu.enqueue_dma source(%dma_start3A_184 : memref<80x128xf32, #tpu.memory_space<vmem>>) target(%dma_start3A_180 : memref<80x128xf32, #tpu.memory_space<hbm>>) target_semaphore(%dma_start3A_178 : memref<!tpu.dma_semaphore, #tpu.memory_space<semaphore_mem>>)
      %add3A_185 = arith.constant 2 : i32
      %add3A_186 = arith.addi %add3A_151, %add3A_185 : i32
      %lt3A_187 = arith.constant 20 : i32
      %lt3A_188 = arith.cmpi slt, %add3A_186, %lt3A_187 : i32
      %ge3A_189 = arith.constant 2 : i32
      %ge3A_190 = arith.cmpi sge, %add3A_151, %ge3A_189 : i32
      %and3A_191 = arith.andi %lt3A_188, %ge3A_190 : i1
      %convert_element_type3A_192 = arith.extui %and3A_191 : i1 to i32
      %cond3A_193 = arith.constant 0 : i32
      %cond3A_194 = arith.cmpi ne, %convert_element_type3A_192, %cond3A_193 : i32
      scf.if %cond3A_194 {
        %sub3A = arith.constant 4 : i32
        %sub3A_304 = arith.subi %add3A_186, %sub3A : i32
        %mul3A_305 = arith.constant 80 : i32
        %mul3A_306 = arith.muli %sub3A_304, %mul3A_305 : i32
        %add3A_307 = arith.addi %mul3A_2, %mul3A_306 : i32
        %dma_wait3A_308 = arith.constant 3 : i32
        %dma_wait3A_309 = arith.constant 3 : i32
        %dma_wait3A_310 = arith.constant 0 : i32
        %dma_wait3A_311 = arith.constant 0 : i32
        %dma_wait3A_312 = tpu.memref_slice %arg6[%dma_wait3A_308, %dma_wait3A_310, %dma_wait3A_311] : memref<4x80x128xf32, #tpu.memory_space<vmem>> -> memref<1x80x128xf32, #tpu.memory_space<vmem>>
        %dma_wait3A_313 = tpu.memref_squeeze %dma_wait3A_312 : memref<1x80x128xf32, #tpu.memory_space<vmem>> -> memref<80x128xf32, #tpu.memory_space<vmem>>
        %dma_wait3A_314 = arith.constant 0 : i32
        %dma_wait3A_315 = tpu.memref_slice %arg4[%add3A_307, %dma_wait3A_314] : memref<51200x128xf32, #tpu.memory_space<hbm>> -> memref<80x128xf32, #tpu.memory_space<hbm>>
        %dma_wait3A_316 = tpu.memref_slice %arg8[%dma_wait3A_309] : memref<4x!tpu.dma_semaphore, #tpu.memory_space<semaphore_mem>> -> memref<1x!tpu.dma_semaphore, #tpu.memory_space<semaphore_mem>>
        %dma_wait3A_317 = tpu.memref_squeeze %dma_wait3A_316 : memref<1x!tpu.dma_semaphore, #tpu.memory_space<semaphore_mem>> -> memref<!tpu.dma_semaphore, #tpu.memory_space<semaphore_mem>>
        %dma_wait3A_318 = arith.constant 0 : i32
        %dma_wait3A_319 = tpu.memref_slice %arg4[%add3A_307, %dma_wait3A_318] : memref<51200x128xf32, #tpu.memory_space<hbm>> -> memref<80x128xf32, #tpu.memory_space<hbm>>
        %dma_wait3A_320 = arith.constant 0 : i32
        %dma_wait3A_321 = arith.constant 0 : i32
        %dma_wait3A_322 = tpu.memref_slice %arg6[%dma_wait3A_308, %dma_wait3A_320, %dma_wait3A_321] : memref<4x80x128xf32, #tpu.memory_space<vmem>> -> memref<1x80x128xf32, #tpu.memory_space<vmem>>
        %dma_wait3A_323 = tpu.memref_squeeze %dma_wait3A_322 : memref<1x80x128xf32, #tpu.memory_space<vmem>> -> memref<80x128xf32, #tpu.memory_space<vmem>>
        tpu.wait_dma2 semaphore(%dma_wait3A_317 : memref<!tpu.dma_semaphore, #tpu.memory_space<semaphore_mem>>) src(%dma_wait3A_323 : memref<80x128xf32, #tpu.memory_space<vmem>>) dst(%dma_wait3A_319 : memref<80x128xf32, #tpu.memory_space<hbm>>)
      } else {
      }
      %lt3A_195 = arith.constant 20 : i32
      %lt3A_196 = arith.cmpi slt, %add3A_186, %lt3A_195 : i32
      %convert_element_type3A_197 = arith.extui %lt3A_196 : i1 to i32
      %cond3A_198 = arith.constant 0 : i32
      %cond3A_199 = arith.cmpi ne, %convert_element_type3A_197, %cond3A_198 : i32
      scf.if %cond3A_199 {
        %dma_start3A_304 = arith.constant 3 : i32
        %dma_start3A_305 = arith.constant 3 : i32
        %dma_start3A_306 = arith.constant 0 : i32
        %dma_start3A_307 = arith.constant 0 : i32
        %dma_start3A_308 = tpu.memref_slice %arg6[%dma_start3A_304, %dma_start3A_306, %dma_start3A_307] : memref<4x80x128xf32, #tpu.memory_space<vmem>> -> memref<1x80x128xf32, #tpu.memory_space<vmem>>
        %dma_start3A_309 = tpu.memref_squeeze %dma_start3A_308 : memref<1x80x128xf32, #tpu.memory_space<vmem>> -> memref<80x128xf32, #tpu.memory_space<vmem>>
        %dma_start3A_310 = arith.constant 0 : i32
        %dma_start3A_311 = tpu.memref_slice %arg5[%add3A_186, %dma_start3A_310] : memref<20x80xi32, #tpu.memory_space<vmem>> -> memref<1x80xi32, #tpu.memory_space<vmem>>
        %dma_start3A_312 = tpu.memref_squeeze %dma_start3A_311 : memref<1x80xi32, #tpu.memory_space<vmem>> -> memref<80xi32, #tpu.memory_space<vmem>>
        %dma_start3A_313 = arith.constant 0 : i32
        %dma_start3A_314 = arith.constant 0 : i32
        %dma_start3A_315 = tpu.memref_slice %arg2[%dma_start3A_313, %dma_start3A_314] : memref<100000x128xf32, #tpu.memory_space<hbm>> -> memref<100000x128xf32, #tpu.memory_space<hbm>>
        %dma_start3A_316 = tpu.memref_slice %arg7[%dma_start3A_305] : memref<4x!tpu.dma_semaphore, #tpu.memory_space<semaphore_mem>> -> memref<1x!tpu.dma_semaphore, #tpu.memory_space<semaphore_mem>>
        %dma_start3A_317 = tpu.memref_squeeze %dma_start3A_316 : memref<1x!tpu.dma_semaphore, #tpu.memory_space<semaphore_mem>> -> memref<!tpu.dma_semaphore, #tpu.memory_space<semaphore_mem>>
        tpu.enqueue_indirect_dma source(%dma_start3A_315 : memref<100000x128xf32, #tpu.memory_space<hbm>>) target(%dma_start3A_309 : memref<80x128xf32, #tpu.memory_space<vmem>>) offsets(%dma_start3A_312 : memref<80xi32, #tpu.memory_space<vmem>>) semaphore(%dma_start3A_317 : memref<!tpu.dma_semaphore, #tpu.memory_space<semaphore_mem>>)
      } else {
      }
      %mul3A_200 = arith.constant 4 : i32
      %mul3A_201 = arith.muli %scan3A_100, %mul3A_200 : i32
      %add3A_202 = arith.constant 2 : i32
      %add3A_203 = arith.addi %mul3A_201, %add3A_202 : i32
      %dma_wait3A_204 = arith.constant 2 : i32
      %dma_wait3A_205 = arith.constant 2 : i32
      %dma_wait3A_206 = arith.constant 0 : i32
      %dma_wait3A_207 = arith.constant 0 : i32
      %dma_wait3A_208 = tpu.memref_slice %arg6[%dma_wait3A_204, %dma_wait3A_206, %dma_wait3A_207] : memref<4x80x128xf32, #tpu.memory_space<vmem>> -> memref<1x80x128xf32, #tpu.memory_space<vmem>>
      %dma_wait3A_209 = tpu.memref_squeeze %dma_wait3A_208 : memref<1x80x128xf32, #tpu.memory_space<vmem>> -> memref<80x128xf32, #tpu.memory_space<vmem>>
      %dma_wait3A_210 = arith.constant 0 : i32
      %dma_wait3A_211 = tpu.memref_slice %arg5[%add3A_203, %dma_wait3A_210] : memref<20x80xi32, #tpu.memory_space<vmem>> -> memref<1x80xi32, #tpu.memory_space<vmem>>
      %dma_wait3A_212 = tpu.memref_squeeze %dma_wait3A_211 : memref<1x80xi32, #tpu.memory_space<vmem>> -> memref<80xi32, #tpu.memory_space<vmem>>
      %dma_wait3A_213 = arith.constant 0 : i32
      %dma_wait3A_214 = arith.constant 0 : i32
      %dma_wait3A_215 = tpu.memref_slice %arg2[%dma_wait3A_213, %dma_wait3A_214] : memref<100000x128xf32, #tpu.memory_space<hbm>> -> memref<100000x128xf32, #tpu.memory_space<hbm>>
      %dma_wait3A_216 = tpu.memref_slice %arg7[%dma_wait3A_205] : memref<4x!tpu.dma_semaphore, #tpu.memory_space<semaphore_mem>> -> memref<1x!tpu.dma_semaphore, #tpu.memory_space<semaphore_mem>>
      %dma_wait3A_217 = tpu.memref_squeeze %dma_wait3A_216 : memref<1x!tpu.dma_semaphore, #tpu.memory_space<semaphore_mem>> -> memref<!tpu.dma_semaphore, #tpu.memory_space<semaphore_mem>>
      tpu.wait_indirect_dma semaphore(%dma_wait3A_217 : memref<!tpu.dma_semaphore, #tpu.memory_space<semaphore_mem>>) src(%dma_wait3A_215 : memref<100000x128xf32, #tpu.memory_space<hbm>>) dst(%dma_wait3A_209 : memref<80x128xf32, #tpu.memory_space<vmem>>)
      %mul3A_218 = arith.constant 80 : i32
      %mul3A_219 = arith.muli %add3A_203, %mul3A_218 : i32
      %add3A_220 = arith.addi %mul3A_2, %mul3A_219 : i32
      %dma_start3A_221 = arith.constant 2 : i32
      %dma_start3A_222 = arith.constant 2 : i32
      %dma_start3A_223 = arith.constant 0 : i32
      %dma_start3A_224 = arith.constant 0 : i32
      %dma_start3A_225 = tpu.memref_slice %arg6[%dma_start3A_221, %dma_start3A_223, %dma_start3A_224] : memref<4x80x128xf32, #tpu.memory_space<vmem>> -> memref<1x80x128xf32, #tpu.memory_space<vmem>>
      %dma_start3A_226 = tpu.memref_squeeze %dma_start3A_225 : memref<1x80x128xf32, #tpu.memory_space<vmem>> -> memref<80x128xf32, #tpu.memory_space<vmem>>
      %dma_start3A_227 = arith.constant 0 : i32
      %dma_start3A_228 = tpu.memref_slice %arg4[%add3A_220, %dma_start3A_227] : memref<51200x128xf32, #tpu.memory_space<hbm>> -> memref<80x128xf32, #tpu.memory_space<hbm>>
      %dma_start3A_229 = tpu.memref_slice %arg8[%dma_start3A_222] : memref<4x!tpu.dma_semaphore, #tpu.memory_space<semaphore_mem>> -> memref<1x!tpu.dma_semaphore, #tpu.memory_space<semaphore_mem>>
      %dma_start3A_230 = tpu.memref_squeeze %dma_start3A_229 : memref<1x!tpu.dma_semaphore, #tpu.memory_space<semaphore_mem>> -> memref<!tpu.dma_semaphore, #tpu.memory_space<semaphore_mem>>
      %dma_start3A_231 = arith.constant 0 : i32
      %dma_start3A_232 = tpu.memref_slice %arg4[%add3A_220, %dma_start3A_231] : memref<51200x128xf32, #tpu.memory_space<hbm>> -> memref<80x128xf32, #tpu.memory_space<hbm>>
      %dma_start3A_233 = arith.constant 0 : i32
      %dma_start3A_234 = arith.constant 0 : i32
      %dma_start3A_235 = tpu.memref_slice %arg6[%dma_start3A_221, %dma_start3A_233, %dma_start3A_234] : memref<4x80x128xf32, #tpu.memory_space<vmem>> -> memref<1x80x128xf32, #tpu.memory_space<vmem>>
      %dma_start3A_236 = tpu.memref_squeeze %dma_start3A_235 : memref<1x80x128xf32, #tpu.memory_space<vmem>> -> memref<80x128xf32, #tpu.memory_space<vmem>>
      tpu.enqueue_dma source(%dma_start3A_236 : memref<80x128xf32, #tpu.memory_space<vmem>>) target(%dma_start3A_232 : memref<80x128xf32, #tpu.memory_space<hbm>>) target_semaphore(%dma_start3A_230 : memref<!tpu.dma_semaphore, #tpu.memory_space<semaphore_mem>>)
      %add3A_237 = arith.constant 2 : i32
      %add3A_238 = arith.addi %add3A_203, %add3A_237 : i32
      %lt3A_239 = arith.constant 20 : i32
      %lt3A_240 = arith.cmpi slt, %add3A_238, %lt3A_239 : i32
      %ge3A_241 = arith.constant 2 : i32
      %ge3A_242 = arith.cmpi sge, %add3A_203, %ge3A_241 : i32
      %and3A_243 = arith.andi %lt3A_240, %ge3A_242 : i1
      %convert_element_type3A_244 = arith.extui %and3A_243 : i1 to i32
      %cond3A_245 = arith.constant 0 : i32
      %cond3A_246 = arith.cmpi ne, %convert_element_type3A_244, %cond3A_245 : i32
      scf.if %cond3A_246 {
        %sub3A = arith.constant 4 : i32
        %sub3A_304 = arith.subi %add3A_238, %sub3A : i32
        %mul3A_305 = arith.constant 80 : i32
        %mul3A_306 = arith.muli %sub3A_304, %mul3A_305 : i32
        %add3A_307 = arith.addi %mul3A_2, %mul3A_306 : i32
        %dma_wait3A_308 = arith.constant 0 : i32
        %dma_wait3A_309 = arith.constant 0 : i32
        %dma_wait3A_310 = arith.constant 0 : i32
        %dma_wait3A_311 = arith.constant 0 : i32
        %dma_wait3A_312 = tpu.memref_slice %arg6[%dma_wait3A_308, %dma_wait3A_310, %dma_wait3A_311] : memref<4x80x128xf32, #tpu.memory_space<vmem>> -> memref<1x80x128xf32, #tpu.memory_space<vmem>>
        %dma_wait3A_313 = tpu.memref_squeeze %dma_wait3A_312 : memref<1x80x128xf32, #tpu.memory_space<vmem>> -> memref<80x128xf32, #tpu.memory_space<vmem>>
        %dma_wait3A_314 = arith.constant 0 : i32
        %dma_wait3A_315 = tpu.memref_slice %arg4[%add3A_307, %dma_wait3A_314] : memref<51200x128xf32, #tpu.memory_space<hbm>> -> memref<80x128xf32, #tpu.memory_space<hbm>>
        %dma_wait3A_316 = tpu.memref_slice %arg8[%dma_wait3A_309] : memref<4x!tpu.dma_semaphore, #tpu.memory_space<semaphore_mem>> -> memref<1x!tpu.dma_semaphore, #tpu.memory_space<semaphore_mem>>
        %dma_wait3A_317 = tpu.memref_squeeze %dma_wait3A_316 : memref<1x!tpu.dma_semaphore, #tpu.memory_space<semaphore_mem>> -> memref<!tpu.dma_semaphore, #tpu.memory_space<semaphore_mem>>
        %dma_wait3A_318 = arith.constant 0 : i32
        %dma_wait3A_319 = tpu.memref_slice %arg4[%add3A_307, %dma_wait3A_318] : memref<51200x128xf32, #tpu.memory_space<hbm>> -> memref<80x128xf32, #tpu.memory_space<hbm>>
        %dma_wait3A_320 = arith.constant 0 : i32
        %dma_wait3A_321 = arith.constant 0 : i32
        %dma_wait3A_322 = tpu.memref_slice %arg6[%dma_wait3A_308, %dma_wait3A_320, %dma_wait3A_321] : memref<4x80x128xf32, #tpu.memory_space<vmem>> -> memref<1x80x128xf32, #tpu.memory_space<vmem>>
        %dma_wait3A_323 = tpu.memref_squeeze %dma_wait3A_322 : memref<1x80x128xf32, #tpu.memory_space<vmem>> -> memref<80x128xf32, #tpu.memory_space<vmem>>
        tpu.wait_dma2 semaphore(%dma_wait3A_317 : memref<!tpu.dma_semaphore, #tpu.memory_space<semaphore_mem>>) src(%dma_wait3A_323 : memref<80x128xf32, #tpu.memory_space<vmem>>) dst(%dma_wait3A_319 : memref<80x128xf32, #tpu.memory_space<hbm>>)
      } else {
      }
      %lt3A_247 = arith.constant 20 : i32
      %lt3A_248 = arith.cmpi slt, %add3A_238, %lt3A_247 : i32
      %convert_element_type3A_249 = arith.extui %lt3A_248 : i1 to i32
      %cond3A_250 = arith.constant 0 : i32
      %cond3A_251 = arith.cmpi ne, %convert_element_type3A_249, %cond3A_250 : i32
      scf.if %cond3A_251 {
        %dma_start3A_304 = arith.constant 0 : i32
        %dma_start3A_305 = arith.constant 0 : i32
        %dma_start3A_306 = arith.constant 0 : i32
        %dma_start3A_307 = arith.constant 0 : i32
        %dma_start3A_308 = tpu.memref_slice %arg6[%dma_start3A_304, %dma_start3A_306, %dma_start3A_307] : memref<4x80x128xf32, #tpu.memory_space<vmem>> -> memref<1x80x128xf32, #tpu.memory_space<vmem>>
        %dma_start3A_309 = tpu.memref_squeeze %dma_start3A_308 : memref<1x80x128xf32, #tpu.memory_space<vmem>> -> memref<80x128xf32, #tpu.memory_space<vmem>>
        %dma_start3A_310 = arith.constant 0 : i32
        %dma_start3A_311 = tpu.memref_slice %arg5[%add3A_238, %dma_start3A_310] : memref<20x80xi32, #tpu.memory_space<vmem>> -> memref<1x80xi32, #tpu.memory_space<vmem>>
        %dma_start3A_312 = tpu.memref_squeeze %dma_start3A_311 : memref<1x80xi32, #tpu.memory_space<vmem>> -> memref<80xi32, #tpu.memory_space<vmem>>
        %dma_start3A_313 = arith.constant 0 : i32
        %dma_start3A_314 = arith.constant 0 : i32
        %dma_start3A_315 = tpu.memref_slice %arg2[%dma_start3A_313, %dma_start3A_314] : memref<100000x128xf32, #tpu.memory_space<hbm>> -> memref<100000x128xf32, #tpu.memory_space<hbm>>
        %dma_start3A_316 = tpu.memref_slice %arg7[%dma_start3A_305] : memref<4x!tpu.dma_semaphore, #tpu.memory_space<semaphore_mem>> -> memref<1x!tpu.dma_semaphore, #tpu.memory_space<semaphore_mem>>
        %dma_start3A_317 = tpu.memref_squeeze %dma_start3A_316 : memref<1x!tpu.dma_semaphore, #tpu.memory_space<semaphore_mem>> -> memref<!tpu.dma_semaphore, #tpu.memory_space<semaphore_mem>>
        tpu.enqueue_indirect_dma source(%dma_start3A_315 : memref<100000x128xf32, #tpu.memory_space<hbm>>) target(%dma_start3A_309 : memref<80x128xf32, #tpu.memory_space<vmem>>) offsets(%dma_start3A_312 : memref<80xi32, #tpu.memory_space<vmem>>) semaphore(%dma_start3A_317 : memref<!tpu.dma_semaphore, #tpu.memory_space<semaphore_mem>>)
      } else {
      }
      %mul3A_252 = arith.constant 4 : i32
      %mul3A_253 = arith.muli %scan3A_100, %mul3A_252 : i32
      %add3A_254 = arith.constant 3 : i32
      %add3A_255 = arith.addi %mul3A_253, %add3A_254 : i32
      %dma_wait3A_256 = arith.constant 3 : i32
      %dma_wait3A_257 = arith.constant 3 : i32
      %dma_wait3A_258 = arith.constant 0 : i32
      %dma_wait3A_259 = arith.constant 0 : i32
      %dma_wait3A_260 = tpu.memref_slice %arg6[%dma_wait3A_256, %dma_wait3A_258, %dma_wait3A_259] : memref<4x80x128xf32, #tpu.memory_space<vmem>> -> memref<1x80x128xf32, #tpu.memory_space<vmem>>
      %dma_wait3A_261 = tpu.memref_squeeze %dma_wait3A_260 : memref<1x80x128xf32, #tpu.memory_space<vmem>> -> memref<80x128xf32, #tpu.memory_space<vmem>>
      %dma_wait3A_262 = arith.constant 0 : i32
      %dma_wait3A_263 = tpu.memref_slice %arg5[%add3A_255, %dma_wait3A_262] : memref<20x80xi32, #tpu.memory_space<vmem>> -> memref<1x80xi32, #tpu.memory_space<vmem>>
      %dma_wait3A_264 = tpu.memref_squeeze %dma_wait3A_263 : memref<1x80xi32, #tpu.memory_space<vmem>> -> memref<80xi32, #tpu.memory_space<vmem>>
      %dma_wait3A_265 = arith.constant 0 : i32
      %dma_wait3A_266 = arith.constant 0 : i32
      %dma_wait3A_267 = tpu.memref_slice %arg2[%dma_wait3A_265, %dma_wait3A_266] : memref<100000x128xf32, #tpu.memory_space<hbm>> -> memref<100000x128xf32, #tpu.memory_space<hbm>>
      %dma_wait3A_268 = tpu.memref_slice %arg7[%dma_wait3A_257] : memref<4x!tpu.dma_semaphore, #tpu.memory_space<semaphore_mem>> -> memref<1x!tpu.dma_semaphore, #tpu.memory_space<semaphore_mem>>
      %dma_wait3A_269 = tpu.memref_squeeze %dma_wait3A_268 : memref<1x!tpu.dma_semaphore, #tpu.memory_space<semaphore_mem>> -> memref<!tpu.dma_semaphore, #tpu.memory_space<semaphore_mem>>
      tpu.wait_indirect_dma semaphore(%dma_wait3A_269 : memref<!tpu.dma_semaphore, #tpu.memory_space<semaphore_mem>>) src(%dma_wait3A_267 : memref<100000x128xf32, #tpu.memory_space<hbm>>) dst(%dma_wait3A_261 : memref<80x128xf32, #tpu.memory_space<vmem>>)
      %mul3A_270 = arith.constant 80 : i32
      %mul3A_271 = arith.muli %add3A_255, %mul3A_270 : i32
      %add3A_272 = arith.addi %mul3A_2, %mul3A_271 : i32
      %dma_start3A_273 = arith.constant 3 : i32
      %dma_start3A_274 = arith.constant 3 : i32
      %dma_start3A_275 = arith.constant 0 : i32
      %dma_start3A_276 = arith.constant 0 : i32
      %dma_start3A_277 = tpu.memref_slice %arg6[%dma_start3A_273, %dma_start3A_275, %dma_start3A_276] : memref<4x80x128xf32, #tpu.memory_space<vmem>> -> memref<1x80x128xf32, #tpu.memory_space<vmem>>
      %dma_start3A_278 = tpu.memref_squeeze %dma_start3A_277 : memref<1x80x128xf32, #tpu.memory_space<vmem>> -> memref<80x128xf32, #tpu.memory_space<vmem>>
      %dma_start3A_279 = arith.constant 0 : i32
      %dma_start3A_280 = tpu.memref_slice %arg4[%add3A_272, %dma_start3A_279] : memref<51200x128xf32, #tpu.memory_space<hbm>> -> memref<80x128xf32, #tpu.memory_space<hbm>>
      %dma_start3A_281 = tpu.memref_slice %arg8[%dma_start3A_274] : memref<4x!tpu.dma_semaphore, #tpu.memory_space<semaphore_mem>> -> memref<1x!tpu.dma_semaphore, #tpu.memory_space<semaphore_mem>>
      %dma_start3A_282 = tpu.memref_squeeze %dma_start3A_281 : memref<1x!tpu.dma_semaphore, #tpu.memory_space<semaphore_mem>> -> memref<!tpu.dma_semaphore, #tpu.memory_space<semaphore_mem>>
      %dma_start3A_283 = arith.constant 0 : i32
      %dma_start3A_284 = tpu.memref_slice %arg4[%add3A_272, %dma_start3A_283] : memref<51200x128xf32, #tpu.memory_space<hbm>> -> memref<80x128xf32, #tpu.memory_space<hbm>>
      %dma_start3A_285 = arith.constant 0 : i32
      %dma_start3A_286 = arith.constant 0 : i32
      %dma_start3A_287 = tpu.memref_slice %arg6[%dma_start3A_273, %dma_start3A_285, %dma_start3A_286] : memref<4x80x128xf32, #tpu.memory_space<vmem>> -> memref<1x80x128xf32, #tpu.memory_space<vmem>>
      %dma_start3A_288 = tpu.memref_squeeze %dma_start3A_287 : memref<1x80x128xf32, #tpu.memory_space<vmem>> -> memref<80x128xf32, #tpu.memory_space<vmem>>
      tpu.enqueue_dma source(%dma_start3A_288 : memref<80x128xf32, #tpu.memory_space<vmem>>) target(%dma_start3A_284 : memref<80x128xf32, #tpu.memory_space<hbm>>) target_semaphore(%dma_start3A_282 : memref<!tpu.dma_semaphore, #tpu.memory_space<semaphore_mem>>)
      %add3A_289 = arith.constant 2 : i32
      %add3A_290 = arith.addi %add3A_255, %add3A_289 : i32
      %lt3A_291 = arith.constant 20 : i32
      %lt3A_292 = arith.cmpi slt, %add3A_290, %lt3A_291 : i32
      %ge3A_293 = arith.constant 2 : i32
      %ge3A_294 = arith.cmpi sge, %add3A_255, %ge3A_293 : i32
      %and3A_295 = arith.andi %lt3A_292, %ge3A_294 : i1
      %convert_element_type3A_296 = arith.extui %and3A_295 : i1 to i32
      %cond3A_297 = arith.constant 0 : i32
      %cond3A_298 = arith.cmpi ne, %convert_element_type3A_296, %cond3A_297 : i32
      scf.if %cond3A_298 {
        %sub3A = arith.constant 4 : i32
        %sub3A_304 = arith.subi %add3A_290, %sub3A : i32
        %mul3A_305 = arith.constant 80 : i32
        %mul3A_306 = arith.muli %sub3A_304, %mul3A_305 : i32
        %add3A_307 = arith.addi %mul3A_2, %mul3A_306 : i32
        %dma_wait3A_308 = arith.constant 1 : i32
        %dma_wait3A_309 = arith.constant 1 : i32
        %dma_wait3A_310 = arith.constant 0 : i32
        %dma_wait3A_311 = arith.constant 0 : i32
        %dma_wait3A_312 = tpu.memref_slice %arg6[%dma_wait3A_308, %dma_wait3A_310, %dma_wait3A_311] : memref<4x80x128xf32, #tpu.memory_space<vmem>> -> memref<1x80x128xf32, #tpu.memory_space<vmem>>
        %dma_wait3A_313 = tpu.memref_squeeze %dma_wait3A_312 : memref<1x80x128xf32, #tpu.memory_space<vmem>> -> memref<80x128xf32, #tpu.memory_space<vmem>>
        %dma_wait3A_314 = arith.constant 0 : i32
        %dma_wait3A_315 = tpu.memref_slice %arg4[%add3A_307, %dma_wait3A_314] : memref<51200x128xf32, #tpu.memory_space<hbm>> -> memref<80x128xf32, #tpu.memory_space<hbm>>
        %dma_wait3A_316 = tpu.memref_slice %arg8[%dma_wait3A_309] : memref<4x!tpu.dma_semaphore, #tpu.memory_space<semaphore_mem>> -> memref<1x!tpu.dma_semaphore, #tpu.memory_space<semaphore_mem>>
        %dma_wait3A_317 = tpu.memref_squeeze %dma_wait3A_316 : memref<1x!tpu.dma_semaphore, #tpu.memory_space<semaphore_mem>> -> memref<!tpu.dma_semaphore, #tpu.memory_space<semaphore_mem>>
        %dma_wait3A_318 = arith.constant 0 : i32
        %dma_wait3A_319 = tpu.memref_slice %arg4[%add3A_307, %dma_wait3A_318] : memref<51200x128xf32, #tpu.memory_space<hbm>> -> memref<80x128xf32, #tpu.memory_space<hbm>>
        %dma_wait3A_320 = arith.constant 0 : i32
        %dma_wait3A_321 = arith.constant 0 : i32
        %dma_wait3A_322 = tpu.memref_slice %arg6[%dma_wait3A_308, %dma_wait3A_320, %dma_wait3A_321] : memref<4x80x128xf32, #tpu.memory_space<vmem>> -> memref<1x80x128xf32, #tpu.memory_space<vmem>>
        %dma_wait3A_323 = tpu.memref_squeeze %dma_wait3A_322 : memref<1x80x128xf32, #tpu.memory_space<vmem>> -> memref<80x128xf32, #tpu.memory_space<vmem>>
        tpu.wait_dma2 semaphore(%dma_wait3A_317 : memref<!tpu.dma_semaphore, #tpu.memory_space<semaphore_mem>>) src(%dma_wait3A_323 : memref<80x128xf32, #tpu.memory_space<vmem>>) dst(%dma_wait3A_319 : memref<80x128xf32, #tpu.memory_space<hbm>>)
      } else {
      }
      %lt3A_299 = arith.constant 20 : i32
      %lt3A_300 = arith.cmpi slt, %add3A_290, %lt3A_299 : i32
      %convert_element_type3A_301 = arith.extui %lt3A_300 : i1 to i32
      %cond3A_302 = arith.constant 0 : i32
      %cond3A_303 = arith.cmpi ne, %convert_element_type3A_301, %cond3A_302 : i32
      scf.if %cond3A_303 {
        %dma_start3A_304 = arith.constant 1 : i32
        %dma_start3A_305 = arith.constant 1 : i32
        %dma_start3A_306 = arith.constant 0 : i32
        %dma_start3A_307 = arith.constant 0 : i32
        %dma_start3A_308 = tpu.memref_slice %arg6[%dma_start3A_304, %dma_start3A_306, %dma_start3A_307] : memref<4x80x128xf32, #tpu.memory_space<vmem>> -> memref<1x80x128xf32, #tpu.memory_space<vmem>>
        %dma_start3A_309 = tpu.memref_squeeze %dma_start3A_308 : memref<1x80x128xf32, #tpu.memory_space<vmem>> -> memref<80x128xf32, #tpu.memory_space<vmem>>
        %dma_start3A_310 = arith.constant 0 : i32
        %dma_start3A_311 = tpu.memref_slice %arg5[%add3A_290, %dma_start3A_310] : memref<20x80xi32, #tpu.memory_space<vmem>> -> memref<1x80xi32, #tpu.memory_space<vmem>>
        %dma_start3A_312 = tpu.memref_squeeze %dma_start3A_311 : memref<1x80xi32, #tpu.memory_space<vmem>> -> memref<80xi32, #tpu.memory_space<vmem>>
        %dma_start3A_313 = arith.constant 0 : i32
        %dma_start3A_314 = arith.constant 0 : i32
        %dma_start3A_315 = tpu.memref_slice %arg2[%dma_start3A_313, %dma_start3A_314] : memref<100000x128xf32, #tpu.memory_space<hbm>> -> memref<100000x128xf32, #tpu.memory_space<hbm>>
        %dma_start3A_316 = tpu.memref_slice %arg7[%dma_start3A_305] : memref<4x!tpu.dma_semaphore, #tpu.memory_space<semaphore_mem>> -> memref<1x!tpu.dma_semaphore, #tpu.memory_space<semaphore_mem>>
        %dma_start3A_317 = tpu.memref_squeeze %dma_start3A_316 : memref<1x!tpu.dma_semaphore, #tpu.memory_space<semaphore_mem>> -> memref<!tpu.dma_semaphore, #tpu.memory_space<semaphore_mem>>
        tpu.enqueue_indirect_dma source(%dma_start3A_315 : memref<100000x128xf32, #tpu.memory_space<hbm>>) target(%dma_start3A_309 : memref<80x128xf32, #tpu.memory_space<vmem>>) offsets(%dma_start3A_312 : memref<80xi32, #tpu.memory_space<vmem>>) semaphore(%dma_start3A_317 : memref<!tpu.dma_semaphore, #tpu.memory_space<semaphore_mem>>)
      } else {
      }
    }
    %scan3A_36 = arith.constant 5 : i32
    %dma_wait3A = arith.constant 0 : i32
    %dma_wait3A_37 = arith.constant 0 : i32
    %dma_wait3A_38 = arith.constant 0 : i32
    %dma_wait3A_39 = arith.constant 0 : i32
    %dma_wait3A_40 = tpu.memref_slice %arg6[%dma_wait3A, %dma_wait3A_38, %dma_wait3A_39] : memref<4x80x128xf32, #tpu.memory_space<vmem>> -> memref<1x80x128xf32, #tpu.memory_space<vmem>>
    %dma_wait3A_41 = tpu.memref_squeeze %dma_wait3A_40 : memref<1x80x128xf32, #tpu.memory_space<vmem>> -> memref<80x128xf32, #tpu.memory_space<vmem>>
    %dma_wait3A_42 = arith.constant 0 : i32
    %dma_wait3A_43 = tpu.memref_slice %arg4[%mul3A_2, %dma_wait3A_42] : memref<51200x128xf32, #tpu.memory_space<hbm>> -> memref<80x128xf32, #tpu.memory_space<hbm>>
    %dma_wait3A_44 = tpu.memref_slice %arg8[%dma_wait3A_37] : memref<4x!tpu.dma_semaphore, #tpu.memory_space<semaphore_mem>> -> memref<1x!tpu.dma_semaphore, #tpu.memory_space<semaphore_mem>>
    %dma_wait3A_45 = tpu.memref_squeeze %dma_wait3A_44 : memref<1x!tpu.dma_semaphore, #tpu.memory_space<semaphore_mem>> -> memref<!tpu.dma_semaphore, #tpu.memory_space<semaphore_mem>>
    %dma_wait3A_46 = arith.constant 0 : i32
    %dma_wait3A_47 = tpu.memref_slice %arg4[%mul3A_2, %dma_wait3A_46] : memref<51200x128xf32, #tpu.memory_space<hbm>> -> memref<80x128xf32, #tpu.memory_space<hbm>>
    %dma_wait3A_48 = arith.constant 0 : i32
    %dma_wait3A_49 = arith.constant 0 : i32
    %dma_wait3A_50 = tpu.memref_slice %arg6[%dma_wait3A, %dma_wait3A_48, %dma_wait3A_49] : memref<4x80x128xf32, #tpu.memory_space<vmem>> -> memref<1x80x128xf32, #tpu.memory_space<vmem>>
    %dma_wait3A_51 = tpu.memref_squeeze %dma_wait3A_50 : memref<1x80x128xf32, #tpu.memory_space<vmem>> -> memref<80x128xf32, #tpu.memory_space<vmem>>
    tpu.wait_dma2 semaphore(%dma_wait3A_45 : memref<!tpu.dma_semaphore, #tpu.memory_space<semaphore_mem>>) src(%dma_wait3A_51 : memref<80x128xf32, #tpu.memory_space<vmem>>) dst(%dma_wait3A_47 : memref<80x128xf32, #tpu.memory_space<hbm>>)
    %dma_wait3A_52 = arith.constant 1 : i32
    %dma_wait3A_53 = arith.constant 1 : i32
    %dma_wait3A_54 = arith.constant 0 : i32
    %dma_wait3A_55 = arith.constant 0 : i32
    %dma_wait3A_56 = tpu.memref_slice %arg6[%dma_wait3A_52, %dma_wait3A_54, %dma_wait3A_55] : memref<4x80x128xf32, #tpu.memory_space<vmem>> -> memref<1x80x128xf32, #tpu.memory_space<vmem>>
    %dma_wait3A_57 = tpu.memref_squeeze %dma_wait3A_56 : memref<1x80x128xf32, #tpu.memory_space<vmem>> -> memref<80x128xf32, #tpu.memory_space<vmem>>
    %dma_wait3A_58 = arith.constant 0 : i32
    %dma_wait3A_59 = tpu.memref_slice %arg4[%mul3A_2, %dma_wait3A_58] : memref<51200x128xf32, #tpu.memory_space<hbm>> -> memref<80x128xf32, #tpu.memory_space<hbm>>
    %dma_wait3A_60 = tpu.memref_slice %arg8[%dma_wait3A_53] : memref<4x!tpu.dma_semaphore, #tpu.memory_space<semaphore_mem>> -> memref<1x!tpu.dma_semaphore, #tpu.memory_space<semaphore_mem>>
    %dma_wait3A_61 = tpu.memref_squeeze %dma_wait3A_60 : memref<1x!tpu.dma_semaphore, #tpu.memory_space<semaphore_mem>> -> memref<!tpu.dma_semaphore, #tpu.memory_space<semaphore_mem>>
    %dma_wait3A_62 = arith.constant 0 : i32
    %dma_wait3A_63 = tpu.memref_slice %arg4[%mul3A_2, %dma_wait3A_62] : memref<51200x128xf32, #tpu.memory_space<hbm>> -> memref<80x128xf32, #tpu.memory_space<hbm>>
    %dma_wait3A_64 = arith.constant 0 : i32
    %dma_wait3A_65 = arith.constant 0 : i32
    %dma_wait3A_66 = tpu.memref_slice %arg6[%dma_wait3A_52, %dma_wait3A_64, %dma_wait3A_65] : memref<4x80x128xf32, #tpu.memory_space<vmem>> -> memref<1x80x128xf32, #tpu.memory_space<vmem>>
    %dma_wait3A_67 = tpu.memref_squeeze %dma_wait3A_66 : memref<1x80x128xf32, #tpu.memory_space<vmem>> -> memref<80x128xf32, #tpu.memory_space<vmem>>
    tpu.wait_dma2 semaphore(%dma_wait3A_61 : memref<!tpu.dma_semaphore, #tpu.memory_space<semaphore_mem>>) src(%dma_wait3A_67 : memref<80x128xf32, #tpu.memory_space<vmem>>) dst(%dma_wait3A_63 : memref<80x128xf32, #tpu.memory_space<hbm>>)
    %dma_wait3A_68 = arith.constant 2 : i32
    %dma_wait3A_69 = arith.constant 2 : i32
    %dma_wait3A_70 = arith.constant 0 : i32
    %dma_wait3A_71 = arith.constant 0 : i32
    %dma_wait3A_72 = tpu.memref_slice %arg6[%dma_wait3A_68, %dma_wait3A_70, %dma_wait3A_71] : memref<4x80x128xf32, #tpu.memory_space<vmem>> -> memref<1x80x128xf32, #tpu.memory_space<vmem>>
    %dma_wait3A_73 = tpu.memref_squeeze %dma_wait3A_72 : memref<1x80x128xf32, #tpu.memory_space<vmem>> -> memref<80x128xf32, #tpu.memory_space<vmem>>
    %dma_wait3A_74 = arith.constant 0 : i32
    %dma_wait3A_75 = tpu.memref_slice %arg4[%mul3A_2, %dma_wait3A_74] : memref<51200x128xf32, #tpu.memory_space<hbm>> -> memref<80x128xf32, #tpu.memory_space<hbm>>
    %dma_wait3A_76 = tpu.memref_slice %arg8[%dma_wait3A_69] : memref<4x!tpu.dma_semaphore, #tpu.memory_space<semaphore_mem>> -> memref<1x!tpu.dma_semaphore, #tpu.memory_space<semaphore_mem>>
    %dma_wait3A_77 = tpu.memref_squeeze %dma_wait3A_76 : memref<1x!tpu.dma_semaphore, #tpu.memory_space<semaphore_mem>> -> memref<!tpu.dma_semaphore, #tpu.memory_space<semaphore_mem>>
    %dma_wait3A_78 = arith.constant 0 : i32
    %dma_wait3A_79 = tpu.memref_slice %arg4[%mul3A_2, %dma_wait3A_78] : memref<51200x128xf32, #tpu.memory_space<hbm>> -> memref<80x128xf32, #tpu.memory_space<hbm>>
    %dma_wait3A_80 = arith.constant 0 : i32
    %dma_wait3A_81 = arith.constant 0 : i32
    %dma_wait3A_82 = tpu.memref_slice %arg6[%dma_wait3A_68, %dma_wait3A_80, %dma_wait3A_81] : memref<4x80x128xf32, #tpu.memory_space<vmem>> -> memref<1x80x128xf32, #tpu.memory_space<vmem>>
    %dma_wait3A_83 = tpu.memref_squeeze %dma_wait3A_82 : memref<1x80x128xf32, #tpu.memory_space<vmem>> -> memref<80x128xf32, #tpu.memory_space<vmem>>
    tpu.wait_dma2 semaphore(%dma_wait3A_77 : memref<!tpu.dma_semaphore, #tpu.memory_space<semaphore_mem>>) src(%dma_wait3A_83 : memref<80x128xf32, #tpu.memory_space<vmem>>) dst(%dma_wait3A_79 : memref<80x128xf32, #tpu.memory_space<hbm>>)
    %dma_wait3A_84 = arith.constant 3 : i32
    %dma_wait3A_85 = arith.constant 3 : i32
    %dma_wait3A_86 = arith.constant 0 : i32
    %dma_wait3A_87 = arith.constant 0 : i32
    %dma_wait3A_88 = tpu.memref_slice %arg6[%dma_wait3A_84, %dma_wait3A_86, %dma_wait3A_87] : memref<4x80x128xf32, #tpu.memory_space<vmem>> -> memref<1x80x128xf32, #tpu.memory_space<vmem>>
    %dma_wait3A_89 = tpu.memref_squeeze %dma_wait3A_88 : memref<1x80x128xf32, #tpu.memory_space<vmem>> -> memref<80x128xf32, #tpu.memory_space<vmem>>
    %dma_wait3A_90 = arith.constant 0 : i32
    %dma_wait3A_91 = tpu.memref_slice %arg4[%mul3A_2, %dma_wait3A_90] : memref<51200x128xf32, #tpu.memory_space<hbm>> -> memref<80x128xf32, #tpu.memory_space<hbm>>
    %dma_wait3A_92 = tpu.memref_slice %arg8[%dma_wait3A_85] : memref<4x!tpu.dma_semaphore, #tpu.memory_space<semaphore_mem>> -> memref<1x!tpu.dma_semaphore, #tpu.memory_space<semaphore_mem>>
    %dma_wait3A_93 = tpu.memref_squeeze %dma_wait3A_92 : memref<1x!tpu.dma_semaphore, #tpu.memory_space<semaphore_mem>> -> memref<!tpu.dma_semaphore, #tpu.memory_space<semaphore_mem>>
    %dma_wait3A_94 = arith.constant 0 : i32
    %dma_wait3A_95 = tpu.memref_slice %arg4[%mul3A_2, %dma_wait3A_94] : memref<51200x128xf32, #tpu.memory_space<hbm>> -> memref<80x128xf32, #tpu.memory_space<hbm>>
    %dma_wait3A_96 = arith.constant 0 : i32
    %dma_wait3A_97 = arith.constant 0 : i32
    %dma_wait3A_98 = tpu.memref_slice %arg6[%dma_wait3A_84, %dma_wait3A_96, %dma_wait3A_97] : memref<4x80x128xf32, #tpu.memory_space<vmem>> -> memref<1x80x128xf32, #tpu.memory_space<vmem>>
    %dma_wait3A_99 = tpu.memref_squeeze %dma_wait3A_98 : memref<1x80x128xf32, #tpu.memory_space<vmem>> -> memref<80x128xf32, #tpu.memory_space<vmem>>
    tpu.wait_dma2 semaphore(%dma_wait3A_93 : memref<!tpu.dma_semaphore, #tpu.memory_space<semaphore_mem>>) src(%dma_wait3A_99 : memref<80x128xf32, #tpu.memory_space<vmem>>) dst(%dma_wait3A_95 : memref<80x128xf32, #tpu.memory_space<hbm>>)
    return
  }
}

#map = affine_map<(d0, d1) -> (0, 0)>
#map1 = affine_map<(d0, d1) -> (0, 0, 0)>
module attributes {stable_mosaic.version = 14 : i64} {
  func.func @k(%arg0: i32, %arg1: i32, %arg2: memref<100000x128xf32, #tpu.memory_space<hbm>>, %arg3: memref<32x20x80xi32, #tpu.memory_space<hbm>>, %arg4: memref<51200x128xf32, #tpu.memory_space<hbm>>, %arg5: memref<20x80xi32, #tpu.memory_space<vmem>>, %arg6: memref<4x80x128xf32, #tpu.memory_space<vmem>>, %arg7: memref<4x!tpu.dma_semaphore, #tpu.memory_space<semaphore_mem>>, %arg8: memref<4x!tpu.dma_semaphore, #tpu.memory_space<semaphore_mem>>) attributes {dimension_semantics = [#tpu.dimension_semantics<core_parallel>, #tpu.dimension_semantics<subcore_parallel>], iteration_bounds = array<i64: 2, 16>, scalar_prefetch = 0 : i64, scratch_operands = 4 : i64, tpu.core_type = #tpu.core_type<sc_vector_subcore>, window_params = [{transform_indices = #map}, {transform_indices = #map1}, {transform_indices = #map}]} {
    %mul3A = arith.constant 2 : i32
    %mul3A_0 = arith.muli %arg1, %mul3A : i32
    %add3A = arith.addi %mul3A_0, %arg0 : i32
    %mul3A_1 = arith.constant 1600 : i32
    %mul3A_2 = arith.muli %add3A, %mul3A_1 : i32
    "tpu.region"() ({
      %run_scoped3A = tpu.sem_alloc : memref<!tpu.dma_semaphore, #tpu.memory_space<semaphore_mem>>
      %dma_start3A_100 = arith.constant 0 : i32
      %dma_start3A_101 = arith.constant 0 : i32
      %dma_start3A_102 = tpu.memref_slice %arg3[%add3A, %dma_start3A_100, %dma_start3A_101] : memref<32x20x80xi32, #tpu.memory_space<hbm>> -> memref<1x20x80xi32, #tpu.memory_space<hbm>>
      %dma_start3A_103 = tpu.memref_squeeze %dma_start3A_102 : memref<1x20x80xi32, #tpu.memory_space<hbm>> -> memref<20x80xi32, #tpu.memory_space<hbm>>
      %dma_start3A_104 = arith.constant 0 : i32
      %dma_start3A_105 = arith.constant 0 : i32
      %dma_start3A_106 = tpu.memref_slice %arg3[%add3A, %dma_start3A_104, %dma_start3A_105] : memref<32x20x80xi32, #tpu.memory_space<hbm>> -> memref<1x20x80xi32, #tpu.memory_space<hbm>>
      %dma_start3A_107 = tpu.memref_squeeze %dma_start3A_106 : memref<1x20x80xi32, #tpu.memory_space<hbm>> -> memref<20x80xi32, #tpu.memory_space<hbm>>
      tpu.enqueue_dma source(%dma_start3A_107 : memref<20x80xi32, #tpu.memory_space<hbm>>) target(%arg5 : memref<20x80xi32, #tpu.memory_space<vmem>>) target_semaphore(%run_scoped3A : memref<!tpu.dma_semaphore, #tpu.memory_space<semaphore_mem>>)
      %dma_wait3A_108 = arith.constant 0 : i32
      %dma_wait3A_109 = arith.constant 0 : i32
      %dma_wait3A_110 = tpu.memref_slice %arg3[%add3A, %dma_wait3A_108, %dma_wait3A_109] : memref<32x20x80xi32, #tpu.memory_space<hbm>> -> memref<1x20x80xi32, #tpu.memory_space<hbm>>
      %dma_wait3A_111 = tpu.memref_squeeze %dma_wait3A_110 : memref<1x20x80xi32, #tpu.memory_space<hbm>> -> memref<20x80xi32, #tpu.memory_space<hbm>>
      %dma_wait3A_112 = arith.constant 0 : i32
      %dma_wait3A_113 = arith.constant 0 : i32
      %dma_wait3A_114 = tpu.memref_slice %arg3[%add3A, %dma_wait3A_112, %dma_wait3A_113] : memref<32x20x80xi32, #tpu.memory_space<hbm>> -> memref<1x20x80xi32, #tpu.memory_space<hbm>>
      %dma_wait3A_115 = tpu.memref_squeeze %dma_wait3A_114 : memref<1x20x80xi32, #tpu.memory_space<hbm>> -> memref<20x80xi32, #tpu.memory_space<hbm>>
      tpu.wait_dma2 semaphore(%run_scoped3A : memref<!tpu.dma_semaphore, #tpu.memory_space<semaphore_mem>>) src(%dma_wait3A_115 : memref<20x80xi32, #tpu.memory_space<hbm>>) dst(%arg5 : memref<20x80xi32, #tpu.memory_space<vmem>>)
      tpu.yield
    }) : () -> ()
    %dma_start3A = arith.constant 0 : i32
    %dma_start3A_3 = arith.constant 0 : i32
    %dma_start3A_4 = arith.constant 0 : i32
    %dma_start3A_5 = arith.constant 0 : i32
    %dma_start3A_6 = arith.constant 0 : i32
    %dma_start3A_7 = tpu.memref_slice %arg6[%dma_start3A_3, %dma_start3A_5, %dma_start3A_6] : memref<4x80x128xf32, #tpu.memory_space<vmem>> -> memref<1x80x128xf32, #tpu.memory_space<vmem>>
    %dma_start3A_8 = tpu.memref_squeeze %dma_start3A_7 : memref<1x80x128xf32, #tpu.memory_space<vmem>> -> memref<80x128xf32, #tpu.memory_space<vmem>>
    %dma_start3A_9 = arith.constant 0 : i32
    %dma_start3A_10 = tpu.memref_slice %arg5[%dma_start3A, %dma_start3A_9] : memref<20x80xi32, #tpu.memory_space<vmem>> -> memref<1x80xi32, #tpu.memory_space<vmem>>
    %dma_start3A_11 = tpu.memref_squeeze %dma_start3A_10 : memref<1x80xi32, #tpu.memory_space<vmem>> -> memref<80xi32, #tpu.memory_space<vmem>>
    %dma_start3A_12 = arith.constant 0 : i32
    %dma_start3A_13 = arith.constant 0 : i32
    %dma_start3A_14 = tpu.memref_slice %arg2[%dma_start3A_12, %dma_start3A_13] : memref<100000x128xf32, #tpu.memory_space<hbm>> -> memref<100000x128xf32, #tpu.memory_space<hbm>>
    %dma_start3A_15 = tpu.memref_slice %arg7[%dma_start3A_4] : memref<4x!tpu.dma_semaphore, #tpu.memory_space<semaphore_mem>> -> memref<1x!tpu.dma_semaphore, #tpu.memory_space<semaphore_mem>>
    %dma_start3A_16 = tpu.memref_squeeze %dma_start3A_15 : memref<1x!tpu.dma_semaphore, #tpu.memory_space<semaphore_mem>> -> memref<!tpu.dma_semaphore, #tpu.memory_space<semaphore_mem>>
    tpu.enqueue_indirect_dma source(%dma_start3A_14 : memref<100000x128xf32, #tpu.memory_space<hbm>>) target(%dma_start3A_8 : memref<80x128xf32, #tpu.memory_space<vmem>>) offsets(%dma_start3A_11 : memref<80xi32, #tpu.memory_space<vmem>>) semaphore(%dma_start3A_16 : memref<!tpu.dma_semaphore, #tpu.memory_space<semaphore_mem>>)
    %dma_start3A_17 = arith.constant 1 : i32
    %dma_start3A_18 = arith.constant 1 : i32
    %dma_start3A_19 = arith.constant 1 : i32
    %dma_start3A_20 = arith.constant 0 : i32
    %dma_start3A_21 = arith.constant 0 : i32
    %dma_start3A_22 = tpu.memref_slice %arg6[%dma_start3A_18, %dma_start3A_20, %dma_start3A_21] : memref<4x80x128xf32, #tpu.memory_space<vmem>> -> memref<1x80x128xf32, #tpu.memory_space<vmem>>
    %dma_start3A_23 = tpu.memref_squeeze %dma_start3A_22 : memref<1x80x128xf32, #tpu.memory_space<vmem>> -> memref<80x128xf32, #tpu.memory_space<vmem>>
    %dma_start3A_24 = arith.constant 0 : i32
    %dma_start3A_25 = tpu.memref_slice %arg5[%dma_start3A_17, %dma_start3A_24] : memref<20x80xi32, #tpu.memory_space<vmem>> -> memref<1x80xi32, #tpu.memory_space<vmem>>
    %dma_start3A_26 = tpu.memref_squeeze %dma_start3A_25 : memref<1x80xi32, #tpu.memory_space<vmem>> -> memref<80xi32, #tpu.memory_space<vmem>>
    %dma_start3A_27 = arith.constant 0 : i32
    %dma_start3A_28 = arith.constant 0 : i32
    %dma_start3A_29 = tpu.memref_slice %arg2[%dma_start3A_27, %dma_start3A_28] : memref<100000x128xf32, #tpu.memory_space<hbm>> -> memref<100000x128xf32, #tpu.memory_space<hbm>>
    %dma_start3A_30 = tpu.memref_slice %arg7[%dma_start3A_19] : memref<4x!tpu.dma_semaphore, #tpu.memory_space<semaphore_mem>> -> memref<1x!tpu.dma_semaphore, #tpu.memory_space<semaphore_mem>>
    %dma_start3A_31 = tpu.memref_squeeze %dma_start3A_30 : memref<1x!tpu.dma_semaphore, #tpu.memory_space<semaphore_mem>> -> memref<!tpu.dma_semaphore, #tpu.memory_space<semaphore_mem>>
    tpu.enqueue_indirect_dma source(%dma_start3A_29 : memref<100000x128xf32, #tpu.memory_space<hbm>>) target(%dma_start3A_23 : memref<80x128xf32, #tpu.memory_space<vmem>>) offsets(%dma_start3A_26 : memref<80xi32, #tpu.memory_space<vmem>>) semaphore(%dma_start3A_31 : memref<!tpu.dma_semaphore, #tpu.memory_space<semaphore_mem>>)
    %scan3A = arith.constant 0 : i32
    %scan3A_32 = arith.constant 0 : i32
    %scan3A_33 = arith.constant 5 : i32
    %scan3A_34 = arith.addi %scan3A_32, %scan3A_33 : i32
    %scan3A_35 = arith.constant 1 : i32
    scf.for %scan3A_100 = %scan3A_32 to %scan3A_34 step %scan3A_35  : i32 {
      %mul3A_101 = arith.constant 4 : i32
      %mul3A_102 = arith.muli %scan3A_100, %mul3A_101 : i32
      %add3A_103 = arith.constant 0 : i32
      %add3A_104 = arith.addi %mul3A_102, %add3A_103 : i32
      %dma_wait3A_105 = arith.constant 0 : i32
      %dma_wait3A_106 = arith.constant 0 : i32
      %dma_wait3A_107 = arith.constant 0 : i32
      %dma_wait3A_108 = arith.constant 0 : i32
      %dma_wait3A_109 = tpu.memref_slice %arg6[%dma_wait3A_105, %dma_wait3A_107, %dma_wait3A_108] : memref<4x80x128xf32, #tpu.memory_space<vmem>> -> memref<1x80x128xf32, #tpu.memory_space<vmem>>
      %dma_wait3A_110 = tpu.memref_squeeze %dma_wait3A_109 : memref<1x80x128xf32, #tpu.memory_space<vmem>> -> memref<80x128xf32, #tpu.memory_space<vmem>>
      %dma_wait3A_111 = arith.constant 0 : i32
      %dma_wait3A_112 = tpu.memref_slice %arg5[%add3A_104, %dma_wait3A_111] : memref<20x80xi32, #tpu.memory_space<vmem>> -> memref<1x80xi32, #tpu.memory_space<vmem>>
      %dma_wait3A_113 = tpu.memref_squeeze %dma_wait3A_112 : memref<1x80xi32, #tpu.memory_space<vmem>> -> memref<80xi32, #tpu.memory_space<vmem>>
      %dma_wait3A_114 = arith.constant 0 : i32
      %dma_wait3A_115 = arith.constant 0 : i32
      %dma_wait3A_116 = tpu.memref_slice %arg2[%dma_wait3A_114, %dma_wait3A_115] : memref<100000x128xf32, #tpu.memory_space<hbm>> -> memref<100000x128xf32, #tpu.memory_space<hbm>>
      %dma_wait3A_117 = tpu.memref_slice %arg7[%dma_wait3A_106] : memref<4x!tpu.dma_semaphore, #tpu.memory_space<semaphore_mem>> -> memref<1x!tpu.dma_semaphore, #tpu.memory_space<semaphore_mem>>
      %dma_wait3A_118 = tpu.memref_squeeze %dma_wait3A_117 : memref<1x!tpu.dma_semaphore, #tpu.memory_space<semaphore_mem>> -> memref<!tpu.dma_semaphore, #tpu.memory_space<semaphore_mem>>
      tpu.wait_indirect_dma semaphore(%dma_wait3A_118 : memref<!tpu.dma_semaphore, #tpu.memory_space<semaphore_mem>>) src(%dma_wait3A_116 : memref<100000x128xf32, #tpu.memory_space<hbm>>) dst(%dma_wait3A_110 : memref<80x128xf32, #tpu.memory_space<vmem>>)
      %mul3A_119 = arith.constant 80 : i32
      %mul3A_120 = arith.muli %add3A_104, %mul3A_119 : i32
      %add3A_121 = arith.addi %mul3A_2, %mul3A_120 : i32
      %dma_start3A_122 = arith.constant 0 : i32
      %dma_start3A_123 = arith.constant 0 : i32
      %dma_start3A_124 = arith.constant 0 : i32
      %dma_start3A_125 = arith.constant 0 : i32
      %dma_start3A_126 = tpu.memref_slice %arg6[%dma_start3A_122, %dma_start3A_124, %dma_start3A_125] : memref<4x80x128xf32, #tpu.memory_space<vmem>> -> memref<1x80x128xf32, #tpu.memory_space<vmem>>
      %dma_start3A_127 = tpu.memref_squeeze %dma_start3A_126 : memref<1x80x128xf32, #tpu.memory_space<vmem>> -> memref<80x128xf32, #tpu.memory_space<vmem>>
      %dma_start3A_128 = arith.constant 0 : i32
      %dma_start3A_129 = tpu.memref_slice %arg4[%add3A_121, %dma_start3A_128] : memref<51200x128xf32, #tpu.memory_space<hbm>> -> memref<80x128xf32, #tpu.memory_space<hbm>>
      %dma_start3A_130 = tpu.memref_slice %arg8[%dma_start3A_123] : memref<4x!tpu.dma_semaphore, #tpu.memory_space<semaphore_mem>> -> memref<1x!tpu.dma_semaphore, #tpu.memory_space<semaphore_mem>>
      %dma_start3A_131 = tpu.memref_squeeze %dma_start3A_130 : memref<1x!tpu.dma_semaphore, #tpu.memory_space<semaphore_mem>> -> memref<!tpu.dma_semaphore, #tpu.memory_space<semaphore_mem>>
      %dma_start3A_132 = arith.constant 0 : i32
      %dma_start3A_133 = tpu.memref_slice %arg4[%add3A_121, %dma_start3A_132] : memref<51200x128xf32, #tpu.memory_space<hbm>> -> memref<80x128xf32, #tpu.memory_space<hbm>>
      %dma_start3A_134 = arith.constant 0 : i32
      %dma_start3A_135 = arith.constant 0 : i32
      %dma_start3A_136 = tpu.memref_slice %arg6[%dma_start3A_122, %dma_start3A_134, %dma_start3A_135] : memref<4x80x128xf32, #tpu.memory_space<vmem>> -> memref<1x80x128xf32, #tpu.memory_space<vmem>>
      %dma_start3A_137 = tpu.memref_squeeze %dma_start3A_136 : memref<1x80x128xf32, #tpu.memory_space<vmem>> -> memref<80x128xf32, #tpu.memory_space<vmem>>
      tpu.enqueue_dma source(%dma_start3A_137 : memref<80x128xf32, #tpu.memory_space<vmem>>) target(%dma_start3A_133 : memref<80x128xf32, #tpu.memory_space<hbm>>) target_semaphore(%dma_start3A_131 : memref<!tpu.dma_semaphore, #tpu.memory_space<semaphore_mem>>)
      %add3A_138 = arith.constant 2 : i32
      %add3A_139 = arith.addi %add3A_104, %add3A_138 : i32
      %lt3A = arith.constant 20 : i32
      %lt3A_140 = arith.cmpi slt, %add3A_139, %lt3A : i32
      %ge3A = arith.constant 2 : i32
      %ge3A_141 = arith.cmpi sge, %add3A_104, %ge3A : i32
      %and3A = arith.andi %lt3A_140, %ge3A_141 : i1
      %convert_element_type3A = arith.extui %and3A : i1 to i32
      %cond3A = arith.constant 0 : i32
      %cond3A_142 = arith.cmpi ne, %convert_element_type3A, %cond3A : i32
      scf.if %cond3A_142 {
        %sub3A = arith.constant 4 : i32
        %sub3A_304 = arith.subi %add3A_139, %sub3A : i32
        %mul3A_305 = arith.constant 80 : i32
        %mul3A_306 = arith.muli %sub3A_304, %mul3A_305 : i32
        %add3A_307 = arith.addi %mul3A_2, %mul3A_306 : i32
        %dma_wait3A_308 = arith.constant 2 : i32
        %dma_wait3A_309 = arith.constant 2 : i32
        %dma_wait3A_310 = arith.constant 0 : i32
        %dma_wait3A_311 = arith.constant 0 : i32
        %dma_wait3A_312 = tpu.memref_slice %arg6[%dma_wait3A_308, %dma_wait3A_310, %dma_wait3A_311] : memref<4x80x128xf32, #tpu.memory_space<vmem>> -> memref<1x80x128xf32, #tpu.memory_space<vmem>>
        %dma_wait3A_313 = tpu.memref_squeeze %dma_wait3A_312 : memref<1x80x128xf32, #tpu.memory_space<vmem>> -> memref<80x128xf32, #tpu.memory_space<vmem>>
        %dma_wait3A_314 = arith.constant 0 : i32
        %dma_wait3A_315 = tpu.memref_slice %arg4[%add3A_307, %dma_wait3A_314] : memref<51200x128xf32, #tpu.memory_space<hbm>> -> memref<80x128xf32, #tpu.memory_space<hbm>>
        %dma_wait3A_316 = tpu.memref_slice %arg8[%dma_wait3A_309] : memref<4x!tpu.dma_semaphore, #tpu.memory_space<semaphore_mem>> -> memref<1x!tpu.dma_semaphore, #tpu.memory_space<semaphore_mem>>
        %dma_wait3A_317 = tpu.memref_squeeze %dma_wait3A_316 : memref<1x!tpu.dma_semaphore, #tpu.memory_space<semaphore_mem>> -> memref<!tpu.dma_semaphore, #tpu.memory_space<semaphore_mem>>
        %dma_wait3A_318 = arith.constant 0 : i32
        %dma_wait3A_319 = tpu.memref_slice %arg4[%add3A_307, %dma_wait3A_318] : memref<51200x128xf32, #tpu.memory_space<hbm>> -> memref<80x128xf32, #tpu.memory_space<hbm>>
        %dma_wait3A_320 = arith.constant 0 : i32
        %dma_wait3A_321 = arith.constant 0 : i32
        %dma_wait3A_322 = tpu.memref_slice %arg6[%dma_wait3A_308, %dma_wait3A_320, %dma_wait3A_321] : memref<4x80x128xf32, #tpu.memory_space<vmem>> -> memref<1x80x128xf32, #tpu.memory_space<vmem>>
        %dma_wait3A_323 = tpu.memref_squeeze %dma_wait3A_322 : memref<1x80x128xf32, #tpu.memory_space<vmem>> -> memref<80x128xf32, #tpu.memory_space<vmem>>
        tpu.wait_dma2 semaphore(%dma_wait3A_317 : memref<!tpu.dma_semaphore, #tpu.memory_space<semaphore_mem>>) src(%dma_wait3A_323 : memref<80x128xf32, #tpu.memory_space<vmem>>) dst(%dma_wait3A_319 : memref<80x128xf32, #tpu.memory_space<hbm>>)
      } else {
      }
      %lt3A_143 = arith.constant 20 : i32
      %lt3A_144 = arith.cmpi slt, %add3A_139, %lt3A_143 : i32
      %convert_element_type3A_145 = arith.extui %lt3A_144 : i1 to i32
      %cond3A_146 = arith.constant 0 : i32
      %cond3A_147 = arith.cmpi ne, %convert_element_type3A_145, %cond3A_146 : i32
      scf.if %cond3A_147 {
        %dma_start3A_304 = arith.constant 2 : i32
        %dma_start3A_305 = arith.constant 2 : i32
        %dma_start3A_306 = arith.constant 0 : i32
        %dma_start3A_307 = arith.constant 0 : i32
        %dma_start3A_308 = tpu.memref_slice %arg6[%dma_start3A_304, %dma_start3A_306, %dma_start3A_307] : memref<4x80x128xf32, #tpu.memory_space<vmem>> -> memref<1x80x128xf32, #tpu.memory_space<vmem>>
        %dma_start3A_309 = tpu.memref_squeeze %dma_start3A_308 : memref<1x80x128xf32, #tpu.memory_space<vmem>> -> memref<80x128xf32, #tpu.memory_space<vmem>>
        %dma_start3A_310 = arith.constant 0 : i32
        %dma_start3A_311 = tpu.memref_slice %arg5[%add3A_139, %dma_start3A_310] : memref<20x80xi32, #tpu.memory_space<vmem>> -> memref<1x80xi32, #tpu.memory_space<vmem>>
        %dma_start3A_312 = tpu.memref_squeeze %dma_start3A_311 : memref<1x80xi32, #tpu.memory_space<vmem>> -> memref<80xi32, #tpu.memory_space<vmem>>
        %dma_start3A_313 = arith.constant 0 : i32
        %dma_start3A_314 = arith.constant 0 : i32
        %dma_start3A_315 = tpu.memref_slice %arg2[%dma_start3A_313, %dma_start3A_314] : memref<100000x128xf32, #tpu.memory_space<hbm>> -> memref<100000x128xf32, #tpu.memory_space<hbm>>
        %dma_start3A_316 = tpu.memref_slice %arg7[%dma_start3A_305] : memref<4x!tpu.dma_semaphore, #tpu.memory_space<semaphore_mem>> -> memref<1x!tpu.dma_semaphore, #tpu.memory_space<semaphore_mem>>
        %dma_start3A_317 = tpu.memref_squeeze %dma_start3A_316 : memref<1x!tpu.dma_semaphore, #tpu.memory_space<semaphore_mem>> -> memref<!tpu.dma_semaphore, #tpu.memory_space<semaphore_mem>>
        tpu.enqueue_indirect_dma source(%dma_start3A_315 : memref<100000x128xf32, #tpu.memory_space<hbm>>) target(%dma_start3A_309 : memref<80x128xf32, #tpu.memory_space<vmem>>) offsets(%dma_start3A_312 : memref<80xi32, #tpu.memory_space<vmem>>) semaphore(%dma_start3A_317 : memref<!tpu.dma_semaphore, #tpu.memory_space<semaphore_mem>>)
      } else {
      }
      %mul3A_148 = arith.constant 4 : i32
      %mul3A_149 = arith.muli %scan3A_100, %mul3A_148 : i32
      %add3A_150 = arith.constant 1 : i32
      %add3A_151 = arith.addi %mul3A_149, %add3A_150 : i32
      %dma_wait3A_152 = arith.constant 1 : i32
      %dma_wait3A_153 = arith.constant 1 : i32
      %dma_wait3A_154 = arith.constant 0 : i32
      %dma_wait3A_155 = arith.constant 0 : i32
      %dma_wait3A_156 = tpu.memref_slice %arg6[%dma_wait3A_152, %dma_wait3A_154, %dma_wait3A_155] : memref<4x80x128xf32, #tpu.memory_space<vmem>> -> memref<1x80x128xf32, #tpu.memory_space<vmem>>
      %dma_wait3A_157 = tpu.memref_squeeze %dma_wait3A_156 : memref<1x80x128xf32, #tpu.memory_space<vmem>> -> memref<80x128xf32, #tpu.memory_space<vmem>>
      %dma_wait3A_158 = arith.constant 0 : i32
      %dma_wait3A_159 = tpu.memref_slice %arg5[%add3A_151, %dma_wait3A_158] : memref<20x80xi32, #tpu.memory_space<vmem>> -> memref<1x80xi32, #tpu.memory_space<vmem>>
      %dma_wait3A_160 = tpu.memref_squeeze %dma_wait3A_159 : memref<1x80xi32, #tpu.memory_space<vmem>> -> memref<80xi32, #tpu.memory_space<vmem>>
      %dma_wait3A_161 = arith.constant 0 : i32
      %dma_wait3A_162 = arith.constant 0 : i32
      %dma_wait3A_163 = tpu.memref_slice %arg2[%dma_wait3A_161, %dma_wait3A_162] : memref<100000x128xf32, #tpu.memory_space<hbm>> -> memref<100000x128xf32, #tpu.memory_space<hbm>>
      %dma_wait3A_164 = tpu.memref_slice %arg7[%dma_wait3A_153] : memref<4x!tpu.dma_semaphore, #tpu.memory_space<semaphore_mem>> -> memref<1x!tpu.dma_semaphore, #tpu.memory_space<semaphore_mem>>
      %dma_wait3A_165 = tpu.memref_squeeze %dma_wait3A_164 : memref<1x!tpu.dma_semaphore, #tpu.memory_space<semaphore_mem>> -> memref<!tpu.dma_semaphore, #tpu.memory_space<semaphore_mem>>
      tpu.wait_indirect_dma semaphore(%dma_wait3A_165 : memref<!tpu.dma_semaphore, #tpu.memory_space<semaphore_mem>>) src(%dma_wait3A_163 : memref<100000x128xf32, #tpu.memory_space<hbm>>) dst(%dma_wait3A_157 : memref<80x128xf32, #tpu.memory_space<vmem>>)
      %mul3A_166 = arith.constant 80 : i32
      %mul3A_167 = arith.muli %add3A_151, %mul3A_166 : i32
      %add3A_168 = arith.addi %mul3A_2, %mul3A_167 : i32
      %dma_start3A_169 = arith.constant 1 : i32
      %dma_start3A_170 = arith.constant 1 : i32
      %dma_start3A_171 = arith.constant 0 : i32
      %dma_start3A_172 = arith.constant 0 : i32
      %dma_start3A_173 = tpu.memref_slice %arg6[%dma_start3A_169, %dma_start3A_171, %dma_start3A_172] : memref<4x80x128xf32, #tpu.memory_space<vmem>> -> memref<1x80x128xf32, #tpu.memory_space<vmem>>
      %dma_start3A_174 = tpu.memref_squeeze %dma_start3A_173 : memref<1x80x128xf32, #tpu.memory_space<vmem>> -> memref<80x128xf32, #tpu.memory_space<vmem>>
      %dma_start3A_175 = arith.constant 0 : i32
      %dma_start3A_176 = tpu.memref_slice %arg4[%add3A_168, %dma_start3A_175] : memref<51200x128xf32, #tpu.memory_space<hbm>> -> memref<80x128xf32, #tpu.memory_space<hbm>>
      %dma_start3A_177 = tpu.memref_slice %arg8[%dma_start3A_170] : memref<4x!tpu.dma_semaphore, #tpu.memory_space<semaphore_mem>> -> memref<1x!tpu.dma_semaphore, #tpu.memory_space<semaphore_mem>>
      %dma_start3A_178 = tpu.memref_squeeze %dma_start3A_177 : memref<1x!tpu.dma_semaphore, #tpu.memory_space<semaphore_mem>> -> memref<!tpu.dma_semaphore, #tpu.memory_space<semaphore_mem>>
      %dma_start3A_179 = arith.constant 0 : i32
      %dma_start3A_180 = tpu.memref_slice %arg4[%add3A_168, %dma_start3A_179] : memref<51200x128xf32, #tpu.memory_space<hbm>> -> memref<80x128xf32, #tpu.memory_space<hbm>>
      %dma_start3A_181 = arith.constant 0 : i32
      %dma_start3A_182 = arith.constant 0 : i32
      %dma_start3A_183 = tpu.memref_slice %arg6[%dma_start3A_169, %dma_start3A_181, %dma_start3A_182] : memref<4x80x128xf32, #tpu.memory_space<vmem>> -> memref<1x80x128xf32, #tpu.memory_space<vmem>>
      %dma_start3A_184 = tpu.memref_squeeze %dma_start3A_183 : memref<1x80x128xf32, #tpu.memory_space<vmem>> -> memref<80x128xf32, #tpu.memory_space<vmem>>
      tpu.enqueue_dma source(%dma_start3A_184 : memref<80x128xf32, #tpu.memory_space<vmem>>) target(%dma_start3A_180 : memref<80x128xf32, #tpu.memory_space<hbm>>) target_semaphore(%dma_start3A_178 : memref<!tpu.dma_semaphore, #tpu.memory_space<semaphore_mem>>)
      %add3A_185 = arith.constant 2 : i32
      %add3A_186 = arith.addi %add3A_151, %add3A_185 : i32
      %lt3A_187 = arith.constant 20 : i32
      %lt3A_188 = arith.cmpi slt, %add3A_186, %lt3A_187 : i32
      %ge3A_189 = arith.constant 2 : i32
      %ge3A_190 = arith.cmpi sge, %add3A_151, %ge3A_189 : i32
      %and3A_191 = arith.andi %lt3A_188, %ge3A_190 : i1
      %convert_element_type3A_192 = arith.extui %and3A_191 : i1 to i32
      %cond3A_193 = arith.constant 0 : i32
      %cond3A_194 = arith.cmpi ne, %convert_element_type3A_192, %cond3A_193 : i32
      scf.if %cond3A_194 {
        %sub3A = arith.constant 4 : i32
        %sub3A_304 = arith.subi %add3A_186, %sub3A : i32
        %mul3A_305 = arith.constant 80 : i32
        %mul3A_306 = arith.muli %sub3A_304, %mul3A_305 : i32
        %add3A_307 = arith.addi %mul3A_2, %mul3A_306 : i32
        %dma_wait3A_308 = arith.constant 3 : i32
        %dma_wait3A_309 = arith.constant 3 : i32
        %dma_wait3A_310 = arith.constant 0 : i32
        %dma_wait3A_311 = arith.constant 0 : i32
        %dma_wait3A_312 = tpu.memref_slice %arg6[%dma_wait3A_308, %dma_wait3A_310, %dma_wait3A_311] : memref<4x80x128xf32, #tpu.memory_space<vmem>> -> memref<1x80x128xf32, #tpu.memory_space<vmem>>
        %dma_wait3A_313 = tpu.memref_squeeze %dma_wait3A_312 : memref<1x80x128xf32, #tpu.memory_space<vmem>> -> memref<80x128xf32, #tpu.memory_space<vmem>>
        %dma_wait3A_314 = arith.constant 0 : i32
        %dma_wait3A_315 = tpu.memref_slice %arg4[%add3A_307, %dma_wait3A_314] : memref<51200x128xf32, #tpu.memory_space<hbm>> -> memref<80x128xf32, #tpu.memory_space<hbm>>
        %dma_wait3A_316 = tpu.memref_slice %arg8[%dma_wait3A_309] : memref<4x!tpu.dma_semaphore, #tpu.memory_space<semaphore_mem>> -> memref<1x!tpu.dma_semaphore, #tpu.memory_space<semaphore_mem>>
        %dma_wait3A_317 = tpu.memref_squeeze %dma_wait3A_316 : memref<1x!tpu.dma_semaphore, #tpu.memory_space<semaphore_mem>> -> memref<!tpu.dma_semaphore, #tpu.memory_space<semaphore_mem>>
        %dma_wait3A_318 = arith.constant 0 : i32
        %dma_wait3A_319 = tpu.memref_slice %arg4[%add3A_307, %dma_wait3A_318] : memref<51200x128xf32, #tpu.memory_space<hbm>> -> memref<80x128xf32, #tpu.memory_space<hbm>>
        %dma_wait3A_320 = arith.constant 0 : i32
        %dma_wait3A_321 = arith.constant 0 : i32
        %dma_wait3A_322 = tpu.memref_slice %arg6[%dma_wait3A_308, %dma_wait3A_320, %dma_wait3A_321] : memref<4x80x128xf32, #tpu.memory_space<vmem>> -> memref<1x80x128xf32, #tpu.memory_space<vmem>>
        %dma_wait3A_323 = tpu.memref_squeeze %dma_wait3A_322 : memref<1x80x128xf32, #tpu.memory_space<vmem>> -> memref<80x128xf32, #tpu.memory_space<vmem>>
        tpu.wait_dma2 semaphore(%dma_wait3A_317 : memref<!tpu.dma_semaphore, #tpu.memory_space<semaphore_mem>>) src(%dma_wait3A_323 : memref<80x128xf32, #tpu.memory_space<vmem>>) dst(%dma_wait3A_319 : memref<80x128xf32, #tpu.memory_space<hbm>>)
      } else {
      }
      %lt3A_195 = arith.constant 20 : i32
      %lt3A_196 = arith.cmpi slt, %add3A_186, %lt3A_195 : i32
      %convert_element_type3A_197 = arith.extui %lt3A_196 : i1 to i32
      %cond3A_198 = arith.constant 0 : i32
      %cond3A_199 = arith.cmpi ne, %convert_element_type3A_197, %cond3A_198 : i32
      scf.if %cond3A_199 {
        %dma_start3A_304 = arith.constant 3 : i32
        %dma_start3A_305 = arith.constant 3 : i32
        %dma_start3A_306 = arith.constant 0 : i32
        %dma_start3A_307 = arith.constant 0 : i32
        %dma_start3A_308 = tpu.memref_slice %arg6[%dma_start3A_304, %dma_start3A_306, %dma_start3A_307] : memref<4x80x128xf32, #tpu.memory_space<vmem>> -> memref<1x80x128xf32, #tpu.memory_space<vmem>>
        %dma_start3A_309 = tpu.memref_squeeze %dma_start3A_308 : memref<1x80x128xf32, #tpu.memory_space<vmem>> -> memref<80x128xf32, #tpu.memory_space<vmem>>
        %dma_start3A_310 = arith.constant 0 : i32
        %dma_start3A_311 = tpu.memref_slice %arg5[%add3A_186, %dma_start3A_310] : memref<20x80xi32, #tpu.memory_space<vmem>> -> memref<1x80xi32, #tpu.memory_space<vmem>>
        %dma_start3A_312 = tpu.memref_squeeze %dma_start3A_311 : memref<1x80xi32, #tpu.memory_space<vmem>> -> memref<80xi32, #tpu.memory_space<vmem>>
        %dma_start3A_313 = arith.constant 0 : i32
        %dma_start3A_314 = arith.constant 0 : i32
        %dma_start3A_315 = tpu.memref_slice %arg2[%dma_start3A_313, %dma_start3A_314] : memref<100000x128xf32, #tpu.memory_space<hbm>> -> memref<100000x128xf32, #tpu.memory_space<hbm>>
        %dma_start3A_316 = tpu.memref_slice %arg7[%dma_start3A_305] : memref<4x!tpu.dma_semaphore, #tpu.memory_space<semaphore_mem>> -> memref<1x!tpu.dma_semaphore, #tpu.memory_space<semaphore_mem>>
        %dma_start3A_317 = tpu.memref_squeeze %dma_start3A_316 : memref<1x!tpu.dma_semaphore, #tpu.memory_space<semaphore_mem>> -> memref<!tpu.dma_semaphore, #tpu.memory_space<semaphore_mem>>
        tpu.enqueue_indirect_dma source(%dma_start3A_315 : memref<100000x128xf32, #tpu.memory_space<hbm>>) target(%dma_start3A_309 : memref<80x128xf32, #tpu.memory_space<vmem>>) offsets(%dma_start3A_312 : memref<80xi32, #tpu.memory_space<vmem>>) semaphore(%dma_start3A_317 : memref<!tpu.dma_semaphore, #tpu.memory_space<semaphore_mem>>)
      } else {
      }
      %mul3A_200 = arith.constant 4 : i32
      %mul3A_201 = arith.muli %scan3A_100, %mul3A_200 : i32
      %add3A_202 = arith.constant 2 : i32
      %add3A_203 = arith.addi %mul3A_201, %add3A_202 : i32
      %dma_wait3A_204 = arith.constant 2 : i32
      %dma_wait3A_205 = arith.constant 2 : i32
      %dma_wait3A_206 = arith.constant 0 : i32
      %dma_wait3A_207 = arith.constant 0 : i32
      %dma_wait3A_208 = tpu.memref_slice %arg6[%dma_wait3A_204, %dma_wait3A_206, %dma_wait3A_207] : memref<4x80x128xf32, #tpu.memory_space<vmem>> -> memref<1x80x128xf32, #tpu.memory_space<vmem>>
      %dma_wait3A_209 = tpu.memref_squeeze %dma_wait3A_208 : memref<1x80x128xf32, #tpu.memory_space<vmem>> -> memref<80x128xf32, #tpu.memory_space<vmem>>
      %dma_wait3A_210 = arith.constant 0 : i32
      %dma_wait3A_211 = tpu.memref_slice %arg5[%add3A_203, %dma_wait3A_210] : memref<20x80xi32, #tpu.memory_space<vmem>> -> memref<1x80xi32, #tpu.memory_space<vmem>>
      %dma_wait3A_212 = tpu.memref_squeeze %dma_wait3A_211 : memref<1x80xi32, #tpu.memory_space<vmem>> -> memref<80xi32, #tpu.memory_space<vmem>>
      %dma_wait3A_213 = arith.constant 0 : i32
      %dma_wait3A_214 = arith.constant 0 : i32
      %dma_wait3A_215 = tpu.memref_slice %arg2[%dma_wait3A_213, %dma_wait3A_214] : memref<100000x128xf32, #tpu.memory_space<hbm>> -> memref<100000x128xf32, #tpu.memory_space<hbm>>
      %dma_wait3A_216 = tpu.memref_slice %arg7[%dma_wait3A_205] : memref<4x!tpu.dma_semaphore, #tpu.memory_space<semaphore_mem>> -> memref<1x!tpu.dma_semaphore, #tpu.memory_space<semaphore_mem>>
      %dma_wait3A_217 = tpu.memref_squeeze %dma_wait3A_216 : memref<1x!tpu.dma_semaphore, #tpu.memory_space<semaphore_mem>> -> memref<!tpu.dma_semaphore, #tpu.memory_space<semaphore_mem>>
      tpu.wait_indirect_dma semaphore(%dma_wait3A_217 : memref<!tpu.dma_semaphore, #tpu.memory_space<semaphore_mem>>) src(%dma_wait3A_215 : memref<100000x128xf32, #tpu.memory_space<hbm>>) dst(%dma_wait3A_209 : memref<80x128xf32, #tpu.memory_space<vmem>>)
      %mul3A_218 = arith.constant 80 : i32
      %mul3A_219 = arith.muli %add3A_203, %mul3A_218 : i32
      %add3A_220 = arith.addi %mul3A_2, %mul3A_219 : i32
      %dma_start3A_221 = arith.constant 2 : i32
      %dma_start3A_222 = arith.constant 2 : i32
      %dma_start3A_223 = arith.constant 0 : i32
      %dma_start3A_224 = arith.constant 0 : i32
      %dma_start3A_225 = tpu.memref_slice %arg6[%dma_start3A_221, %dma_start3A_223, %dma_start3A_224] : memref<4x80x128xf32, #tpu.memory_space<vmem>> -> memref<1x80x128xf32, #tpu.memory_space<vmem>>
      %dma_start3A_226 = tpu.memref_squeeze %dma_start3A_225 : memref<1x80x128xf32, #tpu.memory_space<vmem>> -> memref<80x128xf32, #tpu.memory_space<vmem>>
      %dma_start3A_227 = arith.constant 0 : i32
      %dma_start3A_228 = tpu.memref_slice %arg4[%add3A_220, %dma_start3A_227] : memref<51200x128xf32, #tpu.memory_space<hbm>> -> memref<80x128xf32, #tpu.memory_space<hbm>>
      %dma_start3A_229 = tpu.memref_slice %arg8[%dma_start3A_222] : memref<4x!tpu.dma_semaphore, #tpu.memory_space<semaphore_mem>> -> memref<1x!tpu.dma_semaphore, #tpu.memory_space<semaphore_mem>>
      %dma_start3A_230 = tpu.memref_squeeze %dma_start3A_229 : memref<1x!tpu.dma_semaphore, #tpu.memory_space<semaphore_mem>> -> memref<!tpu.dma_semaphore, #tpu.memory_space<semaphore_mem>>
      %dma_start3A_231 = arith.constant 0 : i32
      %dma_start3A_232 = tpu.memref_slice %arg4[%add3A_220, %dma_start3A_231] : memref<51200x128xf32, #tpu.memory_space<hbm>> -> memref<80x128xf32, #tpu.memory_space<hbm>>
      %dma_start3A_233 = arith.constant 0 : i32
      %dma_start3A_234 = arith.constant 0 : i32
      %dma_start3A_235 = tpu.memref_slice %arg6[%dma_start3A_221, %dma_start3A_233, %dma_start3A_234] : memref<4x80x128xf32, #tpu.memory_space<vmem>> -> memref<1x80x128xf32, #tpu.memory_space<vmem>>
      %dma_start3A_236 = tpu.memref_squeeze %dma_start3A_235 : memref<1x80x128xf32, #tpu.memory_space<vmem>> -> memref<80x128xf32, #tpu.memory_space<vmem>>
      tpu.enqueue_dma source(%dma_start3A_236 : memref<80x128xf32, #tpu.memory_space<vmem>>) target(%dma_start3A_232 : memref<80x128xf32, #tpu.memory_space<hbm>>) target_semaphore(%dma_start3A_230 : memref<!tpu.dma_semaphore, #tpu.memory_space<semaphore_mem>>)
      %add3A_237 = arith.constant 2 : i32
      %add3A_238 = arith.addi %add3A_203, %add3A_237 : i32
      %lt3A_239 = arith.constant 20 : i32
      %lt3A_240 = arith.cmpi slt, %add3A_238, %lt3A_239 : i32
      %ge3A_241 = arith.constant 2 : i32
      %ge3A_242 = arith.cmpi sge, %add3A_203, %ge3A_241 : i32
      %and3A_243 = arith.andi %lt3A_240, %ge3A_242 : i1
      %convert_element_type3A_244 = arith.extui %and3A_243 : i1 to i32
      %cond3A_245 = arith.constant 0 : i32
      %cond3A_246 = arith.cmpi ne, %convert_element_type3A_244, %cond3A_245 : i32
      scf.if %cond3A_246 {
        %sub3A = arith.constant 4 : i32
        %sub3A_304 = arith.subi %add3A_238, %sub3A : i32
        %mul3A_305 = arith.constant 80 : i32
        %mul3A_306 = arith.muli %sub3A_304, %mul3A_305 : i32
        %add3A_307 = arith.addi %mul3A_2, %mul3A_306 : i32
        %dma_wait3A_308 = arith.constant 0 : i32
        %dma_wait3A_309 = arith.constant 0 : i32
        %dma_wait3A_310 = arith.constant 0 : i32
        %dma_wait3A_311 = arith.constant 0 : i32
        %dma_wait3A_312 = tpu.memref_slice %arg6[%dma_wait3A_308, %dma_wait3A_310, %dma_wait3A_311] : memref<4x80x128xf32, #tpu.memory_space<vmem>> -> memref<1x80x128xf32, #tpu.memory_space<vmem>>
        %dma_wait3A_313 = tpu.memref_squeeze %dma_wait3A_312 : memref<1x80x128xf32, #tpu.memory_space<vmem>> -> memref<80x128xf32, #tpu.memory_space<vmem>>
        %dma_wait3A_314 = arith.constant 0 : i32
        %dma_wait3A_315 = tpu.memref_slice %arg4[%add3A_307, %dma_wait3A_314] : memref<51200x128xf32, #tpu.memory_space<hbm>> -> memref<80x128xf32, #tpu.memory_space<hbm>>
        %dma_wait3A_316 = tpu.memref_slice %arg8[%dma_wait3A_309] : memref<4x!tpu.dma_semaphore, #tpu.memory_space<semaphore_mem>> -> memref<1x!tpu.dma_semaphore, #tpu.memory_space<semaphore_mem>>
        %dma_wait3A_317 = tpu.memref_squeeze %dma_wait3A_316 : memref<1x!tpu.dma_semaphore, #tpu.memory_space<semaphore_mem>> -> memref<!tpu.dma_semaphore, #tpu.memory_space<semaphore_mem>>
        %dma_wait3A_318 = arith.constant 0 : i32
        %dma_wait3A_319 = tpu.memref_slice %arg4[%add3A_307, %dma_wait3A_318] : memref<51200x128xf32, #tpu.memory_space<hbm>> -> memref<80x128xf32, #tpu.memory_space<hbm>>
        %dma_wait3A_320 = arith.constant 0 : i32
        %dma_wait3A_321 = arith.constant 0 : i32
        %dma_wait3A_322 = tpu.memref_slice %arg6[%dma_wait3A_308, %dma_wait3A_320, %dma_wait3A_321] : memref<4x80x128xf32, #tpu.memory_space<vmem>> -> memref<1x80x128xf32, #tpu.memory_space<vmem>>
        %dma_wait3A_323 = tpu.memref_squeeze %dma_wait3A_322 : memref<1x80x128xf32, #tpu.memory_space<vmem>> -> memref<80x128xf32, #tpu.memory_space<vmem>>
        tpu.wait_dma2 semaphore(%dma_wait3A_317 : memref<!tpu.dma_semaphore, #tpu.memory_space<semaphore_mem>>) src(%dma_wait3A_323 : memref<80x128xf32, #tpu.memory_space<vmem>>) dst(%dma_wait3A_319 : memref<80x128xf32, #tpu.memory_space<hbm>>)
      } else {
      }
      %lt3A_247 = arith.constant 20 : i32
      %lt3A_248 = arith.cmpi slt, %add3A_238, %lt3A_247 : i32
      %convert_element_type3A_249 = arith.extui %lt3A_248 : i1 to i32
      %cond3A_250 = arith.constant 0 : i32
      %cond3A_251 = arith.cmpi ne, %convert_element_type3A_249, %cond3A_250 : i32
      scf.if %cond3A_251 {
        %dma_start3A_304 = arith.constant 0 : i32
        %dma_start3A_305 = arith.constant 0 : i32
        %dma_start3A_306 = arith.constant 0 : i32
        %dma_start3A_307 = arith.constant 0 : i32
        %dma_start3A_308 = tpu.memref_slice %arg6[%dma_start3A_304, %dma_start3A_306, %dma_start3A_307] : memref<4x80x128xf32, #tpu.memory_space<vmem>> -> memref<1x80x128xf32, #tpu.memory_space<vmem>>
        %dma_start3A_309 = tpu.memref_squeeze %dma_start3A_308 : memref<1x80x128xf32, #tpu.memory_space<vmem>> -> memref<80x128xf32, #tpu.memory_space<vmem>>
        %dma_start3A_310 = arith.constant 0 : i32
        %dma_start3A_311 = tpu.memref_slice %arg5[%add3A_238, %dma_start3A_310] : memref<20x80xi32, #tpu.memory_space<vmem>> -> memref<1x80xi32, #tpu.memory_space<vmem>>
        %dma_start3A_312 = tpu.memref_squeeze %dma_start3A_311 : memref<1x80xi32, #tpu.memory_space<vmem>> -> memref<80xi32, #tpu.memory_space<vmem>>
        %dma_start3A_313 = arith.constant 0 : i32
        %dma_start3A_314 = arith.constant 0 : i32
        %dma_start3A_315 = tpu.memref_slice %arg2[%dma_start3A_313, %dma_start3A_314] : memref<100000x128xf32, #tpu.memory_space<hbm>> -> memref<100000x128xf32, #tpu.memory_space<hbm>>
        %dma_start3A_316 = tpu.memref_slice %arg7[%dma_start3A_305] : memref<4x!tpu.dma_semaphore, #tpu.memory_space<semaphore_mem>> -> memref<1x!tpu.dma_semaphore, #tpu.memory_space<semaphore_mem>>
        %dma_start3A_317 = tpu.memref_squeeze %dma_start3A_316 : memref<1x!tpu.dma_semaphore, #tpu.memory_space<semaphore_mem>> -> memref<!tpu.dma_semaphore, #tpu.memory_space<semaphore_mem>>
        tpu.enqueue_indirect_dma source(%dma_start3A_315 : memref<100000x128xf32, #tpu.memory_space<hbm>>) target(%dma_start3A_309 : memref<80x128xf32, #tpu.memory_space<vmem>>) offsets(%dma_start3A_312 : memref<80xi32, #tpu.memory_space<vmem>>) semaphore(%dma_start3A_317 : memref<!tpu.dma_semaphore, #tpu.memory_space<semaphore_mem>>)
      } else {
      }
      %mul3A_252 = arith.constant 4 : i32
      %mul3A_253 = arith.muli %scan3A_100, %mul3A_252 : i32
      %add3A_254 = arith.constant 3 : i32
      %add3A_255 = arith.addi %mul3A_253, %add3A_254 : i32
      %dma_wait3A_256 = arith.constant 3 : i32
      %dma_wait3A_257 = arith.constant 3 : i32
      %dma_wait3A_258 = arith.constant 0 : i32
      %dma_wait3A_259 = arith.constant 0 : i32
      %dma_wait3A_260 = tpu.memref_slice %arg6[%dma_wait3A_256, %dma_wait3A_258, %dma_wait3A_259] : memref<4x80x128xf32, #tpu.memory_space<vmem>> -> memref<1x80x128xf32, #tpu.memory_space<vmem>>
      %dma_wait3A_261 = tpu.memref_squeeze %dma_wait3A_260 : memref<1x80x128xf32, #tpu.memory_space<vmem>> -> memref<80x128xf32, #tpu.memory_space<vmem>>
      %dma_wait3A_262 = arith.constant 0 : i32
      %dma_wait3A_263 = tpu.memref_slice %arg5[%add3A_255, %dma_wait3A_262] : memref<20x80xi32, #tpu.memory_space<vmem>> -> memref<1x80xi32, #tpu.memory_space<vmem>>
      %dma_wait3A_264 = tpu.memref_squeeze %dma_wait3A_263 : memref<1x80xi32, #tpu.memory_space<vmem>> -> memref<80xi32, #tpu.memory_space<vmem>>
      %dma_wait3A_265 = arith.constant 0 : i32
      %dma_wait3A_266 = arith.constant 0 : i32
      %dma_wait3A_267 = tpu.memref_slice %arg2[%dma_wait3A_265, %dma_wait3A_266] : memref<100000x128xf32, #tpu.memory_space<hbm>> -> memref<100000x128xf32, #tpu.memory_space<hbm>>
      %dma_wait3A_268 = tpu.memref_slice %arg7[%dma_wait3A_257] : memref<4x!tpu.dma_semaphore, #tpu.memory_space<semaphore_mem>> -> memref<1x!tpu.dma_semaphore, #tpu.memory_space<semaphore_mem>>
      %dma_wait3A_269 = tpu.memref_squeeze %dma_wait3A_268 : memref<1x!tpu.dma_semaphore, #tpu.memory_space<semaphore_mem>> -> memref<!tpu.dma_semaphore, #tpu.memory_space<semaphore_mem>>
      tpu.wait_indirect_dma semaphore(%dma_wait3A_269 : memref<!tpu.dma_semaphore, #tpu.memory_space<semaphore_mem>>) src(%dma_wait3A_267 : memref<100000x128xf32, #tpu.memory_space<hbm>>) dst(%dma_wait3A_261 : memref<80x128xf32, #tpu.memory_space<vmem>>)
      %mul3A_270 = arith.constant 80 : i32
      %mul3A_271 = arith.muli %add3A_255, %mul3A_270 : i32
      %add3A_272 = arith.addi %mul3A_2, %mul3A_271 : i32
      %dma_start3A_273 = arith.constant 3 : i32
      %dma_start3A_274 = arith.constant 3 : i32
      %dma_start3A_275 = arith.constant 0 : i32
      %dma_start3A_276 = arith.constant 0 : i32
      %dma_start3A_277 = tpu.memref_slice %arg6[%dma_start3A_273, %dma_start3A_275, %dma_start3A_276] : memref<4x80x128xf32, #tpu.memory_space<vmem>> -> memref<1x80x128xf32, #tpu.memory_space<vmem>>
      %dma_start3A_278 = tpu.memref_squeeze %dma_start3A_277 : memref<1x80x128xf32, #tpu.memory_space<vmem>> -> memref<80x128xf32, #tpu.memory_space<vmem>>
      %dma_start3A_279 = arith.constant 0 : i32
      %dma_start3A_280 = tpu.memref_slice %arg4[%add3A_272, %dma_start3A_279] : memref<51200x128xf32, #tpu.memory_space<hbm>> -> memref<80x128xf32, #tpu.memory_space<hbm>>
      %dma_start3A_281 = tpu.memref_slice %arg8[%dma_start3A_274] : memref<4x!tpu.dma_semaphore, #tpu.memory_space<semaphore_mem>> -> memref<1x!tpu.dma_semaphore, #tpu.memory_space<semaphore_mem>>
      %dma_start3A_282 = tpu.memref_squeeze %dma_start3A_281 : memref<1x!tpu.dma_semaphore, #tpu.memory_space<semaphore_mem>> -> memref<!tpu.dma_semaphore, #tpu.memory_space<semaphore_mem>>
      %dma_start3A_283 = arith.constant 0 : i32
      %dma_start3A_284 = tpu.memref_slice %arg4[%add3A_272, %dma_start3A_283] : memref<51200x128xf32, #tpu.memory_space<hbm>> -> memref<80x128xf32, #tpu.memory_space<hbm>>
      %dma_start3A_285 = arith.constant 0 : i32
      %dma_start3A_286 = arith.constant 0 : i32
      %dma_start3A_287 = tpu.memref_slice %arg6[%dma_start3A_273, %dma_start3A_285, %dma_start3A_286] : memref<4x80x128xf32, #tpu.memory_space<vmem>> -> memref<1x80x128xf32, #tpu.memory_space<vmem>>
      %dma_start3A_288 = tpu.memref_squeeze %dma_start3A_287 : memref<1x80x128xf32, #tpu.memory_space<vmem>> -> memref<80x128xf32, #tpu.memory_space<vmem>>
      tpu.enqueue_dma source(%dma_start3A_288 : memref<80x128xf32, #tpu.memory_space<vmem>>) target(%dma_start3A_284 : memref<80x128xf32, #tpu.memory_space<hbm>>) target_semaphore(%dma_start3A_282 : memref<!tpu.dma_semaphore, #tpu.memory_space<semaphore_mem>>)
      %add3A_289 = arith.constant 2 : i32
      %add3A_290 = arith.addi %add3A_255, %add3A_289 : i32
      %lt3A_291 = arith.constant 20 : i32
      %lt3A_292 = arith.cmpi slt, %add3A_290, %lt3A_291 : i32
      %ge3A_293 = arith.constant 2 : i32
      %ge3A_294 = arith.cmpi sge, %add3A_255, %ge3A_293 : i32
      %and3A_295 = arith.andi %lt3A_292, %ge3A_294 : i1
      %convert_element_type3A_296 = arith.extui %and3A_295 : i1 to i32
      %cond3A_297 = arith.constant 0 : i32
      %cond3A_298 = arith.cmpi ne, %convert_element_type3A_296, %cond3A_297 : i32
      scf.if %cond3A_298 {
        %sub3A = arith.constant 4 : i32
        %sub3A_304 = arith.subi %add3A_290, %sub3A : i32
        %mul3A_305 = arith.constant 80 : i32
        %mul3A_306 = arith.muli %sub3A_304, %mul3A_305 : i32
        %add3A_307 = arith.addi %mul3A_2, %mul3A_306 : i32
        %dma_wait3A_308 = arith.constant 1 : i32
        %dma_wait3A_309 = arith.constant 1 : i32
        %dma_wait3A_310 = arith.constant 0 : i32
        %dma_wait3A_311 = arith.constant 0 : i32
        %dma_wait3A_312 = tpu.memref_slice %arg6[%dma_wait3A_308, %dma_wait3A_310, %dma_wait3A_311] : memref<4x80x128xf32, #tpu.memory_space<vmem>> -> memref<1x80x128xf32, #tpu.memory_space<vmem>>
        %dma_wait3A_313 = tpu.memref_squeeze %dma_wait3A_312 : memref<1x80x128xf32, #tpu.memory_space<vmem>> -> memref<80x128xf32, #tpu.memory_space<vmem>>
        %dma_wait3A_314 = arith.constant 0 : i32
        %dma_wait3A_315 = tpu.memref_slice %arg4[%add3A_307, %dma_wait3A_314] : memref<51200x128xf32, #tpu.memory_space<hbm>> -> memref<80x128xf32, #tpu.memory_space<hbm>>
        %dma_wait3A_316 = tpu.memref_slice %arg8[%dma_wait3A_309] : memref<4x!tpu.dma_semaphore, #tpu.memory_space<semaphore_mem>> -> memref<1x!tpu.dma_semaphore, #tpu.memory_space<semaphore_mem>>
        %dma_wait3A_317 = tpu.memref_squeeze %dma_wait3A_316 : memref<1x!tpu.dma_semaphore, #tpu.memory_space<semaphore_mem>> -> memref<!tpu.dma_semaphore, #tpu.memory_space<semaphore_mem>>
        %dma_wait3A_318 = arith.constant 0 : i32
        %dma_wait3A_319 = tpu.memref_slice %arg4[%add3A_307, %dma_wait3A_318] : memref<51200x128xf32, #tpu.memory_space<hbm>> -> memref<80x128xf32, #tpu.memory_space<hbm>>
        %dma_wait3A_320 = arith.constant 0 : i32
        %dma_wait3A_321 = arith.constant 0 : i32
        %dma_wait3A_322 = tpu.memref_slice %arg6[%dma_wait3A_308, %dma_wait3A_320, %dma_wait3A_321] : memref<4x80x128xf32, #tpu.memory_space<vmem>> -> memref<1x80x128xf32, #tpu.memory_space<vmem>>
        %dma_wait3A_323 = tpu.memref_squeeze %dma_wait3A_322 : memref<1x80x128xf32, #tpu.memory_space<vmem>> -> memref<80x128xf32, #tpu.memory_space<vmem>>
        tpu.wait_dma2 semaphore(%dma_wait3A_317 : memref<!tpu.dma_semaphore, #tpu.memory_space<semaphore_mem>>) src(%dma_wait3A_323 : memref<80x128xf32, #tpu.memory_space<vmem>>) dst(%dma_wait3A_319 : memref<80x128xf32, #tpu.memory_space<hbm>>)
      } else {
      }
      %lt3A_299 = arith.constant 20 : i32
      %lt3A_300 = arith.cmpi slt, %add3A_290, %lt3A_299 : i32
      %convert_element_type3A_301 = arith.extui %lt3A_300 : i1 to i32
      %cond3A_302 = arith.constant 0 : i32
      %cond3A_303 = arith.cmpi ne, %convert_element_type3A_301, %cond3A_302 : i32
      scf.if %cond3A_303 {
        %dma_start3A_304 = arith.constant 1 : i32
        %dma_start3A_305 = arith.constant 1 : i32
        %dma_start3A_306 = arith.constant 0 : i32
        %dma_start3A_307 = arith.constant 0 : i32
        %dma_start3A_308 = tpu.memref_slice %arg6[%dma_start3A_304, %dma_start3A_306, %dma_start3A_307] : memref<4x80x128xf32, #tpu.memory_space<vmem>> -> memref<1x80x128xf32, #tpu.memory_space<vmem>>
        %dma_start3A_309 = tpu.memref_squeeze %dma_start3A_308 : memref<1x80x128xf32, #tpu.memory_space<vmem>> -> memref<80x128xf32, #tpu.memory_space<vmem>>
        %dma_start3A_310 = arith.constant 0 : i32
        %dma_start3A_311 = tpu.memref_slice %arg5[%add3A_290, %dma_start3A_310] : memref<20x80xi32, #tpu.memory_space<vmem>> -> memref<1x80xi32, #tpu.memory_space<vmem>>
        %dma_start3A_312 = tpu.memref_squeeze %dma_start3A_311 : memref<1x80xi32, #tpu.memory_space<vmem>> -> memref<80xi32, #tpu.memory_space<vmem>>
        %dma_start3A_313 = arith.constant 0 : i32
        %dma_start3A_314 = arith.constant 0 : i32
        %dma_start3A_315 = tpu.memref_slice %arg2[%dma_start3A_313, %dma_start3A_314] : memref<100000x128xf32, #tpu.memory_space<hbm>> -> memref<100000x128xf32, #tpu.memory_space<hbm>>
        %dma_start3A_316 = tpu.memref_slice %arg7[%dma_start3A_305] : memref<4x!tpu.dma_semaphore, #tpu.memory_space<semaphore_mem>> -> memref<1x!tpu.dma_semaphore, #tpu.memory_space<semaphore_mem>>
        %dma_start3A_317 = tpu.memref_squeeze %dma_start3A_316 : memref<1x!tpu.dma_semaphore, #tpu.memory_space<semaphore_mem>> -> memref<!tpu.dma_semaphore, #tpu.memory_space<semaphore_mem>>
        tpu.enqueue_indirect_dma source(%dma_start3A_315 : memref<100000x128xf32, #tpu.memory_space<hbm>>) target(%dma_start3A_309 : memref<80x128xf32, #tpu.memory_space<vmem>>) offsets(%dma_start3A_312 : memref<80xi32, #tpu.memory_space<vmem>>) semaphore(%dma_start3A_317 : memref<!tpu.dma_semaphore, #tpu.memory_space<semaphore_mem>>)
      } else {
      }
    }
    %scan3A_36 = arith.constant 5 : i32
    %dma_wait3A = arith.constant 0 : i32
    %dma_wait3A_37 = arith.constant 0 : i32
    %dma_wait3A_38 = arith.constant 0 : i32
    %dma_wait3A_39 = arith.constant 0 : i32
    %dma_wait3A_40 = tpu.memref_slice %arg6[%dma_wait3A, %dma_wait3A_38, %dma_wait3A_39] : memref<4x80x128xf32, #tpu.memory_space<vmem>> -> memref<1x80x128xf32, #tpu.memory_space<vmem>>
    %dma_wait3A_41 = tpu.memref_squeeze %dma_wait3A_40 : memref<1x80x128xf32, #tpu.memory_space<vmem>> -> memref<80x128xf32, #tpu.memory_space<vmem>>
    %dma_wait3A_42 = arith.constant 0 : i32
    %dma_wait3A_43 = tpu.memref_slice %arg4[%mul3A_2, %dma_wait3A_42] : memref<51200x128xf32, #tpu.memory_space<hbm>> -> memref<80x128xf32, #tpu.memory_space<hbm>>
    %dma_wait3A_44 = tpu.memref_slice %arg8[%dma_wait3A_37] : memref<4x!tpu.dma_semaphore, #tpu.memory_space<semaphore_mem>> -> memref<1x!tpu.dma_semaphore, #tpu.memory_space<semaphore_mem>>
    %dma_wait3A_45 = tpu.memref_squeeze %dma_wait3A_44 : memref<1x!tpu.dma_semaphore, #tpu.memory_space<semaphore_mem>> -> memref<!tpu.dma_semaphore, #tpu.memory_space<semaphore_mem>>
    %dma_wait3A_46 = arith.constant 0 : i32
    %dma_wait3A_47 = tpu.memref_slice %arg4[%mul3A_2, %dma_wait3A_46] : memref<51200x128xf32, #tpu.memory_space<hbm>> -> memref<80x128xf32, #tpu.memory_space<hbm>>
    %dma_wait3A_48 = arith.constant 0 : i32
    %dma_wait3A_49 = arith.constant 0 : i32
    %dma_wait3A_50 = tpu.memref_slice %arg6[%dma_wait3A, %dma_wait3A_48, %dma_wait3A_49] : memref<4x80x128xf32, #tpu.memory_space<vmem>> -> memref<1x80x128xf32, #tpu.memory_space<vmem>>
    %dma_wait3A_51 = tpu.memref_squeeze %dma_wait3A_50 : memref<1x80x128xf32, #tpu.memory_space<vmem>> -> memref<80x128xf32, #tpu.memory_space<vmem>>
    tpu.wait_dma2 semaphore(%dma_wait3A_45 : memref<!tpu.dma_semaphore, #tpu.memory_space<semaphore_mem>>) src(%dma_wait3A_51 : memref<80x128xf32, #tpu.memory_space<vmem>>) dst(%dma_wait3A_47 : memref<80x128xf32, #tpu.memory_space<hbm>>)
    %dma_wait3A_52 = arith.constant 1 : i32
    %dma_wait3A_53 = arith.constant 1 : i32
    %dma_wait3A_54 = arith.constant 0 : i32
    %dma_wait3A_55 = arith.constant 0 : i32
    %dma_wait3A_56 = tpu.memref_slice %arg6[%dma_wait3A_52, %dma_wait3A_54, %dma_wait3A_55] : memref<4x80x128xf32, #tpu.memory_space<vmem>> -> memref<1x80x128xf32, #tpu.memory_space<vmem>>
    %dma_wait3A_57 = tpu.memref_squeeze %dma_wait3A_56 : memref<1x80x128xf32, #tpu.memory_space<vmem>> -> memref<80x128xf32, #tpu.memory_space<vmem>>
    %dma_wait3A_58 = arith.constant 0 : i32
    %dma_wait3A_59 = tpu.memref_slice %arg4[%mul3A_2, %dma_wait3A_58] : memref<51200x128xf32, #tpu.memory_space<hbm>> -> memref<80x128xf32, #tpu.memory_space<hbm>>
    %dma_wait3A_60 = tpu.memref_slice %arg8[%dma_wait3A_53] : memref<4x!tpu.dma_semaphore, #tpu.memory_space<semaphore_mem>> -> memref<1x!tpu.dma_semaphore, #tpu.memory_space<semaphore_mem>>
    %dma_wait3A_61 = tpu.memref_squeeze %dma_wait3A_60 : memref<1x!tpu.dma_semaphore, #tpu.memory_space<semaphore_mem>> -> memref<!tpu.dma_semaphore, #tpu.memory_space<semaphore_mem>>
    %dma_wait3A_62 = arith.constant 0 : i32
    %dma_wait3A_63 = tpu.memref_slice %arg4[%mul3A_2, %dma_wait3A_62] : memref<51200x128xf32, #tpu.memory_space<hbm>> -> memref<80x128xf32, #tpu.memory_space<hbm>>
    %dma_wait3A_64 = arith.constant 0 : i32
    %dma_wait3A_65 = arith.constant 0 : i32
    %dma_wait3A_66 = tpu.memref_slice %arg6[%dma_wait3A_52, %dma_wait3A_64, %dma_wait3A_65] : memref<4x80x128xf32, #tpu.memory_space<vmem>> -> memref<1x80x128xf32, #tpu.memory_space<vmem>>
    %dma_wait3A_67 = tpu.memref_squeeze %dma_wait3A_66 : memref<1x80x128xf32, #tpu.memory_space<vmem>> -> memref<80x128xf32, #tpu.memory_space<vmem>>
    tpu.wait_dma2 semaphore(%dma_wait3A_61 : memref<!tpu.dma_semaphore, #tpu.memory_space<semaphore_mem>>) src(%dma_wait3A_67 : memref<80x128xf32, #tpu.memory_space<vmem>>) dst(%dma_wait3A_63 : memref<80x128xf32, #tpu.memory_space<hbm>>)
    %dma_wait3A_68 = arith.constant 2 : i32
    %dma_wait3A_69 = arith.constant 2 : i32
    %dma_wait3A_70 = arith.constant 0 : i32
    %dma_wait3A_71 = arith.constant 0 : i32
    %dma_wait3A_72 = tpu.memref_slice %arg6[%dma_wait3A_68, %dma_wait3A_70, %dma_wait3A_71] : memref<4x80x128xf32, #tpu.memory_space<vmem>> -> memref<1x80x128xf32, #tpu.memory_space<vmem>>
    %dma_wait3A_73 = tpu.memref_squeeze %dma_wait3A_72 : memref<1x80x128xf32, #tpu.memory_space<vmem>> -> memref<80x128xf32, #tpu.memory_space<vmem>>
    %dma_wait3A_74 = arith.constant 0 : i32
    %dma_wait3A_75 = tpu.memref_slice %arg4[%mul3A_2, %dma_wait3A_74] : memref<51200x128xf32, #tpu.memory_space<hbm>> -> memref<80x128xf32, #tpu.memory_space<hbm>>
    %dma_wait3A_76 = tpu.memref_slice %arg8[%dma_wait3A_69] : memref<4x!tpu.dma_semaphore, #tpu.memory_space<semaphore_mem>> -> memref<1x!tpu.dma_semaphore, #tpu.memory_space<semaphore_mem>>
    %dma_wait3A_77 = tpu.memref_squeeze %dma_wait3A_76 : memref<1x!tpu.dma_semaphore, #tpu.memory_space<semaphore_mem>> -> memref<!tpu.dma_semaphore, #tpu.memory_space<semaphore_mem>>
    %dma_wait3A_78 = arith.constant 0 : i32
    %dma_wait3A_79 = tpu.memref_slice %arg4[%mul3A_2, %dma_wait3A_78] : memref<51200x128xf32, #tpu.memory_space<hbm>> -> memref<80x128xf32, #tpu.memory_space<hbm>>
    %dma_wait3A_80 = arith.constant 0 : i32
    %dma_wait3A_81 = arith.constant 0 : i32
    %dma_wait3A_82 = tpu.memref_slice %arg6[%dma_wait3A_68, %dma_wait3A_80, %dma_wait3A_81] : memref<4x80x128xf32, #tpu.memory_space<vmem>> -> memref<1x80x128xf32, #tpu.memory_space<vmem>>
    %dma_wait3A_83 = tpu.memref_squeeze %dma_wait3A_82 : memref<1x80x128xf32, #tpu.memory_space<vmem>> -> memref<80x128xf32, #tpu.memory_space<vmem>>
    tpu.wait_dma2 semaphore(%dma_wait3A_77 : memref<!tpu.dma_semaphore, #tpu.memory_space<semaphore_mem>>) src(%dma_wait3A_83 : memref<80x128xf32, #tpu.memory_space<vmem>>) dst(%dma_wait3A_79 : memref<80x128xf32, #tpu.memory_space<hbm>>)
    %dma_wait3A_84 = arith.constant 3 : i32
    %dma_wait3A_85 = arith.constant 3 : i32
    %dma_wait3A_86 = arith.constant 0 : i32
    %dma_wait3A_87 = arith.constant 0 : i32
    %dma_wait3A_88 = tpu.memref_slice %arg6[%dma_wait3A_84, %dma_wait3A_86, %dma_wait3A_87] : memref<4x80x128xf32, #tpu.memory_space<vmem>> -> memref<1x80x128xf32, #tpu.memory_space<vmem>>
    %dma_wait3A_89 = tpu.memref_squeeze %dma_wait3A_88 : memref<1x80x128xf32, #tpu.memory_space<vmem>> -> memref<80x128xf32, #tpu.memory_space<vmem>>
    %dma_wait3A_90 = arith.constant 0 : i32
    %dma_wait3A_91 = tpu.memref_slice %arg4[%mul3A_2, %dma_wait3A_90] : memref<51200x128xf32, #tpu.memory_space<hbm>> -> memref<80x128xf32, #tpu.memory_space<hbm>>
    %dma_wait3A_92 = tpu.memref_slice %arg8[%dma_wait3A_85] : memref<4x!tpu.dma_semaphore, #tpu.memory_space<semaphore_mem>> -> memref<1x!tpu.dma_semaphore, #tpu.memory_space<semaphore_mem>>
    %dma_wait3A_93 = tpu.memref_squeeze %dma_wait3A_92 : memref<1x!tpu.dma_semaphore, #tpu.memory_space<semaphore_mem>> -> memref<!tpu.dma_semaphore, #tpu.memory_space<semaphore_mem>>
    %dma_wait3A_94 = arith.constant 0 : i32
    %dma_wait3A_95 = tpu.memref_slice %arg4[%mul3A_2, %dma_wait3A_94] : memref<51200x128xf32, #tpu.memory_space<hbm>> -> memref<80x128xf32, #tpu.memory_space<hbm>>
    %dma_wait3A_96 = arith.constant 0 : i32
    %dma_wait3A_97 = arith.constant 0 : i32
    %dma_wait3A_98 = tpu.memref_slice %arg6[%dma_wait3A_84, %dma_wait3A_96, %dma_wait3A_97] : memref<4x80x128xf32, #tpu.memory_space<vmem>> -> memref<1x80x128xf32, #tpu.memory_space<vmem>>
    %dma_wait3A_99 = tpu.memref_squeeze %dma_wait3A_98 : memref<1x80x128xf32, #tpu.memory_space<vmem>> -> memref<80x128xf32, #tpu.memory_space<vmem>>
    tpu.wait_dma2 semaphore(%dma_wait3A_93 : memref<!tpu.dma_semaphore, #tpu.memory_space<semaphore_mem>>) src(%dma_wait3A_99 : memref<80x128xf32, #tpu.memory_space<vmem>>) dst(%dma_wait3A_95 : memref<80x128xf32, #tpu.memory_space<hbm>>)
    return
  }
}

#map = affine_map<(d0, d1) -> (0, 0)>
#map1 = affine_map<(d0, d1) -> (0, 0, 0)>
module attributes {stable_mosaic.version = 14 : i64} {
  func.func @k(%arg0: i32, %arg1: i32, %arg2: memref<100000x128xf32, #tpu.memory_space<hbm>>, %arg3: memref<32x20x80xi32, #tpu.memory_space<hbm>>, %arg4: memref<51200x128xf32, #tpu.memory_space<hbm>>, %arg5: memref<20x80xi32, #tpu.memory_space<vmem>>, %arg6: memref<4x80x128xf32, #tpu.memory_space<vmem>>, %arg7: memref<4x!tpu.dma_semaphore, #tpu.memory_space<semaphore_mem>>, %arg8: memref<4x!tpu.dma_semaphore, #tpu.memory_space<semaphore_mem>>) attributes {dimension_semantics = [#tpu.dimension_semantics<core_parallel>, #tpu.dimension_semantics<subcore_parallel>], iteration_bounds = array<i64: 2, 16>, scalar_prefetch = 0 : i64, scratch_operands = 4 : i64, tpu.core_type = #tpu.core_type<sc_vector_subcore>, window_params = [{transform_indices = #map}, {transform_indices = #map1}, {transform_indices = #map}]} {
    %mul3A = arith.constant 2 : i32
    %mul3A_0 = arith.muli %arg1, %mul3A : i32
    %add3A = arith.addi %mul3A_0, %arg0 : i32
    %mul3A_1 = arith.constant 1600 : i32
    %mul3A_2 = arith.muli %add3A, %mul3A_1 : i32
    "tpu.region"() ({
      %run_scoped3A = tpu.sem_alloc : memref<!tpu.dma_semaphore, #tpu.memory_space<semaphore_mem>>
      %dma_start3A_100 = arith.constant 0 : i32
      %dma_start3A_101 = arith.constant 0 : i32
      %dma_start3A_102 = tpu.memref_slice %arg3[%add3A, %dma_start3A_100, %dma_start3A_101] : memref<32x20x80xi32, #tpu.memory_space<hbm>> -> memref<1x20x80xi32, #tpu.memory_space<hbm>>
      %dma_start3A_103 = tpu.memref_squeeze %dma_start3A_102 : memref<1x20x80xi32, #tpu.memory_space<hbm>> -> memref<20x80xi32, #tpu.memory_space<hbm>>
      %dma_start3A_104 = arith.constant 0 : i32
      %dma_start3A_105 = arith.constant 0 : i32
      %dma_start3A_106 = tpu.memref_slice %arg3[%add3A, %dma_start3A_104, %dma_start3A_105] : memref<32x20x80xi32, #tpu.memory_space<hbm>> -> memref<1x20x80xi32, #tpu.memory_space<hbm>>
      %dma_start3A_107 = tpu.memref_squeeze %dma_start3A_106 : memref<1x20x80xi32, #tpu.memory_space<hbm>> -> memref<20x80xi32, #tpu.memory_space<hbm>>
      tpu.enqueue_dma source(%dma_start3A_107 : memref<20x80xi32, #tpu.memory_space<hbm>>) target(%arg5 : memref<20x80xi32, #tpu.memory_space<vmem>>) target_semaphore(%run_scoped3A : memref<!tpu.dma_semaphore, #tpu.memory_space<semaphore_mem>>)
      %dma_wait3A_108 = arith.constant 0 : i32
      %dma_wait3A_109 = arith.constant 0 : i32
      %dma_wait3A_110 = tpu.memref_slice %arg3[%add3A, %dma_wait3A_108, %dma_wait3A_109] : memref<32x20x80xi32, #tpu.memory_space<hbm>> -> memref<1x20x80xi32, #tpu.memory_space<hbm>>
      %dma_wait3A_111 = tpu.memref_squeeze %dma_wait3A_110 : memref<1x20x80xi32, #tpu.memory_space<hbm>> -> memref<20x80xi32, #tpu.memory_space<hbm>>
      %dma_wait3A_112 = arith.constant 0 : i32
      %dma_wait3A_113 = arith.constant 0 : i32
      %dma_wait3A_114 = tpu.memref_slice %arg3[%add3A, %dma_wait3A_112, %dma_wait3A_113] : memref<32x20x80xi32, #tpu.memory_space<hbm>> -> memref<1x20x80xi32, #tpu.memory_space<hbm>>
      %dma_wait3A_115 = tpu.memref_squeeze %dma_wait3A_114 : memref<1x20x80xi32, #tpu.memory_space<hbm>> -> memref<20x80xi32, #tpu.memory_space<hbm>>
      tpu.wait_dma2 semaphore(%run_scoped3A : memref<!tpu.dma_semaphore, #tpu.memory_space<semaphore_mem>>) src(%dma_wait3A_115 : memref<20x80xi32, #tpu.memory_space<hbm>>) dst(%arg5 : memref<20x80xi32, #tpu.memory_space<vmem>>)
      tpu.yield
    }) : () -> ()
    %dma_start3A = arith.constant 0 : i32
    %dma_start3A_3 = arith.constant 0 : i32
    %dma_start3A_4 = arith.constant 0 : i32
    %dma_start3A_5 = arith.constant 0 : i32
    %dma_start3A_6 = arith.constant 0 : i32
    %dma_start3A_7 = tpu.memref_slice %arg6[%dma_start3A_3, %dma_start3A_5, %dma_start3A_6] : memref<4x80x128xf32, #tpu.memory_space<vmem>> -> memref<1x80x128xf32, #tpu.memory_space<vmem>>
    %dma_start3A_8 = tpu.memref_squeeze %dma_start3A_7 : memref<1x80x128xf32, #tpu.memory_space<vmem>> -> memref<80x128xf32, #tpu.memory_space<vmem>>
    %dma_start3A_9 = arith.constant 0 : i32
    %dma_start3A_10 = tpu.memref_slice %arg5[%dma_start3A, %dma_start3A_9] : memref<20x80xi32, #tpu.memory_space<vmem>> -> memref<1x80xi32, #tpu.memory_space<vmem>>
    %dma_start3A_11 = tpu.memref_squeeze %dma_start3A_10 : memref<1x80xi32, #tpu.memory_space<vmem>> -> memref<80xi32, #tpu.memory_space<vmem>>
    %dma_start3A_12 = arith.constant 0 : i32
    %dma_start3A_13 = arith.constant 0 : i32
    %dma_start3A_14 = tpu.memref_slice %arg2[%dma_start3A_12, %dma_start3A_13] : memref<100000x128xf32, #tpu.memory_space<hbm>> -> memref<100000x128xf32, #tpu.memory_space<hbm>>
    %dma_start3A_15 = tpu.memref_slice %arg7[%dma_start3A_4] : memref<4x!tpu.dma_semaphore, #tpu.memory_space<semaphore_mem>> -> memref<1x!tpu.dma_semaphore, #tpu.memory_space<semaphore_mem>>
    %dma_start3A_16 = tpu.memref_squeeze %dma_start3A_15 : memref<1x!tpu.dma_semaphore, #tpu.memory_space<semaphore_mem>> -> memref<!tpu.dma_semaphore, #tpu.memory_space<semaphore_mem>>
    tpu.enqueue_indirect_dma source(%dma_start3A_14 : memref<100000x128xf32, #tpu.memory_space<hbm>>) target(%dma_start3A_8 : memref<80x128xf32, #tpu.memory_space<vmem>>) offsets(%dma_start3A_11 : memref<80xi32, #tpu.memory_space<vmem>>) semaphore(%dma_start3A_16 : memref<!tpu.dma_semaphore, #tpu.memory_space<semaphore_mem>>)
    %dma_start3A_17 = arith.constant 1 : i32
    %dma_start3A_18 = arith.constant 1 : i32
    %dma_start3A_19 = arith.constant 1 : i32
    %dma_start3A_20 = arith.constant 0 : i32
    %dma_start3A_21 = arith.constant 0 : i32
    %dma_start3A_22 = tpu.memref_slice %arg6[%dma_start3A_18, %dma_start3A_20, %dma_start3A_21] : memref<4x80x128xf32, #tpu.memory_space<vmem>> -> memref<1x80x128xf32, #tpu.memory_space<vmem>>
    %dma_start3A_23 = tpu.memref_squeeze %dma_start3A_22 : memref<1x80x128xf32, #tpu.memory_space<vmem>> -> memref<80x128xf32, #tpu.memory_space<vmem>>
    %dma_start3A_24 = arith.constant 0 : i32
    %dma_start3A_25 = tpu.memref_slice %arg5[%dma_start3A_17, %dma_start3A_24] : memref<20x80xi32, #tpu.memory_space<vmem>> -> memref<1x80xi32, #tpu.memory_space<vmem>>
    %dma_start3A_26 = tpu.memref_squeeze %dma_start3A_25 : memref<1x80xi32, #tpu.memory_space<vmem>> -> memref<80xi32, #tpu.memory_space<vmem>>
    %dma_start3A_27 = arith.constant 0 : i32
    %dma_start3A_28 = arith.constant 0 : i32
    %dma_start3A_29 = tpu.memref_slice %arg2[%dma_start3A_27, %dma_start3A_28] : memref<100000x128xf32, #tpu.memory_space<hbm>> -> memref<100000x128xf32, #tpu.memory_space<hbm>>
    %dma_start3A_30 = tpu.memref_slice %arg7[%dma_start3A_19] : memref<4x!tpu.dma_semaphore, #tpu.memory_space<semaphore_mem>> -> memref<1x!tpu.dma_semaphore, #tpu.memory_space<semaphore_mem>>
    %dma_start3A_31 = tpu.memref_squeeze %dma_start3A_30 : memref<1x!tpu.dma_semaphore, #tpu.memory_space<semaphore_mem>> -> memref<!tpu.dma_semaphore, #tpu.memory_space<semaphore_mem>>
    tpu.enqueue_indirect_dma source(%dma_start3A_29 : memref<100000x128xf32, #tpu.memory_space<hbm>>) target(%dma_start3A_23 : memref<80x128xf32, #tpu.memory_space<vmem>>) offsets(%dma_start3A_26 : memref<80xi32, #tpu.memory_space<vmem>>) semaphore(%dma_start3A_31 : memref<!tpu.dma_semaphore, #tpu.memory_space<semaphore_mem>>)
    %scan3A = arith.constant 0 : i32
    %scan3A_32 = arith.constant 0 : i32
    %scan3A_33 = arith.constant 5 : i32
    %scan3A_34 = arith.addi %scan3A_32, %scan3A_33 : i32
    %scan3A_35 = arith.constant 1 : i32
    scf.for %scan3A_100 = %scan3A_32 to %scan3A_34 step %scan3A_35  : i32 {
      %mul3A_101 = arith.constant 4 : i32
      %mul3A_102 = arith.muli %scan3A_100, %mul3A_101 : i32
      %add3A_103 = arith.constant 0 : i32
      %add3A_104 = arith.addi %mul3A_102, %add3A_103 : i32
      %dma_wait3A_105 = arith.constant 0 : i32
      %dma_wait3A_106 = arith.constant 0 : i32
      %dma_wait3A_107 = arith.constant 0 : i32
      %dma_wait3A_108 = arith.constant 0 : i32
      %dma_wait3A_109 = tpu.memref_slice %arg6[%dma_wait3A_105, %dma_wait3A_107, %dma_wait3A_108] : memref<4x80x128xf32, #tpu.memory_space<vmem>> -> memref<1x80x128xf32, #tpu.memory_space<vmem>>
      %dma_wait3A_110 = tpu.memref_squeeze %dma_wait3A_109 : memref<1x80x128xf32, #tpu.memory_space<vmem>> -> memref<80x128xf32, #tpu.memory_space<vmem>>
      %dma_wait3A_111 = arith.constant 0 : i32
      %dma_wait3A_112 = tpu.memref_slice %arg5[%add3A_104, %dma_wait3A_111] : memref<20x80xi32, #tpu.memory_space<vmem>> -> memref<1x80xi32, #tpu.memory_space<vmem>>
      %dma_wait3A_113 = tpu.memref_squeeze %dma_wait3A_112 : memref<1x80xi32, #tpu.memory_space<vmem>> -> memref<80xi32, #tpu.memory_space<vmem>>
      %dma_wait3A_114 = arith.constant 0 : i32
      %dma_wait3A_115 = arith.constant 0 : i32
      %dma_wait3A_116 = tpu.memref_slice %arg2[%dma_wait3A_114, %dma_wait3A_115] : memref<100000x128xf32, #tpu.memory_space<hbm>> -> memref<100000x128xf32, #tpu.memory_space<hbm>>
      %dma_wait3A_117 = tpu.memref_slice %arg7[%dma_wait3A_106] : memref<4x!tpu.dma_semaphore, #tpu.memory_space<semaphore_mem>> -> memref<1x!tpu.dma_semaphore, #tpu.memory_space<semaphore_mem>>
      %dma_wait3A_118 = tpu.memref_squeeze %dma_wait3A_117 : memref<1x!tpu.dma_semaphore, #tpu.memory_space<semaphore_mem>> -> memref<!tpu.dma_semaphore, #tpu.memory_space<semaphore_mem>>
      tpu.wait_indirect_dma semaphore(%dma_wait3A_118 : memref<!tpu.dma_semaphore, #tpu.memory_space<semaphore_mem>>) src(%dma_wait3A_116 : memref<100000x128xf32, #tpu.memory_space<hbm>>) dst(%dma_wait3A_110 : memref<80x128xf32, #tpu.memory_space<vmem>>)
      %mul3A_119 = arith.constant 80 : i32
      %mul3A_120 = arith.muli %add3A_104, %mul3A_119 : i32
      %add3A_121 = arith.addi %mul3A_2, %mul3A_120 : i32
      %dma_start3A_122 = arith.constant 0 : i32
      %dma_start3A_123 = arith.constant 0 : i32
      %dma_start3A_124 = arith.constant 0 : i32
      %dma_start3A_125 = arith.constant 0 : i32
      %dma_start3A_126 = tpu.memref_slice %arg6[%dma_start3A_122, %dma_start3A_124, %dma_start3A_125] : memref<4x80x128xf32, #tpu.memory_space<vmem>> -> memref<1x80x128xf32, #tpu.memory_space<vmem>>
      %dma_start3A_127 = tpu.memref_squeeze %dma_start3A_126 : memref<1x80x128xf32, #tpu.memory_space<vmem>> -> memref<80x128xf32, #tpu.memory_space<vmem>>
      %dma_start3A_128 = arith.constant 0 : i32
      %dma_start3A_129 = tpu.memref_slice %arg4[%add3A_121, %dma_start3A_128] : memref<51200x128xf32, #tpu.memory_space<hbm>> -> memref<80x128xf32, #tpu.memory_space<hbm>>
      %dma_start3A_130 = tpu.memref_slice %arg8[%dma_start3A_123] : memref<4x!tpu.dma_semaphore, #tpu.memory_space<semaphore_mem>> -> memref<1x!tpu.dma_semaphore, #tpu.memory_space<semaphore_mem>>
      %dma_start3A_131 = tpu.memref_squeeze %dma_start3A_130 : memref<1x!tpu.dma_semaphore, #tpu.memory_space<semaphore_mem>> -> memref<!tpu.dma_semaphore, #tpu.memory_space<semaphore_mem>>
      %dma_start3A_132 = arith.constant 0 : i32
      %dma_start3A_133 = tpu.memref_slice %arg4[%add3A_121, %dma_start3A_132] : memref<51200x128xf32, #tpu.memory_space<hbm>> -> memref<80x128xf32, #tpu.memory_space<hbm>>
      %dma_start3A_134 = arith.constant 0 : i32
      %dma_start3A_135 = arith.constant 0 : i32
      %dma_start3A_136 = tpu.memref_slice %arg6[%dma_start3A_122, %dma_start3A_134, %dma_start3A_135] : memref<4x80x128xf32, #tpu.memory_space<vmem>> -> memref<1x80x128xf32, #tpu.memory_space<vmem>>
      %dma_start3A_137 = tpu.memref_squeeze %dma_start3A_136 : memref<1x80x128xf32, #tpu.memory_space<vmem>> -> memref<80x128xf32, #tpu.memory_space<vmem>>
      tpu.enqueue_dma source(%dma_start3A_137 : memref<80x128xf32, #tpu.memory_space<vmem>>) target(%dma_start3A_133 : memref<80x128xf32, #tpu.memory_space<hbm>>) target_semaphore(%dma_start3A_131 : memref<!tpu.dma_semaphore, #tpu.memory_space<semaphore_mem>>)
      %add3A_138 = arith.constant 2 : i32
      %add3A_139 = arith.addi %add3A_104, %add3A_138 : i32
      %lt3A = arith.constant 20 : i32
      %lt3A_140 = arith.cmpi slt, %add3A_139, %lt3A : i32
      %ge3A = arith.constant 2 : i32
      %ge3A_141 = arith.cmpi sge, %add3A_104, %ge3A : i32
      %and3A = arith.andi %lt3A_140, %ge3A_141 : i1
      %convert_element_type3A = arith.extui %and3A : i1 to i32
      %cond3A = arith.constant 0 : i32
      %cond3A_142 = arith.cmpi ne, %convert_element_type3A, %cond3A : i32
      scf.if %cond3A_142 {
        %sub3A = arith.constant 4 : i32
        %sub3A_304 = arith.subi %add3A_139, %sub3A : i32
        %mul3A_305 = arith.constant 80 : i32
        %mul3A_306 = arith.muli %sub3A_304, %mul3A_305 : i32
        %add3A_307 = arith.addi %mul3A_2, %mul3A_306 : i32
        %dma_wait3A_308 = arith.constant 2 : i32
        %dma_wait3A_309 = arith.constant 2 : i32
        %dma_wait3A_310 = arith.constant 0 : i32
        %dma_wait3A_311 = arith.constant 0 : i32
        %dma_wait3A_312 = tpu.memref_slice %arg6[%dma_wait3A_308, %dma_wait3A_310, %dma_wait3A_311] : memref<4x80x128xf32, #tpu.memory_space<vmem>> -> memref<1x80x128xf32, #tpu.memory_space<vmem>>
        %dma_wait3A_313 = tpu.memref_squeeze %dma_wait3A_312 : memref<1x80x128xf32, #tpu.memory_space<vmem>> -> memref<80x128xf32, #tpu.memory_space<vmem>>
        %dma_wait3A_314 = arith.constant 0 : i32
        %dma_wait3A_315 = tpu.memref_slice %arg4[%add3A_307, %dma_wait3A_314] : memref<51200x128xf32, #tpu.memory_space<hbm>> -> memref<80x128xf32, #tpu.memory_space<hbm>>
        %dma_wait3A_316 = tpu.memref_slice %arg8[%dma_wait3A_309] : memref<4x!tpu.dma_semaphore, #tpu.memory_space<semaphore_mem>> -> memref<1x!tpu.dma_semaphore, #tpu.memory_space<semaphore_mem>>
        %dma_wait3A_317 = tpu.memref_squeeze %dma_wait3A_316 : memref<1x!tpu.dma_semaphore, #tpu.memory_space<semaphore_mem>> -> memref<!tpu.dma_semaphore, #tpu.memory_space<semaphore_mem>>
        %dma_wait3A_318 = arith.constant 0 : i32
        %dma_wait3A_319 = tpu.memref_slice %arg4[%add3A_307, %dma_wait3A_318] : memref<51200x128xf32, #tpu.memory_space<hbm>> -> memref<80x128xf32, #tpu.memory_space<hbm>>
        %dma_wait3A_320 = arith.constant 0 : i32
        %dma_wait3A_321 = arith.constant 0 : i32
        %dma_wait3A_322 = tpu.memref_slice %arg6[%dma_wait3A_308, %dma_wait3A_320, %dma_wait3A_321] : memref<4x80x128xf32, #tpu.memory_space<vmem>> -> memref<1x80x128xf32, #tpu.memory_space<vmem>>
        %dma_wait3A_323 = tpu.memref_squeeze %dma_wait3A_322 : memref<1x80x128xf32, #tpu.memory_space<vmem>> -> memref<80x128xf32, #tpu.memory_space<vmem>>
        tpu.wait_dma2 semaphore(%dma_wait3A_317 : memref<!tpu.dma_semaphore, #tpu.memory_space<semaphore_mem>>) src(%dma_wait3A_323 : memref<80x128xf32, #tpu.memory_space<vmem>>) dst(%dma_wait3A_319 : memref<80x128xf32, #tpu.memory_space<hbm>>)
      } else {
      }
      %lt3A_143 = arith.constant 20 : i32
      %lt3A_144 = arith.cmpi slt, %add3A_139, %lt3A_143 : i32
      %convert_element_type3A_145 = arith.extui %lt3A_144 : i1 to i32
      %cond3A_146 = arith.constant 0 : i32
      %cond3A_147 = arith.cmpi ne, %convert_element_type3A_145, %cond3A_146 : i32
      scf.if %cond3A_147 {
        %dma_start3A_304 = arith.constant 2 : i32
        %dma_start3A_305 = arith.constant 2 : i32
        %dma_start3A_306 = arith.constant 0 : i32
        %dma_start3A_307 = arith.constant 0 : i32
        %dma_start3A_308 = tpu.memref_slice %arg6[%dma_start3A_304, %dma_start3A_306, %dma_start3A_307] : memref<4x80x128xf32, #tpu.memory_space<vmem>> -> memref<1x80x128xf32, #tpu.memory_space<vmem>>
        %dma_start3A_309 = tpu.memref_squeeze %dma_start3A_308 : memref<1x80x128xf32, #tpu.memory_space<vmem>> -> memref<80x128xf32, #tpu.memory_space<vmem>>
        %dma_start3A_310 = arith.constant 0 : i32
        %dma_start3A_311 = tpu.memref_slice %arg5[%add3A_139, %dma_start3A_310] : memref<20x80xi32, #tpu.memory_space<vmem>> -> memref<1x80xi32, #tpu.memory_space<vmem>>
        %dma_start3A_312 = tpu.memref_squeeze %dma_start3A_311 : memref<1x80xi32, #tpu.memory_space<vmem>> -> memref<80xi32, #tpu.memory_space<vmem>>
        %dma_start3A_313 = arith.constant 0 : i32
        %dma_start3A_314 = arith.constant 0 : i32
        %dma_start3A_315 = tpu.memref_slice %arg2[%dma_start3A_313, %dma_start3A_314] : memref<100000x128xf32, #tpu.memory_space<hbm>> -> memref<100000x128xf32, #tpu.memory_space<hbm>>
        %dma_start3A_316 = tpu.memref_slice %arg7[%dma_start3A_305] : memref<4x!tpu.dma_semaphore, #tpu.memory_space<semaphore_mem>> -> memref<1x!tpu.dma_semaphore, #tpu.memory_space<semaphore_mem>>
        %dma_start3A_317 = tpu.memref_squeeze %dma_start3A_316 : memref<1x!tpu.dma_semaphore, #tpu.memory_space<semaphore_mem>> -> memref<!tpu.dma_semaphore, #tpu.memory_space<semaphore_mem>>
        tpu.enqueue_indirect_dma source(%dma_start3A_315 : memref<100000x128xf32, #tpu.memory_space<hbm>>) target(%dma_start3A_309 : memref<80x128xf32, #tpu.memory_space<vmem>>) offsets(%dma_start3A_312 : memref<80xi32, #tpu.memory_space<vmem>>) semaphore(%dma_start3A_317 : memref<!tpu.dma_semaphore, #tpu.memory_space<semaphore_mem>>)
      } else {
      }
      %mul3A_148 = arith.constant 4 : i32
      %mul3A_149 = arith.muli %scan3A_100, %mul3A_148 : i32
      %add3A_150 = arith.constant 1 : i32
      %add3A_151 = arith.addi %mul3A_149, %add3A_150 : i32
      %dma_wait3A_152 = arith.constant 1 : i32
      %dma_wait3A_153 = arith.constant 1 : i32
      %dma_wait3A_154 = arith.constant 0 : i32
      %dma_wait3A_155 = arith.constant 0 : i32
      %dma_wait3A_156 = tpu.memref_slice %arg6[%dma_wait3A_152, %dma_wait3A_154, %dma_wait3A_155] : memref<4x80x128xf32, #tpu.memory_space<vmem>> -> memref<1x80x128xf32, #tpu.memory_space<vmem>>
      %dma_wait3A_157 = tpu.memref_squeeze %dma_wait3A_156 : memref<1x80x128xf32, #tpu.memory_space<vmem>> -> memref<80x128xf32, #tpu.memory_space<vmem>>
      %dma_wait3A_158 = arith.constant 0 : i32
      %dma_wait3A_159 = tpu.memref_slice %arg5[%add3A_151, %dma_wait3A_158] : memref<20x80xi32, #tpu.memory_space<vmem>> -> memref<1x80xi32, #tpu.memory_space<vmem>>
      %dma_wait3A_160 = tpu.memref_squeeze %dma_wait3A_159 : memref<1x80xi32, #tpu.memory_space<vmem>> -> memref<80xi32, #tpu.memory_space<vmem>>
      %dma_wait3A_161 = arith.constant 0 : i32
      %dma_wait3A_162 = arith.constant 0 : i32
      %dma_wait3A_163 = tpu.memref_slice %arg2[%dma_wait3A_161, %dma_wait3A_162] : memref<100000x128xf32, #tpu.memory_space<hbm>> -> memref<100000x128xf32, #tpu.memory_space<hbm>>
      %dma_wait3A_164 = tpu.memref_slice %arg7[%dma_wait3A_153] : memref<4x!tpu.dma_semaphore, #tpu.memory_space<semaphore_mem>> -> memref<1x!tpu.dma_semaphore, #tpu.memory_space<semaphore_mem>>
      %dma_wait3A_165 = tpu.memref_squeeze %dma_wait3A_164 : memref<1x!tpu.dma_semaphore, #tpu.memory_space<semaphore_mem>> -> memref<!tpu.dma_semaphore, #tpu.memory_space<semaphore_mem>>
      tpu.wait_indirect_dma semaphore(%dma_wait3A_165 : memref<!tpu.dma_semaphore, #tpu.memory_space<semaphore_mem>>) src(%dma_wait3A_163 : memref<100000x128xf32, #tpu.memory_space<hbm>>) dst(%dma_wait3A_157 : memref<80x128xf32, #tpu.memory_space<vmem>>)
      %mul3A_166 = arith.constant 80 : i32
      %mul3A_167 = arith.muli %add3A_151, %mul3A_166 : i32
      %add3A_168 = arith.addi %mul3A_2, %mul3A_167 : i32
      %dma_start3A_169 = arith.constant 1 : i32
      %dma_start3A_170 = arith.constant 1 : i32
      %dma_start3A_171 = arith.constant 0 : i32
      %dma_start3A_172 = arith.constant 0 : i32
      %dma_start3A_173 = tpu.memref_slice %arg6[%dma_start3A_169, %dma_start3A_171, %dma_start3A_172] : memref<4x80x128xf32, #tpu.memory_space<vmem>> -> memref<1x80x128xf32, #tpu.memory_space<vmem>>
      %dma_start3A_174 = tpu.memref_squeeze %dma_start3A_173 : memref<1x80x128xf32, #tpu.memory_space<vmem>> -> memref<80x128xf32, #tpu.memory_space<vmem>>
      %dma_start3A_175 = arith.constant 0 : i32
      %dma_start3A_176 = tpu.memref_slice %arg4[%add3A_168, %dma_start3A_175] : memref<51200x128xf32, #tpu.memory_space<hbm>> -> memref<80x128xf32, #tpu.memory_space<hbm>>
      %dma_start3A_177 = tpu.memref_slice %arg8[%dma_start3A_170] : memref<4x!tpu.dma_semaphore, #tpu.memory_space<semaphore_mem>> -> memref<1x!tpu.dma_semaphore, #tpu.memory_space<semaphore_mem>>
      %dma_start3A_178 = tpu.memref_squeeze %dma_start3A_177 : memref<1x!tpu.dma_semaphore, #tpu.memory_space<semaphore_mem>> -> memref<!tpu.dma_semaphore, #tpu.memory_space<semaphore_mem>>
      %dma_start3A_179 = arith.constant 0 : i32
      %dma_start3A_180 = tpu.memref_slice %arg4[%add3A_168, %dma_start3A_179] : memref<51200x128xf32, #tpu.memory_space<hbm>> -> memref<80x128xf32, #tpu.memory_space<hbm>>
      %dma_start3A_181 = arith.constant 0 : i32
      %dma_start3A_182 = arith.constant 0 : i32
      %dma_start3A_183 = tpu.memref_slice %arg6[%dma_start3A_169, %dma_start3A_181, %dma_start3A_182] : memref<4x80x128xf32, #tpu.memory_space<vmem>> -> memref<1x80x128xf32, #tpu.memory_space<vmem>>
      %dma_start3A_184 = tpu.memref_squeeze %dma_start3A_183 : memref<1x80x128xf32, #tpu.memory_space<vmem>> -> memref<80x128xf32, #tpu.memory_space<vmem>>
      tpu.enqueue_dma source(%dma_start3A_184 : memref<80x128xf32, #tpu.memory_space<vmem>>) target(%dma_start3A_180 : memref<80x128xf32, #tpu.memory_space<hbm>>) target_semaphore(%dma_start3A_178 : memref<!tpu.dma_semaphore, #tpu.memory_space<semaphore_mem>>)
      %add3A_185 = arith.constant 2 : i32
      %add3A_186 = arith.addi %add3A_151, %add3A_185 : i32
      %lt3A_187 = arith.constant 20 : i32
      %lt3A_188 = arith.cmpi slt, %add3A_186, %lt3A_187 : i32
      %ge3A_189 = arith.constant 2 : i32
      %ge3A_190 = arith.cmpi sge, %add3A_151, %ge3A_189 : i32
      %and3A_191 = arith.andi %lt3A_188, %ge3A_190 : i1
      %convert_element_type3A_192 = arith.extui %and3A_191 : i1 to i32
      %cond3A_193 = arith.constant 0 : i32
      %cond3A_194 = arith.cmpi ne, %convert_element_type3A_192, %cond3A_193 : i32
      scf.if %cond3A_194 {
        %sub3A = arith.constant 4 : i32
        %sub3A_304 = arith.subi %add3A_186, %sub3A : i32
        %mul3A_305 = arith.constant 80 : i32
        %mul3A_306 = arith.muli %sub3A_304, %mul3A_305 : i32
        %add3A_307 = arith.addi %mul3A_2, %mul3A_306 : i32
        %dma_wait3A_308 = arith.constant 3 : i32
        %dma_wait3A_309 = arith.constant 3 : i32
        %dma_wait3A_310 = arith.constant 0 : i32
        %dma_wait3A_311 = arith.constant 0 : i32
        %dma_wait3A_312 = tpu.memref_slice %arg6[%dma_wait3A_308, %dma_wait3A_310, %dma_wait3A_311] : memref<4x80x128xf32, #tpu.memory_space<vmem>> -> memref<1x80x128xf32, #tpu.memory_space<vmem>>
        %dma_wait3A_313 = tpu.memref_squeeze %dma_wait3A_312 : memref<1x80x128xf32, #tpu.memory_space<vmem>> -> memref<80x128xf32, #tpu.memory_space<vmem>>
        %dma_wait3A_314 = arith.constant 0 : i32
        %dma_wait3A_315 = tpu.memref_slice %arg4[%add3A_307, %dma_wait3A_314] : memref<51200x128xf32, #tpu.memory_space<hbm>> -> memref<80x128xf32, #tpu.memory_space<hbm>>
        %dma_wait3A_316 = tpu.memref_slice %arg8[%dma_wait3A_309] : memref<4x!tpu.dma_semaphore, #tpu.memory_space<semaphore_mem>> -> memref<1x!tpu.dma_semaphore, #tpu.memory_space<semaphore_mem>>
        %dma_wait3A_317 = tpu.memref_squeeze %dma_wait3A_316 : memref<1x!tpu.dma_semaphore, #tpu.memory_space<semaphore_mem>> -> memref<!tpu.dma_semaphore, #tpu.memory_space<semaphore_mem>>
        %dma_wait3A_318 = arith.constant 0 : i32
        %dma_wait3A_319 = tpu.memref_slice %arg4[%add3A_307, %dma_wait3A_318] : memref<51200x128xf32, #tpu.memory_space<hbm>> -> memref<80x128xf32, #tpu.memory_space<hbm>>
        %dma_wait3A_320 = arith.constant 0 : i32
        %dma_wait3A_321 = arith.constant 0 : i32
        %dma_wait3A_322 = tpu.memref_slice %arg6[%dma_wait3A_308, %dma_wait3A_320, %dma_wait3A_321] : memref<4x80x128xf32, #tpu.memory_space<vmem>> -> memref<1x80x128xf32, #tpu.memory_space<vmem>>
        %dma_wait3A_323 = tpu.memref_squeeze %dma_wait3A_322 : memref<1x80x128xf32, #tpu.memory_space<vmem>> -> memref<80x128xf32, #tpu.memory_space<vmem>>
        tpu.wait_dma2 semaphore(%dma_wait3A_317 : memref<!tpu.dma_semaphore, #tpu.memory_space<semaphore_mem>>) src(%dma_wait3A_323 : memref<80x128xf32, #tpu.memory_space<vmem>>) dst(%dma_wait3A_319 : memref<80x128xf32, #tpu.memory_space<hbm>>)
      } else {
      }
      %lt3A_195 = arith.constant 20 : i32
      %lt3A_196 = arith.cmpi slt, %add3A_186, %lt3A_195 : i32
      %convert_element_type3A_197 = arith.extui %lt3A_196 : i1 to i32
      %cond3A_198 = arith.constant 0 : i32
      %cond3A_199 = arith.cmpi ne, %convert_element_type3A_197, %cond3A_198 : i32
      scf.if %cond3A_199 {
        %dma_start3A_304 = arith.constant 3 : i32
        %dma_start3A_305 = arith.constant 3 : i32
        %dma_start3A_306 = arith.constant 0 : i32
        %dma_start3A_307 = arith.constant 0 : i32
        %dma_start3A_308 = tpu.memref_slice %arg6[%dma_start3A_304, %dma_start3A_306, %dma_start3A_307] : memref<4x80x128xf32, #tpu.memory_space<vmem>> -> memref<1x80x128xf32, #tpu.memory_space<vmem>>
        %dma_start3A_309 = tpu.memref_squeeze %dma_start3A_308 : memref<1x80x128xf32, #tpu.memory_space<vmem>> -> memref<80x128xf32, #tpu.memory_space<vmem>>
        %dma_start3A_310 = arith.constant 0 : i32
        %dma_start3A_311 = tpu.memref_slice %arg5[%add3A_186, %dma_start3A_310] : memref<20x80xi32, #tpu.memory_space<vmem>> -> memref<1x80xi32, #tpu.memory_space<vmem>>
        %dma_start3A_312 = tpu.memref_squeeze %dma_start3A_311 : memref<1x80xi32, #tpu.memory_space<vmem>> -> memref<80xi32, #tpu.memory_space<vmem>>
        %dma_start3A_313 = arith.constant 0 : i32
        %dma_start3A_314 = arith.constant 0 : i32
        %dma_start3A_315 = tpu.memref_slice %arg2[%dma_start3A_313, %dma_start3A_314] : memref<100000x128xf32, #tpu.memory_space<hbm>> -> memref<100000x128xf32, #tpu.memory_space<hbm>>
        %dma_start3A_316 = tpu.memref_slice %arg7[%dma_start3A_305] : memref<4x!tpu.dma_semaphore, #tpu.memory_space<semaphore_mem>> -> memref<1x!tpu.dma_semaphore, #tpu.memory_space<semaphore_mem>>
        %dma_start3A_317 = tpu.memref_squeeze %dma_start3A_316 : memref<1x!tpu.dma_semaphore, #tpu.memory_space<semaphore_mem>> -> memref<!tpu.dma_semaphore, #tpu.memory_space<semaphore_mem>>
        tpu.enqueue_indirect_dma source(%dma_start3A_315 : memref<100000x128xf32, #tpu.memory_space<hbm>>) target(%dma_start3A_309 : memref<80x128xf32, #tpu.memory_space<vmem>>) offsets(%dma_start3A_312 : memref<80xi32, #tpu.memory_space<vmem>>) semaphore(%dma_start3A_317 : memref<!tpu.dma_semaphore, #tpu.memory_space<semaphore_mem>>)
      } else {
      }
      %mul3A_200 = arith.constant 4 : i32
      %mul3A_201 = arith.muli %scan3A_100, %mul3A_200 : i32
      %add3A_202 = arith.constant 2 : i32
      %add3A_203 = arith.addi %mul3A_201, %add3A_202 : i32
      %dma_wait3A_204 = arith.constant 2 : i32
      %dma_wait3A_205 = arith.constant 2 : i32
      %dma_wait3A_206 = arith.constant 0 : i32
      %dma_wait3A_207 = arith.constant 0 : i32
      %dma_wait3A_208 = tpu.memref_slice %arg6[%dma_wait3A_204, %dma_wait3A_206, %dma_wait3A_207] : memref<4x80x128xf32, #tpu.memory_space<vmem>> -> memref<1x80x128xf32, #tpu.memory_space<vmem>>
      %dma_wait3A_209 = tpu.memref_squeeze %dma_wait3A_208 : memref<1x80x128xf32, #tpu.memory_space<vmem>> -> memref<80x128xf32, #tpu.memory_space<vmem>>
      %dma_wait3A_210 = arith.constant 0 : i32
      %dma_wait3A_211 = tpu.memref_slice %arg5[%add3A_203, %dma_wait3A_210] : memref<20x80xi32, #tpu.memory_space<vmem>> -> memref<1x80xi32, #tpu.memory_space<vmem>>
      %dma_wait3A_212 = tpu.memref_squeeze %dma_wait3A_211 : memref<1x80xi32, #tpu.memory_space<vmem>> -> memref<80xi32, #tpu.memory_space<vmem>>
      %dma_wait3A_213 = arith.constant 0 : i32
      %dma_wait3A_214 = arith.constant 0 : i32
      %dma_wait3A_215 = tpu.memref_slice %arg2[%dma_wait3A_213, %dma_wait3A_214] : memref<100000x128xf32, #tpu.memory_space<hbm>> -> memref<100000x128xf32, #tpu.memory_space<hbm>>
      %dma_wait3A_216 = tpu.memref_slice %arg7[%dma_wait3A_205] : memref<4x!tpu.dma_semaphore, #tpu.memory_space<semaphore_mem>> -> memref<1x!tpu.dma_semaphore, #tpu.memory_space<semaphore_mem>>
      %dma_wait3A_217 = tpu.memref_squeeze %dma_wait3A_216 : memref<1x!tpu.dma_semaphore, #tpu.memory_space<semaphore_mem>> -> memref<!tpu.dma_semaphore, #tpu.memory_space<semaphore_mem>>
      tpu.wait_indirect_dma semaphore(%dma_wait3A_217 : memref<!tpu.dma_semaphore, #tpu.memory_space<semaphore_mem>>) src(%dma_wait3A_215 : memref<100000x128xf32, #tpu.memory_space<hbm>>) dst(%dma_wait3A_209 : memref<80x128xf32, #tpu.memory_space<vmem>>)
      %mul3A_218 = arith.constant 80 : i32
      %mul3A_219 = arith.muli %add3A_203, %mul3A_218 : i32
      %add3A_220 = arith.addi %mul3A_2, %mul3A_219 : i32
      %dma_start3A_221 = arith.constant 2 : i32
      %dma_start3A_222 = arith.constant 2 : i32
      %dma_start3A_223 = arith.constant 0 : i32
      %dma_start3A_224 = arith.constant 0 : i32
      %dma_start3A_225 = tpu.memref_slice %arg6[%dma_start3A_221, %dma_start3A_223, %dma_start3A_224] : memref<4x80x128xf32, #tpu.memory_space<vmem>> -> memref<1x80x128xf32, #tpu.memory_space<vmem>>
      %dma_start3A_226 = tpu.memref_squeeze %dma_start3A_225 : memref<1x80x128xf32, #tpu.memory_space<vmem>> -> memref<80x128xf32, #tpu.memory_space<vmem>>
      %dma_start3A_227 = arith.constant 0 : i32
      %dma_start3A_228 = tpu.memref_slice %arg4[%add3A_220, %dma_start3A_227] : memref<51200x128xf32, #tpu.memory_space<hbm>> -> memref<80x128xf32, #tpu.memory_space<hbm>>
      %dma_start3A_229 = tpu.memref_slice %arg8[%dma_start3A_222] : memref<4x!tpu.dma_semaphore, #tpu.memory_space<semaphore_mem>> -> memref<1x!tpu.dma_semaphore, #tpu.memory_space<semaphore_mem>>
      %dma_start3A_230 = tpu.memref_squeeze %dma_start3A_229 : memref<1x!tpu.dma_semaphore, #tpu.memory_space<semaphore_mem>> -> memref<!tpu.dma_semaphore, #tpu.memory_space<semaphore_mem>>
      %dma_start3A_231 = arith.constant 0 : i32
      %dma_start3A_232 = tpu.memref_slice %arg4[%add3A_220, %dma_start3A_231] : memref<51200x128xf32, #tpu.memory_space<hbm>> -> memref<80x128xf32, #tpu.memory_space<hbm>>
      %dma_start3A_233 = arith.constant 0 : i32
      %dma_start3A_234 = arith.constant 0 : i32
      %dma_start3A_235 = tpu.memref_slice %arg6[%dma_start3A_221, %dma_start3A_233, %dma_start3A_234] : memref<4x80x128xf32, #tpu.memory_space<vmem>> -> memref<1x80x128xf32, #tpu.memory_space<vmem>>
      %dma_start3A_236 = tpu.memref_squeeze %dma_start3A_235 : memref<1x80x128xf32, #tpu.memory_space<vmem>> -> memref<80x128xf32, #tpu.memory_space<vmem>>
      tpu.enqueue_dma source(%dma_start3A_236 : memref<80x128xf32, #tpu.memory_space<vmem>>) target(%dma_start3A_232 : memref<80x128xf32, #tpu.memory_space<hbm>>) target_semaphore(%dma_start3A_230 : memref<!tpu.dma_semaphore, #tpu.memory_space<semaphore_mem>>)
      %add3A_237 = arith.constant 2 : i32
      %add3A_238 = arith.addi %add3A_203, %add3A_237 : i32
      %lt3A_239 = arith.constant 20 : i32
      %lt3A_240 = arith.cmpi slt, %add3A_238, %lt3A_239 : i32
      %ge3A_241 = arith.constant 2 : i32
      %ge3A_242 = arith.cmpi sge, %add3A_203, %ge3A_241 : i32
      %and3A_243 = arith.andi %lt3A_240, %ge3A_242 : i1
      %convert_element_type3A_244 = arith.extui %and3A_243 : i1 to i32
      %cond3A_245 = arith.constant 0 : i32
      %cond3A_246 = arith.cmpi ne, %convert_element_type3A_244, %cond3A_245 : i32
      scf.if %cond3A_246 {
        %sub3A = arith.constant 4 : i32
        %sub3A_304 = arith.subi %add3A_238, %sub3A : i32
        %mul3A_305 = arith.constant 80 : i32
        %mul3A_306 = arith.muli %sub3A_304, %mul3A_305 : i32
        %add3A_307 = arith.addi %mul3A_2, %mul3A_306 : i32
        %dma_wait3A_308 = arith.constant 0 : i32
        %dma_wait3A_309 = arith.constant 0 : i32
        %dma_wait3A_310 = arith.constant 0 : i32
        %dma_wait3A_311 = arith.constant 0 : i32
        %dma_wait3A_312 = tpu.memref_slice %arg6[%dma_wait3A_308, %dma_wait3A_310, %dma_wait3A_311] : memref<4x80x128xf32, #tpu.memory_space<vmem>> -> memref<1x80x128xf32, #tpu.memory_space<vmem>>
        %dma_wait3A_313 = tpu.memref_squeeze %dma_wait3A_312 : memref<1x80x128xf32, #tpu.memory_space<vmem>> -> memref<80x128xf32, #tpu.memory_space<vmem>>
        %dma_wait3A_314 = arith.constant 0 : i32
        %dma_wait3A_315 = tpu.memref_slice %arg4[%add3A_307, %dma_wait3A_314] : memref<51200x128xf32, #tpu.memory_space<hbm>> -> memref<80x128xf32, #tpu.memory_space<hbm>>
        %dma_wait3A_316 = tpu.memref_slice %arg8[%dma_wait3A_309] : memref<4x!tpu.dma_semaphore, #tpu.memory_space<semaphore_mem>> -> memref<1x!tpu.dma_semaphore, #tpu.memory_space<semaphore_mem>>
        %dma_wait3A_317 = tpu.memref_squeeze %dma_wait3A_316 : memref<1x!tpu.dma_semaphore, #tpu.memory_space<semaphore_mem>> -> memref<!tpu.dma_semaphore, #tpu.memory_space<semaphore_mem>>
        %dma_wait3A_318 = arith.constant 0 : i32
        %dma_wait3A_319 = tpu.memref_slice %arg4[%add3A_307, %dma_wait3A_318] : memref<51200x128xf32, #tpu.memory_space<hbm>> -> memref<80x128xf32, #tpu.memory_space<hbm>>
        %dma_wait3A_320 = arith.constant 0 : i32
        %dma_wait3A_321 = arith.constant 0 : i32
        %dma_wait3A_322 = tpu.memref_slice %arg6[%dma_wait3A_308, %dma_wait3A_320, %dma_wait3A_321] : memref<4x80x128xf32, #tpu.memory_space<vmem>> -> memref<1x80x128xf32, #tpu.memory_space<vmem>>
        %dma_wait3A_323 = tpu.memref_squeeze %dma_wait3A_322 : memref<1x80x128xf32, #tpu.memory_space<vmem>> -> memref<80x128xf32, #tpu.memory_space<vmem>>
        tpu.wait_dma2 semaphore(%dma_wait3A_317 : memref<!tpu.dma_semaphore, #tpu.memory_space<semaphore_mem>>) src(%dma_wait3A_323 : memref<80x128xf32, #tpu.memory_space<vmem>>) dst(%dma_wait3A_319 : memref<80x128xf32, #tpu.memory_space<hbm>>)
      } else {
      }
      %lt3A_247 = arith.constant 20 : i32
      %lt3A_248 = arith.cmpi slt, %add3A_238, %lt3A_247 : i32
      %convert_element_type3A_249 = arith.extui %lt3A_248 : i1 to i32
      %cond3A_250 = arith.constant 0 : i32
      %cond3A_251 = arith.cmpi ne, %convert_element_type3A_249, %cond3A_250 : i32
      scf.if %cond3A_251 {
        %dma_start3A_304 = arith.constant 0 : i32
        %dma_start3A_305 = arith.constant 0 : i32
        %dma_start3A_306 = arith.constant 0 : i32
        %dma_start3A_307 = arith.constant 0 : i32
        %dma_start3A_308 = tpu.memref_slice %arg6[%dma_start3A_304, %dma_start3A_306, %dma_start3A_307] : memref<4x80x128xf32, #tpu.memory_space<vmem>> -> memref<1x80x128xf32, #tpu.memory_space<vmem>>
        %dma_start3A_309 = tpu.memref_squeeze %dma_start3A_308 : memref<1x80x128xf32, #tpu.memory_space<vmem>> -> memref<80x128xf32, #tpu.memory_space<vmem>>
        %dma_start3A_310 = arith.constant 0 : i32
        %dma_start3A_311 = tpu.memref_slice %arg5[%add3A_238, %dma_start3A_310] : memref<20x80xi32, #tpu.memory_space<vmem>> -> memref<1x80xi32, #tpu.memory_space<vmem>>
        %dma_start3A_312 = tpu.memref_squeeze %dma_start3A_311 : memref<1x80xi32, #tpu.memory_space<vmem>> -> memref<80xi32, #tpu.memory_space<vmem>>
        %dma_start3A_313 = arith.constant 0 : i32
        %dma_start3A_314 = arith.constant 0 : i32
        %dma_start3A_315 = tpu.memref_slice %arg2[%dma_start3A_313, %dma_start3A_314] : memref<100000x128xf32, #tpu.memory_space<hbm>> -> memref<100000x128xf32, #tpu.memory_space<hbm>>
        %dma_start3A_316 = tpu.memref_slice %arg7[%dma_start3A_305] : memref<4x!tpu.dma_semaphore, #tpu.memory_space<semaphore_mem>> -> memref<1x!tpu.dma_semaphore, #tpu.memory_space<semaphore_mem>>
        %dma_start3A_317 = tpu.memref_squeeze %dma_start3A_316 : memref<1x!tpu.dma_semaphore, #tpu.memory_space<semaphore_mem>> -> memref<!tpu.dma_semaphore, #tpu.memory_space<semaphore_mem>>
        tpu.enqueue_indirect_dma source(%dma_start3A_315 : memref<100000x128xf32, #tpu.memory_space<hbm>>) target(%dma_start3A_309 : memref<80x128xf32, #tpu.memory_space<vmem>>) offsets(%dma_start3A_312 : memref<80xi32, #tpu.memory_space<vmem>>) semaphore(%dma_start3A_317 : memref<!tpu.dma_semaphore, #tpu.memory_space<semaphore_mem>>)
      } else {
      }
      %mul3A_252 = arith.constant 4 : i32
      %mul3A_253 = arith.muli %scan3A_100, %mul3A_252 : i32
      %add3A_254 = arith.constant 3 : i32
      %add3A_255 = arith.addi %mul3A_253, %add3A_254 : i32
      %dma_wait3A_256 = arith.constant 3 : i32
      %dma_wait3A_257 = arith.constant 3 : i32
      %dma_wait3A_258 = arith.constant 0 : i32
      %dma_wait3A_259 = arith.constant 0 : i32
      %dma_wait3A_260 = tpu.memref_slice %arg6[%dma_wait3A_256, %dma_wait3A_258, %dma_wait3A_259] : memref<4x80x128xf32, #tpu.memory_space<vmem>> -> memref<1x80x128xf32, #tpu.memory_space<vmem>>
      %dma_wait3A_261 = tpu.memref_squeeze %dma_wait3A_260 : memref<1x80x128xf32, #tpu.memory_space<vmem>> -> memref<80x128xf32, #tpu.memory_space<vmem>>
      %dma_wait3A_262 = arith.constant 0 : i32
      %dma_wait3A_263 = tpu.memref_slice %arg5[%add3A_255, %dma_wait3A_262] : memref<20x80xi32, #tpu.memory_space<vmem>> -> memref<1x80xi32, #tpu.memory_space<vmem>>
      %dma_wait3A_264 = tpu.memref_squeeze %dma_wait3A_263 : memref<1x80xi32, #tpu.memory_space<vmem>> -> memref<80xi32, #tpu.memory_space<vmem>>
      %dma_wait3A_265 = arith.constant 0 : i32
      %dma_wait3A_266 = arith.constant 0 : i32
      %dma_wait3A_267 = tpu.memref_slice %arg2[%dma_wait3A_265, %dma_wait3A_266] : memref<100000x128xf32, #tpu.memory_space<hbm>> -> memref<100000x128xf32, #tpu.memory_space<hbm>>
      %dma_wait3A_268 = tpu.memref_slice %arg7[%dma_wait3A_257] : memref<4x!tpu.dma_semaphore, #tpu.memory_space<semaphore_mem>> -> memref<1x!tpu.dma_semaphore, #tpu.memory_space<semaphore_mem>>
      %dma_wait3A_269 = tpu.memref_squeeze %dma_wait3A_268 : memref<1x!tpu.dma_semaphore, #tpu.memory_space<semaphore_mem>> -> memref<!tpu.dma_semaphore, #tpu.memory_space<semaphore_mem>>
      tpu.wait_indirect_dma semaphore(%dma_wait3A_269 : memref<!tpu.dma_semaphore, #tpu.memory_space<semaphore_mem>>) src(%dma_wait3A_267 : memref<100000x128xf32, #tpu.memory_space<hbm>>) dst(%dma_wait3A_261 : memref<80x128xf32, #tpu.memory_space<vmem>>)
      %mul3A_270 = arith.constant 80 : i32
      %mul3A_271 = arith.muli %add3A_255, %mul3A_270 : i32
      %add3A_272 = arith.addi %mul3A_2, %mul3A_271 : i32
      %dma_start3A_273 = arith.constant 3 : i32
      %dma_start3A_274 = arith.constant 3 : i32
      %dma_start3A_275 = arith.constant 0 : i32
      %dma_start3A_276 = arith.constant 0 : i32
      %dma_start3A_277 = tpu.memref_slice %arg6[%dma_start3A_273, %dma_start3A_275, %dma_start3A_276] : memref<4x80x128xf32, #tpu.memory_space<vmem>> -> memref<1x80x128xf32, #tpu.memory_space<vmem>>
      %dma_start3A_278 = tpu.memref_squeeze %dma_start3A_277 : memref<1x80x128xf32, #tpu.memory_space<vmem>> -> memref<80x128xf32, #tpu.memory_space<vmem>>
      %dma_start3A_279 = arith.constant 0 : i32
      %dma_start3A_280 = tpu.memref_slice %arg4[%add3A_272, %dma_start3A_279] : memref<51200x128xf32, #tpu.memory_space<hbm>> -> memref<80x128xf32, #tpu.memory_space<hbm>>
      %dma_start3A_281 = tpu.memref_slice %arg8[%dma_start3A_274] : memref<4x!tpu.dma_semaphore, #tpu.memory_space<semaphore_mem>> -> memref<1x!tpu.dma_semaphore, #tpu.memory_space<semaphore_mem>>
      %dma_start3A_282 = tpu.memref_squeeze %dma_start3A_281 : memref<1x!tpu.dma_semaphore, #tpu.memory_space<semaphore_mem>> -> memref<!tpu.dma_semaphore, #tpu.memory_space<semaphore_mem>>
      %dma_start3A_283 = arith.constant 0 : i32
      %dma_start3A_284 = tpu.memref_slice %arg4[%add3A_272, %dma_start3A_283] : memref<51200x128xf32, #tpu.memory_space<hbm>> -> memref<80x128xf32, #tpu.memory_space<hbm>>
      %dma_start3A_285 = arith.constant 0 : i32
      %dma_start3A_286 = arith.constant 0 : i32
      %dma_start3A_287 = tpu.memref_slice %arg6[%dma_start3A_273, %dma_start3A_285, %dma_start3A_286] : memref<4x80x128xf32, #tpu.memory_space<vmem>> -> memref<1x80x128xf32, #tpu.memory_space<vmem>>
      %dma_start3A_288 = tpu.memref_squeeze %dma_start3A_287 : memref<1x80x128xf32, #tpu.memory_space<vmem>> -> memref<80x128xf32, #tpu.memory_space<vmem>>
      tpu.enqueue_dma source(%dma_start3A_288 : memref<80x128xf32, #tpu.memory_space<vmem>>) target(%dma_start3A_284 : memref<80x128xf32, #tpu.memory_space<hbm>>) target_semaphore(%dma_start3A_282 : memref<!tpu.dma_semaphore, #tpu.memory_space<semaphore_mem>>)
      %add3A_289 = arith.constant 2 : i32
      %add3A_290 = arith.addi %add3A_255, %add3A_289 : i32
      %lt3A_291 = arith.constant 20 : i32
      %lt3A_292 = arith.cmpi slt, %add3A_290, %lt3A_291 : i32
      %ge3A_293 = arith.constant 2 : i32
      %ge3A_294 = arith.cmpi sge, %add3A_255, %ge3A_293 : i32
      %and3A_295 = arith.andi %lt3A_292, %ge3A_294 : i1
      %convert_element_type3A_296 = arith.extui %and3A_295 : i1 to i32
      %cond3A_297 = arith.constant 0 : i32
      %cond3A_298 = arith.cmpi ne, %convert_element_type3A_296, %cond3A_297 : i32
      scf.if %cond3A_298 {
        %sub3A = arith.constant 4 : i32
        %sub3A_304 = arith.subi %add3A_290, %sub3A : i32
        %mul3A_305 = arith.constant 80 : i32
        %mul3A_306 = arith.muli %sub3A_304, %mul3A_305 : i32
        %add3A_307 = arith.addi %mul3A_2, %mul3A_306 : i32
        %dma_wait3A_308 = arith.constant 1 : i32
        %dma_wait3A_309 = arith.constant 1 : i32
        %dma_wait3A_310 = arith.constant 0 : i32
        %dma_wait3A_311 = arith.constant 0 : i32
        %dma_wait3A_312 = tpu.memref_slice %arg6[%dma_wait3A_308, %dma_wait3A_310, %dma_wait3A_311] : memref<4x80x128xf32, #tpu.memory_space<vmem>> -> memref<1x80x128xf32, #tpu.memory_space<vmem>>
        %dma_wait3A_313 = tpu.memref_squeeze %dma_wait3A_312 : memref<1x80x128xf32, #tpu.memory_space<vmem>> -> memref<80x128xf32, #tpu.memory_space<vmem>>
        %dma_wait3A_314 = arith.constant 0 : i32
        %dma_wait3A_315 = tpu.memref_slice %arg4[%add3A_307, %dma_wait3A_314] : memref<51200x128xf32, #tpu.memory_space<hbm>> -> memref<80x128xf32, #tpu.memory_space<hbm>>
        %dma_wait3A_316 = tpu.memref_slice %arg8[%dma_wait3A_309] : memref<4x!tpu.dma_semaphore, #tpu.memory_space<semaphore_mem>> -> memref<1x!tpu.dma_semaphore, #tpu.memory_space<semaphore_mem>>
        %dma_wait3A_317 = tpu.memref_squeeze %dma_wait3A_316 : memref<1x!tpu.dma_semaphore, #tpu.memory_space<semaphore_mem>> -> memref<!tpu.dma_semaphore, #tpu.memory_space<semaphore_mem>>
        %dma_wait3A_318 = arith.constant 0 : i32
        %dma_wait3A_319 = tpu.memref_slice %arg4[%add3A_307, %dma_wait3A_318] : memref<51200x128xf32, #tpu.memory_space<hbm>> -> memref<80x128xf32, #tpu.memory_space<hbm>>
        %dma_wait3A_320 = arith.constant 0 : i32
        %dma_wait3A_321 = arith.constant 0 : i32
        %dma_wait3A_322 = tpu.memref_slice %arg6[%dma_wait3A_308, %dma_wait3A_320, %dma_wait3A_321] : memref<4x80x128xf32, #tpu.memory_space<vmem>> -> memref<1x80x128xf32, #tpu.memory_space<vmem>>
        %dma_wait3A_323 = tpu.memref_squeeze %dma_wait3A_322 : memref<1x80x128xf32, #tpu.memory_space<vmem>> -> memref<80x128xf32, #tpu.memory_space<vmem>>
        tpu.wait_dma2 semaphore(%dma_wait3A_317 : memref<!tpu.dma_semaphore, #tpu.memory_space<semaphore_mem>>) src(%dma_wait3A_323 : memref<80x128xf32, #tpu.memory_space<vmem>>) dst(%dma_wait3A_319 : memref<80x128xf32, #tpu.memory_space<hbm>>)
      } else {
      }
      %lt3A_299 = arith.constant 20 : i32
      %lt3A_300 = arith.cmpi slt, %add3A_290, %lt3A_299 : i32
      %convert_element_type3A_301 = arith.extui %lt3A_300 : i1 to i32
      %cond3A_302 = arith.constant 0 : i32
      %cond3A_303 = arith.cmpi ne, %convert_element_type3A_301, %cond3A_302 : i32
      scf.if %cond3A_303 {
        %dma_start3A_304 = arith.constant 1 : i32
        %dma_start3A_305 = arith.constant 1 : i32
        %dma_start3A_306 = arith.constant 0 : i32
        %dma_start3A_307 = arith.constant 0 : i32
        %dma_start3A_308 = tpu.memref_slice %arg6[%dma_start3A_304, %dma_start3A_306, %dma_start3A_307] : memref<4x80x128xf32, #tpu.memory_space<vmem>> -> memref<1x80x128xf32, #tpu.memory_space<vmem>>
        %dma_start3A_309 = tpu.memref_squeeze %dma_start3A_308 : memref<1x80x128xf32, #tpu.memory_space<vmem>> -> memref<80x128xf32, #tpu.memory_space<vmem>>
        %dma_start3A_310 = arith.constant 0 : i32
        %dma_start3A_311 = tpu.memref_slice %arg5[%add3A_290, %dma_start3A_310] : memref<20x80xi32, #tpu.memory_space<vmem>> -> memref<1x80xi32, #tpu.memory_space<vmem>>
        %dma_start3A_312 = tpu.memref_squeeze %dma_start3A_311 : memref<1x80xi32, #tpu.memory_space<vmem>> -> memref<80xi32, #tpu.memory_space<vmem>>
        %dma_start3A_313 = arith.constant 0 : i32
        %dma_start3A_314 = arith.constant 0 : i32
        %dma_start3A_315 = tpu.memref_slice %arg2[%dma_start3A_313, %dma_start3A_314] : memref<100000x128xf32, #tpu.memory_space<hbm>> -> memref<100000x128xf32, #tpu.memory_space<hbm>>
        %dma_start3A_316 = tpu.memref_slice %arg7[%dma_start3A_305] : memref<4x!tpu.dma_semaphore, #tpu.memory_space<semaphore_mem>> -> memref<1x!tpu.dma_semaphore, #tpu.memory_space<semaphore_mem>>
        %dma_start3A_317 = tpu.memref_squeeze %dma_start3A_316 : memref<1x!tpu.dma_semaphore, #tpu.memory_space<semaphore_mem>> -> memref<!tpu.dma_semaphore, #tpu.memory_space<semaphore_mem>>
        tpu.enqueue_indirect_dma source(%dma_start3A_315 : memref<100000x128xf32, #tpu.memory_space<hbm>>) target(%dma_start3A_309 : memref<80x128xf32, #tpu.memory_space<vmem>>) offsets(%dma_start3A_312 : memref<80xi32, #tpu.memory_space<vmem>>) semaphore(%dma_start3A_317 : memref<!tpu.dma_semaphore, #tpu.memory_space<semaphore_mem>>)
      } else {
      }
    }
    %scan3A_36 = arith.constant 5 : i32
    %dma_wait3A = arith.constant 0 : i32
    %dma_wait3A_37 = arith.constant 0 : i32
    %dma_wait3A_38 = arith.constant 0 : i32
    %dma_wait3A_39 = arith.constant 0 : i32
    %dma_wait3A_40 = tpu.memref_slice %arg6[%dma_wait3A, %dma_wait3A_38, %dma_wait3A_39] : memref<4x80x128xf32, #tpu.memory_space<vmem>> -> memref<1x80x128xf32, #tpu.memory_space<vmem>>
    %dma_wait3A_41 = tpu.memref_squeeze %dma_wait3A_40 : memref<1x80x128xf32, #tpu.memory_space<vmem>> -> memref<80x128xf32, #tpu.memory_space<vmem>>
    %dma_wait3A_42 = arith.constant 0 : i32
    %dma_wait3A_43 = tpu.memref_slice %arg4[%mul3A_2, %dma_wait3A_42] : memref<51200x128xf32, #tpu.memory_space<hbm>> -> memref<80x128xf32, #tpu.memory_space<hbm>>
    %dma_wait3A_44 = tpu.memref_slice %arg8[%dma_wait3A_37] : memref<4x!tpu.dma_semaphore, #tpu.memory_space<semaphore_mem>> -> memref<1x!tpu.dma_semaphore, #tpu.memory_space<semaphore_mem>>
    %dma_wait3A_45 = tpu.memref_squeeze %dma_wait3A_44 : memref<1x!tpu.dma_semaphore, #tpu.memory_space<semaphore_mem>> -> memref<!tpu.dma_semaphore, #tpu.memory_space<semaphore_mem>>
    %dma_wait3A_46 = arith.constant 0 : i32
    %dma_wait3A_47 = tpu.memref_slice %arg4[%mul3A_2, %dma_wait3A_46] : memref<51200x128xf32, #tpu.memory_space<hbm>> -> memref<80x128xf32, #tpu.memory_space<hbm>>
    %dma_wait3A_48 = arith.constant 0 : i32
    %dma_wait3A_49 = arith.constant 0 : i32
    %dma_wait3A_50 = tpu.memref_slice %arg6[%dma_wait3A, %dma_wait3A_48, %dma_wait3A_49] : memref<4x80x128xf32, #tpu.memory_space<vmem>> -> memref<1x80x128xf32, #tpu.memory_space<vmem>>
    %dma_wait3A_51 = tpu.memref_squeeze %dma_wait3A_50 : memref<1x80x128xf32, #tpu.memory_space<vmem>> -> memref<80x128xf32, #tpu.memory_space<vmem>>
    tpu.wait_dma2 semaphore(%dma_wait3A_45 : memref<!tpu.dma_semaphore, #tpu.memory_space<semaphore_mem>>) src(%dma_wait3A_51 : memref<80x128xf32, #tpu.memory_space<vmem>>) dst(%dma_wait3A_47 : memref<80x128xf32, #tpu.memory_space<hbm>>)
    %dma_wait3A_52 = arith.constant 1 : i32
    %dma_wait3A_53 = arith.constant 1 : i32
    %dma_wait3A_54 = arith.constant 0 : i32
    %dma_wait3A_55 = arith.constant 0 : i32
    %dma_wait3A_56 = tpu.memref_slice %arg6[%dma_wait3A_52, %dma_wait3A_54, %dma_wait3A_55] : memref<4x80x128xf32, #tpu.memory_space<vmem>> -> memref<1x80x128xf32, #tpu.memory_space<vmem>>
    %dma_wait3A_57 = tpu.memref_squeeze %dma_wait3A_56 : memref<1x80x128xf32, #tpu.memory_space<vmem>> -> memref<80x128xf32, #tpu.memory_space<vmem>>
    %dma_wait3A_58 = arith.constant 0 : i32
    %dma_wait3A_59 = tpu.memref_slice %arg4[%mul3A_2, %dma_wait3A_58] : memref<51200x128xf32, #tpu.memory_space<hbm>> -> memref<80x128xf32, #tpu.memory_space<hbm>>
    %dma_wait3A_60 = tpu.memref_slice %arg8[%dma_wait3A_53] : memref<4x!tpu.dma_semaphore, #tpu.memory_space<semaphore_mem>> -> memref<1x!tpu.dma_semaphore, #tpu.memory_space<semaphore_mem>>
    %dma_wait3A_61 = tpu.memref_squeeze %dma_wait3A_60 : memref<1x!tpu.dma_semaphore, #tpu.memory_space<semaphore_mem>> -> memref<!tpu.dma_semaphore, #tpu.memory_space<semaphore_mem>>
    %dma_wait3A_62 = arith.constant 0 : i32
    %dma_wait3A_63 = tpu.memref_slice %arg4[%mul3A_2, %dma_wait3A_62] : memref<51200x128xf32, #tpu.memory_space<hbm>> -> memref<80x128xf32, #tpu.memory_space<hbm>>
    %dma_wait3A_64 = arith.constant 0 : i32
    %dma_wait3A_65 = arith.constant 0 : i32
    %dma_wait3A_66 = tpu.memref_slice %arg6[%dma_wait3A_52, %dma_wait3A_64, %dma_wait3A_65] : memref<4x80x128xf32, #tpu.memory_space<vmem>> -> memref<1x80x128xf32, #tpu.memory_space<vmem>>
    %dma_wait3A_67 = tpu.memref_squeeze %dma_wait3A_66 : memref<1x80x128xf32, #tpu.memory_space<vmem>> -> memref<80x128xf32, #tpu.memory_space<vmem>>
    tpu.wait_dma2 semaphore(%dma_wait3A_61 : memref<!tpu.dma_semaphore, #tpu.memory_space<semaphore_mem>>) src(%dma_wait3A_67 : memref<80x128xf32, #tpu.memory_space<vmem>>) dst(%dma_wait3A_63 : memref<80x128xf32, #tpu.memory_space<hbm>>)
    %dma_wait3A_68 = arith.constant 2 : i32
    %dma_wait3A_69 = arith.constant 2 : i32
    %dma_wait3A_70 = arith.constant 0 : i32
    %dma_wait3A_71 = arith.constant 0 : i32
    %dma_wait3A_72 = tpu.memref_slice %arg6[%dma_wait3A_68, %dma_wait3A_70, %dma_wait3A_71] : memref<4x80x128xf32, #tpu.memory_space<vmem>> -> memref<1x80x128xf32, #tpu.memory_space<vmem>>
    %dma_wait3A_73 = tpu.memref_squeeze %dma_wait3A_72 : memref<1x80x128xf32, #tpu.memory_space<vmem>> -> memref<80x128xf32, #tpu.memory_space<vmem>>
    %dma_wait3A_74 = arith.constant 0 : i32
    %dma_wait3A_75 = tpu.memref_slice %arg4[%mul3A_2, %dma_wait3A_74] : memref<51200x128xf32, #tpu.memory_space<hbm>> -> memref<80x128xf32, #tpu.memory_space<hbm>>
    %dma_wait3A_76 = tpu.memref_slice %arg8[%dma_wait3A_69] : memref<4x!tpu.dma_semaphore, #tpu.memory_space<semaphore_mem>> -> memref<1x!tpu.dma_semaphore, #tpu.memory_space<semaphore_mem>>
    %dma_wait3A_77 = tpu.memref_squeeze %dma_wait3A_76 : memref<1x!tpu.dma_semaphore, #tpu.memory_space<semaphore_mem>> -> memref<!tpu.dma_semaphore, #tpu.memory_space<semaphore_mem>>
    %dma_wait3A_78 = arith.constant 0 : i32
    %dma_wait3A_79 = tpu.memref_slice %arg4[%mul3A_2, %dma_wait3A_78] : memref<51200x128xf32, #tpu.memory_space<hbm>> -> memref<80x128xf32, #tpu.memory_space<hbm>>
    %dma_wait3A_80 = arith.constant 0 : i32
    %dma_wait3A_81 = arith.constant 0 : i32
    %dma_wait3A_82 = tpu.memref_slice %arg6[%dma_wait3A_68, %dma_wait3A_80, %dma_wait3A_81] : memref<4x80x128xf32, #tpu.memory_space<vmem>> -> memref<1x80x128xf32, #tpu.memory_space<vmem>>
    %dma_wait3A_83 = tpu.memref_squeeze %dma_wait3A_82 : memref<1x80x128xf32, #tpu.memory_space<vmem>> -> memref<80x128xf32, #tpu.memory_space<vmem>>
    tpu.wait_dma2 semaphore(%dma_wait3A_77 : memref<!tpu.dma_semaphore, #tpu.memory_space<semaphore_mem>>) src(%dma_wait3A_83 : memref<80x128xf32, #tpu.memory_space<vmem>>) dst(%dma_wait3A_79 : memref<80x128xf32, #tpu.memory_space<hbm>>)
    %dma_wait3A_84 = arith.constant 3 : i32
    %dma_wait3A_85 = arith.constant 3 : i32
    %dma_wait3A_86 = arith.constant 0 : i32
    %dma_wait3A_87 = arith.constant 0 : i32
    %dma_wait3A_88 = tpu.memref_slice %arg6[%dma_wait3A_84, %dma_wait3A_86, %dma_wait3A_87] : memref<4x80x128xf32, #tpu.memory_space<vmem>> -> memref<1x80x128xf32, #tpu.memory_space<vmem>>
    %dma_wait3A_89 = tpu.memref_squeeze %dma_wait3A_88 : memref<1x80x128xf32, #tpu.memory_space<vmem>> -> memref<80x128xf32, #tpu.memory_space<vmem>>
    %dma_wait3A_90 = arith.constant 0 : i32
    %dma_wait3A_91 = tpu.memref_slice %arg4[%mul3A_2, %dma_wait3A_90] : memref<51200x128xf32, #tpu.memory_space<hbm>> -> memref<80x128xf32, #tpu.memory_space<hbm>>
    %dma_wait3A_92 = tpu.memref_slice %arg8[%dma_wait3A_85] : memref<4x!tpu.dma_semaphore, #tpu.memory_space<semaphore_mem>> -> memref<1x!tpu.dma_semaphore, #tpu.memory_space<semaphore_mem>>
    %dma_wait3A_93 = tpu.memref_squeeze %dma_wait3A_92 : memref<1x!tpu.dma_semaphore, #tpu.memory_space<semaphore_mem>> -> memref<!tpu.dma_semaphore, #tpu.memory_space<semaphore_mem>>
    %dma_wait3A_94 = arith.constant 0 : i32
    %dma_wait3A_95 = tpu.memref_slice %arg4[%mul3A_2, %dma_wait3A_94] : memref<51200x128xf32, #tpu.memory_space<hbm>> -> memref<80x128xf32, #tpu.memory_space<hbm>>
    %dma_wait3A_96 = arith.constant 0 : i32
    %dma_wait3A_97 = arith.constant 0 : i32
    %dma_wait3A_98 = tpu.memref_slice %arg6[%dma_wait3A_84, %dma_wait3A_96, %dma_wait3A_97] : memref<4x80x128xf32, #tpu.memory_space<vmem>> -> memref<1x80x128xf32, #tpu.memory_space<vmem>>
    %dma_wait3A_99 = tpu.memref_squeeze %dma_wait3A_98 : memref<1x80x128xf32, #tpu.memory_space<vmem>> -> memref<80x128xf32, #tpu.memory_space<vmem>>
    tpu.wait_dma2 semaphore(%dma_wait3A_93 : memref<!tpu.dma_semaphore, #tpu.memory_space<semaphore_mem>>) src(%dma_wait3A_99 : memref<80x128xf32, #tpu.memory_space<vmem>>) dst(%dma_wait3A_95 : memref<80x128xf32, #tpu.memory_space<hbm>>)
    return
  }
}

module attributes {stable_mosaic.version = 14 : i64} {
  func.func @_ln_body(%arg0: i32, %arg1: memref<64x200x128xf32, #tpu.memory_space<vmem>>, %arg2: memref<64x200xf32, #tpu.memory_space<vmem>>, %arg3: memref<200x128xf32, #tpu.memory_space<vmem>>, %arg4: memref<1x128xf32, #tpu.memory_space<vmem>>, %arg5: memref<1x128xf32, #tpu.memory_space<vmem>>, %arg6: memref<1x128xf32, #tpu.memory_space<vmem>>, %arg7: memref<64x200x128xf32, #tpu.memory_space<vmem>>) attributes {dimension_semantics = [#tpu.dimension_semantics<arbitrary>], iteration_bounds = array<i64: 4>, scalar_prefetch = 0 : i64, scratch_operands = 0 : i64, tpu.core_type = #tpu.core_type<tc>, window_params = [{transform_indices = @transform_0, window_bounds = array<i64: 64, 200, 128>}, {transform_indices = @transform_1, window_bounds = array<i64: 64, 200>}, {pipeline_mode = #tpu.pipeline_mode<synchronous>, transform_indices = @transform_2, window_bounds = array<i64: 200, 128>}, {pipeline_mode = #tpu.pipeline_mode<synchronous>, transform_indices = @transform_3, window_bounds = array<i64: 1, 128>}, {pipeline_mode = #tpu.pipeline_mode<synchronous>, transform_indices = @transform_4, window_bounds = array<i64: 1, 128>}, {pipeline_mode = #tpu.pipeline_mode<synchronous>, transform_indices = @transform_5, window_bounds = array<i64: 1, 128>}, {transform_indices = @transform_6, window_bounds = array<i64: 64, 200, 128>}]} {
    %get3A = arith.constant 0 : index
    %get3A_0 = arith.constant 0 : index
    %get3A_1 = arith.constant 0 : index
    %get3A_2 = vector.load %arg1[%get3A, %get3A_0, %get3A_1] : memref<64x200x128xf32, #tpu.memory_space<vmem>>, vector<64x200x128xf32>
    %get3A_3 = arith.constant 0 : index
    %get3A_4 = arith.constant 0 : index
    %get3A_5 = vector.load %arg2[%get3A_3, %get3A_4] : memref<64x200xf32, #tpu.memory_space<vmem>>, vector<64x200xf32>
    %broadcast_in_dim3A = vector.shape_cast %get3A_5 : vector<64x200xf32> to vector<64x200x1xf32>
    %get3A_6 = arith.constant 0 : index
    %get3A_7 = arith.constant 0 : index
    %get3A_8 = vector.load %arg3[%get3A_6, %get3A_7] : memref<200x128xf32, #tpu.memory_space<vmem>>, vector<200x128xf32>
    %broadcast_in_dim3A_9 = vector.shape_cast %get3A_8 : vector<200x128xf32> to vector<1x200x128xf32>
    %add3A = vector.broadcast %broadcast_in_dim3A_9 : vector<1x200x128xf32> to vector<64x200x128xf32>
    %add3A_10 = arith.addf %get3A_2, %add3A : vector<64x200x128xf32>
    %get3A_11 = arith.constant 0 : index
    %get3A_12 = arith.constant 0 : index
    %get3A_13 = vector.load %arg4[%get3A_11, %get3A_12] : memref<1x128xf32, #tpu.memory_space<vmem>>, vector<1x128xf32>
    %broadcast_in_dim3A_14 = vector.shape_cast %get3A_13 : vector<1x128xf32> to vector<1x1x128xf32>
    %mul3A = vector.broadcast %broadcast_in_dim3A : vector<64x200x1xf32> to vector<64x200x128xf32>
    %mul3A_15 = vector.broadcast %broadcast_in_dim3A_14 : vector<1x1x128xf32> to vector<64x200x128xf32>
    %mul3A_16 = arith.mulf %mul3A, %mul3A_15 : vector<64x200x128xf32>
    %add3A_17 = arith.addf %add3A_10, %mul3A_16 : vector<64x200x128xf32>
    %reshape3A = vector.shape_cast %add3A_17 : vector<64x200x128xf32> to vector<12800x128xf32>
    %broadcast_in_dim3A_18 = arith.constant 7.812500e-03 : f32
    %broadcast_in_dim3A_19 = vector.broadcast %broadcast_in_dim3A_18 : f32 to vector<128x128xf32>
    %dot_general3A = arith.constant dense<0.000000e+00> : vector<12800x128xf32>
    %dot_general3A_20 = tpu.matmul %reshape3A, %broadcast_in_dim3A_19, %dot_general3A {dimension_numbers = #tpu.dot_dimension_numbers<[1], [0], [0], [1], [0, 0, 1, 1], [], []>, transpose_lhs_hint = false} : vector<12800x128xf32>, vector<128x128xf32>, vector<12800x128xf32> -> vector<12800x128xf32>
    %mul3A_21 = arith.mulf %reshape3A, %reshape3A : vector<12800x128xf32>
    %dot_general3A_22 = arith.constant dense<0.000000e+00> : vector<12800x128xf32>
    %dot_general3A_23 = tpu.matmul %mul3A_21, %broadcast_in_dim3A_19, %dot_general3A_22 {dimension_numbers = #tpu.dot_dimension_numbers<[1], [0], [0], [1], [0, 0, 1, 1], [], []>, transpose_lhs_hint = false} : vector<12800x128xf32>, vector<128x128xf32>, vector<12800x128xf32> -> vector<12800x128xf32>
    %mul3A_24 = arith.mulf %dot_general3A_20, %dot_general3A_20 : vector<12800x128xf32>
    %sub3A = arith.subf %dot_general3A_23, %mul3A_24 : vector<12800x128xf32>
    %add3A_25 = arith.constant 9.99999996E-13 : f32
    %add3A_26 = vector.broadcast %add3A_25 : f32 to vector<12800x128xf32>
    %add3A_27 = arith.addf %sub3A, %add3A_26 : vector<12800x128xf32>
    %rsqrt3A = math.rsqrt %add3A_27 : vector<12800x128xf32>
    %sub3A_28 = arith.subf %reshape3A, %dot_general3A_20 : vector<12800x128xf32>
    %get3A_29 = arith.constant 0 : index
    %get3A_30 = arith.constant 0 : index
    %get3A_31 = vector.load %arg5[%get3A_29, %get3A_30] : memref<1x128xf32, #tpu.memory_space<vmem>>, vector<1x128xf32>
    %mul3A_32 = vector.broadcast %get3A_31 : vector<1x128xf32> to vector<12800x128xf32>
    %mul3A_33 = arith.mulf %rsqrt3A, %mul3A_32 : vector<12800x128xf32>
    %mul3A_34 = arith.mulf %sub3A_28, %mul3A_33 : vector<12800x128xf32>
    %get3A_35 = arith.constant 0 : index
    %get3A_36 = arith.constant 0 : index
    %get3A_37 = vector.load %arg6[%get3A_35, %get3A_36] : memref<1x128xf32, #tpu.memory_space<vmem>>, vector<1x128xf32>
    %add3A_38 = vector.broadcast %get3A_37 : vector<1x128xf32> to vector<12800x128xf32>
    %add3A_39 = arith.addf %mul3A_34, %add3A_38 : vector<12800x128xf32>
    %reshape3A_40 = vector.shape_cast %add3A_39 : vector<12800x128xf32> to vector<64x200x128xf32>
    %swap3A = arith.constant 0 : index
    %swap3A_41 = arith.constant 0 : index
    %swap3A_42 = arith.constant 0 : index
    %swap3A_43 = vector.load %arg7[%swap3A, %swap3A_41, %swap3A_42] : memref<64x200x128xf32, #tpu.memory_space<vmem>>, vector<64x200x128xf32>
    tpu.vector_store %arg7[%swap3A, %swap3A_41, %swap3A_42], %reshape3A_40 {strides = array<i32>} : memref<64x200x128xf32, #tpu.memory_space<vmem>>, vector<64x200x128xf32>,
    return
  }
  func.func @transform_0(%arg0: i32) -> (i32, i32, i32) {
    %c0_i32 = arith.constant 0 : i32
    %c0_i32_0 = arith.constant 0 : i32
    %c0_i32_1 = arith.constant 0 : i32
    return %arg0, %c0_i32, %c0_i32_0 : i32, i32, i32
  }
  func.func @transform_1(%arg0: i32) -> (i32, i32) {
    %c0_i32 = arith.constant 0 : i32
    %c0_i32_0 = arith.constant 0 : i32
    return %arg0, %c0_i32 : i32, i32
  }
  func.func @transform_2(%arg0: i32) -> (i32, i32) {
    %c0_i32 = arith.constant 0 : i32
    %c0_i32_0 = arith.constant 0 : i32
    %c0_i32_1 = arith.constant 0 : i32
    return %c0_i32, %c0_i32_0 : i32, i32
  }
  func.func @transform_3(%arg0: i32) -> (i32, i32) {
    %c0_i32 = arith.constant 0 : i32
    %c0_i32_0 = arith.constant 0 : i32
    %c0_i32_1 = arith.constant 0 : i32
    return %c0_i32, %c0_i32_0 : i32, i32
  }
  func.func @transform_4(%arg0: i32) -> (i32, i32) {
    %c0_i32 = arith.constant 0 : i32
    %c0_i32_0 = arith.constant 0 : i32
    %c0_i32_1 = arith.constant 0 : i32
    return %c0_i32, %c0_i32_0 : i32, i32
  }
  func.func @transform_5(%arg0: i32) -> (i32, i32) {
    %c0_i32 = arith.constant 0 : i32
    %c0_i32_0 = arith.constant 0 : i32
    %c0_i32_1 = arith.constant 0 : i32
    return %c0_i32, %c0_i32_0 : i32, i32
  }
  func.func @transform_6(%arg0: i32) -> (i32, i32, i32) {
    %add3A = arith.constant 0 : i32
    %add3A_0 = arith.addi %add3A, %arg0 : i32
    %c0_i32 = arith.constant 0 : i32
    %c0_i32_1 = arith.constant 0 : i32
    %c0_i32_2 = arith.constant 0 : i32
    return %add3A_0, %c0_i32, %c0_i32_1 : i32, i32, i32
  }
}

module attributes {stable_mosaic.version = 14 : i64} {
  func.func @_ln_body(%arg0: i32, %arg1: memref<1024x200x128xf32, #tpu.memory_space<any>>, %arg2: memref<64x200x128xf32, #tpu.memory_space<vmem>>, %arg3: memref<64x200xf32, #tpu.memory_space<vmem>>, %arg4: memref<200x128xf32, #tpu.memory_space<vmem>>, %arg5: memref<1x128xf32, #tpu.memory_space<vmem>>, %arg6: memref<1x128xf32, #tpu.memory_space<vmem>>, %arg7: memref<1x128xf32, #tpu.memory_space<vmem>>, %arg8: memref<64x200x128xf32, #tpu.memory_space<vmem>>) attributes {dimension_semantics = [#tpu.dimension_semantics<arbitrary>], iteration_bounds = array<i64: 4>, scalar_prefetch = 0 : i64, scratch_operands = 0 : i64, tpu.core_type = #tpu.core_type<tc>, window_params = [{}, {transform_indices = @transform_1, window_bounds = array<i64: 64, 200, 128>}, {transform_indices = @transform_2, window_bounds = array<i64: 64, 200>}, {pipeline_mode = #tpu.pipeline_mode<synchronous>, transform_indices = @transform_3, window_bounds = array<i64: 200, 128>}, {pipeline_mode = #tpu.pipeline_mode<synchronous>, transform_indices = @transform_4, window_bounds = array<i64: 1, 128>}, {pipeline_mode = #tpu.pipeline_mode<synchronous>, transform_indices = @transform_5, window_bounds = array<i64: 1, 128>}, {pipeline_mode = #tpu.pipeline_mode<synchronous>, transform_indices = @transform_6, window_bounds = array<i64: 1, 128>}, {transform_indices = @transform_7, window_bounds = array<i64: 64, 200, 128>}]} {
    %get3A = arith.constant 0 : index
    %get3A_0 = arith.constant 0 : index
    %get3A_1 = arith.constant 0 : index
    %get3A_2 = vector.load %arg2[%get3A, %get3A_0, %get3A_1] : memref<64x200x128xf32, #tpu.memory_space<vmem>>, vector<64x200x128xf32>
    %get3A_3 = arith.constant 0 : index
    %get3A_4 = arith.constant 0 : index
    %get3A_5 = vector.load %arg3[%get3A_3, %get3A_4] : memref<64x200xf32, #tpu.memory_space<vmem>>, vector<64x200xf32>
    %broadcast_in_dim3A = vector.shape_cast %get3A_5 : vector<64x200xf32> to vector<64x200x1xf32>
    %get3A_6 = arith.constant 0 : index
    %get3A_7 = arith.constant 0 : index
    %get3A_8 = vector.load %arg4[%get3A_6, %get3A_7] : memref<200x128xf32, #tpu.memory_space<vmem>>, vector<200x128xf32>
    %broadcast_in_dim3A_9 = vector.shape_cast %get3A_8 : vector<200x128xf32> to vector<1x200x128xf32>
    %add3A = vector.broadcast %broadcast_in_dim3A_9 : vector<1x200x128xf32> to vector<64x200x128xf32>
    %add3A_10 = arith.addf %get3A_2, %add3A : vector<64x200x128xf32>
    %get3A_11 = arith.constant 0 : index
    %get3A_12 = arith.constant 0 : index
    %get3A_13 = vector.load %arg5[%get3A_11, %get3A_12] : memref<1x128xf32, #tpu.memory_space<vmem>>, vector<1x128xf32>
    %broadcast_in_dim3A_14 = vector.shape_cast %get3A_13 : vector<1x128xf32> to vector<1x1x128xf32>
    %mul3A = vector.broadcast %broadcast_in_dim3A : vector<64x200x1xf32> to vector<64x200x128xf32>
    %mul3A_15 = vector.broadcast %broadcast_in_dim3A_14 : vector<1x1x128xf32> to vector<64x200x128xf32>
    %mul3A_16 = arith.mulf %mul3A, %mul3A_15 : vector<64x200x128xf32>
    %add3A_17 = arith.addf %add3A_10, %mul3A_16 : vector<64x200x128xf32>
    %reshape3A = vector.shape_cast %add3A_17 : vector<64x200x128xf32> to vector<12800x128xf32>
    %broadcast_in_dim3A_18 = arith.constant 7.812500e-03 : f32
    %broadcast_in_dim3A_19 = vector.broadcast %broadcast_in_dim3A_18 : f32 to vector<128x128xf32>
    %dot_general3A = arith.constant dense<0.000000e+00> : vector<12800x128xf32>
    %dot_general3A_20 = tpu.matmul %reshape3A, %broadcast_in_dim3A_19, %dot_general3A {dimension_numbers = #tpu.dot_dimension_numbers<[1], [0], [0], [1], [0, 0, 1, 1], [], []>, transpose_lhs_hint = false} : vector<12800x128xf32>, vector<128x128xf32>, vector<12800x128xf32> -> vector<12800x128xf32>
    %mul3A_21 = arith.mulf %reshape3A, %reshape3A : vector<12800x128xf32>
    %dot_general3A_22 = arith.constant dense<0.000000e+00> : vector<12800x128xf32>
    %dot_general3A_23 = tpu.matmul %mul3A_21, %broadcast_in_dim3A_19, %dot_general3A_22 {dimension_numbers = #tpu.dot_dimension_numbers<[1], [0], [0], [1], [0, 0, 1, 1], [], []>, transpose_lhs_hint = false} : vector<12800x128xf32>, vector<128x128xf32>, vector<12800x128xf32> -> vector<12800x128xf32>
    %mul3A_24 = arith.mulf %dot_general3A_20, %dot_general3A_20 : vector<12800x128xf32>
    %sub3A = arith.subf %dot_general3A_23, %mul3A_24 : vector<12800x128xf32>
    %add3A_25 = arith.constant 9.99999996E-13 : f32
    %add3A_26 = vector.broadcast %add3A_25 : f32 to vector<12800x128xf32>
    %add3A_27 = arith.addf %sub3A, %add3A_26 : vector<12800x128xf32>
    %rsqrt3A = math.rsqrt %add3A_27 : vector<12800x128xf32>
    %sub3A_28 = arith.subf %reshape3A, %dot_general3A_20 : vector<12800x128xf32>
    %get3A_29 = arith.constant 0 : index
    %get3A_30 = arith.constant 0 : index
    %get3A_31 = vector.load %arg6[%get3A_29, %get3A_30] : memref<1x128xf32, #tpu.memory_space<vmem>>, vector<1x128xf32>
    %mul3A_32 = vector.broadcast %get3A_31 : vector<1x128xf32> to vector<12800x128xf32>
    %mul3A_33 = arith.mulf %rsqrt3A, %mul3A_32 : vector<12800x128xf32>
    %mul3A_34 = arith.mulf %sub3A_28, %mul3A_33 : vector<12800x128xf32>
    %get3A_35 = arith.constant 0 : index
    %get3A_36 = arith.constant 0 : index
    %get3A_37 = vector.load %arg7[%get3A_35, %get3A_36] : memref<1x128xf32, #tpu.memory_space<vmem>>, vector<1x128xf32>
    %add3A_38 = vector.broadcast %get3A_37 : vector<1x128xf32> to vector<12800x128xf32>
    %add3A_39 = arith.addf %mul3A_34, %add3A_38 : vector<12800x128xf32>
    %reshape3A_40 = vector.shape_cast %add3A_39 : vector<12800x128xf32> to vector<64x200x128xf32>
    %swap3A = arith.constant 0 : index
    %swap3A_41 = arith.constant 0 : index
    %swap3A_42 = arith.constant 0 : index
    %swap3A_43 = vector.load %arg8[%swap3A, %swap3A_41, %swap3A_42] : memref<64x200x128xf32, #tpu.memory_space<vmem>>, vector<64x200x128xf32>
    tpu.vector_store %arg8[%swap3A, %swap3A_41, %swap3A_42], %reshape3A_40 {strides = array<i32>} : memref<64x200x128xf32, #tpu.memory_space<vmem>>, vector<64x200x128xf32>,
    return
  }
  func.func @transform_1(%arg0: i32) -> (i32, i32, i32) {
    %c0_i32 = arith.constant 0 : i32
    %c0_i32_0 = arith.constant 0 : i32
    %c0_i32_1 = arith.constant 0 : i32
    return %arg0, %c0_i32, %c0_i32_0 : i32, i32, i32
  }
  func.func @transform_2(%arg0: i32) -> (i32, i32) {
    %c0_i32 = arith.constant 0 : i32
    %c0_i32_0 = arith.constant 0 : i32
    return %arg0, %c0_i32 : i32, i32
  }
  func.func @transform_3(%arg0: i32) -> (i32, i32) {
    %c0_i32 = arith.constant 0 : i32
    %c0_i32_0 = arith.constant 0 : i32
    %c0_i32_1 = arith.constant 0 : i32
    return %c0_i32, %c0_i32_0 : i32, i32
  }
  func.func @transform_4(%arg0: i32) -> (i32, i32) {
    %c0_i32 = arith.constant 0 : i32
    %c0_i32_0 = arith.constant 0 : i32
    %c0_i32_1 = arith.constant 0 : i32
    return %c0_i32, %c0_i32_0 : i32, i32
  }
  func.func @transform_5(%arg0: i32) -> (i32, i32) {
    %c0_i32 = arith.constant 0 : i32
    %c0_i32_0 = arith.constant 0 : i32
    %c0_i32_1 = arith.constant 0 : i32
    return %c0_i32, %c0_i32_0 : i32, i32
  }
  func.func @transform_6(%arg0: i32) -> (i32, i32) {
    %c0_i32 = arith.constant 0 : i32
    %c0_i32_0 = arith.constant 0 : i32
    %c0_i32_1 = arith.constant 0 : i32
    return %c0_i32, %c0_i32_0 : i32, i32
  }
  func.func @transform_7(%arg0: i32) -> (i32, i32, i32) {
    %add3A = arith.constant 8 : i32
    %add3A_0 = arith.addi %add3A, %arg0 : i32
    %c0_i32 = arith.constant 0 : i32
    %c0_i32_1 = arith.constant 0 : i32
    %c0_i32_2 = arith.constant 0 : i32
    return %add3A_0, %c0_i32, %c0_i32_1 : i32, i32, i32
  }
}

module attributes {stable_mosaic.version = 14 : i64} {
  func.func @_ln_body(%arg0: i32, %arg1: memref<1024x200x128xf32, #tpu.memory_space<any>>, %arg2: memref<64x200x128xf32, #tpu.memory_space<vmem>>, %arg3: memref<64x200xf32, #tpu.memory_space<vmem>>, %arg4: memref<200x128xf32, #tpu.memory_space<vmem>>, %arg5: memref<1x128xf32, #tpu.memory_space<vmem>>, %arg6: memref<1x128xf32, #tpu.memory_space<vmem>>, %arg7: memref<1x128xf32, #tpu.memory_space<vmem>>, %arg8: memref<64x200x128xf32, #tpu.memory_space<vmem>>) attributes {dimension_semantics = [#tpu.dimension_semantics<arbitrary>], iteration_bounds = array<i64: 4>, scalar_prefetch = 0 : i64, scratch_operands = 0 : i64, tpu.core_type = #tpu.core_type<tc>, window_params = [{}, {transform_indices = @transform_1, window_bounds = array<i64: 64, 200, 128>}, {transform_indices = @transform_2, window_bounds = array<i64: 64, 200>}, {pipeline_mode = #tpu.pipeline_mode<synchronous>, transform_indices = @transform_3, window_bounds = array<i64: 200, 128>}, {pipeline_mode = #tpu.pipeline_mode<synchronous>, transform_indices = @transform_4, window_bounds = array<i64: 1, 128>}, {pipeline_mode = #tpu.pipeline_mode<synchronous>, transform_indices = @transform_5, window_bounds = array<i64: 1, 128>}, {pipeline_mode = #tpu.pipeline_mode<synchronous>, transform_indices = @transform_6, window_bounds = array<i64: 1, 128>}, {transform_indices = @transform_7, window_bounds = array<i64: 64, 200, 128>}]} {
    %get3A = arith.constant 0 : index
    %get3A_0 = arith.constant 0 : index
    %get3A_1 = arith.constant 0 : index
    %get3A_2 = vector.load %arg2[%get3A, %get3A_0, %get3A_1] : memref<64x200x128xf32, #tpu.memory_space<vmem>>, vector<64x200x128xf32>
    %get3A_3 = arith.constant 0 : index
    %get3A_4 = arith.constant 0 : index
    %get3A_5 = vector.load %arg3[%get3A_3, %get3A_4] : memref<64x200xf32, #tpu.memory_space<vmem>>, vector<64x200xf32>
    %broadcast_in_dim3A = vector.shape_cast %get3A_5 : vector<64x200xf32> to vector<64x200x1xf32>
    %get3A_6 = arith.constant 0 : index
    %get3A_7 = arith.constant 0 : index
    %get3A_8 = vector.load %arg4[%get3A_6, %get3A_7] : memref<200x128xf32, #tpu.memory_space<vmem>>, vector<200x128xf32>
    %broadcast_in_dim3A_9 = vector.shape_cast %get3A_8 : vector<200x128xf32> to vector<1x200x128xf32>
    %add3A = vector.broadcast %broadcast_in_dim3A_9 : vector<1x200x128xf32> to vector<64x200x128xf32>
    %add3A_10 = arith.addf %get3A_2, %add3A : vector<64x200x128xf32>
    %get3A_11 = arith.constant 0 : index
    %get3A_12 = arith.constant 0 : index
    %get3A_13 = vector.load %arg5[%get3A_11, %get3A_12] : memref<1x128xf32, #tpu.memory_space<vmem>>, vector<1x128xf32>
    %broadcast_in_dim3A_14 = vector.shape_cast %get3A_13 : vector<1x128xf32> to vector<1x1x128xf32>
    %mul3A = vector.broadcast %broadcast_in_dim3A : vector<64x200x1xf32> to vector<64x200x128xf32>
    %mul3A_15 = vector.broadcast %broadcast_in_dim3A_14 : vector<1x1x128xf32> to vector<64x200x128xf32>
    %mul3A_16 = arith.mulf %mul3A, %mul3A_15 : vector<64x200x128xf32>
    %add3A_17 = arith.addf %add3A_10, %mul3A_16 : vector<64x200x128xf32>
    %reshape3A = vector.shape_cast %add3A_17 : vector<64x200x128xf32> to vector<12800x128xf32>
    %broadcast_in_dim3A_18 = arith.constant 7.812500e-03 : f32
    %broadcast_in_dim3A_19 = vector.broadcast %broadcast_in_dim3A_18 : f32 to vector<128x128xf32>
    %dot_general3A = arith.constant dense<0.000000e+00> : vector<12800x128xf32>
    %dot_general3A_20 = tpu.matmul %reshape3A, %broadcast_in_dim3A_19, %dot_general3A {dimension_numbers = #tpu.dot_dimension_numbers<[1], [0], [0], [1], [0, 0, 1, 1], [], []>, transpose_lhs_hint = false} : vector<12800x128xf32>, vector<128x128xf32>, vector<12800x128xf32> -> vector<12800x128xf32>
    %mul3A_21 = arith.mulf %reshape3A, %reshape3A : vector<12800x128xf32>
    %dot_general3A_22 = arith.constant dense<0.000000e+00> : vector<12800x128xf32>
    %dot_general3A_23 = tpu.matmul %mul3A_21, %broadcast_in_dim3A_19, %dot_general3A_22 {dimension_numbers = #tpu.dot_dimension_numbers<[1], [0], [0], [1], [0, 0, 1, 1], [], []>, transpose_lhs_hint = false} : vector<12800x128xf32>, vector<128x128xf32>, vector<12800x128xf32> -> vector<12800x128xf32>
    %mul3A_24 = arith.mulf %dot_general3A_20, %dot_general3A_20 : vector<12800x128xf32>
    %sub3A = arith.subf %dot_general3A_23, %mul3A_24 : vector<12800x128xf32>
    %add3A_25 = arith.constant 9.99999996E-13 : f32
    %add3A_26 = vector.broadcast %add3A_25 : f32 to vector<12800x128xf32>
    %add3A_27 = arith.addf %sub3A, %add3A_26 : vector<12800x128xf32>
    %rsqrt3A = math.rsqrt %add3A_27 : vector<12800x128xf32>
    %sub3A_28 = arith.subf %reshape3A, %dot_general3A_20 : vector<12800x128xf32>
    %get3A_29 = arith.constant 0 : index
    %get3A_30 = arith.constant 0 : index
    %get3A_31 = vector.load %arg6[%get3A_29, %get3A_30] : memref<1x128xf32, #tpu.memory_space<vmem>>, vector<1x128xf32>
    %mul3A_32 = vector.broadcast %get3A_31 : vector<1x128xf32> to vector<12800x128xf32>
    %mul3A_33 = arith.mulf %rsqrt3A, %mul3A_32 : vector<12800x128xf32>
    %mul3A_34 = arith.mulf %sub3A_28, %mul3A_33 : vector<12800x128xf32>
    %get3A_35 = arith.constant 0 : index
    %get3A_36 = arith.constant 0 : index
    %get3A_37 = vector.load %arg7[%get3A_35, %get3A_36] : memref<1x128xf32, #tpu.memory_space<vmem>>, vector<1x128xf32>
    %add3A_38 = vector.broadcast %get3A_37 : vector<1x128xf32> to vector<12800x128xf32>
    %add3A_39 = arith.addf %mul3A_34, %add3A_38 : vector<12800x128xf32>
    %reshape3A_40 = vector.shape_cast %add3A_39 : vector<12800x128xf32> to vector<64x200x128xf32>
    %swap3A = arith.constant 0 : index
    %swap3A_41 = arith.constant 0 : index
    %swap3A_42 = arith.constant 0 : index
    %swap3A_43 = vector.load %arg8[%swap3A, %swap3A_41, %swap3A_42] : memref<64x200x128xf32, #tpu.memory_space<vmem>>, vector<64x200x128xf32>
    tpu.vector_store %arg8[%swap3A, %swap3A_41, %swap3A_42], %reshape3A_40 {strides = array<i32>} : memref<64x200x128xf32, #tpu.memory_space<vmem>>, vector<64x200x128xf32>,
    return
  }
  func.func @transform_1(%arg0: i32) -> (i32, i32, i32) {
    %c0_i32 = arith.constant 0 : i32
    %c0_i32_0 = arith.constant 0 : i32
    %c0_i32_1 = arith.constant 0 : i32
    return %arg0, %c0_i32, %c0_i32_0 : i32, i32, i32
  }
  func.func @transform_2(%arg0: i32) -> (i32, i32) {
    %c0_i32 = arith.constant 0 : i32
    %c0_i32_0 = arith.constant 0 : i32
    return %arg0, %c0_i32 : i32, i32
  }
  func.func @transform_3(%arg0: i32) -> (i32, i32) {
    %c0_i32 = arith.constant 0 : i32
    %c0_i32_0 = arith.constant 0 : i32
    %c0_i32_1 = arith.constant 0 : i32
    return %c0_i32, %c0_i32_0 : i32, i32
  }
  func.func @transform_4(%arg0: i32) -> (i32, i32) {
    %c0_i32 = arith.constant 0 : i32
    %c0_i32_0 = arith.constant 0 : i32
    %c0_i32_1 = arith.constant 0 : i32
    return %c0_i32, %c0_i32_0 : i32, i32
  }
  func.func @transform_5(%arg0: i32) -> (i32, i32) {
    %c0_i32 = arith.constant 0 : i32
    %c0_i32_0 = arith.constant 0 : i32
    %c0_i32_1 = arith.constant 0 : i32
    return %c0_i32, %c0_i32_0 : i32, i32
  }
  func.func @transform_6(%arg0: i32) -> (i32, i32) {
    %c0_i32 = arith.constant 0 : i32
    %c0_i32_0 = arith.constant 0 : i32
    %c0_i32_1 = arith.constant 0 : i32
    return %c0_i32, %c0_i32_0 : i32, i32
  }
  func.func @transform_7(%arg0: i32) -> (i32, i32, i32) {
    %add3A = arith.constant 4 : i32
    %add3A_0 = arith.addi %add3A, %arg0 : i32
    %c0_i32 = arith.constant 0 : i32
    %c0_i32_1 = arith.constant 0 : i32
    %c0_i32_2 = arith.constant 0 : i32
    return %add3A_0, %c0_i32, %c0_i32_1 : i32, i32, i32
  }
}

module attributes {stable_mosaic.version = 14 : i64} {
  func.func @_ln_body(%arg0: i32, %arg1: memref<1024x200x128xf32, #tpu.memory_space<any>>, %arg2: memref<64x200x128xf32, #tpu.memory_space<vmem>>, %arg3: memref<64x200xf32, #tpu.memory_space<vmem>>, %arg4: memref<200x128xf32, #tpu.memory_space<vmem>>, %arg5: memref<1x128xf32, #tpu.memory_space<vmem>>, %arg6: memref<1x128xf32, #tpu.memory_space<vmem>>, %arg7: memref<1x128xf32, #tpu.memory_space<vmem>>, %arg8: memref<64x200x128xf32, #tpu.memory_space<vmem>>) attributes {dimension_semantics = [#tpu.dimension_semantics<arbitrary>], iteration_bounds = array<i64: 4>, scalar_prefetch = 0 : i64, scratch_operands = 0 : i64, tpu.core_type = #tpu.core_type<tc>, window_params = [{}, {transform_indices = @transform_1, window_bounds = array<i64: 64, 200, 128>}, {transform_indices = @transform_2, window_bounds = array<i64: 64, 200>}, {pipeline_mode = #tpu.pipeline_mode<synchronous>, transform_indices = @transform_3, window_bounds = array<i64: 200, 128>}, {pipeline_mode = #tpu.pipeline_mode<synchronous>, transform_indices = @transform_4, window_bounds = array<i64: 1, 128>}, {pipeline_mode = #tpu.pipeline_mode<synchronous>, transform_indices = @transform_5, window_bounds = array<i64: 1, 128>}, {pipeline_mode = #tpu.pipeline_mode<synchronous>, transform_indices = @transform_6, window_bounds = array<i64: 1, 128>}, {transform_indices = @transform_7, window_bounds = array<i64: 64, 200, 128>}]} {
    %get3A = arith.constant 0 : index
    %get3A_0 = arith.constant 0 : index
    %get3A_1 = arith.constant 0 : index
    %get3A_2 = vector.load %arg2[%get3A, %get3A_0, %get3A_1] : memref<64x200x128xf32, #tpu.memory_space<vmem>>, vector<64x200x128xf32>
    %get3A_3 = arith.constant 0 : index
    %get3A_4 = arith.constant 0 : index
    %get3A_5 = vector.load %arg3[%get3A_3, %get3A_4] : memref<64x200xf32, #tpu.memory_space<vmem>>, vector<64x200xf32>
    %broadcast_in_dim3A = vector.shape_cast %get3A_5 : vector<64x200xf32> to vector<64x200x1xf32>
    %get3A_6 = arith.constant 0 : index
    %get3A_7 = arith.constant 0 : index
    %get3A_8 = vector.load %arg4[%get3A_6, %get3A_7] : memref<200x128xf32, #tpu.memory_space<vmem>>, vector<200x128xf32>
    %broadcast_in_dim3A_9 = vector.shape_cast %get3A_8 : vector<200x128xf32> to vector<1x200x128xf32>
    %add3A = vector.broadcast %broadcast_in_dim3A_9 : vector<1x200x128xf32> to vector<64x200x128xf32>
    %add3A_10 = arith.addf %get3A_2, %add3A : vector<64x200x128xf32>
    %get3A_11 = arith.constant 0 : index
    %get3A_12 = arith.constant 0 : index
    %get3A_13 = vector.load %arg5[%get3A_11, %get3A_12] : memref<1x128xf32, #tpu.memory_space<vmem>>, vector<1x128xf32>
    %broadcast_in_dim3A_14 = vector.shape_cast %get3A_13 : vector<1x128xf32> to vector<1x1x128xf32>
    %mul3A = vector.broadcast %broadcast_in_dim3A : vector<64x200x1xf32> to vector<64x200x128xf32>
    %mul3A_15 = vector.broadcast %broadcast_in_dim3A_14 : vector<1x1x128xf32> to vector<64x200x128xf32>
    %mul3A_16 = arith.mulf %mul3A, %mul3A_15 : vector<64x200x128xf32>
    %add3A_17 = arith.addf %add3A_10, %mul3A_16 : vector<64x200x128xf32>
    %reshape3A = vector.shape_cast %add3A_17 : vector<64x200x128xf32> to vector<12800x128xf32>
    %broadcast_in_dim3A_18 = arith.constant 7.812500e-03 : f32
    %broadcast_in_dim3A_19 = vector.broadcast %broadcast_in_dim3A_18 : f32 to vector<128x128xf32>
    %dot_general3A = arith.constant dense<0.000000e+00> : vector<12800x128xf32>
    %dot_general3A_20 = tpu.matmul %reshape3A, %broadcast_in_dim3A_19, %dot_general3A {dimension_numbers = #tpu.dot_dimension_numbers<[1], [0], [0], [1], [0, 0, 1, 1], [], []>, transpose_lhs_hint = false} : vector<12800x128xf32>, vector<128x128xf32>, vector<12800x128xf32> -> vector<12800x128xf32>
    %mul3A_21 = arith.mulf %reshape3A, %reshape3A : vector<12800x128xf32>
    %dot_general3A_22 = arith.constant dense<0.000000e+00> : vector<12800x128xf32>
    %dot_general3A_23 = tpu.matmul %mul3A_21, %broadcast_in_dim3A_19, %dot_general3A_22 {dimension_numbers = #tpu.dot_dimension_numbers<[1], [0], [0], [1], [0, 0, 1, 1], [], []>, transpose_lhs_hint = false} : vector<12800x128xf32>, vector<128x128xf32>, vector<12800x128xf32> -> vector<12800x128xf32>
    %mul3A_24 = arith.mulf %dot_general3A_20, %dot_general3A_20 : vector<12800x128xf32>
    %sub3A = arith.subf %dot_general3A_23, %mul3A_24 : vector<12800x128xf32>
    %add3A_25 = arith.constant 9.99999996E-13 : f32
    %add3A_26 = vector.broadcast %add3A_25 : f32 to vector<12800x128xf32>
    %add3A_27 = arith.addf %sub3A, %add3A_26 : vector<12800x128xf32>
    %rsqrt3A = math.rsqrt %add3A_27 : vector<12800x128xf32>
    %sub3A_28 = arith.subf %reshape3A, %dot_general3A_20 : vector<12800x128xf32>
    %get3A_29 = arith.constant 0 : index
    %get3A_30 = arith.constant 0 : index
    %get3A_31 = vector.load %arg6[%get3A_29, %get3A_30] : memref<1x128xf32, #tpu.memory_space<vmem>>, vector<1x128xf32>
    %mul3A_32 = vector.broadcast %get3A_31 : vector<1x128xf32> to vector<12800x128xf32>
    %mul3A_33 = arith.mulf %rsqrt3A, %mul3A_32 : vector<12800x128xf32>
    %mul3A_34 = arith.mulf %sub3A_28, %mul3A_33 : vector<12800x128xf32>
    %get3A_35 = arith.constant 0 : index
    %get3A_36 = arith.constant 0 : index
    %get3A_37 = vector.load %arg7[%get3A_35, %get3A_36] : memref<1x128xf32, #tpu.memory_space<vmem>>, vector<1x128xf32>
    %add3A_38 = vector.broadcast %get3A_37 : vector<1x128xf32> to vector<12800x128xf32>
    %add3A_39 = arith.addf %mul3A_34, %add3A_38 : vector<12800x128xf32>
    %reshape3A_40 = vector.shape_cast %add3A_39 : vector<12800x128xf32> to vector<64x200x128xf32>
    %swap3A = arith.constant 0 : index
    %swap3A_41 = arith.constant 0 : index
    %swap3A_42 = arith.constant 0 : index
    %swap3A_43 = vector.load %arg8[%swap3A, %swap3A_41, %swap3A_42] : memref<64x200x128xf32, #tpu.memory_space<vmem>>, vector<64x200x128xf32>
    tpu.vector_store %arg8[%swap3A, %swap3A_41, %swap3A_42], %reshape3A_40 {strides = array<i32>} : memref<64x200x128xf32, #tpu.memory_space<vmem>>, vector<64x200x128xf32>,
    return
  }
  func.func @transform_1(%arg0: i32) -> (i32, i32, i32) {
    %c0_i32 = arith.constant 0 : i32
    %c0_i32_0 = arith.constant 0 : i32
    %c0_i32_1 = arith.constant 0 : i32
    return %arg0, %c0_i32, %c0_i32_0 : i32, i32, i32
  }
  func.func @transform_2(%arg0: i32) -> (i32, i32) {
    %c0_i32 = arith.constant 0 : i32
    %c0_i32_0 = arith.constant 0 : i32
    return %arg0, %c0_i32 : i32, i32
  }
  func.func @transform_3(%arg0: i32) -> (i32, i32) {
    %c0_i32 = arith.constant 0 : i32
    %c0_i32_0 = arith.constant 0 : i32
    %c0_i32_1 = arith.constant 0 : i32
    return %c0_i32, %c0_i32_0 : i32, i32
  }
  func.func @transform_4(%arg0: i32) -> (i32, i32) {
    %c0_i32 = arith.constant 0 : i32
    %c0_i32_0 = arith.constant 0 : i32
    %c0_i32_1 = arith.constant 0 : i32
    return %c0_i32, %c0_i32_0 : i32, i32
  }
  func.func @transform_5(%arg0: i32) -> (i32, i32) {
    %c0_i32 = arith.constant 0 : i32
    %c0_i32_0 = arith.constant 0 : i32
    %c0_i32_1 = arith.constant 0 : i32
    return %c0_i32, %c0_i32_0 : i32, i32
  }
  func.func @transform_6(%arg0: i32) -> (i32, i32) {
    %c0_i32 = arith.constant 0 : i32
    %c0_i32_0 = arith.constant 0 : i32
    %c0_i32_1 = arith.constant 0 : i32
    return %c0_i32, %c0_i32_0 : i32, i32
  }
  func.func @transform_7(%arg0: i32) -> (i32, i32, i32) {
    %add3A = arith.constant 12 : i32
    %add3A_0 = arith.addi %add3A, %arg0 : i32
    %c0_i32 = arith.constant 0 : i32
    %c0_i32_1 = arith.constant 0 : i32
    %c0_i32_2 = arith.constant 0 : i32
    return %add3A_0, %c0_i32, %c0_i32_1 : i32, i32, i32
  }
}

</mosaic_0001>

<sc_bundles>
// kernel: kernel.10.cloned.1.call-start
scs
__scs_entry_jumppad:
0x0: {  	(pc) =	sbr.rel $0x88, $3  }
0x1: {  	(tag) =	ssettag $0x0;
	lr =	simm.s32 $0x1  }
0x2: {  	[smem:$0x3F9A] =	sst lr;
	_ =	strace $0xD0000000  }
0x3: {  	_ = 	snop  }
0x4: {  	_ = 	snop  }
0x5: {  	_ = 	snop  }
0x6: {  	_ = 	snop  }
0x7: {  	_ = 	snop  }
__scs_overlays_trampoline_lowered:
0x8: {  	[smem:$0x3FA9] =	sst s0  }
0x9: {  	[smem:$0x3FAA] =	sst s1  }
0xa: {  	[smem:$0x3FAB] =	sst s2  }
0xb: {  	[smem:$0x3FAC] =	sst s3  }
0xc: {  	[smem:$0x3FAD] =	sst s4  }
0xd: {  	[smem:$0x3FAE] =	sst s5  }
0xe: {  	[smem:$0x3FAF] =	sst s6  }
0xf: {  	[smem:$0x3FB0] =	sst s7  }
0x10: {  	[smem:$0x3FB1] =	sst s8  }
0x11: {  	[smem:$0x3FB2] =	sst s9;
	s0 =	simm.s32 @!p0 $0x0  }
0x12: {  	s1 =	sld [smem:$0x3F98];
	s0 =	simm.s32 @p0 $0x1  }
0x13: {  	[smem:$0x3FB3] =	sst s0;
	s0 =	simm.s32 @!p1 $0x0  }
0x14: {  	s2 =	sld [smem:$0x3F97];
	s0 =	simm.s32 @p1 $0x1  }
0x15: {  	[smem:$0x3FB4] =	sst s0;
	s0 =	simm.s32 @!p2 $0x0  }
0x16: {  	s3 =	sld [smem:$0x3FDB];
	s0 =	simm.s32 @p2 $0x1  }
0x17: {  	s4 =	simm.s32 $0x1BF5;
	[smem:$0x3FB6] =	sst s0  }
0x18: {  	s0 =	sld [smem:$0x3F99];
	_ =	swait.ge [sflag:s4], $0x0  }
0x19: {  	s7 =	sld [smem:$0x3F9A]  }
0x1a: {  	s8 =	sadd.s32 $0xFFFFE003, lr  }
0x1b: {  	s9 =	sadd.s32 $0xFFFFFEF7, lr;
	s5 =	simm.s32 $0xFFFFFFFF;
	p2 =	slt.u32 s8, $0xFFFFF086  }
0x1c: {  	p1 =	slt.u32 s9, $0xF7A;
	s5 =	simm.s32 @!p2 $0x0  }
0x1d: {  	s5 =	simm.s32 @p1 $0x1;
	p0 =	seq.s32 s7, s2  }
0x1e: {  	s7 =	smul.u32 @!p0 $0xF7A, s2;
	p2 =	seq.s32 @!p0 s5, $0x0  }
0x1f: {  	s9 =	smul.u32 $0xF7A, s1;
	s8 =	simm.s32 @!p0 $0x1BF5;
	p2 =	por !p2, p0  }
0x20: {  	[sflag:s8] =	ssyncset.s32 @!p0 $0xFFFFF086;
	s6 =	sadd.s32 @!p0 s3, s7;
	s7 =	simm.s32 @!p0 $0x108  }
0x21: {  	s3 =	sadd.s32 s3, s9;
	s6 =	sadd.s32 @!p0 $0x88, s6;
	s7 =	simm.s32 @p2 $0x1082  }
0x22: {  	[simem:s7], [sflag:s8] =	dma.local @!p0 [hbm:s6], $0xF7A  }
0x23: {  	s9 =	sor.u32 $0xD0000000, s2;
	s6 =	simm.s32 $0x108;
	_ =	swait.ge @!p0 [sflag:s8], $0x0  }
0x24: {  	s3 =	sadd.s32 $0x88, s3;
	s6 =	simm.s32 @!p1 $0x1082;
	[sflag:s4] =	ssyncset.s32 $0xFFFFF086  }
0x25: {  	[simem:s6], [sflag:s4] =	dma.local [hbm:s3], $0xF7A  }
0x26: {  	[smem:$0x3F9A] =	sst s1;
	(tag) =	ssettag s2;
	_ =	strace s9  }
0x27: {  	s1 =	sld [smem:$0x3FAA]  }
0x28: {  	s2 =	sld [smem:$0x3FAB]  }
0x29: {  	s4 =	sld [smem:$0x3FAD]  }
0x2a: {  	p0 =	seq.s32 s5, $0x0;
	s5 =	sld [smem:$0x3FAE]  }
0x2b: {  	s6 =	sld [smem:$0x3FAF]  }
0x2c: {  	s7 =	sld [smem:$0x3FB0]  }
0x2d: {  	s3 =	simm.s32 $0x108;
	s8 =	sld [smem:$0x3FB1]  }
0x2e: {  	s3 =	simm.s32 @!p0 $0x1082;
	s9 =	sld [smem:$0x3FB2]  }
0x2f: {  	lr =	sadd.s32 s0, s3;
	s0 =	sld [smem:$0x3FA9]  }
0x30: {  	s3 =	sld [smem:$0x3FAC]  }
0x31: {  	[smem:$0x3FB5] =	sst s10  }
0x32: {  	s10 =	sld [smem:$0x3FB3];
	_ =	sdelay $0x3  }
0x33: {  	p0 =	seq.s32 s10, $0x1;
	s10 =	sld [smem:$0x3FB5];
	_ =	sdelay $0x3  }
0x34: {  	[smem:$0x3FB5] =	sst s10  }
0x35: {  	s10 =	sld [smem:$0x3FB4];
	_ =	sdelay $0x3  }
0x36: {  	p1 =	seq.s32 s10, $0x1;
	s10 =	sld [smem:$0x3FB5];
	_ =	sdelay $0x3  }
0x37: {  	[smem:$0x3FB5] =	sst s10  }
0x38: {  	s10 =	sld [smem:$0x3FB6]  }
0x39: {  	_ = 	snop;
	(pc) =	sbr.ind lr, $3  }
0x3a: {  	_ = 	snop  }
0x3b: {  	_ = 	snop  }
0x3c: {  	p2 =	seq.s32 s10, $0x1;
	s10 =	sld [smem:$0x3FB5]  }
0x3d: {  	_ =	shalt  }
0x3e: {  	_ =	shalt  }
0x3f: {  	_ =	shalt  }
0x40: {  	_ =	shalt  }
0x41: {  	_ =	shalt  }
0x42: {  	_ =	shalt  }
0x43: {  	_ =	shalt  }
0x44: {  	_ =	shalt  }
0x45: {  	_ =	shalt  }
0x46: {  	_ =	shalt  }
0x47: {  	_ =	shalt  }
0x48: {  	_ =	shalt  }
0x49: {  	_ =	shalt  }
0x4a: {  	_ =	shalt  }
0x4b: {  	_ =	shalt  }
0x4c: {  	_ =	shalt  }
0x4d: {  	_ =	shalt  }
0x4e: {  	_ =	shalt  }
0x4f: {  	_ =	shalt  }
0x50: {  	_ =	shalt  }
0x51: {  	_ =	shalt  }
0x52: {  	_ =	shalt  }
0x53: {  	_ =	shalt  }
0x54: {  	_ =	shalt  }
0x55: {  	_ =	shalt  }
0x56: {  	_ =	shalt  }
0x57: {  	_ =	shalt  }
0x58: {  	_ =	shalt  }
0x59: {  	_ =	shalt  }
0x5a: {  	_ =	shalt  }
0x5b: {  	_ =	shalt  }
0x5c: {  	_ =	shalt  }
0x5d: {  	_ =	shalt  }
0x5e: {  	_ =	shalt  }
0x5f: {  	_ =	shalt  }
0x60: {  	_ =	shalt  }
0x61: {  	_ =	shalt  }
0x62: {  	_ =	shalt  }
0x63: {  	_ =	shalt  }
0x64: {  	_ =	shalt  }
0x65: {  	_ =	shalt  }
0x66: {  	_ =	shalt  }
0x67: {  	_ =	shalt  }
0x68: {  	_ =	shalt  }
0x69: {  	_ =	shalt  }
0x6a: {  	_ =	shalt  }
0x6b: {  	_ =	shalt  }
0x6c: {  	_ =	shalt  }
0x6d: {  	_ =	shalt  }
0x6e: {  	_ =	shalt  }
0x6f: {  	_ =	shalt  }
0x70: {  	_ =	shalt  }
0x71: {  	_ =	shalt  }
0x72: {  	_ =	shalt  }
0x73: {  	_ =	shalt  }
0x74: {  	_ =	shalt  }
0x75: {  	_ =	shalt  }
0x76: {  	_ =	shalt  }
0x77: {  	_ =	shalt  }
0x78: {  	_ =	shalt  }
0x79: {  	_ =	shalt  }
0x7a: {  	_ =	shalt  }
0x7b: {  	_ =	shalt  }
0x7c: {  	_ =	shalt  }
0x7d: {  	_ =	shalt  }
0x7e: {  	_ =	shalt  }
0x7f: {  	_ =	shalt  }
0x80: {  	_ =	shalt  }
0x81: {  	_ =	shalt  }
0x82: {  	_ =	shalt  }
0x83: {  	_ =	shalt  }
0x84: {  	_ =	shalt  }
0x85: {  	_ =	shalt  }
0x86: {  	_ =	shalt  }
0x87: {  	_ =	shalt  }
.Lfunc_end0:
.L_simem_size_0:
called_computation_lowered:
.L_overlay_start_0:
0x88: {  	s2 =	sld [smem:$0x3FD9]  }
0x89: {  	s3 =	sld [smem:$0x3FFE];
	_ =	sdelay $0x1  }
0x8a: {  	s1 =	srdreg.scid  }
0x8b: {  	s0 =	sand.u32 $0x1, s1  }
0x8c: {  	s17 =	sshll.u32 s0, $0xA;
	s2 =	sadd.s32 s3, s2  }
0x8d: {  	s2 =	sadd.s32 s2, s17  }
0x8e: {  	[smem:$0x3FC1] =	sst s2  }
0x8f: {  	_ = 	snop  }
0x90: {  	s2 =	sld [smem:$0x3FC7]  }
0x91: {  	s18 =	sld [smem:$0x3FD0];
	(tm) =	ssettm $0x1  }
0x92: {  	s4 =	sld [smem:$0x3FFB];
	_ =	sdelay $0x3  }
0x93: {  	_ =	strace s4  }
0x94: {  	s4 =	sld [smem:$0x3FFC];
	_ =	sdelay $0x3  }
0x95: {  	_ =	strace s4  }
0x96: {  	s4 =	sld [smem:$0x3FFD];
	_ =	sdelay $0x3  }
0x97: {  	_ =	strace s4  }
0x98: {  	_ =	strace $0x8FFFFFFF  }
0x99: {  	s19 =	sld [smem:$0x3FDB];
	_ =	sdelay $0x1  }
0x9a: {  	s5 =	simm.s32 $_scs_section_size  }
0x9b: {  	s6 =	simm.s32 $_size__tile_overlayer_lowered;
	s7 =	simm.s32 $_tile_overlayer_lowered  }
0x9c: {  	s22 =	simm.s32 $0x1BFF;
	s21 =	sshll.u32 s7, $0x1;
	s4 =	sadd.s32 s5, s19  }
0x9d: {  	s8 =	simm.s32 $0x0;
	s20 =	sshll.u32 s6, $0x1;
	s6 =	sadd.s32 s21, s4  }
0x9e: {  	[timem:s8], [sflag:s22] =	dma.local [hbm:s6], s20  }
0x9f: {  	_ =	swait.ge [sflag:s22], s20  }
0xa0: {  	s5 =	ssub.s32 $0x0, s20;
	[sflag:s22] =	ssyncset.done $0x0  }
0xa1: {  	[sflag:s22] =	ssyncadd.s32 s5;
	_ =	sdelay $0x1  }
0xa2: {  	s23 =	simm.s32 $0x1B8B  }
0xa3: {  	_ =	swait.ge [sflag:s23], $0x1  }
0xa4: {  	[sflag:s23] =	ssyncset.done $0x0  }
0xa5: {  	s25 =	simm.s32 $0x1B8E;
	s24 =	sld [smem:$0x3FFE];
	[sflag:s23] =	ssyncadd.s32 $0xFFFFFFFF  }
0xa6: {  	s26 =	simm.s32 $execute0_lowered;
	[smem:$0x3FD2] =	sst s25  }
0xa7: {  	s6 =	sshll.u32 s26, $0x1;
	_ =	strace $0x80000046;
	[dreg:$0x1] =	wrdreg $0xFFFFFFFF  }
0xa8: {  	s28 =	simm.s32 $_size_execute0_lowered;
	s4 =	sadd.s32 s4, s6;
	[dreg:$0x0] =	wrdreg $0x0  }
0xa9: {  	s6 =	sshll.u32 s28, $0x1;
	[dreg:$0x2] =	wrdreg s4  }
0xaa: {  	[dreg:$0x3] =	wrdreg s6  }
0xab: {  	[dreg:$0x4] =	wrdreg $0xC0  }
0xac: {  	_ =	task [dreg:s8], $0x5FFFF  }
0xad: {  	[dreg:$0x1] =	wrdreg $0xFFFFFFFF  }
0xae: {  	[dreg:$0x0] =	wrdreg $0x60  }
0xaf: {  	[dreg:$0x2] =	wrdreg s2  }
0xb0: {  	[dreg:$0x3] =	wrdreg s18  }
0xb1: {  	[dreg:$0x4] =	wrdreg s24  }
0xb2: {  	[dreg:$0x5] =	wrdreg $0x9  }
0xb3: {  	_ =	task.clear_ibuf [dreg:s8], $0x6FFFF;
	_ =	strace $0x90000046  }
0xb4: {  	s29 =	simm.s32 $0x9;
	_ =	strace $0x80000048  }
0xb5: {  	_ =	swait.ge [sflag:s29], $0x1  }
0xb6: {  	[sflag:s29] =	ssyncadd.s32 $0xFFFFFFFF  }
0xb7: {  	_ =	strace $0x90000048  }
0xb8: {  	_ =	sfence  }
0xb9: {  	s30 =	sld [smem:$0x0];
	_ =	sdelay $0x2  }
0xba: {  	s31 =	sshll.u32 s1, $0xD;
	s1 =	sshrl.u32 s1, $0x2  }
0xbb: {  	s3 =	sand.u32 $0x4000, s31;
	s1 =	sadd.s32 s1, s30  }
0xbc: {  	s0 =	sor.u32 s3, s0;
	s1 =	sshll.u32 s1, $0x11  }
0xbd: {  	s0 =	sor.u32 s1, s0  }
0xbe: {  	s0 =	sadd.s32 $0x8F2B, s0  }
0xbf: {  	[sflag:s0] =	ssyncadd.remote.s32 $0x1  }
0xc0: {  	_ =	sfence.sel $0xFFFF  }
0xc1: {  	[dreg:$0x0] =	wrdreg $0xFFFFFFFF;
	(pc) =	sbr.abs _section_cstart, $3  }
0xc2: {  	[dreg:$0x1] =	wrdreg $0xFFFFFFFF  }
0xc3: {  	_ =	task.clear_ibuf [dreg:s8], $0x2FFFF;
	_ =	strace $0x9FFFFFFF  }
0xc4: {  	(tm) =	ssettm $0x7FFFFFFF  }
0xc5: {  	_ =	shalt  }
tec
execute0_lowered:
.L_overlay_start_1:
0x0: {  	(tag) =	ssettag $0x1  }
0x1: {  	s1 =	rddreg [dreg:$0x0];
	s0 =	stileid.u32  }
0x2: {  	s2 =	srdreg.scid;
	s4 =	rddreg [dreg:$0x1]  }
0x3: {  	s6 =	rddreg [dreg:$0x2];
	s3 =	simm.s32 $0x0;
	s10 =	simm.s32 $0x80  }
0x4: {  	s11 =	simm.s32 $0x3400;
	s12 =	simm.s32 $0x1;
	s13 =	simm.s32 $0x5C00  }
0x5: {  	s14 =	simm.s32 $0x2;
	s15 =	simm.s32 $0x8400;
	s16 =	simm.s32 $0x3  }
0x6: {  	s17 =	simm.s32 $0x4;
	s18 =	simm.s32 $0x5;
	s19 =	simm.s32 $0x6  }
0x7: {  	s20 =	simm.s32 $0x7;
	s21 =	simm.s32 $0x8;
	s5 =	sand.u32 $0x1, s2  }
0x8: {  	s30 =	sshll.u32 s0, $0x1;
	s7 =	smul.u32 $0xC800, s0;
	s2 =	rddreg [dreg:$0x3]  }
0x9: {  	s8 =	sor.u32 s5, s30;
	s9 =	ssub.s32 $0x2, s5;
	s5 =	smul.u32 $0x6400, s5  }
.Ltmp0:
0xa: {  	s22 =	simm.s32 $0x0;
	[smem:$0x7FF] =	sst s3;
	(pc) =	sbr.rel .LBB2_1-.Ltmp0, $4  }
0xb: {  	s8 =	smul.u32 $0x180, s8;
	s6 =	sadd.s32 s7, s6;
	s31 =	sshrl.u32 s9, $0x1  }
0xc: {  	_ =	strace $0x80000047;
	s7 =	ssub.s32 s9, s31;
	s6 =	sadd.s32 s5, s6  }
0xd: {  	s9 =	simm.s32 $0xC00;
	s4 =	sadd.s32 s4, s8;
	s5 =	smax.u32 s7, $0x1  }
0xe: {  	s6 =	sadd.s32 $0x2200, s6;
	s7 =	simm.s32 $0x9;
	s8 =	simm.s32 $0x50  }
.LBB2_4:
0xf: {  	_ =	swait.ge [sflag:s18], $0x2800  }
0x10: {  	[sflag:s18] =	ssyncset.done $0x0  }
0x11: {  	[sflag:s18] =	ssyncadd.s32 $0xFFFFD800  }
0x12: {  	_ =	swait.ge [sflag:s19], $0x2800  }
0x13: {  	[sflag:s19] =	ssyncset.done $0x0  }
0x14: {  	s22 =	sadd.s32 $0x1, s22;
	[sflag:s19] =	ssyncadd.s32 $0xFFFFD800  }
0x15: {  	p0 =	sne.s32 s22, s5;
	_ =	swait.ge [sflag:s20], $0x2800  }
.Ltmp1:
0x16: {  	[sflag:s20] =	ssyncset.done $0x0;
	(pc) =	sbr.rel @!p0 .LBB2_5-.Ltmp1, $4  }
0x17: {  	[sflag:s20] =	ssyncadd.s32 $0xFFFFD800  }
0x18: {  	_ =	swait.ge [sflag:s21], $0x2800  }
0x19: {  	[sflag:s21] =	ssyncset.done $0x0  }
0x1a: {  	[sflag:s21] =	ssyncadd.s32 $0xFFFFD800  }
.LBB2_1:
0x1b: {  	[tilespmem:s3], [sflag:$0x9] =	stream.linear.gather [hbm4b:s4+s3], $0xA00, $0x38;
	[tilespmem:$0xAC00] =	vst v63  }
0x1c: {  	_ =	swait.ge [sflag:s7], $0xA00  }
0x1d: {  	[sflag:s7] =	ssyncset.done $0x0  }
0x1e: {  	[sflag:s7] =	ssyncadd.s32 $0xFFFFF600  }
0x1f: {  	[tilespmem:s9], [sflag:$0x1] =	stream.indirect.gather [hbm4b:s1+s8], $0x80, s3, s8, $0xb8;
	[tilespmem:$0xAC00] =	vst v63  }
0x20: {  	s23 =	smov.u32 s6;
	s24 =	simm.s32 $0x0  }
0x21: {  	[tilespmem:s11], [sflag:$0x2] =	stream.indirect.gather [hbm4b:s1+s8], $0x80, s10, s8, $0xb8;
	[tilespmem:$0xAC00] =	vst v63  }
.LBB2_2:
0x22: {  	_ =	swait.ge [sflag:s12], $0x2800  }
0x23: {  	p0 =	seq.s32 s24, $0x0;
	[sflag:s12] =	ssyncset.done $0x0  }
0x24: {  	s26 =	simm.s32 @!p0 $0x7;
	[sflag:s12] =	ssyncadd.s32 $0xFFFFD800  }
0x25: {  	[hbm4b:s23+s3] =	stream.linear.scatter [tilespmem:s9], [sflag:$0x5], $0x2800, $0x38;
	[tilespmem:$0xAC00] =	vst v63  }
0x26: {  	_ =	swait.ge @!p0 [sflag:s26], $0x2800  }
0x27: {  	s25 =	sshra.s32 s24, $0x2;
	[sflag:s26] =	ssyncset.done @!p0 $0x0  }
0x28: {  	s31 =	sadd.s32 $0x100, s25;
	[sflag:s26] =	ssyncadd.s32 @!p0 $0xFFFFD800  }
0x29: {  	[tilespmem:s13], [sflag:$0x3] =	stream.indirect.gather [hbm4b:s1+s8], $0x80, s31, s8, $0xb8;
	[tilespmem:$0xAC00] =	vst v63  }
0x2a: {  	_ =	swait.ge [sflag:s14], $0x2800  }
0x2b: {  	[sflag:s14] =	ssyncset.done $0x0  }
0x2c: {  	s28 =	sadd.s32 $0x500, s23;
	s26 =	simm.s32 @!p0 $0x8;
	[sflag:s14] =	ssyncadd.s32 $0xFFFFD800  }
0x2d: {  	[hbm4b:s28+s3] =	stream.linear.scatter [tilespmem:s11], [sflag:$0x6], $0x2800, $0x38;
	[tilespmem:$0xAC00] =	vst v63  }
0x2e: {  	_ =	swait.ge @!p0 [sflag:s26], $0x2800  }
0x2f: {  	[sflag:s26] =	ssyncset.done @!p0 $0x0  }
0x30: {  	s29 =	sadd.s32 $0x180, s25;
	[sflag:s26] =	ssyncadd.s32 @!p0 $0xFFFFD800  }
0x31: {  	[tilespmem:s15], [sflag:$0x4] =	stream.indirect.gather [hbm4b:s1+s8], $0x80, s29, s8, $0xb8;
	[tilespmem:$0xAC00] =	vst v63  }
0x32: {  	_ =	swait.ge [sflag:s16], $0x2800  }
0x33: {  	p0 =	seq.s32 s24, $0x2000;
	[sflag:s16] =	ssyncset.done $0x0  }
0x34: {  	s30 =	sadd.s32 $0xA00, s23;
	s26 =	simm.s32 @!p0 $0x5;
	[sflag:s16] =	ssyncadd.s32 $0xFFFFD800  }
0x35: {  	[hbm4b:s30+s3] =	stream.linear.scatter [tilespmem:s13], [sflag:$0x7], $0x2800, $0x38;
	[tilespmem:$0xAC00] =	vst v63  }
0x36: {  	_ =	swait.ge @!p0 [sflag:s26], $0x2800  }
0x37: {  	[sflag:s26] =	ssyncset.done @!p0 $0x0  }
0x38: {  	[sflag:s26] =	ssyncadd.s32 @!p0 $0xFFFFD800;
	s26 =	sshra.s32 @!p0 s24, $0x2  }
0x39: {  	s28 =	simm.s32 @!p0 $0x50;
	s29 =	simm.s32 @!p0 $0xC00;
	s26 =	sadd.s32 @!p0 $0x200, s26  }
0x3a: {  	[tilespmem:s29], [sflag:$0x1] =	stream.indirect.gather @!p0 [hbm4b:s1+s28], $0x80, s26, s28, $0xb8;
	[tilespmem:$0xAC00] =	vst v63  }
.Ltmp2:
0x3b: {  	_ = 	snop;
	(pc) =	sbr.rel @p0 .LBB2_4-.Ltmp2, $4  }
0x3c: {  	_ =	swait.ge [sflag:s17], $0x2800  }
0x3d: {  	[sflag:s17] =	ssyncset.done $0x0  }
0x3e: {  	s31 =	sadd.s32 $0xF00, s23;
	[sflag:s17] =	ssyncadd.s32 $0xFFFFD800  }
0x3f: {  	[hbm4b:s31+s3] =	stream.linear.scatter [tilespmem:s15], [sflag:$0x8], $0x2800, $0x38;
	[tilespmem:$0xAC00] =	vst v63  }
.Ltmp3:
0x40: {  	(pc) =	sbr.rel .LBB2_2-.Ltmp3, $4  }
0x41: {  	_ =	swait.ge [sflag:s19], $0x2800  }
0x42: {  	s25 =	sadd.s32 $0x280, s25;
	[sflag:s19] =	ssyncset.done $0x0  }
0x43: {  	s24 =	sadd.s32 $0x800, s24;
	s23 =	sadd.s32 $0x1400, s23;
	[sflag:s19] =	ssyncadd.s32 $0xFFFFD800  }
0x44: {  	[tilespmem:s11], [sflag:$0x2] =	stream.indirect.gather [hbm4b:s1+s8], $0x80, s25, s8, $0xb8;
	[tilespmem:$0xAC00] =	vst v63  }
.LBB2_5:
0x45: {  	_ =	sfence.sel $0x180000  }
0x46: {  	[bflag:$0x0] =	sbarrier.arrive $0xFFFF  }
0x47: {  	p0 =	sne.s32 s0, $0x0;
	_ =	strace $0x90000047  }
0x48: {  	s0 =	sadd.s32 @!p0 $0x100000, s2;
	[bflag:$0x2] =	sbarrier.arrive $0xFFFF  }
0x49: {  	[sflag:s0] =	ssyncadd.tile.s32 @!p0 $0x1;
	_ =	shalt  }
.Lfunc_end2:
_tile_overlayer_lowered:
.L_overlay_start_2:
0x4a: {  	(tag) =	ssettag $0x2  }
0x4b: {  	s0 =	rddreg [dreg:$0x0];
	s2 =	stileid.u32  }
0x4c: {  	s1 =	rddreg [dreg:$0x1];
	p0 =	sne.s32 s2, $0x0  }
0x4d: {  	s3 =	rddreg [dreg:$0x2];
	[bflag:$0x3] =	sbarrier.arrive $0xFFFF;
	s2 =	simm.s32 @!p0 $0x1C09  }
0x4e: {  	[timem:s3], [sflag:s2] =	dma.local @!p0 [hbm:s0], s1  }
0x4f: {  	s0 =	simm.s32 @!p0 $0x9  }
0x50: {  	_ =	swait.ge @!p0 [sflag:s0], s1  }
0x51: {  	s1 =	ssub.s32 @!p0 $0x0, s1;
	[sflag:s0] =	ssyncset.done @!p0 $0x0  }
0x52: {  	[sflag:s0] =	ssyncadd.s32 @!p0 s1  }
0x53: {  	[bflag:$0x3] =	sbarrier.arrive $0xFFFF  }
0x54: {  	_ =	shalt  }

// kernel: kernel.13.cloned.1.call-start
scs
__scs_entry_jumppad:
0x0: {  	(pc) =	sbr.rel $0x88, $3  }
0x1: {  	(tag) =	ssettag $0x0;
	lr =	simm.s32 $0x1  }
0x2: {  	[smem:$0x3F9A] =	sst lr;
	_ =	strace $0xD0000000  }
0x3: {  	_ = 	snop  }
0x4: {  	_ = 	snop  }
0x5: {  	_ = 	snop  }
0x6: {  	_ = 	snop  }
0x7: {  	_ = 	snop  }
__scs_overlays_trampoline_lowered:
0x8: {  	[smem:$0x3FA9] =	sst s0  }
0x9: {  	[smem:$0x3FAA] =	sst s1  }
0xa: {  	[smem:$0x3FAB] =	sst s2  }
0xb: {  	[smem:$0x3FAC] =	sst s3  }
0xc: {  	[smem:$0x3FAD] =	sst s4  }
0xd: {  	[smem:$0x3FAE] =	sst s5  }
0xe: {  	[smem:$0x3FAF] =	sst s6  }
0xf: {  	[smem:$0x3FB0] =	sst s7  }
0x10: {  	[smem:$0x3FB1] =	sst s8  }
0x11: {  	[smem:$0x3FB2] =	sst s9;
	s0 =	simm.s32 @!p0 $0x0  }
0x12: {  	s1 =	sld [smem:$0x3F98];
	s0 =	simm.s32 @p0 $0x1  }
0x13: {  	[smem:$0x3FB3] =	sst s0;
	s0 =	simm.s32 @!p1 $0x0  }
0x14: {  	s2 =	sld [smem:$0x3F97];
	s0 =	simm.s32 @p1 $0x1  }
0x15: {  	[smem:$0x3FB4] =	sst s0;
	s0 =	simm.s32 @!p2 $0x0  }
0x16: {  	s3 =	sld [smem:$0x3FDB];
	s0 =	simm.s32 @p2 $0x1  }
0x17: {  	s4 =	simm.s32 $0x1BF5;
	[smem:$0x3FB6] =	sst s0  }
0x18: {  	s0 =	sld [smem:$0x3F99];
	_ =	swait.ge [sflag:s4], $0x0  }
0x19: {  	s7 =	sld [smem:$0x3F9A]  }
0x1a: {  	s8 =	sadd.s32 $0xFFFFE003, lr  }
0x1b: {  	s9 =	sadd.s32 $0xFFFFFEF7, lr;
	s5 =	simm.s32 $0xFFFFFFFF;
	p2 =	slt.u32 s8, $0xFFFFF086  }
0x1c: {  	p1 =	slt.u32 s9, $0xF7A;
	s5 =	simm.s32 @!p2 $0x0  }
0x1d: {  	s5 =	simm.s32 @p1 $0x1;
	p0 =	seq.s32 s7, s2  }
0x1e: {  	s7 =	smul.u32 @!p0 $0xF7A, s2;
	p2 =	seq.s32 @!p0 s5, $0x0  }
0x1f: {  	s9 =	smul.u32 $0xF7A, s1;
	s8 =	simm.s32 @!p0 $0x1BF5;
	p2 =	por !p2, p0  }
0x20: {  	[sflag:s8] =	ssyncset.s32 @!p0 $0xFFFFF086;
	s6 =	sadd.s32 @!p0 s3, s7;
	s7 =	simm.s32 @!p0 $0x108  }
0x21: {  	s3 =	sadd.s32 s3, s9;
	s6 =	sadd.s32 @!p0 $0x88, s6;
	s7 =	simm.s32 @p2 $0x1082  }
0x22: {  	[simem:s7], [sflag:s8] =	dma.local @!p0 [hbm:s6], $0xF7A  }
0x23: {  	s9 =	sor.u32 $0xD0000000, s2;
	s6 =	simm.s32 $0x108;
	_ =	swait.ge @!p0 [sflag:s8], $0x0  }
0x24: {  	s3 =	sadd.s32 $0x88, s3;
	s6 =	simm.s32 @!p1 $0x1082;
	[sflag:s4] =	ssyncset.s32 $0xFFFFF086  }
0x25: {  	[simem:s6], [sflag:s4] =	dma.local [hbm:s3], $0xF7A  }
0x26: {  	[smem:$0x3F9A] =	sst s1;
	(tag) =	ssettag s2;
	_ =	strace s9  }
0x27: {  	s1 =	sld [smem:$0x3FAA]  }
0x28: {  	s2 =	sld [smem:$0x3FAB]  }
0x29: {  	s4 =	sld [smem:$0x3FAD]  }
0x2a: {  	p0 =	seq.s32 s5, $0x0;
	s5 =	sld [smem:$0x3FAE]  }
0x2b: {  	s6 =	sld [smem:$0x3FAF]  }
0x2c: {  	s7 =	sld [smem:$0x3FB0]  }
0x2d: {  	s3 =	simm.s32 $0x108;
	s8 =	sld [smem:$0x3FB1]  }
0x2e: {  	s3 =	simm.s32 @!p0 $0x1082;
	s9 =	sld [smem:$0x3FB2]  }
0x2f: {  	lr =	sadd.s32 s0, s3;
	s0 =	sld [smem:$0x3FA9]  }
0x30: {  	s3 =	sld [smem:$0x3FAC]  }
0x31: {  	[smem:$0x3FB5] =	sst s10  }
0x32: {  	s10 =	sld [smem:$0x3FB3];
	_ =	sdelay $0x3  }
0x33: {  	p0 =	seq.s32 s10, $0x1;
	s10 =	sld [smem:$0x3FB5];
	_ =	sdelay $0x3  }
0x34: {  	[smem:$0x3FB5] =	sst s10  }
0x35: {  	s10 =	sld [smem:$0x3FB4];
	_ =	sdelay $0x3  }
0x36: {  	p1 =	seq.s32 s10, $0x1;
	s10 =	sld [smem:$0x3FB5];
	_ =	sdelay $0x3  }
0x37: {  	[smem:$0x3FB5] =	sst s10  }
0x38: {  	s10 =	sld [smem:$0x3FB6]  }
0x39: {  	_ = 	snop;
	(pc) =	sbr.ind lr, $3  }
0x3a: {  	_ = 	snop  }
0x3b: {  	_ = 	snop  }
0x3c: {  	p2 =	seq.s32 s10, $0x1;
	s10 =	sld [smem:$0x3FB5]  }
0x3d: {  	_ =	shalt  }
0x3e: {  	_ =	shalt  }
0x3f: {  	_ =	shalt  }
0x40: {  	_ =	shalt  }
0x41: {  	_ =	shalt  }
0x42: {  	_ =	shalt  }
0x43: {  	_ =	shalt  }
0x44: {  	_ =	shalt  }
0x45: {  	_ =	shalt  }
0x46: {  	_ =	shalt  }
0x47: {  	_ =	shalt  }
0x48: {  	_ =	shalt  }
0x49: {  	_ =	shalt  }
0x4a: {  	_ =	shalt  }
0x4b: {  	_ =	shalt  }
0x4c: {  	_ =	shalt  }
0x4d: {  	_ =	shalt  }
0x4e: {  	_ =	shalt  }
0x4f: {  	_ =	shalt  }
0x50: {  	_ =	shalt  }
0x51: {  	_ =	shalt  }
0x52: {  	_ =	shalt  }
0x53: {  	_ =	shalt  }
0x54: {  	_ =	shalt  }
0x55: {  	_ =	shalt  }
0x56: {  	_ =	shalt  }
0x57: {  	_ =	shalt  }
0x58: {  	_ =	shalt  }
0x59: {  	_ =	shalt  }
0x5a: {  	_ =	shalt  }
0x5b: {  	_ =	shalt  }
0x5c: {  	_ =	shalt  }
0x5d: {  	_ =	shalt  }
0x5e: {  	_ =	shalt  }
0x5f: {  	_ =	shalt  }
0x60: {  	_ =	shalt  }
0x61: {  	_ =	shalt  }
0x62: {  	_ =	shalt  }
0x63: {  	_ =	shalt  }
0x64: {  	_ =	shalt  }
0x65: {  	_ =	shalt  }
0x66: {  	_ =	shalt  }
0x67: {  	_ =	shalt  }
0x68: {  	_ =	shalt  }
0x69: {  	_ =	shalt  }
0x6a: {  	_ =	shalt  }
0x6b: {  	_ =	shalt  }
0x6c: {  	_ =	shalt  }
0x6d: {  	_ =	shalt  }
0x6e: {  	_ =	shalt  }
0x6f: {  	_ =	shalt  }
0x70: {  	_ =	shalt  }
0x71: {  	_ =	shalt  }
0x72: {  	_ =	shalt  }
0x73: {  	_ =	shalt  }
0x74: {  	_ =	shalt  }
0x75: {  	_ =	shalt  }
0x76: {  	_ =	shalt  }
0x77: {  	_ =	shalt  }
0x78: {  	_ =	shalt  }
0x79: {  	_ =	shalt  }
0x7a: {  	_ =	shalt  }
0x7b: {  	_ =	shalt  }
0x7c: {  	_ =	shalt  }
0x7d: {  	_ =	shalt  }
0x7e: {  	_ =	shalt  }
0x7f: {  	_ =	shalt  }
0x80: {  	_ =	shalt  }
0x81: {  	_ =	shalt  }
0x82: {  	_ =	shalt  }
0x83: {  	_ =	shalt  }
0x84: {  	_ =	shalt  }
0x85: {  	_ =	shalt  }
0x86: {  	_ =	shalt  }
0x87: {  	_ =	shalt  }
.Lfunc_end0:
.L_simem_size_0:
called_computation.1_lowered:
.L_overlay_start_0:
0x88: {  	s2 =	sld [smem:$0x3FD9]  }
0x89: {  	s3 =	sld [smem:$0x3FFE];
	_ =	sdelay $0x1  }
0x8a: {  	s1 =	srdreg.scid  }
0x8b: {  	s0 =	sand.u32 $0x1, s1  }
0x8c: {  	s17 =	sshll.u32 s0, $0xA;
	s2 =	sadd.s32 s3, s2  }
0x8d: {  	s2 =	sadd.s32 s2, s17  }
0x8e: {  	[smem:$0x3FC1] =	sst s2  }
0x8f: {  	_ = 	snop  }
0x90: {  	s18 =	sld [smem:$0x3FC7];
	(tm) =	ssettm $0x1  }
0x91: {  	s19 =	sld [smem:$0x3FFB];
	_ =	sdelay $0x3  }
0x92: {  	_ =	strace s19  }
0x93: {  	s2 =	sld [smem:$0x3FFC];
	_ =	sdelay $0x3  }
0x94: {  	_ =	strace s2  }
0x95: {  	s2 =	sld [smem:$0x3FFD];
	_ =	sdelay $0x3  }
0x96: {  	_ =	strace s2  }
0x97: {  	_ =	strace $0x8FFFFFFF  }
0x98: {  	s20 =	sld [smem:$0x3FDB];
	_ =	sdelay $0x1  }
0x99: {  	s4 =	simm.s32 $_scs_section_size  }
0x9a: {  	s5 =	simm.s32 $_size__tile_overlayer_lowered;
	s6 =	simm.s32 $_tile_overlayer_lowered  }
0x9b: {  	s7 =	simm.s32 $0x1BFF;
	s21 =	sshll.u32 s6, $0x1;
	s4 =	sadd.s32 s4, s20  }
0x9c: {  	s22 =	simm.s32 $0x0;
	s5 =	sshll.u32 s5, $0x1;
	s6 =	sadd.s32 s21, s4  }
0x9d: {  	[timem:s22], [sflag:s7] =	dma.local [hbm:s6], s5  }
0x9e: {  	_ =	swait.ge [sflag:s7], s5  }
0x9f: {  	s5 =	ssub.s32 $0x0, s5;
	[sflag:s7] =	ssyncset.done $0x0  }
0xa0: {  	[sflag:s7] =	ssyncadd.s32 s5;
	_ =	sdelay $0x1  }
0xa1: {  	s23 =	simm.s32 $0x1B8B  }
0xa2: {  	_ =	swait.ge [sflag:s23], $0x1  }
0xa3: {  	[sflag:s23] =	ssyncset.done $0x0  }
0xa4: {  	[sflag:s23] =	ssyncadd.s32 $0xFFFFFFFF  }
0xa5: {  	s5 =	sld [smem:$0x0]  }
0xa6: {  	s6 =	sand.u32 $0xFFFFFFFE, s1  }
0xa7: {  	p0 =	sne.s32 s1, s6  }
0xa8: {  	s6 =	sshll.u32 @p0 s6, $0xE  }
0xa9: {  	s6 =	sadd.s32 @p0 $0x11B8D, s6;
	s7 =	sshll.u32 @p0 s5, $0x11  }
0xaa: {  	s6 =	sor.u32 @p0 s7, s6  }
0xab: {  	[sflag:s6] =	ssyncadd.remote.s32 @p0 $0x1;
	_ =	sdelay $0x1  }
0xac: {  	s6 =	simm.s32 @p0 $0x1B8D  }
0xad: {  	_ =	swait.eq @p0 [sflag:s6], $0x1  }
0xae: {  	[sflag:s6] =	ssyncadd.s32 @p0 $0xFFFFFFFF  }
0xaf: {  	s7 =	sshll.u32 @!p0 s1, $0xE  }
0xb0: {  	s7 =	sor.u32 @!p0 $0x4000, s7;
	s6 =	simm.s32 @!p0 $0x1B8D  }
0xb1: {  	s5 =	sshll.u32 @!p0 s5, $0x11;
	s7 =	sadd.s32 @!p0 $0x11B8D, s7;
	_ =	swait.eq @!p0 [sflag:s6], $0x1  }
0xb2: {  	s5 =	sor.u32 @!p0 s5, s7;
	[sflag:s6] =	ssyncadd.s32 @!p0 $0xFFFFFFFF  }
0xb3: {  	s25 =	simm.s32 $0x1B8E;
	s24 =	sld [smem:$0x3FFE];
	[sflag:s5] =	ssyncadd.remote.s32 @!p0 $0x1  }
0xb4: {  	s26 =	simm.s32 $execute0_lowered;
	[smem:$0x3FD2] =	sst s25  }
0xb5: {  	s6 =	sshll.u32 s26, $0x1;
	_ =	strace $0x80000049;
	[dreg:$0x1] =	wrdreg $0xFFFFFFFF  }
0xb6: {  	s28 =	simm.s32 $_size_execute0_lowered;
	s4 =	sadd.s32 s4, s6;
	[dreg:$0x0] =	wrdreg $0x0  }
0xb7: {  	s6 =	sshll.u32 s28, $0x1;
	[dreg:$0x2] =	wrdreg s4  }
0xb8: {  	[dreg:$0x3] =	wrdreg s6  }
0xb9: {  	[dreg:$0x4] =	wrdreg $0xC0  }
0xba: {  	_ =	task [dreg:s22], $0x5FFFF  }
0xbb: {  	[dreg:$0x1] =	wrdreg $0xFFFFFFFF  }
0xbc: {  	[dreg:$0x0] =	wrdreg $0x60  }
0xbd: {  	[dreg:$0x2] =	wrdreg s18  }
0xbe: {  	[dreg:$0x3] =	wrdreg s24  }
0xbf: {  	[dreg:$0x4] =	wrdreg $0xA  }
0xc0: {  	_ =	task.clear_ibuf [dreg:s22], $0x5FFFF;
	_ =	strace $0x90000049  }
0xc1: {  	s29 =	simm.s32 $0xA;
	_ =	strace $0x8000004B  }
0xc2: {  	_ =	swait.ge [sflag:s29], $0x1  }
0xc3: {  	[sflag:s29] =	ssyncadd.s32 $0xFFFFFFFF  }
0xc4: {  	_ =	strace $0x9000004B  }
0xc5: {  	_ =	sfence  }
0xc6: {  	s30 =	sld [smem:$0x0];
	_ =	sdelay $0x2  }
0xc7: {  	s31 =	sshll.u32 s1, $0xD;
	s1 =	sshrl.u32 s1, $0x2  }
0xc8: {  	s4 =	sand.u32 $0x4000, s31;
	s1 =	sadd.s32 s1, s30  }
0xc9: {  	s0 =	sor.u32 s4, s0;
	s1 =	sshll.u32 s1, $0x11  }
0xca: {  	s0 =	sor.u32 s1, s0  }
0xcb: {  	s0 =	sadd.s32 $0x8F2B, s0  }
0xcc: {  	[sflag:s0] =	ssyncadd.remote.s32 $0x1  }
0xcd: {  	_ =	sfence.sel $0xFFFF  }
0xce: {  	[dreg:$0x0] =	wrdreg $0xFFFFFFFF;
	(pc) =	sbr.abs _section_cstart, $3  }
0xcf: {  	[dreg:$0x1] =	wrdreg $0xFFFFFFFF  }
0xd0: {  	_ =	task.clear_ibuf [dreg:s22], $0x2FFFF;
	_ =	strace $0x9FFFFFFF  }
0xd1: {  	(tm) =	ssettm $0x7FFFFFFF  }
tec
execute0_lowered:
.L_overlay_start_1:
0x0: {  	(tag) =	ssettag $0x1  }
0x1: {  	s1 =	srdreg.scid;
	s2 =	rddreg [dreg:$0x0]  }
0x2: {  	s0 =	stileid.u32;
	s5 =	rddreg [dreg:$0x1]  }
0x3: {  	s3 =	simm.s32 $0x0;
	s10 =	simm.s32 $0x80;
	s11 =	simm.s32 $0x3400  }
0x4: {  	s12 =	simm.s32 $0x1;
	s13 =	simm.s32 $0x5C00;
	s14 =	simm.s32 $0x2  }
0x5: {  	s15 =	simm.s32 $0x8400;
	s16 =	simm.s32 $0x3;
	s17 =	simm.s32 $0x4  }
0x6: {  	s18 =	simm.s32 $0x5;
	s19 =	simm.s32 $0x6;
	s20 =	simm.s32 $0x7  }
0x7: {  	s21 =	simm.s32 $0x8;
	s4 =	sand.u32 $0x1, s1;
	s29 =	sshll.u32 s0, $0x1  }
0x8: {  	s1 =	rddreg [dreg:$0x2];
	s7 =	smul.u32 $0xC800, s0;
	s6 =	sor.u32 s4, s29  }
0x9: {  	s22 =	simm.s32 $0x0;
	[smem:$0x7FF] =	sst s3;
	s6 =	smul.u32 $0x180, s6  }
.Ltmp0:
0xa: {  	_ =	strace $0x8000004A;
	s8 =	ssub.s32 $0x2, s4;
	(pc) =	sbr.rel .LBB2_1-.Ltmp0, $4  }
0xb: {  	s9 =	smul.u32 $0x6400, s4;
	s31 =	sshrl.u32 s8, $0x1;
	s30 =	sadd.s32 s6, s5  }
0xc: {  	s5 =	sadd.s32 s7, s5;
	s6 =	ssub.s32 s8, s31;
	s8 =	simm.s32 $0x50  }
0xd: {  	s4 =	sadd.s32 $0xCA200, s30;
	s7 =	sadd.s32 s9, s5;
	s5 =	smax.u32 s6, $0x1  }
0xe: {  	s9 =	simm.s32 $0xC00;
	s6 =	sadd.s32 $0xD3200, s7;
	s7 =	simm.s32 $0x9  }
.LBB2_4:
0xf: {  	_ =	swait.ge [sflag:s18], $0x2800  }
0x10: {  	[sflag:s18] =	ssyncset.done $0x0  }
0x11: {  	[sflag:s18] =	ssyncadd.s32 $0xFFFFD800  }
0x12: {  	_ =	swait.ge [sflag:s19], $0x2800  }
0x13: {  	[sflag:s19] =	ssyncset.done $0x0  }
0x14: {  	s22 =	sadd.s32 $0x1, s22;
	[sflag:s19] =	ssyncadd.s32 $0xFFFFD800  }
0x15: {  	p0 =	sne.s32 s22, s5;
	_ =	swait.ge [sflag:s20], $0x2800  }
.Ltmp1:
0x16: {  	[sflag:s20] =	ssyncset.done $0x0;
	(pc) =	sbr.rel @!p0 .LBB2_5-.Ltmp1, $4  }
0x17: {  	[sflag:s20] =	ssyncadd.s32 $0xFFFFD800  }
0x18: {  	_ =	swait.ge [sflag:s21], $0x2800  }
0x19: {  	[sflag:s21] =	ssyncset.done $0x0  }
0x1a: {  	[sflag:s21] =	ssyncadd.s32 $0xFFFFD800  }
.LBB2_1:
0x1b: {  	[tilespmem:s3], [sflag:$0x9] =	stream.linear.gather [hbm4b:s4+s3], $0xA00, $0x38;
	[tilespmem:$0xAC00] =	vst v63  }
0x1c: {  	_ =	swait.ge [sflag:s7], $0xA00  }
0x1d: {  	[sflag:s7] =	ssyncset.done $0x0  }
0x1e: {  	[sflag:s7] =	ssyncadd.s32 $0xFFFFF600  }
0x1f: {  	[tilespmem:s9], [sflag:$0x1] =	stream.indirect.gather [hbm4b:s2+s8], $0x80, s3, s8, $0xb8;
	[tilespmem:$0xAC00] =	vst v63  }
0x20: {  	s23 =	smov.u32 s6;
	s24 =	simm.s32 $0x0  }
0x21: {  	[tilespmem:s11], [sflag:$0x2] =	stream.indirect.gather [hbm4b:s2+s8], $0x80, s10, s8, $0xb8;
	[tilespmem:$0xAC00] =	vst v63  }
.LBB2_2:
0x22: {  	_ =	swait.ge [sflag:s12], $0x2800  }
0x23: {  	p0 =	seq.s32 s24, $0x0;
	[sflag:s12] =	ssyncset.done $0x0  }
0x24: {  	s26 =	simm.s32 @!p0 $0x7;
	[sflag:s12] =	ssyncadd.s32 $0xFFFFD800  }
0x25: {  	[hbm4b:s23+s3] =	stream.linear.scatter [tilespmem:s9], [sflag:$0x5], $0x2800, $0x38;
	[tilespmem:$0xAC00] =	vst v63  }
0x26: {  	_ =	swait.ge @!p0 [sflag:s26], $0x2800  }
0x27: {  	s25 =	sshra.s32 s24, $0x2;
	[sflag:s26] =	ssyncset.done @!p0 $0x0  }
0x28: {  	s31 =	sadd.s32 $0x100, s25;
	[sflag:s26] =	ssyncadd.s32 @!p0 $0xFFFFD800  }
0x29: {  	[tilespmem:s13], [sflag:$0x3] =	stream.indirect.gather [hbm4b:s2+s8], $0x80, s31, s8, $0xb8;
	[tilespmem:$0xAC00] =	vst v63  }
0x2a: {  	_ =	swait.ge [sflag:s14], $0x2800  }
0x2b: {  	[sflag:s14] =	ssyncset.done $0x0  }
0x2c: {  	s28 =	sadd.s32 $0x500, s23;
	s26 =	simm.s32 @!p0 $0x8;
	[sflag:s14] =	ssyncadd.s32 $0xFFFFD800  }
0x2d: {  	[hbm4b:s28+s3] =	stream.linear.scatter [tilespmem:s11], [sflag:$0x6], $0x2800, $0x38;
	[tilespmem:$0xAC00] =	vst v63  }
0x2e: {  	_ =	swait.ge @!p0 [sflag:s26], $0x2800  }
0x2f: {  	[sflag:s26] =	ssyncset.done @!p0 $0x0  }
0x30: {  	s29 =	sadd.s32 $0x180, s25;
	[sflag:s26] =	ssyncadd.s32 @!p0 $0xFFFFD800  }
0x31: {  	[tilespmem:s15], [sflag:$0x4] =	stream.indirect.gather [hbm4b:s2+s8], $0x80, s29, s8, $0xb8;
	[tilespmem:$0xAC00] =	vst v63  }
0x32: {  	_ =	swait.ge [sflag:s16], $0x2800  }
0x33: {  	p0 =	seq.s32 s24, $0x2000;
	[sflag:s16] =	ssyncset.done $0x0  }
0x34: {  	s30 =	sadd.s32 $0xA00, s23;
	s26 =	simm.s32 @!p0 $0x5;
	[sflag:s16] =	ssyncadd.s32 $0xFFFFD800  }
0x35: {  	[hbm4b:s30+s3] =	stream.linear.scatter [tilespmem:s13], [sflag:$0x7], $0x2800, $0x38;
	[tilespmem:$0xAC00] =	vst v63  }
0x36: {  	_ =	swait.ge @!p0 [sflag:s26], $0x2800  }
0x37: {  	[sflag:s26] =	ssyncset.done @!p0 $0x0  }
0x38: {  	[sflag:s26] =	ssyncadd.s32 @!p0 $0xFFFFD800;
	s26 =	sshra.s32 @!p0 s24, $0x2  }
0x39: {  	s28 =	simm.s32 @!p0 $0x50;
	s29 =	simm.s32 @!p0 $0xC00;
	s26 =	sadd.s32 @!p0 $0x200, s26  }
0x3a: {  	[tilespmem:s29], [sflag:$0x1] =	stream.indirect.gather @!p0 [hbm4b:s2+s28], $0x80, s26, s28, $0xb8;
	[tilespmem:$0xAC00] =	vst v63  }
.Ltmp2:
0x3b: {  	_ = 	snop;
	(pc) =	sbr.rel @p0 .LBB2_4-.Ltmp2, $4  }
0x3c: {  	_ =	swait.ge [sflag:s17], $0x2800  }
0x3d: {  	[sflag:s17] =	ssyncset.done $0x0  }
0x3e: {  	s31 =	sadd.s32 $0xF00, s23;
	[sflag:s17] =	ssyncadd.s32 $0xFFFFD800  }
0x3f: {  	[hbm4b:s31+s3] =	stream.linear.scatter [tilespmem:s15], [sflag:$0x8], $0x2800, $0x38;
	[tilespmem:$0xAC00] =	vst v63  }
.Ltmp3:
0x40: {  	(pc) =	sbr.rel .LBB2_2-.Ltmp3, $4  }
0x41: {  	_ =	swait.ge [sflag:s19], $0x2800  }
0x42: {  	s25 =	sadd.s32 $0x280, s25;
	[sflag:s19] =	ssyncset.done $0x0  }
0x43: {  	s24 =	sadd.s32 $0x800, s24;
	s23 =	sadd.s32 $0x1400, s23;
	[sflag:s19] =	ssyncadd.s32 $0xFFFFD800  }
0x44: {  	[tilespmem:s11], [sflag:$0x2] =	stream.indirect.gather [hbm4b:s2+s8], $0x80, s25, s8, $0xb8;
	[tilespmem:$0xAC00] =	vst v63  }
.LBB2_5:
0x45: {  	_ =	sfence.sel $0x180000  }
0x46: {  	[bflag:$0x0] =	sbarrier.arrive $0xFFFF  }
0x47: {  	p0 =	sne.s32 s0, $0x0;
	_ =	strace $0x9000004A  }
0x48: {  	s0 =	sadd.s32 @!p0 $0x100000, s1;
	[bflag:$0x2] =	sbarrier.arrive $0xFFFF  }
0x49: {  	[sflag:s0] =	ssyncadd.tile.s32 @!p0 $0x1;
	_ =	shalt  }
.Lfunc_end2:
_tile_overlayer_lowered:
.L_overlay_start_2:
0x4a: {  	(tag) =	ssettag $0x2  }
0x4b: {  	s0 =	rddreg [dreg:$0x0];
	s2 =	stileid.u32  }
0x4c: {  	s1 =	rddreg [dreg:$0x1];
	p0 =	sne.s32 s2, $0x0  }
0x4d: {  	s3 =	rddreg [dreg:$0x2];
	[bflag:$0x3] =	sbarrier.arrive $0xFFFF;
	s2 =	simm.s32 @!p0 $0x1C09  }
0x4e: {  	[timem:s3], [sflag:s2] =	dma.local @!p0 [hbm:s0], s1  }
0x4f: {  	s0 =	simm.s32 @!p0 $0x9  }
0x50: {  	_ =	swait.ge @!p0 [sflag:s0], s1  }
0x51: {  	s1 =	ssub.s32 @!p0 $0x0, s1;
	[sflag:s0] =	ssyncset.done @!p0 $0x0  }
0x52: {  	[sflag:s0] =	ssyncadd.s32 @!p0 s1  }
0x53: {  	[bflag:$0x3] =	sbarrier.arrive $0xFFFF  }
0x54: {  	_ =	shalt  }

// kernel: kernel.16.cloned.1.call-start
scs
__scs_entry_jumppad:
0x0: {  	(pc) =	sbr.rel $0x88, $3  }
0x1: {  	(tag) =	ssettag $0x0;
	lr =	simm.s32 $0x1  }
0x2: {  	[smem:$0x3F9A] =	sst lr;
	_ =	strace $0xD0000000  }
0x3: {  	_ = 	snop  }
0x4: {  	_ = 	snop  }
0x5: {  	_ = 	snop  }
0x6: {  	_ = 	snop  }
0x7: {  	_ = 	snop  }
__scs_overlays_trampoline_lowered:
0x8: {  	[smem:$0x3FA9] =	sst s0  }
0x9: {  	[smem:$0x3FAA] =	sst s1  }
0xa: {  	[smem:$0x3FAB] =	sst s2  }
0xb: {  	[smem:$0x3FAC] =	sst s3  }
0xc: {  	[smem:$0x3FAD] =	sst s4  }
0xd: {  	[smem:$0x3FAE] =	sst s5  }
0xe: {  	[smem:$0x3FAF] =	sst s6  }
0xf: {  	[smem:$0x3FB0] =	sst s7  }
0x10: {  	[smem:$0x3FB1] =	sst s8  }
0x11: {  	[smem:$0x3FB2] =	sst s9;
	s0 =	simm.s32 @!p0 $0x0  }
0x12: {  	s1 =	sld [smem:$0x3F98];
	s0 =	simm.s32 @p0 $0x1  }
0x13: {  	[smem:$0x3FB3] =	sst s0;
	s0 =	simm.s32 @!p1 $0x0  }
0x14: {  	s2 =	sld [smem:$0x3F97];
	s0 =	simm.s32 @p1 $0x1  }
0x15: {  	[smem:$0x3FB4] =	sst s0;
	s0 =	simm.s32 @!p2 $0x0  }
0x16: {  	s3 =	sld [smem:$0x3FDB];
	s0 =	simm.s32 @p2 $0x1  }
0x17: {  	s4 =	simm.s32 $0x1BF5;
	[smem:$0x3FB6] =	sst s0  }
0x18: {  	s0 =	sld [smem:$0x3F99];
	_ =	swait.ge [sflag:s4], $0x0  }
0x19: {  	s7 =	sld [smem:$0x3F9A]  }
0x1a: {  	s8 =	sadd.s32 $0xFFFFE003, lr  }
0x1b: {  	s9 =	sadd.s32 $0xFFFFFEF7, lr;
	s5 =	simm.s32 $0xFFFFFFFF;
	p2 =	slt.u32 s8, $0xFFFFF086  }
0x1c: {  	p1 =	slt.u32 s9, $0xF7A;
	s5 =	simm.s32 @!p2 $0x0  }
0x1d: {  	s5 =	simm.s32 @p1 $0x1;
	p0 =	seq.s32 s7, s2  }
0x1e: {  	s7 =	smul.u32 @!p0 $0xF7A, s2;
	p2 =	seq.s32 @!p0 s5, $0x0  }
0x1f: {  	s9 =	smul.u32 $0xF7A, s1;
	s8 =	simm.s32 @!p0 $0x1BF5;
	p2 =	por !p2, p0  }
0x20: {  	[sflag:s8] =	ssyncset.s32 @!p0 $0xFFFFF086;
	s6 =	sadd.s32 @!p0 s3, s7;
	s7 =	simm.s32 @!p0 $0x108  }
0x21: {  	s3 =	sadd.s32 s3, s9;
	s6 =	sadd.s32 @!p0 $0x88, s6;
	s7 =	simm.s32 @p2 $0x1082  }
0x22: {  	[simem:s7], [sflag:s8] =	dma.local @!p0 [hbm:s6], $0xF7A  }
0x23: {  	s9 =	sor.u32 $0xD0000000, s2;
	s6 =	simm.s32 $0x108;
	_ =	swait.ge @!p0 [sflag:s8], $0x0  }
0x24: {  	s3 =	sadd.s32 $0x88, s3;
	s6 =	simm.s32 @!p1 $0x1082;
	[sflag:s4] =	ssyncset.s32 $0xFFFFF086  }
0x25: {  	[simem:s6], [sflag:s4] =	dma.local [hbm:s3], $0xF7A  }
0x26: {  	[smem:$0x3F9A] =	sst s1;
	(tag) =	ssettag s2;
	_ =	strace s9  }
0x27: {  	s1 =	sld [smem:$0x3FAA]  }
0x28: {  	s2 =	sld [smem:$0x3FAB]  }
0x29: {  	s4 =	sld [smem:$0x3FAD]  }
0x2a: {  	p0 =	seq.s32 s5, $0x0;
	s5 =	sld [smem:$0x3FAE]  }
0x2b: {  	s6 =	sld [smem:$0x3FAF]  }
0x2c: {  	s7 =	sld [smem:$0x3FB0]  }
0x2d: {  	s3 =	simm.s32 $0x108;
	s8 =	sld [smem:$0x3FB1]  }
0x2e: {  	s3 =	simm.s32 @!p0 $0x1082;
	s9 =	sld [smem:$0x3FB2]  }
0x2f: {  	lr =	sadd.s32 s0, s3;
	s0 =	sld [smem:$0x3FA9]  }
0x30: {  	s3 =	sld [smem:$0x3FAC]  }
0x31: {  	[smem:$0x3FB5] =	sst s10  }
0x32: {  	s10 =	sld [smem:$0x3FB3];
	_ =	sdelay $0x3  }
0x33: {  	p0 =	seq.s32 s10, $0x1;
	s10 =	sld [smem:$0x3FB5];
	_ =	sdelay $0x3  }
0x34: {  	[smem:$0x3FB5] =	sst s10  }
0x35: {  	s10 =	sld [smem:$0x3FB4];
	_ =	sdelay $0x3  }
0x36: {  	p1 =	seq.s32 s10, $0x1;
	s10 =	sld [smem:$0x3FB5];
	_ =	sdelay $0x3  }
0x37: {  	[smem:$0x3FB5] =	sst s10  }
0x38: {  	s10 =	sld [smem:$0x3FB6]  }
0x39: {  	_ = 	snop;
	(pc) =	sbr.ind lr, $3  }
0x3a: {  	_ = 	snop  }
0x3b: {  	_ = 	snop  }
0x3c: {  	p2 =	seq.s32 s10, $0x1;
	s10 =	sld [smem:$0x3FB5]  }
0x3d: {  	_ =	shalt  }
0x3e: {  	_ =	shalt  }
0x3f: {  	_ =	shalt  }
0x40: {  	_ =	shalt  }
0x41: {  	_ =	shalt  }
0x42: {  	_ =	shalt  }
0x43: {  	_ =	shalt  }
0x44: {  	_ =	shalt  }
0x45: {  	_ =	shalt  }
0x46: {  	_ =	shalt  }
0x47: {  	_ =	shalt  }
0x48: {  	_ =	shalt  }
0x49: {  	_ =	shalt  }
0x4a: {  	_ =	shalt  }
0x4b: {  	_ =	shalt  }
0x4c: {  	_ =	shalt  }
0x4d: {  	_ =	shalt  }
0x4e: {  	_ =	shalt  }
0x4f: {  	_ =	shalt  }
0x50: {  	_ =	shalt  }
0x51: {  	_ =	shalt  }
0x52: {  	_ =	shalt  }
0x53: {  	_ =	shalt  }
0x54: {  	_ =	shalt  }
0x55: {  	_ =	shalt  }
0x56: {  	_ =	shalt  }
0x57: {  	_ =	shalt  }
0x58: {  	_ =	shalt  }
0x59: {  	_ =	shalt  }
0x5a: {  	_ =	shalt  }
0x5b: {  	_ =	shalt  }
0x5c: {  	_ =	shalt  }
0x5d: {  	_ =	shalt  }
0x5e: {  	_ =	shalt  }
0x5f: {  	_ =	shalt  }
0x60: {  	_ =	shalt  }
0x61: {  	_ =	shalt  }
0x62: {  	_ =	shalt  }
0x63: {  	_ =	shalt  }
0x64: {  	_ =	shalt  }
0x65: {  	_ =	shalt  }
0x66: {  	_ =	shalt  }
0x67: {  	_ =	shalt  }
0x68: {  	_ =	shalt  }
0x69: {  	_ =	shalt  }
0x6a: {  	_ =	shalt  }
0x6b: {  	_ =	shalt  }
0x6c: {  	_ =	shalt  }
0x6d: {  	_ =	shalt  }
0x6e: {  	_ =	shalt  }
0x6f: {  	_ =	shalt  }
0x70: {  	_ =	shalt  }
0x71: {  	_ =	shalt  }
0x72: {  	_ =	shalt  }
0x73: {  	_ =	shalt  }
0x74: {  	_ =	shalt  }
0x75: {  	_ =	shalt  }
0x76: {  	_ =	shalt  }
0x77: {  	_ =	shalt  }
0x78: {  	_ =	shalt  }
0x79: {  	_ =	shalt  }
0x7a: {  	_ =	shalt  }
0x7b: {  	_ =	shalt  }
0x7c: {  	_ =	shalt  }
0x7d: {  	_ =	shalt  }
0x7e: {  	_ =	shalt  }
0x7f: {  	_ =	shalt  }
0x80: {  	_ =	shalt  }
0x81: {  	_ =	shalt  }
0x82: {  	_ =	shalt  }
0x83: {  	_ =	shalt  }
0x84: {  	_ =	shalt  }
0x85: {  	_ =	shalt  }
0x86: {  	_ =	shalt  }
0x87: {  	_ =	shalt  }
.Lfunc_end0:
.L_simem_size_0:
called_computation.2_lowered:
.L_overlay_start_0:
0x88: {  	s2 =	sld [smem:$0x3FD9]  }
0x89: {  	s3 =	sld [smem:$0x3FFE];
	_ =	sdelay $0x1  }
0x8a: {  	s1 =	srdreg.scid  }
0x8b: {  	s0 =	sand.u32 $0x1, s1  }
0x8c: {  	s17 =	sshll.u32 s0, $0xA;
	s2 =	sadd.s32 s3, s2  }
0x8d: {  	s2 =	sadd.s32 s2, s17  }
0x8e: {  	[smem:$0x3FC1] =	sst s2  }
0x8f: {  	_ = 	snop  }
0x90: {  	s18 =	sld [smem:$0x3FC7];
	(tm) =	ssettm $0x1  }
0x91: {  	s19 =	sld [smem:$0x3FFB];
	_ =	sdelay $0x3  }
0x92: {  	_ =	strace s19  }
0x93: {  	s2 =	sld [smem:$0x3FFC];
	_ =	sdelay $0x3  }
0x94: {  	_ =	strace s2  }
0x95: {  	s2 =	sld [smem:$0x3FFD];
	_ =	sdelay $0x3  }
0x96: {  	_ =	strace s2  }
0x97: {  	_ =	strace $0x8FFFFFFF  }
0x98: {  	s20 =	sld [smem:$0x3FDB];
	_ =	sdelay $0x1  }
0x99: {  	s4 =	simm.s32 $_scs_section_size  }
0x9a: {  	s5 =	simm.s32 $_size__tile_overlayer_lowered;
	s6 =	simm.s32 $_tile_overlayer_lowered  }
0x9b: {  	s7 =	simm.s32 $0x1BFF;
	s21 =	sshll.u32 s6, $0x1;
	s4 =	sadd.s32 s4, s20  }
0x9c: {  	s22 =	simm.s32 $0x0;
	s5 =	sshll.u32 s5, $0x1;
	s6 =	sadd.s32 s21, s4  }
0x9d: {  	[timem:s22], [sflag:s7] =	dma.local [hbm:s6], s5  }
0x9e: {  	_ =	swait.ge [sflag:s7], s5  }
0x9f: {  	s5 =	ssub.s32 $0x0, s5;
	[sflag:s7] =	ssyncset.done $0x0  }
0xa0: {  	[sflag:s7] =	ssyncadd.s32 s5;
	_ =	sdelay $0x1  }
0xa1: {  	s23 =	simm.s32 $0x1B8B  }
0xa2: {  	_ =	swait.ge [sflag:s23], $0x1  }
0xa3: {  	[sflag:s23] =	ssyncset.done $0x0  }
0xa4: {  	[sflag:s23] =	ssyncadd.s32 $0xFFFFFFFF  }
0xa5: {  	s5 =	sld [smem:$0x0]  }
0xa6: {  	s6 =	sand.u32 $0xFFFFFFFE, s1  }
0xa7: {  	p0 =	sne.s32 s1, s6  }
0xa8: {  	s6 =	sshll.u32 @p0 s6, $0xE  }
0xa9: {  	s6 =	sadd.s32 @p0 $0x11B8D, s6;
	s7 =	sshll.u32 @p0 s5, $0x11  }
0xaa: {  	s6 =	sor.u32 @p0 s7, s6  }
0xab: {  	[sflag:s6] =	ssyncadd.remote.s32 @p0 $0x1;
	_ =	sdelay $0x1  }
0xac: {  	s6 =	simm.s32 @p0 $0x1B8D  }
0xad: {  	_ =	swait.eq @p0 [sflag:s6], $0x1  }
0xae: {  	[sflag:s6] =	ssyncadd.s32 @p0 $0xFFFFFFFF  }
0xaf: {  	s7 =	sshll.u32 @!p0 s1, $0xE  }
0xb0: {  	s7 =	sor.u32 @!p0 $0x4000, s7;
	s6 =	simm.s32 @!p0 $0x1B8D  }
0xb1: {  	s5 =	sshll.u32 @!p0 s5, $0x11;
	s7 =	sadd.s32 @!p0 $0x11B8D, s7;
	_ =	swait.eq @!p0 [sflag:s6], $0x1  }
0xb2: {  	s5 =	sor.u32 @!p0 s5, s7;
	[sflag:s6] =	ssyncadd.s32 @!p0 $0xFFFFFFFF  }
0xb3: {  	s25 =	simm.s32 $0x1B8E;
	s24 =	sld [smem:$0x3FFE];
	[sflag:s5] =	ssyncadd.remote.s32 @!p0 $0x1  }
0xb4: {  	s26 =	simm.s32 $execute0_lowered;
	[smem:$0x3FD2] =	sst s25  }
0xb5: {  	s6 =	sshll.u32 s26, $0x1;
	_ =	strace $0x8000004C;
	[dreg:$0x1] =	wrdreg $0xFFFFFFFF  }
0xb6: {  	s28 =	simm.s32 $_size_execute0_lowered;
	s4 =	sadd.s32 s4, s6;
	[dreg:$0x0] =	wrdreg $0x0  }
0xb7: {  	s6 =	sshll.u32 s28, $0x1;
	[dreg:$0x2] =	wrdreg s4  }
0xb8: {  	[dreg:$0x3] =	wrdreg s6  }
0xb9: {  	[dreg:$0x4] =	wrdreg $0xC0  }
0xba: {  	_ =	task [dreg:s22], $0x5FFFF  }
0xbb: {  	[dreg:$0x1] =	wrdreg $0xFFFFFFFF  }
0xbc: {  	[dreg:$0x0] =	wrdreg $0x60  }
0xbd: {  	[dreg:$0x2] =	wrdreg s18  }
0xbe: {  	[dreg:$0x3] =	wrdreg s24  }
0xbf: {  	[dreg:$0x4] =	wrdreg $0xB  }
0xc0: {  	_ =	task.clear_ibuf [dreg:s22], $0x5FFFF;
	_ =	strace $0x9000004C  }
0xc1: {  	s29 =	simm.s32 $0xB;
	_ =	strace $0x8000004E  }
0xc2: {  	_ =	swait.ge [sflag:s29], $0x1  }
0xc3: {  	[sflag:s29] =	ssyncadd.s32 $0xFFFFFFFF  }
0xc4: {  	_ =	strace $0x9000004E  }
0xc5: {  	_ =	sfence  }
0xc6: {  	s30 =	sld [smem:$0x0];
	_ =	sdelay $0x2  }
0xc7: {  	s31 =	sshll.u32 s1, $0xD;
	s1 =	sshrl.u32 s1, $0x2  }
0xc8: {  	s4 =	sand.u32 $0x4000, s31;
	s1 =	sadd.s32 s1, s30  }
0xc9: {  	s0 =	sor.u32 s4, s0;
	s1 =	sshll.u32 s1, $0x11  }
0xca: {  	s0 =	sor.u32 s1, s0  }
0xcb: {  	s0 =	sadd.s32 $0x8F2B, s0  }
0xcc: {  	[sflag:s0] =	ssyncadd.remote.s32 $0x1  }
0xcd: {  	_ =	sfence.sel $0xFFFF  }
0xce: {  	[dreg:$0x0] =	wrdreg $0xFFFFFFFF;
	(pc) =	sbr.abs _section_cstart, $3  }
0xcf: {  	[dreg:$0x1] =	wrdreg $0xFFFFFFFF  }
0xd0: {  	_ =	task.clear_ibuf [dreg:s22], $0x2FFFF;
	_ =	strace $0x9FFFFFFF  }
0xd1: {  	(tm) =	ssettm $0x7FFFFFFF  }
tec
execute0_lowered:
.L_overlay_start_1:
0x0: {  	(tag) =	ssettag $0x1  }
0x1: {  	s1 =	srdreg.scid;
	s2 =	rddreg [dreg:$0x0]  }
0x2: {  	s0 =	stileid.u32;
	s5 =	rddreg [dreg:$0x1]  }
0x3: {  	s3 =	simm.s32 $0x0;
	s10 =	simm.s32 $0x80;
	s11 =	simm.s32 $0x3400  }
0x4: {  	s12 =	simm.s32 $0x1;
	s13 =	simm.s32 $0x5C00;
	s14 =	simm.s32 $0x2  }
0x5: {  	s15 =	simm.s32 $0x8400;
	s16 =	simm.s32 $0x3;
	s17 =	simm.s32 $0x4  }
0x6: {  	s18 =	simm.s32 $0x5;
	s19 =	simm.s32 $0x6;
	s20 =	simm.s32 $0x7  }
0x7: {  	s21 =	simm.s32 $0x8;
	s4 =	sand.u32 $0x1, s1;
	s29 =	sshll.u32 s0, $0x1  }
0x8: {  	s1 =	rddreg [dreg:$0x2];
	s7 =	smul.u32 $0xC800, s0;
	s6 =	sor.u32 s4, s29  }
0x9: {  	s22 =	simm.s32 $0x0;
	[smem:$0x7FF] =	sst s3;
	s6 =	smul.u32 $0x180, s6  }
.Ltmp0:
0xa: {  	_ =	strace $0x8000004D;
	s8 =	ssub.s32 $0x2, s4;
	(pc) =	sbr.rel .LBB2_1-.Ltmp0, $4  }
0xb: {  	s9 =	smul.u32 $0x6400, s4;
	s31 =	sshrl.u32 s8, $0x1;
	s30 =	sadd.s32 s6, s5  }
0xc: {  	s5 =	sadd.s32 s7, s5;
	s6 =	ssub.s32 s8, s31;
	s8 =	simm.s32 $0x50  }
0xd: {  	s4 =	sadd.s32 $0xCD200, s30;
	s7 =	sadd.s32 s9, s5;
	s5 =	smax.u32 s6, $0x1  }
0xe: {  	s9 =	simm.s32 $0xC00;
	s6 =	sadd.s32 $0x19B200, s7;
	s7 =	simm.s32 $0x9  }
.LBB2_4:
0xf: {  	_ =	swait.ge [sflag:s18], $0x2800  }
0x10: {  	[sflag:s18] =	ssyncset.done $0x0  }
0x11: {  	[sflag:s18] =	ssyncadd.s32 $0xFFFFD800  }
0x12: {  	_ =	swait.ge [sflag:s19], $0x2800  }
0x13: {  	[sflag:s19] =	ssyncset.done $0x0  }
0x14: {  	s22 =	sadd.s32 $0x1, s22;
	[sflag:s19] =	ssyncadd.s32 $0xFFFFD800  }
0x15: {  	p0 =	sne.s32 s22, s5;
	_ =	swait.ge [sflag:s20], $0x2800  }
.Ltmp1:
0x16: {  	[sflag:s20] =	ssyncset.done $0x0;
	(pc) =	sbr.rel @!p0 .LBB2_5-.Ltmp1, $4  }
0x17: {  	[sflag:s20] =	ssyncadd.s32 $0xFFFFD800  }
0x18: {  	_ =	swait.ge [sflag:s21], $0x2800  }
0x19: {  	[sflag:s21] =	ssyncset.done $0x0  }
0x1a: {  	[sflag:s21] =	ssyncadd.s32 $0xFFFFD800  }
.LBB2_1:
0x1b: {  	[tilespmem:s3], [sflag:$0x9] =	stream.linear.gather [hbm4b:s4+s3], $0xA00, $0x38;
	[tilespmem:$0xAC00] =	vst v63  }
0x1c: {  	_ =	swait.ge [sflag:s7], $0xA00  }
0x1d: {  	[sflag:s7] =	ssyncset.done $0x0  }
0x1e: {  	[sflag:s7] =	ssyncadd.s32 $0xFFFFF600  }
0x1f: {  	[tilespmem:s9], [sflag:$0x1] =	stream.indirect.gather [hbm4b:s2+s8], $0x80, s3, s8, $0xb8;
	[tilespmem:$0xAC00] =	vst v63  }
0x20: {  	s23 =	smov.u32 s6;
	s24 =	simm.s32 $0x0  }
0x21: {  	[tilespmem:s11], [sflag:$0x2] =	stream.indirect.gather [hbm4b:s2+s8], $0x80, s10, s8, $0xb8;
	[tilespmem:$0xAC00] =	vst v63  }
.LBB2_2:
0x22: {  	_ =	swait.ge [sflag:s12], $0x2800  }
0x23: {  	p0 =	seq.s32 s24, $0x0;
	[sflag:s12] =	ssyncset.done $0x0  }
0x24: {  	s26 =	simm.s32 @!p0 $0x7;
	[sflag:s12] =	ssyncadd.s32 $0xFFFFD800  }
0x25: {  	[hbm4b:s23+s3] =	stream.linear.scatter [tilespmem:s9], [sflag:$0x5], $0x2800, $0x38;
	[tilespmem:$0xAC00] =	vst v63  }
0x26: {  	_ =	swait.ge @!p0 [sflag:s26], $0x2800  }
0x27: {  	s25 =	sshra.s32 s24, $0x2;
	[sflag:s26] =	ssyncset.done @!p0 $0x0  }
0x28: {  	s31 =	sadd.s32 $0x100, s25;
	[sflag:s26] =	ssyncadd.s32 @!p0 $0xFFFFD800  }
0x29: {  	[tilespmem:s13], [sflag:$0x3] =	stream.indirect.gather [hbm4b:s2+s8], $0x80, s31, s8, $0xb8;
	[tilespmem:$0xAC00] =	vst v63  }
0x2a: {  	_ =	swait.ge [sflag:s14], $0x2800  }
0x2b: {  	[sflag:s14] =	ssyncset.done $0x0  }
0x2c: {  	s28 =	sadd.s32 $0x500, s23;
	s26 =	simm.s32 @!p0 $0x8;
	[sflag:s14] =	ssyncadd.s32 $0xFFFFD800  }
0x2d: {  	[hbm4b:s28+s3] =	stream.linear.scatter [tilespmem:s11], [sflag:$0x6], $0x2800, $0x38;
	[tilespmem:$0xAC00] =	vst v63  }
0x2e: {  	_ =	swait.ge @!p0 [sflag:s26], $0x2800  }
0x2f: {  	[sflag:s26] =	ssyncset.done @!p0 $0x0  }
0x30: {  	s29 =	sadd.s32 $0x180, s25;
	[sflag:s26] =	ssyncadd.s32 @!p0 $0xFFFFD800  }
0x31: {  	[tilespmem:s15], [sflag:$0x4] =	stream.indirect.gather [hbm4b:s2+s8], $0x80, s29, s8, $0xb8;
	[tilespmem:$0xAC00] =	vst v63  }
0x32: {  	_ =	swait.ge [sflag:s16], $0x2800  }
0x33: {  	p0 =	seq.s32 s24, $0x2000;
	[sflag:s16] =	ssyncset.done $0x0  }
0x34: {  	s30 =	sadd.s32 $0xA00, s23;
	s26 =	simm.s32 @!p0 $0x5;
	[sflag:s16] =	ssyncadd.s32 $0xFFFFD800  }
0x35: {  	[hbm4b:s30+s3] =	stream.linear.scatter [tilespmem:s13], [sflag:$0x7], $0x2800, $0x38;
	[tilespmem:$0xAC00] =	vst v63  }
0x36: {  	_ =	swait.ge @!p0 [sflag:s26], $0x2800  }
0x37: {  	[sflag:s26] =	ssyncset.done @!p0 $0x0  }
0x38: {  	[sflag:s26] =	ssyncadd.s32 @!p0 $0xFFFFD800;
	s26 =	sshra.s32 @!p0 s24, $0x2  }
0x39: {  	s28 =	simm.s32 @!p0 $0x50;
	s29 =	simm.s32 @!p0 $0xC00;
	s26 =	sadd.s32 @!p0 $0x200, s26  }
0x3a: {  	[tilespmem:s29], [sflag:$0x1] =	stream.indirect.gather @!p0 [hbm4b:s2+s28], $0x80, s26, s28, $0xb8;
	[tilespmem:$0xAC00] =	vst v63  }
.Ltmp2:
0x3b: {  	_ = 	snop;
	(pc) =	sbr.rel @p0 .LBB2_4-.Ltmp2, $4  }
0x3c: {  	_ =	swait.ge [sflag:s17], $0x2800  }
0x3d: {  	[sflag:s17] =	ssyncset.done $0x0  }
0x3e: {  	s31 =	sadd.s32 $0xF00, s23;
	[sflag:s17] =	ssyncadd.s32 $0xFFFFD800  }
0x3f: {  	[hbm4b:s31+s3] =	stream.linear.scatter [tilespmem:s15], [sflag:$0x8], $0x2800, $0x38;
	[tilespmem:$0xAC00] =	vst v63  }
.Ltmp3:
0x40: {  	(pc) =	sbr.rel .LBB2_2-.Ltmp3, $4  }
0x41: {  	_ =	swait.ge [sflag:s19], $0x2800  }
0x42: {  	s25 =	sadd.s32 $0x280, s25;
	[sflag:s19] =	ssyncset.done $0x0  }
0x43: {  	s24 =	sadd.s32 $0x800, s24;
	s23 =	sadd.s32 $0x1400, s23;
	[sflag:s19] =	ssyncadd.s32 $0xFFFFD800  }
0x44: {  	[tilespmem:s11], [sflag:$0x2] =	stream.indirect.gather [hbm4b:s2+s8], $0x80, s25, s8, $0xb8;
	[tilespmem:$0xAC00] =	vst v63  }
.LBB2_5:
0x45: {  	_ =	sfence.sel $0x180000  }
0x46: {  	[bflag:$0x0] =	sbarrier.arrive $0xFFFF  }
0x47: {  	p0 =	sne.s32 s0, $0x0;
	_ =	strace $0x9000004D  }
0x48: {  	s0 =	sadd.s32 @!p0 $0x100000, s1;
	[bflag:$0x2] =	sbarrier.arrive $0xFFFF  }
0x49: {  	[sflag:s0] =	ssyncadd.tile.s32 @!p0 $0x1;
	_ =	shalt  }
.Lfunc_end2:
_tile_overlayer_lowered:
.L_overlay_start_2:
0x4a: {  	(tag) =	ssettag $0x2  }
0x4b: {  	s0 =	rddreg [dreg:$0x0];
	s2 =	stileid.u32  }
0x4c: {  	s1 =	rddreg [dreg:$0x1];
	p0 =	sne.s32 s2, $0x0  }
0x4d: {  	s3 =	rddreg [dreg:$0x2];
	[bflag:$0x3] =	sbarrier.arrive $0xFFFF;
	s2 =	simm.s32 @!p0 $0x1C09  }
0x4e: {  	[timem:s3], [sflag:s2] =	dma.local @!p0 [hbm:s0], s1  }
0x4f: {  	s0 =	simm.s32 @!p0 $0x9  }
0x50: {  	_ =	swait.ge @!p0 [sflag:s0], s1  }
0x51: {  	s1 =	ssub.s32 @!p0 $0x0, s1;
	[sflag:s0] =	ssyncset.done @!p0 $0x0  }
0x52: {  	[sflag:s0] =	ssyncadd.s32 @!p0 s1  }
0x53: {  	[bflag:$0x3] =	sbarrier.arrive $0xFFFF  }
0x54: {  	_ =	shalt  }

// kernel: kernel.19.cloned.1.call-start
scs
__scs_entry_jumppad:
0x0: {  	(pc) =	sbr.rel $0x88, $3  }
0x1: {  	(tag) =	ssettag $0x0;
	lr =	simm.s32 $0x1  }
0x2: {  	[smem:$0x3F9A] =	sst lr;
	_ =	strace $0xD0000000  }
0x3: {  	_ = 	snop  }
0x4: {  	_ = 	snop  }
0x5: {  	_ = 	snop  }
0x6: {  	_ = 	snop  }
0x7: {  	_ = 	snop  }
__scs_overlays_trampoline_lowered:
0x8: {  	[smem:$0x3FA9] =	sst s0  }
0x9: {  	[smem:$0x3FAA] =	sst s1  }
0xa: {  	[smem:$0x3FAB] =	sst s2  }
0xb: {  	[smem:$0x3FAC] =	sst s3  }
0xc: {  	[smem:$0x3FAD] =	sst s4  }
0xd: {  	[smem:$0x3FAE] =	sst s5  }
0xe: {  	[smem:$0x3FAF] =	sst s6  }
0xf: {  	[smem:$0x3FB0] =	sst s7  }
0x10: {  	[smem:$0x3FB1] =	sst s8  }
0x11: {  	[smem:$0x3FB2] =	sst s9;
	s0 =	simm.s32 @!p0 $0x0  }
0x12: {  	s1 =	sld [smem:$0x3F98];
	s0 =	simm.s32 @p0 $0x1  }
0x13: {  	[smem:$0x3FB3] =	sst s0;
	s0 =	simm.s32 @!p1 $0x0  }
0x14: {  	s2 =	sld [smem:$0x3F97];
	s0 =	simm.s32 @p1 $0x1  }
0x15: {  	[smem:$0x3FB4] =	sst s0;
	s0 =	simm.s32 @!p2 $0x0  }
0x16: {  	s3 =	sld [smem:$0x3FDB];
	s0 =	simm.s32 @p2 $0x1  }
0x17: {  	s4 =	simm.s32 $0x1BF5;
	[smem:$0x3FB6] =	sst s0  }
0x18: {  	s0 =	sld [smem:$0x3F99];
	_ =	swait.ge [sflag:s4], $0x0  }
0x19: {  	s7 =	sld [smem:$0x3F9A]  }
0x1a: {  	s8 =	sadd.s32 $0xFFFFE003, lr  }
0x1b: {  	s9 =	sadd.s32 $0xFFFFFEF7, lr;
	s5 =	simm.s32 $0xFFFFFFFF;
	p2 =	slt.u32 s8, $0xFFFFF086  }
0x1c: {  	p1 =	slt.u32 s9, $0xF7A;
	s5 =	simm.s32 @!p2 $0x0  }
0x1d: {  	s5 =	simm.s32 @p1 $0x1;
	p0 =	seq.s32 s7, s2  }
0x1e: {  	s7 =	smul.u32 @!p0 $0xF7A, s2;
	p2 =	seq.s32 @!p0 s5, $0x0  }
0x1f: {  	s9 =	smul.u32 $0xF7A, s1;
	s8 =	simm.s32 @!p0 $0x1BF5;
	p2 =	por !p2, p0  }
0x20: {  	[sflag:s8] =	ssyncset.s32 @!p0 $0xFFFFF086;
	s6 =	sadd.s32 @!p0 s3, s7;
	s7 =	simm.s32 @!p0 $0x108  }
0x21: {  	s3 =	sadd.s32 s3, s9;
	s6 =	sadd.s32 @!p0 $0x88, s6;
	s7 =	simm.s32 @p2 $0x1082  }
0x22: {  	[simem:s7], [sflag:s8] =	dma.local @!p0 [hbm:s6], $0xF7A  }
0x23: {  	s9 =	sor.u32 $0xD0000000, s2;
	s6 =	simm.s32 $0x108;
	_ =	swait.ge @!p0 [sflag:s8], $0x0  }
0x24: {  	s3 =	sadd.s32 $0x88, s3;
	s6 =	simm.s32 @!p1 $0x1082;
	[sflag:s4] =	ssyncset.s32 $0xFFFFF086  }
0x25: {  	[simem:s6], [sflag:s4] =	dma.local [hbm:s3], $0xF7A  }
0x26: {  	[smem:$0x3F9A] =	sst s1;
	(tag) =	ssettag s2;
	_ =	strace s9  }
0x27: {  	s1 =	sld [smem:$0x3FAA]  }
0x28: {  	s2 =	sld [smem:$0x3FAB]  }
0x29: {  	s4 =	sld [smem:$0x3FAD]  }
0x2a: {  	p0 =	seq.s32 s5, $0x0;
	s5 =	sld [smem:$0x3FAE]  }
0x2b: {  	s6 =	sld [smem:$0x3FAF]  }
0x2c: {  	s7 =	sld [smem:$0x3FB0]  }
0x2d: {  	s3 =	simm.s32 $0x108;
	s8 =	sld [smem:$0x3FB1]  }
0x2e: {  	s3 =	simm.s32 @!p0 $0x1082;
	s9 =	sld [smem:$0x3FB2]  }
0x2f: {  	lr =	sadd.s32 s0, s3;
	s0 =	sld [smem:$0x3FA9]  }
0x30: {  	s3 =	sld [smem:$0x3FAC]  }
0x31: {  	[smem:$0x3FB5] =	sst s10  }
0x32: {  	s10 =	sld [smem:$0x3FB3];
	_ =	sdelay $0x3  }
0x33: {  	p0 =	seq.s32 s10, $0x1;
	s10 =	sld [smem:$0x3FB5];
	_ =	sdelay $0x3  }
0x34: {  	[smem:$0x3FB5] =	sst s10  }
0x35: {  	s10 =	sld [smem:$0x3FB4];
	_ =	sdelay $0x3  }
0x36: {  	p1 =	seq.s32 s10, $0x1;
	s10 =	sld [smem:$0x3FB5];
	_ =	sdelay $0x3  }
0x37: {  	[smem:$0x3FB5] =	sst s10  }
0x38: {  	s10 =	sld [smem:$0x3FB6]  }
0x39: {  	_ = 	snop;
	(pc) =	sbr.ind lr, $3  }
0x3a: {  	_ = 	snop  }
0x3b: {  	_ = 	snop  }
0x3c: {  	p2 =	seq.s32 s10, $0x1;
	s10 =	sld [smem:$0x3FB5]  }
0x3d: {  	_ =	shalt  }
0x3e: {  	_ =	shalt  }
0x3f: {  	_ =	shalt  }
0x40: {  	_ =	shalt  }
0x41: {  	_ =	shalt  }
0x42: {  	_ =	shalt  }
0x43: {  	_ =	shalt  }
0x44: {  	_ =	shalt  }
0x45: {  	_ =	shalt  }
0x46: {  	_ =	shalt  }
0x47: {  	_ =	shalt  }
0x48: {  	_ =	shalt  }
0x49: {  	_ =	shalt  }
0x4a: {  	_ =	shalt  }
0x4b: {  	_ =	shalt  }
0x4c: {  	_ =	shalt  }
0x4d: {  	_ =	shalt  }
0x4e: {  	_ =	shalt  }
0x4f: {  	_ =	shalt  }
0x50: {  	_ =	shalt  }
0x51: {  	_ =	shalt  }
0x52: {  	_ =	shalt  }
0x53: {  	_ =	shalt  }
0x54: {  	_ =	shalt  }
0x55: {  	_ =	shalt  }
0x56: {  	_ =	shalt  }
0x57: {  	_ =	shalt  }
0x58: {  	_ =	shalt  }
0x59: {  	_ =	shalt  }
0x5a: {  	_ =	shalt  }
0x5b: {  	_ =	shalt  }
0x5c: {  	_ =	shalt  }
0x5d: {  	_ =	shalt  }
0x5e: {  	_ =	shalt  }
0x5f: {  	_ =	shalt  }
0x60: {  	_ =	shalt  }
0x61: {  	_ =	shalt  }
0x62: {  	_ =	shalt  }
0x63: {  	_ =	shalt  }
0x64: {  	_ =	shalt  }
0x65: {  	_ =	shalt  }
0x66: {  	_ =	shalt  }
0x67: {  	_ =	shalt  }
0x68: {  	_ =	shalt  }
0x69: {  	_ =	shalt  }
0x6a: {  	_ =	shalt  }
0x6b: {  	_ =	shalt  }
0x6c: {  	_ =	shalt  }
0x6d: {  	_ =	shalt  }
0x6e: {  	_ =	shalt  }
0x6f: {  	_ =	shalt  }
0x70: {  	_ =	shalt  }
0x71: {  	_ =	shalt  }
0x72: {  	_ =	shalt  }
0x73: {  	_ =	shalt  }
0x74: {  	_ =	shalt  }
0x75: {  	_ =	shalt  }
0x76: {  	_ =	shalt  }
0x77: {  	_ =	shalt  }
0x78: {  	_ =	shalt  }
0x79: {  	_ =	shalt  }
0x7a: {  	_ =	shalt  }
0x7b: {  	_ =	shalt  }
0x7c: {  	_ =	shalt  }
0x7d: {  	_ =	shalt  }
0x7e: {  	_ =	shalt  }
0x7f: {  	_ =	shalt  }
0x80: {  	_ =	shalt  }
0x81: {  	_ =	shalt  }
0x82: {  	_ =	shalt  }
0x83: {  	_ =	shalt  }
0x84: {  	_ =	shalt  }
0x85: {  	_ =	shalt  }
0x86: {  	_ =	shalt  }
0x87: {  	_ =	shalt  }
.Lfunc_end0:
.L_simem_size_0:
called_computation.3_lowered:
.L_overlay_start_0:
0x88: {  	s2 =	sld [smem:$0x3FD9]  }
0x89: {  	s3 =	sld [smem:$0x3FFE];
	_ =	sdelay $0x1  }
0x8a: {  	s1 =	srdreg.scid  }
0x8b: {  	s0 =	sand.u32 $0x1, s1  }
0x8c: {  	s17 =	sshll.u32 s0, $0xA;
	s2 =	sadd.s32 s3, s2  }
0x8d: {  	s2 =	sadd.s32 s2, s17  }
0x8e: {  	[smem:$0x3FC1] =	sst s2  }
0x8f: {  	_ = 	snop  }
0x90: {  	s18 =	sld [smem:$0x3FC7];
	(tm) =	ssettm $0x1  }
0x91: {  	s19 =	sld [smem:$0x3FFB];
	_ =	sdelay $0x3  }
0x92: {  	_ =	strace s19  }
0x93: {  	s2 =	sld [smem:$0x3FFC];
	_ =	sdelay $0x3  }
0x94: {  	_ =	strace s2  }
0x95: {  	s2 =	sld [smem:$0x3FFD];
	_ =	sdelay $0x3  }
0x96: {  	_ =	strace s2  }
0x97: {  	_ =	strace $0x8FFFFFFF  }
0x98: {  	s20 =	sld [smem:$0x3FDB];
	_ =	sdelay $0x1  }
0x99: {  	s4 =	simm.s32 $_scs_section_size  }
0x9a: {  	s5 =	simm.s32 $_size__tile_overlayer_lowered;
	s6 =	simm.s32 $_tile_overlayer_lowered  }
0x9b: {  	s7 =	simm.s32 $0x1BFF;
	s21 =	sshll.u32 s6, $0x1;
	s4 =	sadd.s32 s4, s20  }
0x9c: {  	s22 =	simm.s32 $0x0;
	s5 =	sshll.u32 s5, $0x1;
	s6 =	sadd.s32 s21, s4  }
0x9d: {  	[timem:s22], [sflag:s7] =	dma.local [hbm:s6], s5  }
0x9e: {  	_ =	swait.ge [sflag:s7], s5  }
0x9f: {  	s5 =	ssub.s32 $0x0, s5;
	[sflag:s7] =	ssyncset.done $0x0  }
0xa0: {  	[sflag:s7] =	ssyncadd.s32 s5;
	_ =	sdelay $0x1  }
0xa1: {  	s23 =	simm.s32 $0x1B8B  }
0xa2: {  	_ =	swait.ge [sflag:s23], $0x1  }
0xa3: {  	[sflag:s23] =	ssyncset.done $0x0  }
0xa4: {  	[sflag:s23] =	ssyncadd.s32 $0xFFFFFFFF  }
0xa5: {  	s5 =	sld [smem:$0x0]  }
0xa6: {  	s6 =	sand.u32 $0xFFFFFFFE, s1  }
0xa7: {  	p0 =	sne.s32 s1, s6  }
0xa8: {  	s6 =	sshll.u32 @p0 s6, $0xE  }
0xa9: {  	s6 =	sadd.s32 @p0 $0x11B8D, s6;
	s7 =	sshll.u32 @p0 s5, $0x11  }
0xaa: {  	s6 =	sor.u32 @p0 s7, s6  }
0xab: {  	[sflag:s6] =	ssyncadd.remote.s32 @p0 $0x1;
	_ =	sdelay $0x1  }
0xac: {  	s6 =	simm.s32 @p0 $0x1B8D  }
0xad: {  	_ =	swait.eq @p0 [sflag:s6], $0x1  }
0xae: {  	[sflag:s6] =	ssyncadd.s32 @p0 $0xFFFFFFFF  }
0xaf: {  	s7 =	sshll.u32 @!p0 s1, $0xE  }
0xb0: {  	s7 =	sor.u32 @!p0 $0x4000, s7;
	s6 =	simm.s32 @!p0 $0x1B8D  }
0xb1: {  	s5 =	sshll.u32 @!p0 s5, $0x11;
	s7 =	sadd.s32 @!p0 $0x11B8D, s7;
	_ =	swait.eq @!p0 [sflag:s6], $0x1  }
0xb2: {  	s5 =	sor.u32 @!p0 s5, s7;
	[sflag:s6] =	ssyncadd.s32 @!p0 $0xFFFFFFFF  }
0xb3: {  	s25 =	simm.s32 $0x1B8E;
	s24 =	sld [smem:$0x3FFE];
	[sflag:s5] =	ssyncadd.remote.s32 @!p0 $0x1  }
0xb4: {  	s26 =	simm.s32 $execute0_lowered;
	[smem:$0x3FD2] =	sst s25  }
0xb5: {  	s6 =	sshll.u32 s26, $0x1;
	_ =	strace $0x8000004F;
	[dreg:$0x1] =	wrdreg $0xFFFFFFFF  }
0xb6: {  	s28 =	simm.s32 $_size_execute0_lowered;
	s4 =	sadd.s32 s4, s6;
	[dreg:$0x0] =	wrdreg $0x0  }
0xb7: {  	s6 =	sshll.u32 s28, $0x1;
	[dreg:$0x2] =	wrdreg s4  }
0xb8: {  	[dreg:$0x3] =	wrdreg s6  }
0xb9: {  	[dreg:$0x4] =	wrdreg $0xC0  }
0xba: {  	_ =	task [dreg:s22], $0x5FFFF  }
0xbb: {  	[dreg:$0x1] =	wrdreg $0xFFFFFFFF  }
0xbc: {  	[dreg:$0x0] =	wrdreg $0x60  }
0xbd: {  	[dreg:$0x2] =	wrdreg s18  }
0xbe: {  	[dreg:$0x3] =	wrdreg s24  }
0xbf: {  	[dreg:$0x4] =	wrdreg $0xC  }
0xc0: {  	_ =	task.clear_ibuf [dreg:s22], $0x5FFFF;
	_ =	strace $0x9000004F  }
0xc1: {  	s29 =	simm.s32 $0xC;
	_ =	strace $0x80000051  }
0xc2: {  	_ =	swait.ge [sflag:s29], $0x1  }
0xc3: {  	[sflag:s29] =	ssyncadd.s32 $0xFFFFFFFF  }
0xc4: {  	_ =	strace $0x90000051  }
0xc5: {  	_ =	sfence  }
0xc6: {  	s30 =	sld [smem:$0x0];
	_ =	sdelay $0x2  }
0xc7: {  	s31 =	sshll.u32 s1, $0xD;
	s1 =	sshrl.u32 s1, $0x2  }
0xc8: {  	s4 =	sand.u32 $0x4000, s31;
	s1 =	sadd.s32 s1, s30  }
0xc9: {  	s0 =	sor.u32 s4, s0;
	s1 =	sshll.u32 s1, $0x11  }
0xca: {  	s0 =	sor.u32 s1, s0  }
0xcb: {  	s0 =	sadd.s32 $0x8F2B, s0  }
0xcc: {  	[sflag:s0] =	ssyncadd.remote.s32 $0x1  }
0xcd: {  	_ =	sfence.sel $0xFFFF  }
0xce: {  	[dreg:$0x0] =	wrdreg $0xFFFFFFFF;
	(pc) =	sbr.abs _section_cstart, $3  }
0xcf: {  	[dreg:$0x1] =	wrdreg $0xFFFFFFFF  }
0xd0: {  	_ =	task.clear_ibuf [dreg:s22], $0x2FFFF;
	_ =	strace $0x9FFFFFFF  }
0xd1: {  	(tm) =	ssettm $0x7FFFFFFF  }
tec
execute0_lowered:
.L_overlay_start_1:
0x0: {  	(tag) =	ssettag $0x1  }
0x1: {  	s1 =	srdreg.scid;
	s2 =	rddreg [dreg:$0x0]  }
0x2: {  	s0 =	stileid.u32;
	s5 =	rddreg [dreg:$0x1]  }
0x3: {  	s3 =	simm.s32 $0x0;
	s10 =	simm.s32 $0x80;
	s11 =	simm.s32 $0x3400  }
0x4: {  	s12 =	simm.s32 $0x1;
	s13 =	simm.s32 $0x5C00;
	s14 =	simm.s32 $0x2  }
0x5: {  	s15 =	simm.s32 $0x8400;
	s16 =	simm.s32 $0x3;
	s17 =	simm.s32 $0x4  }
0x6: {  	s18 =	simm.s32 $0x5;
	s19 =	simm.s32 $0x6;
	s20 =	simm.s32 $0x7  }
0x7: {  	s21 =	simm.s32 $0x8;
	s4 =	sand.u32 $0x1, s1;
	s29 =	sshll.u32 s0, $0x1  }
0x8: {  	s1 =	rddreg [dreg:$0x2];
	s7 =	smul.u32 $0xC800, s0;
	s6 =	sor.u32 s4, s29  }
0x9: {  	s22 =	simm.s32 $0x0;
	[smem:$0x7FF] =	sst s3;
	s6 =	smul.u32 $0x180, s6  }
.Ltmp0:
0xa: {  	_ =	strace $0x80000050;
	s8 =	ssub.s32 $0x2, s4;
	(pc) =	sbr.rel .LBB2_1-.Ltmp0, $4  }
0xb: {  	s9 =	smul.u32 $0x6400, s4;
	s31 =	sshrl.u32 s8, $0x1;
	s30 =	sadd.s32 s6, s5  }
0xc: {  	s5 =	sadd.s32 s7, s5;
	s6 =	ssub.s32 s8, s31;
	s8 =	simm.s32 $0x50  }
0xd: {  	s4 =	sadd.s32 $0xD0200, s30;
	s7 =	sadd.s32 s9, s5;
	s5 =	smax.u32 s6, $0x1  }
0xe: {  	s9 =	simm.s32 $0xC00;
	s6 =	sadd.s32 $0x263200, s7;
	s7 =	simm.s32 $0x9  }
.LBB2_4:
0xf: {  	_ =	swait.ge [sflag:s18], $0x2800  }
0x10: {  	[sflag:s18] =	ssyncset.done $0x0  }
0x11: {  	[sflag:s18] =	ssyncadd.s32 $0xFFFFD800  }
0x12: {  	_ =	swait.ge [sflag:s19], $0x2800  }
0x13: {  	[sflag:s19] =	ssyncset.done $0x0  }
0x14: {  	s22 =	sadd.s32 $0x1, s22;
	[sflag:s19] =	ssyncadd.s32 $0xFFFFD800  }
0x15: {  	p0 =	sne.s32 s22, s5;
	_ =	swait.ge [sflag:s20], $0x2800  }
.Ltmp1:
0x16: {  	[sflag:s20] =	ssyncset.done $0x0;
	(pc) =	sbr.rel @!p0 .LBB2_5-.Ltmp1, $4  }
0x17: {  	[sflag:s20] =	ssyncadd.s32 $0xFFFFD800  }
0x18: {  	_ =	swait.ge [sflag:s21], $0x2800  }
0x19: {  	[sflag:s21] =	ssyncset.done $0x0  }
0x1a: {  	[sflag:s21] =	ssyncadd.s32 $0xFFFFD800  }
.LBB2_1:
0x1b: {  	[tilespmem:s3], [sflag:$0x9] =	stream.linear.gather [hbm4b:s4+s3], $0xA00, $0x38;
	[tilespmem:$0xAC00] =	vst v63  }
0x1c: {  	_ =	swait.ge [sflag:s7], $0xA00  }
0x1d: {  	[sflag:s7] =	ssyncset.done $0x0  }
0x1e: {  	[sflag:s7] =	ssyncadd.s32 $0xFFFFF600  }
0x1f: {  	[tilespmem:s9], [sflag:$0x1] =	stream.indirect.gather [hbm4b:s2+s8], $0x80, s3, s8, $0xb8;
	[tilespmem:$0xAC00] =	vst v63  }
0x20: {  	s23 =	smov.u32 s6;
	s24 =	simm.s32 $0x0  }
0x21: {  	[tilespmem:s11], [sflag:$0x2] =	stream.indirect.gather [hbm4b:s2+s8], $0x80, s10, s8, $0xb8;
	[tilespmem:$0xAC00] =	vst v63  }
.LBB2_2:
0x22: {  	_ =	swait.ge [sflag:s12], $0x2800  }
0x23: {  	p0 =	seq.s32 s24, $0x0;
	[sflag:s12] =	ssyncset.done $0x0  }
0x24: {  	s26 =	simm.s32 @!p0 $0x7;
	[sflag:s12] =	ssyncadd.s32 $0xFFFFD800  }
0x25: {  	[hbm4b:s23+s3] =	stream.linear.scatter [tilespmem:s9], [sflag:$0x5], $0x2800, $0x38;
	[tilespmem:$0xAC00] =	vst v63  }
0x26: {  	_ =	swait.ge @!p0 [sflag:s26], $0x2800  }
0x27: {  	s25 =	sshra.s32 s24, $0x2;
	[sflag:s26] =	ssyncset.done @!p0 $0x0  }
0x28: {  	s31 =	sadd.s32 $0x100, s25;
	[sflag:s26] =	ssyncadd.s32 @!p0 $0xFFFFD800  }
0x29: {  	[tilespmem:s13], [sflag:$0x3] =	stream.indirect.gather [hbm4b:s2+s8], $0x80, s31, s8, $0xb8;
	[tilespmem:$0xAC00] =	vst v63  }
0x2a: {  	_ =	swait.ge [sflag:s14], $0x2800  }
0x2b: {  	[sflag:s14] =	ssyncset.done $0x0  }
0x2c: {  	s28 =	sadd.s32 $0x500, s23;
	s26 =	simm.s32 @!p0 $0x8;
	[sflag:s14] =	ssyncadd.s32 $0xFFFFD800  }
0x2d: {  	[hbm4b:s28+s3] =	stream.linear.scatter [tilespmem:s11], [sflag:$0x6], $0x2800, $0x38;
	[tilespmem:$0xAC00] =	vst v63  }
0x2e: {  	_ =	swait.ge @!p0 [sflag:s26], $0x2800  }
0x2f: {  	[sflag:s26] =	ssyncset.done @!p0 $0x0  }
0x30: {  	s29 =	sadd.s32 $0x180, s25;
	[sflag:s26] =	ssyncadd.s32 @!p0 $0xFFFFD800  }
0x31: {  	[tilespmem:s15], [sflag:$0x4] =	stream.indirect.gather [hbm4b:s2+s8], $0x80, s29, s8, $0xb8;
	[tilespmem:$0xAC00] =	vst v63  }
0x32: {  	_ =	swait.ge [sflag:s16], $0x2800  }
0x33: {  	p0 =	seq.s32 s24, $0x2000;
	[sflag:s16] =	ssyncset.done $0x0  }
0x34: {  	s30 =	sadd.s32 $0xA00, s23;
	s26 =	simm.s32 @!p0 $0x5;
	[sflag:s16] =	ssyncadd.s32 $0xFFFFD800  }
0x35: {  	[hbm4b:s30+s3] =	stream.linear.scatter [tilespmem:s13], [sflag:$0x7], $0x2800, $0x38;
	[tilespmem:$0xAC00] =	vst v63  }
0x36: {  	_ =	swait.ge @!p0 [sflag:s26], $0x2800  }
0x37: {  	[sflag:s26] =	ssyncset.done @!p0 $0x0  }
0x38: {  	[sflag:s26] =	ssyncadd.s32 @!p0 $0xFFFFD800;
	s26 =	sshra.s32 @!p0 s24, $0x2  }
0x39: {  	s28 =	simm.s32 @!p0 $0x50;
	s29 =	simm.s32 @!p0 $0xC00;
	s26 =	sadd.s32 @!p0 $0x200, s26  }
0x3a: {  	[tilespmem:s29], [sflag:$0x1] =	stream.indirect.gather @!p0 [hbm4b:s2+s28], $0x80, s26, s28, $0xb8;
	[tilespmem:$0xAC00] =	vst v63  }
.Ltmp2:
0x3b: {  	_ = 	snop;
	(pc) =	sbr.rel @p0 .LBB2_4-.Ltmp2, $4  }
0x3c: {  	_ =	swait.ge [sflag:s17], $0x2800  }
0x3d: {  	[sflag:s17] =	ssyncset.done $0x0  }
0x3e: {  	s31 =	sadd.s32 $0xF00, s23;
	[sflag:s17] =	ssyncadd.s32 $0xFFFFD800  }
0x3f: {  	[hbm4b:s31+s3] =	stream.linear.scatter [tilespmem:s15], [sflag:$0x8], $0x2800, $0x38;
	[tilespmem:$0xAC00] =	vst v63  }
.Ltmp3:
0x40: {  	(pc) =	sbr.rel .LBB2_2-.Ltmp3, $4  }
0x41: {  	_ =	swait.ge [sflag:s19], $0x2800  }
0x42: {  	s25 =	sadd.s32 $0x280, s25;
	[sflag:s19] =	ssyncset.done $0x0  }
0x43: {  	s24 =	sadd.s32 $0x800, s24;
	s23 =	sadd.s32 $0x1400, s23;
	[sflag:s19] =	ssyncadd.s32 $0xFFFFD800  }
0x44: {  	[tilespmem:s11], [sflag:$0x2] =	stream.indirect.gather [hbm4b:s2+s8], $0x80, s25, s8, $0xb8;
	[tilespmem:$0xAC00] =	vst v63  }
.LBB2_5:
0x45: {  	_ =	sfence.sel $0x180000  }
0x46: {  	[bflag:$0x0] =	sbarrier.arrive $0xFFFF  }
0x47: {  	p0 =	sne.s32 s0, $0x0;
	_ =	strace $0x90000050  }
0x48: {  	s0 =	sadd.s32 @!p0 $0x100000, s1;
	[bflag:$0x2] =	sbarrier.arrive $0xFFFF  }
0x49: {  	[sflag:s0] =	ssyncadd.tile.s32 @!p0 $0x1;
	_ =	shalt  }
.Lfunc_end2:
_tile_overlayer_lowered:
.L_overlay_start_2:
0x4a: {  	(tag) =	ssettag $0x2  }
0x4b: {  	s0 =	rddreg [dreg:$0x0];
	s2 =	stileid.u32  }
0x4c: {  	s1 =	rddreg [dreg:$0x1];
	p0 =	sne.s32 s2, $0x0  }
0x4d: {  	s3 =	rddreg [dreg:$0x2];
	[bflag:$0x3] =	sbarrier.arrive $0xFFFF;
	s2 =	simm.s32 @!p0 $0x1C09  }
0x4e: {  	[timem:s3], [sflag:s2] =	dma.local @!p0 [hbm:s0], s1  }
0x4f: {  	s0 =	simm.s32 @!p0 $0x9  }
0x50: {  	_ =	swait.ge @!p0 [sflag:s0], s1  }
0x51: {  	s1 =	ssub.s32 @!p0 $0x0, s1;
	[sflag:s0] =	ssyncset.done @!p0 $0x0  }
0x52: {  	[sflag:s0] =	ssyncadd.s32 @!p0 s1  }
0x53: {  	[bflag:$0x3] =	sbarrier.arrive $0xFFFF  }
0x54: {  	_ =	shalt  }

</sc_bundles>
